<compile_context>
chip_gen: v7x
topology: tpu7x:2x2x1
jax: 0.10.2.dev20260603
libtpu: 0.0.44.dev20260713+nightly
codegen_flags: <defaults>
</compile_context>

<pallas_src>
import functools

import jax
import jax.numpy as jnp
from jax import lax
from jax.experimental import pallas as pl
from jax.experimental.pallas import tpu as pltpu
from jax.experimental.pallas import tpu_sc as plsc

B = 4
N = 1024
BN = B * N
KNN = 20
EPS = 1e-5
NW = 32
BF16 = jnp.bfloat16



def _topk_body(h_blk_ref, ht_ref, xxc_ref, xxr_ref, idx_ref, *, nb):
    b = pl.program_id(0)
    hb = h_blk_ref[0]
    ht = ht_ref[0]
    d = 2.0 * jnp.dot(hb.astype(BF16), ht.astype(BF16),
                      preferred_element_type=jnp.float32)
    xb = xxc_ref[0]
    xa = xxr_ref[0]
    d = d - xb - xa
    iota_m = lax.broadcasted_iota(jnp.int32, d.shape, 1)
    iota_k = lax.broadcasted_iota(jnp.int32, (nb, KNN), 1)
    out = jnp.zeros((nb, KNN), jnp.int32)
    for j in range(KNN):
        am = jnp.argmax(d, axis=1).astype(jnp.int32)[:, None]
        out = jnp.where(iota_k == j, am, out)
        d = jnp.where(iota_m == am, -jnp.inf, d)
    idx_ref[0] = jnp.transpose(out) + b * N


def _topk(h3d, ht3d, xx, c):
    nb = 512
    body = functools.partial(_topk_body, nb=nb)
    return pl.pallas_call(
        body,
        grid=(B, N // nb),
        in_specs=[
            pl.BlockSpec((1, nb, c), lambda b, i: (b, i, 0)),
            pl.BlockSpec((1, c, N), lambda b, i: (b, 0, 0)),
            pl.BlockSpec((1, nb, 1), lambda b, i: (b, i, 0)),
            pl.BlockSpec((1, 1, N), lambda b, i: (b, 0, 0)),
        ],
        out_specs=pl.BlockSpec((1, KNN, nb), lambda b, i: (b, 0, i)),
        out_shape=jax.ShapeDtypeStruct((B, KNN, N), jnp.int32),
    )(h3d, ht3d, xx.reshape(B, N, 1), xx.reshape(B, 1, N))



def _sc_gather_rows(h2d, idx_flat, c):
    tot = KNN * BN
    rw = tot // NW
    ch = 128
    npair = rw // (2 * ch)
    mesh = plsc.VectorSubcoreMesh(core_axis_name="c", subcore_axis_name="s")

    @functools.partial(
        pl.kernel,
        mesh=mesh,
        compiler_params=pltpu.CompilerParams(use_tc_tiling_on_sc=False),
        out_type=jax.ShapeDtypeStruct((tot, c), jnp.float32),
        scratch_types=[
            pltpu.VMEM((ch,), jnp.int32),
            pltpu.VMEM((ch,), jnp.int32),
            pltpu.VMEM((ch, c), jnp.float32),
            pltpu.VMEM((ch, c), jnp.float32),
            pltpu.SemaphoreType.DMA,
            pltpu.SemaphoreType.DMA,
            pltpu.SemaphoreType.DMA,
            pltpu.SemaphoreType.DMA,
        ],
    )
    def sck(h_hbm, idx_hbm, out_hbm, idx0, idx1, rows0, rows1,
            sem_g, sem_g2, sem_o0, sem_o1):
        wid = lax.axis_index("s") * 2 + lax.axis_index("c")
        base = wid * rw

        def pair(p, carry):
            off0 = base + (2 * p) * ch
            off1 = off0 + ch

            @pl.when(p >= 1)
            def _():
                pltpu.make_async_copy(
                    rows0, out_hbm.at[pl.ds(off0 - 2 * ch, ch)], sem_o0).wait()

            pltpu.sync_copy(idx_hbm.at[pl.ds(off0, ch)], idx0)
            pltpu.async_copy(h_hbm.at[idx0], rows0, sem_g)

            @pl.when(p >= 1)
            def _():
                pltpu.make_async_copy(
                    rows1, out_hbm.at[pl.ds(off1 - 2 * ch, ch)], sem_o1).wait()

            pltpu.sync_copy(idx_hbm.at[pl.ds(off1, ch)], idx1)
            pltpu.async_copy(h_hbm.at[idx1], rows1, sem_g2)
            pltpu.make_async_copy(h_hbm.at[idx0], rows0, sem_g).wait()
            pltpu.async_copy(rows0, out_hbm.at[pl.ds(off0, ch)], sem_o0)
            pltpu.make_async_copy(h_hbm.at[idx1], rows1, sem_g2).wait()
            pltpu.async_copy(rows1, out_hbm.at[pl.ds(off1, ch)], sem_o1)
            return carry

        lax.fori_loop(0, npair, pair, 0, unroll=False)
        end0 = base + (2 * npair - 2) * ch
        pltpu.make_async_copy(rows0, out_hbm.at[pl.ds(end0, ch)], sem_o0).wait()
        pltpu.make_async_copy(rows1, out_hbm.at[pl.ds(end0 + ch, ch)], sem_o1).wait()

    return sck(h2d, idx_flat)



def _econv_body(nbr_ref, h_ref, wa_ref, wb_ref, b_ref, mx_ref, t_ref, sums_ref):
    b = pl.program_id(0)
    i = pl.program_id(1)
    hb = h_ref[0]
    wab = wa_ref[...].astype(BF16)
    s1 = None
    for j in range(KNN):
        diff = nbr_ref[0, j] - hb
        aj = jnp.dot(diff.astype(BF16), wab, preferred_element_type=jnp.float32)
        if s1 is None:
            s1, s2, mx = aj, aj * aj, aj
        else:
            s1 = s1 + aj
            s2 = s2 + aj * aj
            mx = jnp.maximum(mx, aj)
    t = jnp.dot(hb.astype(BF16), wb_ref[...].astype(BF16),
                preferred_element_type=jnp.float32) + b_ref[...]
    mx_ref[0] = mx
    t_ref[0] = t

    @pl.when(jnp.logical_and(b == 0, i == 0))
    def _():
        sums_ref[...] = jnp.zeros_like(sums_ref)

    kf = float(KNN)
    sy = jnp.sum(s1 + kf * t, axis=0)
    sy2 = jnp.sum(s2 + 2.0 * t * s1 + kf * t * t, axis=0)
    sums_ref[0:1, :] += sy[None, :]
    sums_ref[1:2, :] += sy2[None, :]


def _econv(nbr4, h3d, wa, wb, bias, c, cout):
    nb = 256
    return pl.pallas_call(
        _econv_body,
        grid=(B, N // nb),
        in_specs=[
            pl.BlockSpec((1, KNN, nb, c), lambda b, i: (b, 0, i, 0)),
            pl.BlockSpec((1, nb, c), lambda b, i: (b, i, 0)),
            pl.BlockSpec((c, cout), lambda b, i: (0, 0)),
            pl.BlockSpec((c, cout), lambda b, i: (0, 0)),
            pl.BlockSpec((1, cout), lambda b, i: (0, 0)),
        ],
        out_specs=[
            pl.BlockSpec((1, nb, cout), lambda b, i: (b, i, 0)),
            pl.BlockSpec((1, nb, cout), lambda b, i: (b, i, 0)),
            pl.BlockSpec((8, cout), lambda b, i: (0, 0)),
        ],
        out_shape=[
            jax.ShapeDtypeStruct((B, N, cout), jnp.float32),
            jax.ShapeDtypeStruct((B, N, cout), jnp.float32),
            jax.ShapeDtypeStruct((8, cout), jnp.float32),
        ],
    )(nbr4, h3d, wa, wb, bias)



def _apply_body(mx_ref, t_ref, sums_ref, g_ref, be_ref, out_ref, *, count):
    inv_cnt = 1.0 / count
    m = sums_ref[0:1, :] * inv_cnt
    ey2 = sums_ref[1:2, :] * inv_cnt
    v = ey2 - m * m
    denom = jnp.sqrt(v + EPS)
    y = mx_ref[...] + t_ref[...]
    out_ref[...] = jnp.maximum(((y - m) / denom) * g_ref[...] + be_ref[...], 0.0)


def _apply(mx, t, sums, g, be, cout, count):
    mb = 1024
    body = functools.partial(_apply_body, count=count)
    return pl.pallas_call(
        body,
        grid=(BN // mb,),
        in_specs=[
            pl.BlockSpec((mb, cout), lambda i: (i, 0)),
            pl.BlockSpec((mb, cout), lambda i: (i, 0)),
            pl.BlockSpec((8, cout), lambda i: (0, 0)),
            pl.BlockSpec((1, cout), lambda i: (0, 0)),
            pl.BlockSpec((1, cout), lambda i: (0, 0)),
        ],
        out_specs=pl.BlockSpec((mb, cout), lambda i: (i, 0)),
        out_shape=jax.ShapeDtypeStruct((BN, cout), jnp.float32),
    )(mx, t, sums, g, be)



def _final_mm_body(h1_ref, h2_ref, mx3_ref, t3_ref, sums3_ref, g3_ref, be3_ref,
                   w1_ref, w2_ref, w3_ref, b_ref, f_ref, sums_ref, *, count3):
    i = pl.program_id(0)
    inv_cnt = 1.0 / count3
    m3 = sums3_ref[0:1, :] * inv_cnt
    v3 = sums3_ref[1:2, :] * inv_cnt - m3 * m3
    y3 = mx3_ref[...] + t3_ref[...]
    h3 = jnp.maximum(((y3 - m3) / jnp.sqrt(v3 + EPS)) * g3_ref[...]
                     + be3_ref[...], 0.0)
    f = jnp.dot(h1_ref[...].astype(BF16), w1_ref[...].astype(BF16),
                preferred_element_type=jnp.float32)
    f += jnp.dot(h2_ref[...].astype(BF16), w2_ref[...].astype(BF16),
                 preferred_element_type=jnp.float32)
    f += jnp.dot(h3.astype(BF16), w3_ref[...].astype(BF16),
                 preferred_element_type=jnp.float32)
    f = f + b_ref[...]
    f_ref[...] = f

    @pl.when(i == 0)
    def _():
        sums_ref[...] = jnp.zeros_like(sums_ref)

    sums_ref[0:1, :] += jnp.sum(f, axis=0)[None, :]
    sums_ref[1:2, :] += jnp.sum(f * f, axis=0)[None, :]


def _final_mm(h1, h2, mx3, t3, sums3, g3, be3, w1, w2, w3, bias):
    mb = 1024
    body = functools.partial(_final_mm_body, count3=BN * KNN)
    return pl.pallas_call(
        body,
        grid=(BN // mb,),
        in_specs=[
            pl.BlockSpec((mb, 64), lambda i: (i, 0)),
            pl.BlockSpec((mb, 128), lambda i: (i, 0)),
            pl.BlockSpec((mb, 256), lambda i: (i, 0)),
            pl.BlockSpec((mb, 256), lambda i: (i, 0)),
            pl.BlockSpec((8, 256), lambda i: (0, 0)),
            pl.BlockSpec((1, 256), lambda i: (0, 0)),
            pl.BlockSpec((1, 256), lambda i: (0, 0)),
            pl.BlockSpec((64, 512), lambda i: (0, 0)),
            pl.BlockSpec((128, 512), lambda i: (0, 0)),
            pl.BlockSpec((256, 512), lambda i: (0, 0)),
            pl.BlockSpec((1, 512), lambda i: (0, 0)),
        ],
        out_specs=[
            pl.BlockSpec((mb, 512), lambda i: (i, 0)),
            pl.BlockSpec((8, 512), lambda i: (0, 0)),
        ],
        out_shape=[
            jax.ShapeDtypeStruct((BN, 512), jnp.float32),
            jax.ShapeDtypeStruct((8, 512), jnp.float32),
        ],
    )(h1, h2, mx3, t3, sums3, g3, be3, w1, w2, w3, bias)


def _final_apply(f, sums, g, be, count):
    nb = 256

    def body(f_ref, sums_ref, g_ref, be_ref, out_ref):
        inv_cnt = 1.0 / count
        m = sums_ref[0:1, :] * inv_cnt
        ey2 = sums_ref[1:2, :] * inv_cnt
        v = ey2 - m * m
        denom = jnp.sqrt(v + EPS)
        y = jnp.maximum(((f_ref[0] - m) / denom) * g_ref[...] + be_ref[...], 0.0)
        out_ref[0] = jnp.transpose(y)

    return pl.pallas_call(
        body,
        grid=(B, N // nb),
        in_specs=[
            pl.BlockSpec((1, nb, 512), lambda b, i: (b, i, 0)),
            pl.BlockSpec((8, 512), lambda b, i: (0, 0)),
            pl.BlockSpec((1, 512), lambda b, i: (0, 0)),
            pl.BlockSpec((1, 512), lambda b, i: (0, 0)),
        ],
        out_specs=pl.BlockSpec((1, 512, nb), lambda b, i: (b, 0, i)),
        out_shape=jax.ShapeDtypeStruct((B, 512, N), jnp.float32),
    )(f.reshape(B, N, 512), sums, g, be)



def _edge_layer(h2d, c, cout, w, bias, g, be, apply_now=True):
    wa = jnp.transpose(w[:, :c])
    wb = jnp.transpose(w[:, c:])
    cpad = max(c, 16)
    if cpad != c:
        pad = ((0, cpad - c), (0, 0))
        h2d_p = jnp.pad(h2d, ((0, 0), (0, cpad - c)))
        wa = jnp.pad(wa, pad)
        wb = jnp.pad(wb, pad)
    else:
        h2d_p = h2d
    h3d = h2d_p.reshape(B, N, cpad)
    ht3d = jnp.transpose(h3d, (0, 2, 1))
    xx = jnp.sum(ht3d * ht3d, axis=1)
    gidx = _topk(h3d, ht3d, xx, cpad)
    idx_flat = gidx.reshape(B * KNN * N)
    nbr = _sc_gather_rows(h2d_p, idx_flat, cpad)
    nbr4 = nbr.reshape(B, KNN, N, cpad)
    mx, t3, sums = _econv(nbr4, h3d, wa, wb, bias[None, :], cpad, cout)
    if not apply_now:
        return mx, t3, sums
    return _apply(mx.reshape(BN, cout), t3.reshape(BN, cout), sums,
                  g[None, :], be[None, :], cout, BN * KNN)


def kernel(x, W1, b1, g1, be1, W2, b2, g2, be2, W3, b3, g3, be3, Wf, bf, gf, bef):
    h0 = jnp.transpose(x, (0, 2, 1)).reshape(BN, 3)
    h1 = _edge_layer(h0, 3, 64, W1, b1, g1, be1)
    h2 = _edge_layer(h1, 64, 128, W2, b2, g2, be2)
    mx3, t3, sums3 = _edge_layer(h2, 128, 256, W3, b3, g3, be3, apply_now=False)

    w1 = jnp.transpose(Wf[:, :64])
    w2 = jnp.transpose(Wf[:, 64:192])
    w3 = jnp.transpose(Wf[:, 192:])
    f, sums = _final_mm(h1, h2, mx3.reshape(BN, 256), t3.reshape(BN, 256),
                        sums3, g3[None, :], be3[None, :], w1, w2, w3, bf[None, :])
    return _final_apply(f, sums, gf[None, :], bef[None, :], BN)

# --- scband reference (transcript-rebuilt; emitter-appended) ---
"""Pipeline reference for scband-dgcnn-graph-layer-90082644066706 (READ-ONLY COPY).

The authoritative reference and input builder live on the scoring server;
editing this copy changes nothing except your own understanding.
"""

import jax, jax.numpy as jnp
import numpy as np

K = 20
EPS = 1e-5

def knn_idx(x, k):
    # x: [B, C, N] -> idx: [B, N, k]
    inner = -2.0 * jnp.einsum('bcn,bcm->bnm', x, x)
    xx = jnp.sum(x * x, axis=1)
    neg_dist = -xx[:, :, None] - inner - xx[:, None, :]
    _, idx = jax.lax.top_k(neg_dist, k)
    return idx

def get_edge_feature(x, k):
    # x: [B, C, N] -> edge: [B, 2C, N, k]
    idx = knn_idx(x, k)
    xt = jnp.transpose(x, (0, 2, 1))  # [B, N, C]
    nbr = jax.vmap(lambda f, i: f[i])(xt, idx)  # [B, N, k, C]
    central = jnp.broadcast_to(xt[:, :, None, :], nbr.shape)
    edge = jnp.concatenate([nbr - central, central], axis=-1)
    return jnp.transpose(edge, (0, 3, 1, 2))

def conv_bn_relu_2d(x, W, b, gamma, beta):
    # 1x1 Conv2d + BatchNorm (batch stats) + ReLU; x: [B, Cin, N, k]
    y = jnp.einsum('oc,bcnk->bonk', W, x) + b[None, :, None, None]
    m = jnp.mean(y, axis=(0, 2, 3), keepdims=True)
    v = jnp.var(y, axis=(0, 2, 3), keepdims=True)
    y = (y - m) / jnp.sqrt(v + EPS)
    y = y * gamma[None, :, None, None] + beta[None, :, None, None]
    return jax.nn.relu(y)

def conv_bn_relu_1d(x, W, b, gamma, beta):
    # kernel-size-1 Conv1d + BatchNorm + ReLU; x: [B, Cin, N]
    y = jnp.einsum('oc,bcn->bon', W, x) + b[None, :, None]
    m = jnp.mean(y, axis=(0, 2), keepdims=True)
    v = jnp.var(y, axis=(0, 2), keepdims=True)
    y = (y - m) / jnp.sqrt(v + EPS)
    y = y * gamma[None, :, None] + beta[None, :, None]
    return jax.nn.relu(y)

def setup_inputs(seed: int = 0):
    key = jax.random.key(seed)
    ks = jax.random.split(key, 12)
    B, Cin, N = 4, 3, 1024
    chans = [64, 128, 256]
    x = jax.random.normal(ks[0], (B, Cin, N), dtype=jnp.float32)
    params = {}
    cin = Cin
    for i, c in enumerate(chans):
        params['W%d' % (i + 1)] = jax.random.normal(ks[1 + i], (c, 2 * cin), dtype=jnp.float32) * 0.05
        params['b%d' % (i + 1)] = jnp.zeros((c,), dtype=jnp.float32)
        params['g%d' % (i + 1)] = jnp.ones((c,), dtype=jnp.float32)
        params['be%d' % (i + 1)] = jnp.zeros((c,), dtype=jnp.float32)
        cin = c
    out_ch = 512
    total = int(np.sum(chans))
    params['Wf'] = jax.random.normal(ks[10], (out_ch, total), dtype=jnp.float32) * 0.05
    params['bf'] = jnp.zeros((out_ch,), dtype=jnp.float32)
    params['gf'] = jnp.ones((out_ch,), dtype=jnp.float32)
    params['bef'] = jnp.zeros((out_ch,), dtype=jnp.float32)
    out = {'x': x}
    out.update(params)
    return out

def reference(x, W1, b1, g1, be1, W2, b2, g2, be2, W3, b3, g3, be3, Wf, bf, gf, bef):
    feats = []
    h = x
    for (W, b, g, be) in ((W1, b1, g1, be1), (W2, b2, g2, be2), (W3, b3, g3, be3)):
        e = get_edge_feature(h, K)
        h = conv_bn_relu_2d(e, W, b, g, be)
        h = jnp.max(h, axis=-1)
        feats.append(h)
    h = jnp.concatenate(feats, axis=1)  # [B, 448, N]
    return conv_bn_relu_1d(h, Wf, bf, gf, bef)

if __name__ == "__main__":
    import jax
    _d = setup_inputs()
    print(jax.jit(kernel)(*tuple(_d.values())))

</pallas_src>

<mosaic_0001>
#map = affine_map<(d0, d1) -> (0, 0)>
#map1 = affine_map<(d0, d1) -> (0)>
module attributes {stable_mosaic.version = 14 : i64} {
  func.func @sck(%arg0: i32, %arg1: i32, %arg2: memref<4096x16xf32, #tpu.memory_space<hbm>>, %arg3: memref<81920xi32, #tpu.memory_space<hbm>>, %arg4: memref<81920x16xf32, #tpu.memory_space<hbm>>, %arg5: memref<128xi32, #tpu.memory_space<vmem>>, %arg6: memref<128xi32, #tpu.memory_space<vmem>>, %arg7: memref<128x16xf32, #tpu.memory_space<vmem>>, %arg8: memref<128x16xf32, #tpu.memory_space<vmem>>, %arg9: memref<!tpu.dma_semaphore, #tpu.memory_space<semaphore_mem>>, %arg10: memref<!tpu.dma_semaphore, #tpu.memory_space<semaphore_mem>>, %arg11: memref<!tpu.dma_semaphore, #tpu.memory_space<semaphore_mem>>, %arg12: memref<!tpu.dma_semaphore, #tpu.memory_space<semaphore_mem>>) attributes {dimension_semantics = [#tpu.dimension_semantics<core_parallel>, #tpu.dimension_semantics<subcore_parallel>], iteration_bounds = array<i64: 2, 16>, scalar_prefetch = 0 : i64, scratch_operands = 8 : i64, tpu.core_type = #tpu.core_type<sc_vector_subcore>, window_params = [{transform_indices = #map}, {transform_indices = #map1}, {transform_indices = #map}]} {
    %mul3A = arith.constant 2 : i32
    %mul3A_0 = arith.muli %arg1, %mul3A : i32
    %add3A = arith.addi %mul3A_0, %arg0 : i32
    %mul3A_1 = arith.constant 2560 : i32
    %mul3A_2 = arith.muli %add3A, %mul3A_1 : i32
    %scan3A = arith.constant 0 : i32
    %scan3A_3 = arith.constant 0 : i32
    %scan3A_4 = arith.constant 10 : i32
    %scan3A_5 = arith.addi %scan3A_3, %scan3A_4 : i32
    %scan3A_6 = arith.constant 1 : i32
    scf.for %scan3A_19 = %scan3A_3 to %scan3A_5 step %scan3A_6  : i32 {
      %mul3A_20 = arith.constant 2 : i32
      %mul3A_21 = arith.muli %mul3A_20, %scan3A_19 : i32
      %mul3A_22 = arith.constant 128 : i32
      %mul3A_23 = arith.muli %mul3A_21, %mul3A_22 : i32
      %add3A_24 = arith.addi %mul3A_2, %mul3A_23 : i32
      %add3A_25 = arith.constant 128 : i32
      %add3A_26 = arith.addi %add3A_24, %add3A_25 : i32
      %ge3A = arith.constant 1 : i32
      %ge3A_27 = arith.cmpi sge, %scan3A_19, %ge3A : i32
      %convert_element_type3A = arith.extui %ge3A_27 : i1 to i32
      %cond3A = arith.constant 0 : i32
      %cond3A_28 = arith.cmpi ne, %convert_element_type3A, %cond3A : i32
      scf.if %cond3A_28 {
        %sub3A = arith.constant 256 : i32
        %sub3A_53 = arith.subi %add3A_24, %sub3A : i32
        %dma_wait3A_54 = arith.constant 0 : i32
        %dma_wait3A_55 = tpu.memref_slice %arg4[%sub3A_53, %dma_wait3A_54] : memref<81920x16xf32, #tpu.memory_space<hbm>> -> memref<128x16xf32, #tpu.memory_space<hbm>>
        %dma_wait3A_56 = arith.constant 0 : i32
        %dma_wait3A_57 = tpu.memref_slice %arg4[%sub3A_53, %dma_wait3A_56] : memref<81920x16xf32, #tpu.memory_space<hbm>> -> memref<128x16xf32, #tpu.memory_space<hbm>>
        tpu.wait_dma2 semaphore(%arg11 : memref<!tpu.dma_semaphore, #tpu.memory_space<semaphore_mem>>) src(%arg7 : memref<128x16xf32, #tpu.memory_space<vmem>>) dst(%dma_wait3A_57 : memref<128x16xf32, #tpu.memory_space<hbm>>)
      } else {
      }
      "tpu.region"() ({
        %run_scoped3A = tpu.sem_alloc : memref<!tpu.dma_semaphore, #tpu.memory_space<semaphore_mem>>
        %dma_start3A_53 = tpu.memref_slice %arg3[%add3A_24] : memref<81920xi32, #tpu.memory_space<hbm>> -> memref<128xi32, #tpu.memory_space<hbm>>
        %dma_start3A_54 = tpu.memref_slice %arg3[%add3A_24] : memref<81920xi32, #tpu.memory_space<hbm>> -> memref<128xi32, #tpu.memory_space<hbm>>
        tpu.enqueue_dma source(%dma_start3A_54 : memref<128xi32, #tpu.memory_space<hbm>>) target(%arg5 : memref<128xi32, #tpu.memory_space<vmem>>) target_semaphore(%run_scoped3A : memref<!tpu.dma_semaphore, #tpu.memory_space<semaphore_mem>>)
        %dma_wait3A_55 = tpu.memref_slice %arg3[%add3A_24] : memref<81920xi32, #tpu.memory_space<hbm>> -> memref<128xi32, #tpu.memory_space<hbm>>
        %dma_wait3A_56 = tpu.memref_slice %arg3[%add3A_24] : memref<81920xi32, #tpu.memory_space<hbm>> -> memref<128xi32, #tpu.memory_space<hbm>>
        tpu.wait_dma2 semaphore(%run_scoped3A : memref<!tpu.dma_semaphore, #tpu.memory_space<semaphore_mem>>) src(%dma_wait3A_56 : memref<128xi32, #tpu.memory_space<hbm>>) dst(%arg5 : memref<128xi32, #tpu.memory_space<vmem>>)
        tpu.yield
      }) : () -> ()
      %dma_start3A = arith.constant 0 : i32
      %dma_start3A_29 = arith.constant 0 : i32
      %dma_start3A_30 = tpu.memref_slice %arg2[%dma_start3A, %dma_start3A_29] : memref<4096x16xf32, #tpu.memory_space<hbm>> -> memref<4096x16xf32, #tpu.memory_space<hbm>>
      tpu.enqueue_indirect_dma source(%dma_start3A_30 : memref<4096x16xf32, #tpu.memory_space<hbm>>) target(%arg7 : memref<128x16xf32, #tpu.memory_space<vmem>>) offsets(%arg5 : memref<128xi32, #tpu.memory_space<vmem>>) semaphore(%arg9 : memref<!tpu.dma_semaphore, #tpu.memory_space<semaphore_mem>>)
      %ge3A_31 = arith.constant 1 : i32
      %ge3A_32 = arith.cmpi sge, %scan3A_19, %ge3A_31 : i32
      %convert_element_type3A_33 = arith.extui %ge3A_32 : i1 to i32
      %cond3A_34 = arith.constant 0 : i32
      %cond3A_35 = arith.cmpi ne, %convert_element_type3A_33, %cond3A_34 : i32
      scf.if %cond3A_35 {
        %sub3A = arith.constant 256 : i32
        %sub3A_53 = arith.subi %add3A_26, %sub3A : i32
        %dma_wait3A_54 = arith.constant 0 : i32
        %dma_wait3A_55 = tpu.memref_slice %arg4[%sub3A_53, %dma_wait3A_54] : memref<81920x16xf32, #tpu.memory_space<hbm>> -> memref<128x16xf32, #tpu.memory_space<hbm>>
        %dma_wait3A_56 = arith.constant 0 : i32
        %dma_wait3A_57 = tpu.memref_slice %arg4[%sub3A_53, %dma_wait3A_56] : memref<81920x16xf32, #tpu.memory_space<hbm>> -> memref<128x16xf32, #tpu.memory_space<hbm>>
        tpu.wait_dma2 semaphore(%arg12 : memref<!tpu.dma_semaphore, #tpu.memory_space<semaphore_mem>>) src(%arg8 : memref<128x16xf32, #tpu.memory_space<vmem>>) dst(%dma_wait3A_57 : memref<128x16xf32, #tpu.memory_space<hbm>>)
      } else {
      }
      "tpu.region"() ({
        %run_scoped3A = tpu.sem_alloc : memref<!tpu.dma_semaphore, #tpu.memory_space<semaphore_mem>>
        %dma_start3A_53 = tpu.memref_slice %arg3[%add3A_26] : memref<81920xi32, #tpu.memory_space<hbm>> -> memref<128xi32, #tpu.memory_space<hbm>>
        %dma_start3A_54 = tpu.memref_slice %arg3[%add3A_26] : memref<81920xi32, #tpu.memory_space<hbm>> -> memref<128xi32, #tpu.memory_space<hbm>>
        tpu.enqueue_dma source(%dma_start3A_54 : memref<128xi32, #tpu.memory_space<hbm>>) target(%arg6 : memref<128xi32, #tpu.memory_space<vmem>>) target_semaphore(%run_scoped3A : memref<!tpu.dma_semaphore, #tpu.memory_space<semaphore_mem>>)
        %dma_wait3A_55 = tpu.memref_slice %arg3[%add3A_26] : memref<81920xi32, #tpu.memory_space<hbm>> -> memref<128xi32, #tpu.memory_space<hbm>>
        %dma_wait3A_56 = tpu.memref_slice %arg3[%add3A_26] : memref<81920xi32, #tpu.memory_space<hbm>> -> memref<128xi32, #tpu.memory_space<hbm>>
        tpu.wait_dma2 semaphore(%run_scoped3A : memref<!tpu.dma_semaphore, #tpu.memory_space<semaphore_mem>>) src(%dma_wait3A_56 : memref<128xi32, #tpu.memory_space<hbm>>) dst(%arg6 : memref<128xi32, #tpu.memory_space<vmem>>)
        tpu.yield
      }) : () -> ()
      %dma_start3A_36 = arith.constant 0 : i32
      %dma_start3A_37 = arith.constant 0 : i32
      %dma_start3A_38 = tpu.memref_slice %arg2[%dma_start3A_36, %dma_start3A_37] : memref<4096x16xf32, #tpu.memory_space<hbm>> -> memref<4096x16xf32, #tpu.memory_space<hbm>>
      tpu.enqueue_indirect_dma source(%dma_start3A_38 : memref<4096x16xf32, #tpu.memory_space<hbm>>) target(%arg8 : memref<128x16xf32, #tpu.memory_space<vmem>>) offsets(%arg6 : memref<128xi32, #tpu.memory_space<vmem>>) semaphore(%arg10 : memref<!tpu.dma_semaphore, #tpu.memory_space<semaphore_mem>>)
      %dma_wait3A_39 = arith.constant 0 : i32
      %dma_wait3A_40 = arith.constant 0 : i32
      %dma_wait3A_41 = tpu.memref_slice %arg2[%dma_wait3A_39, %dma_wait3A_40] : memref<4096x16xf32, #tpu.memory_space<hbm>> -> memref<4096x16xf32, #tpu.memory_space<hbm>>
      tpu.wait_indirect_dma semaphore(%arg9 : memref<!tpu.dma_semaphore, #tpu.memory_space<semaphore_mem>>) src(%dma_wait3A_41 : memref<4096x16xf32, #tpu.memory_space<hbm>>) dst(%arg7 : memref<128x16xf32, #tpu.memory_space<vmem>>)
      %dma_start3A_42 = arith.constant 0 : i32
      %dma_start3A_43 = tpu.memref_slice %arg4[%add3A_24, %dma_start3A_42] : memref<81920x16xf32, #tpu.memory_space<hbm>> -> memref<128x16xf32, #tpu.memory_space<hbm>>
      %dma_start3A_44 = arith.constant 0 : i32
      %dma_start3A_45 = tpu.memref_slice %arg4[%add3A_24, %dma_start3A_44] : memref<81920x16xf32, #tpu.memory_space<hbm>> -> memref<128x16xf32, #tpu.memory_space<hbm>>
      tpu.enqueue_dma source(%arg7 : memref<128x16xf32, #tpu.memory_space<vmem>>) target(%dma_start3A_45 : memref<128x16xf32, #tpu.memory_space<hbm>>) target_semaphore(%arg11 : memref<!tpu.dma_semaphore, #tpu.memory_space<semaphore_mem>>)
      %dma_wait3A_46 = arith.constant 0 : i32
      %dma_wait3A_47 = arith.constant 0 : i32
      %dma_wait3A_48 = tpu.memref_slice %arg2[%dma_wait3A_46, %dma_wait3A_47] : memref<4096x16xf32, #tpu.memory_space<hbm>> -> memref<4096x16xf32, #tpu.memory_space<hbm>>
      tpu.wait_indirect_dma semaphore(%arg10 : memref<!tpu.dma_semaphore, #tpu.memory_space<semaphore_mem>>) src(%dma_wait3A_48 : memref<4096x16xf32, #tpu.memory_space<hbm>>) dst(%arg8 : memref<128x16xf32, #tpu.memory_space<vmem>>)
      %dma_start3A_49 = arith.constant 0 : i32
      %dma_start3A_50 = tpu.memref_slice %arg4[%add3A_26, %dma_start3A_49] : memref<81920x16xf32, #tpu.memory_space<hbm>> -> memref<128x16xf32, #tpu.memory_space<hbm>>
      %dma_start3A_51 = arith.constant 0 : i32
      %dma_start3A_52 = tpu.memref_slice %arg4[%add3A_26, %dma_start3A_51] : memref<81920x16xf32, #tpu.memory_space<hbm>> -> memref<128x16xf32, #tpu.memory_space<hbm>>
      tpu.enqueue_dma source(%arg8 : memref<128x16xf32, #tpu.memory_space<vmem>>) target(%dma_start3A_52 : memref<128x16xf32, #tpu.memory_space<hbm>>) target_semaphore(%arg12 : memref<!tpu.dma_semaphore, #tpu.memory_space<semaphore_mem>>)
    }
    %scan3A_7 = arith.constant 10 : i32
    %add3A_8 = arith.constant 2304 : i32
    %add3A_9 = arith.addi %mul3A_2, %add3A_8 : i32
    %dma_wait3A = arith.constant 0 : i32
    %dma_wait3A_10 = tpu.memref_slice %arg4[%add3A_9, %dma_wait3A] : memref<81920x16xf32, #tpu.memory_space<hbm>> -> memref<128x16xf32, #tpu.memory_space<hbm>>
    %dma_wait3A_11 = arith.constant 0 : i32
    %dma_wait3A_12 = tpu.memref_slice %arg4[%add3A_9, %dma_wait3A_11] : memref<81920x16xf32, #tpu.memory_space<hbm>> -> memref<128x16xf32, #tpu.memory_space<hbm>>
    tpu.wait_dma2 semaphore(%arg11 : memref<!tpu.dma_semaphore, #tpu.memory_space<semaphore_mem>>) src(%arg7 : memref<128x16xf32, #tpu.memory_space<vmem>>) dst(%dma_wait3A_12 : memref<128x16xf32, #tpu.memory_space<hbm>>)
    %add3A_13 = arith.constant 128 : i32
    %add3A_14 = arith.addi %add3A_9, %add3A_13 : i32
    %dma_wait3A_15 = arith.constant 0 : i32
    %dma_wait3A_16 = tpu.memref_slice %arg4[%add3A_14, %dma_wait3A_15] : memref<81920x16xf32, #tpu.memory_space<hbm>> -> memref<128x16xf32, #tpu.memory_space<hbm>>
    %dma_wait3A_17 = arith.constant 0 : i32
    %dma_wait3A_18 = tpu.memref_slice %arg4[%add3A_14, %dma_wait3A_17] : memref<81920x16xf32, #tpu.memory_space<hbm>> -> memref<128x16xf32, #tpu.memory_space<hbm>>
    tpu.wait_dma2 semaphore(%arg12 : memref<!tpu.dma_semaphore, #tpu.memory_space<semaphore_mem>>) src(%arg8 : memref<128x16xf32, #tpu.memory_space<vmem>>) dst(%dma_wait3A_18 : memref<128x16xf32, #tpu.memory_space<hbm>>)
    return
  }
}

#map = affine_map<(d0, d1) -> (0, 0)>
#map1 = affine_map<(d0, d1) -> (0)>
module attributes {stable_mosaic.version = 14 : i64} {
  func.func @sck(%arg0: i32, %arg1: i32, %arg2: memref<4096x64xf32, #tpu.memory_space<hbm>>, %arg3: memref<81920xi32, #tpu.memory_space<hbm>>, %arg4: memref<81920x64xf32, #tpu.memory_space<hbm>>, %arg5: memref<128xi32, #tpu.memory_space<vmem>>, %arg6: memref<128xi32, #tpu.memory_space<vmem>>, %arg7: memref<128x64xf32, #tpu.memory_space<vmem>>, %arg8: memref<128x64xf32, #tpu.memory_space<vmem>>, %arg9: memref<!tpu.dma_semaphore, #tpu.memory_space<semaphore_mem>>, %arg10: memref<!tpu.dma_semaphore, #tpu.memory_space<semaphore_mem>>, %arg11: memref<!tpu.dma_semaphore, #tpu.memory_space<semaphore_mem>>, %arg12: memref<!tpu.dma_semaphore, #tpu.memory_space<semaphore_mem>>) attributes {dimension_semantics = [#tpu.dimension_semantics<core_parallel>, #tpu.dimension_semantics<subcore_parallel>], iteration_bounds = array<i64: 2, 16>, scalar_prefetch = 0 : i64, scratch_operands = 8 : i64, tpu.core_type = #tpu.core_type<sc_vector_subcore>, window_params = [{transform_indices = #map}, {transform_indices = #map1}, {transform_indices = #map}]} {
    %mul3A = arith.constant 2 : i32
    %mul3A_0 = arith.muli %arg1, %mul3A : i32
    %add3A = arith.addi %mul3A_0, %arg0 : i32
    %mul3A_1 = arith.constant 2560 : i32
    %mul3A_2 = arith.muli %add3A, %mul3A_1 : i32
    %scan3A = arith.constant 0 : i32
    %scan3A_3 = arith.constant 0 : i32
    %scan3A_4 = arith.constant 10 : i32
    %scan3A_5 = arith.addi %scan3A_3, %scan3A_4 : i32
    %scan3A_6 = arith.constant 1 : i32
    scf.for %scan3A_19 = %scan3A_3 to %scan3A_5 step %scan3A_6  : i32 {
      %mul3A_20 = arith.constant 2 : i32
      %mul3A_21 = arith.muli %mul3A_20, %scan3A_19 : i32
      %mul3A_22 = arith.constant 128 : i32
      %mul3A_23 = arith.muli %mul3A_21, %mul3A_22 : i32
      %add3A_24 = arith.addi %mul3A_2, %mul3A_23 : i32
      %add3A_25 = arith.constant 128 : i32
      %add3A_26 = arith.addi %add3A_24, %add3A_25 : i32
      %ge3A = arith.constant 1 : i32
      %ge3A_27 = arith.cmpi sge, %scan3A_19, %ge3A : i32
      %convert_element_type3A = arith.extui %ge3A_27 : i1 to i32
      %cond3A = arith.constant 0 : i32
      %cond3A_28 = arith.cmpi ne, %convert_element_type3A, %cond3A : i32
      scf.if %cond3A_28 {
        %sub3A = arith.constant 256 : i32
        %sub3A_53 = arith.subi %add3A_24, %sub3A : i32
        %dma_wait3A_54 = arith.constant 0 : i32
        %dma_wait3A_55 = tpu.memref_slice %arg4[%sub3A_53, %dma_wait3A_54] : memref<81920x64xf32, #tpu.memory_space<hbm>> -> memref<128x64xf32, #tpu.memory_space<hbm>>
        %dma_wait3A_56 = arith.constant 0 : i32
        %dma_wait3A_57 = tpu.memref_slice %arg4[%sub3A_53, %dma_wait3A_56] : memref<81920x64xf32, #tpu.memory_space<hbm>> -> memref<128x64xf32, #tpu.memory_space<hbm>>
        tpu.wait_dma2 semaphore(%arg11 : memref<!tpu.dma_semaphore, #tpu.memory_space<semaphore_mem>>) src(%arg7 : memref<128x64xf32, #tpu.memory_space<vmem>>) dst(%dma_wait3A_57 : memref<128x64xf32, #tpu.memory_space<hbm>>)
      } else {
      }
      "tpu.region"() ({
        %run_scoped3A = tpu.sem_alloc : memref<!tpu.dma_semaphore, #tpu.memory_space<semaphore_mem>>
        %dma_start3A_53 = tpu.memref_slice %arg3[%add3A_24] : memref<81920xi32, #tpu.memory_space<hbm>> -> memref<128xi32, #tpu.memory_space<hbm>>
        %dma_start3A_54 = tpu.memref_slice %arg3[%add3A_24] : memref<81920xi32, #tpu.memory_space<hbm>> -> memref<128xi32, #tpu.memory_space<hbm>>
        tpu.enqueue_dma source(%dma_start3A_54 : memref<128xi32, #tpu.memory_space<hbm>>) target(%arg5 : memref<128xi32, #tpu.memory_space<vmem>>) target_semaphore(%run_scoped3A : memref<!tpu.dma_semaphore, #tpu.memory_space<semaphore_mem>>)
        %dma_wait3A_55 = tpu.memref_slice %arg3[%add3A_24] : memref<81920xi32, #tpu.memory_space<hbm>> -> memref<128xi32, #tpu.memory_space<hbm>>
        %dma_wait3A_56 = tpu.memref_slice %arg3[%add3A_24] : memref<81920xi32, #tpu.memory_space<hbm>> -> memref<128xi32, #tpu.memory_space<hbm>>
        tpu.wait_dma2 semaphore(%run_scoped3A : memref<!tpu.dma_semaphore, #tpu.memory_space<semaphore_mem>>) src(%dma_wait3A_56 : memref<128xi32, #tpu.memory_space<hbm>>) dst(%arg5 : memref<128xi32, #tpu.memory_space<vmem>>)
        tpu.yield
      }) : () -> ()
      %dma_start3A = arith.constant 0 : i32
      %dma_start3A_29 = arith.constant 0 : i32
      %dma_start3A_30 = tpu.memref_slice %arg2[%dma_start3A, %dma_start3A_29] : memref<4096x64xf32, #tpu.memory_space<hbm>> -> memref<4096x64xf32, #tpu.memory_space<hbm>>
      tpu.enqueue_indirect_dma source(%dma_start3A_30 : memref<4096x64xf32, #tpu.memory_space<hbm>>) target(%arg7 : memref<128x64xf32, #tpu.memory_space<vmem>>) offsets(%arg5 : memref<128xi32, #tpu.memory_space<vmem>>) semaphore(%arg9 : memref<!tpu.dma_semaphore, #tpu.memory_space<semaphore_mem>>)
      %ge3A_31 = arith.constant 1 : i32
      %ge3A_32 = arith.cmpi sge, %scan3A_19, %ge3A_31 : i32
      %convert_element_type3A_33 = arith.extui %ge3A_32 : i1 to i32
      %cond3A_34 = arith.constant 0 : i32
      %cond3A_35 = arith.cmpi ne, %convert_element_type3A_33, %cond3A_34 : i32
      scf.if %cond3A_35 {
        %sub3A = arith.constant 256 : i32
        %sub3A_53 = arith.subi %add3A_26, %sub3A : i32
        %dma_wait3A_54 = arith.constant 0 : i32
        %dma_wait3A_55 = tpu.memref_slice %arg4[%sub3A_53, %dma_wait3A_54] : memref<81920x64xf32, #tpu.memory_space<hbm>> -> memref<128x64xf32, #tpu.memory_space<hbm>>
        %dma_wait3A_56 = arith.constant 0 : i32
        %dma_wait3A_57 = tpu.memref_slice %arg4[%sub3A_53, %dma_wait3A_56] : memref<81920x64xf32, #tpu.memory_space<hbm>> -> memref<128x64xf32, #tpu.memory_space<hbm>>
        tpu.wait_dma2 semaphore(%arg12 : memref<!tpu.dma_semaphore, #tpu.memory_space<semaphore_mem>>) src(%arg8 : memref<128x64xf32, #tpu.memory_space<vmem>>) dst(%dma_wait3A_57 : memref<128x64xf32, #tpu.memory_space<hbm>>)
      } else {
      }
      "tpu.region"() ({
        %run_scoped3A = tpu.sem_alloc : memref<!tpu.dma_semaphore, #tpu.memory_space<semaphore_mem>>
        %dma_start3A_53 = tpu.memref_slice %arg3[%add3A_26] : memref<81920xi32, #tpu.memory_space<hbm>> -> memref<128xi32, #tpu.memory_space<hbm>>
        %dma_start3A_54 = tpu.memref_slice %arg3[%add3A_26] : memref<81920xi32, #tpu.memory_space<hbm>> -> memref<128xi32, #tpu.memory_space<hbm>>
        tpu.enqueue_dma source(%dma_start3A_54 : memref<128xi32, #tpu.memory_space<hbm>>) target(%arg6 : memref<128xi32, #tpu.memory_space<vmem>>) target_semaphore(%run_scoped3A : memref<!tpu.dma_semaphore, #tpu.memory_space<semaphore_mem>>)
        %dma_wait3A_55 = tpu.memref_slice %arg3[%add3A_26] : memref<81920xi32, #tpu.memory_space<hbm>> -> memref<128xi32, #tpu.memory_space<hbm>>
        %dma_wait3A_56 = tpu.memref_slice %arg3[%add3A_26] : memref<81920xi32, #tpu.memory_space<hbm>> -> memref<128xi32, #tpu.memory_space<hbm>>
        tpu.wait_dma2 semaphore(%run_scoped3A : memref<!tpu.dma_semaphore, #tpu.memory_space<semaphore_mem>>) src(%dma_wait3A_56 : memref<128xi32, #tpu.memory_space<hbm>>) dst(%arg6 : memref<128xi32, #tpu.memory_space<vmem>>)
        tpu.yield
      }) : () -> ()
      %dma_start3A_36 = arith.constant 0 : i32
      %dma_start3A_37 = arith.constant 0 : i32
      %dma_start3A_38 = tpu.memref_slice %arg2[%dma_start3A_36, %dma_start3A_37] : memref<4096x64xf32, #tpu.memory_space<hbm>> -> memref<4096x64xf32, #tpu.memory_space<hbm>>
      tpu.enqueue_indirect_dma source(%dma_start3A_38 : memref<4096x64xf32, #tpu.memory_space<hbm>>) target(%arg8 : memref<128x64xf32, #tpu.memory_space<vmem>>) offsets(%arg6 : memref<128xi32, #tpu.memory_space<vmem>>) semaphore(%arg10 : memref<!tpu.dma_semaphore, #tpu.memory_space<semaphore_mem>>)
      %dma_wait3A_39 = arith.constant 0 : i32
      %dma_wait3A_40 = arith.constant 0 : i32
      %dma_wait3A_41 = tpu.memref_slice %arg2[%dma_wait3A_39, %dma_wait3A_40] : memref<4096x64xf32, #tpu.memory_space<hbm>> -> memref<4096x64xf32, #tpu.memory_space<hbm>>
      tpu.wait_indirect_dma semaphore(%arg9 : memref<!tpu.dma_semaphore, #tpu.memory_space<semaphore_mem>>) src(%dma_wait3A_41 : memref<4096x64xf32, #tpu.memory_space<hbm>>) dst(%arg7 : memref<128x64xf32, #tpu.memory_space<vmem>>)
      %dma_start3A_42 = arith.constant 0 : i32
      %dma_start3A_43 = tpu.memref_slice %arg4[%add3A_24, %dma_start3A_42] : memref<81920x64xf32, #tpu.memory_space<hbm>> -> memref<128x64xf32, #tpu.memory_space<hbm>>
      %dma_start3A_44 = arith.constant 0 : i32
      %dma_start3A_45 = tpu.memref_slice %arg4[%add3A_24, %dma_start3A_44] : memref<81920x64xf32, #tpu.memory_space<hbm>> -> memref<128x64xf32, #tpu.memory_space<hbm>>
      tpu.enqueue_dma source(%arg7 : memref<128x64xf32, #tpu.memory_space<vmem>>) target(%dma_start3A_45 : memref<128x64xf32, #tpu.memory_space<hbm>>) target_semaphore(%arg11 : memref<!tpu.dma_semaphore, #tpu.memory_space<semaphore_mem>>)
      %dma_wait3A_46 = arith.constant 0 : i32
      %dma_wait3A_47 = arith.constant 0 : i32
      %dma_wait3A_48 = tpu.memref_slice %arg2[%dma_wait3A_46, %dma_wait3A_47] : memref<4096x64xf32, #tpu.memory_space<hbm>> -> memref<4096x64xf32, #tpu.memory_space<hbm>>
      tpu.wait_indirect_dma semaphore(%arg10 : memref<!tpu.dma_semaphore, #tpu.memory_space<semaphore_mem>>) src(%dma_wait3A_48 : memref<4096x64xf32, #tpu.memory_space<hbm>>) dst(%arg8 : memref<128x64xf32, #tpu.memory_space<vmem>>)
      %dma_start3A_49 = arith.constant 0 : i32
      %dma_start3A_50 = tpu.memref_slice %arg4[%add3A_26, %dma_start3A_49] : memref<81920x64xf32, #tpu.memory_space<hbm>> -> memref<128x64xf32, #tpu.memory_space<hbm>>
      %dma_start3A_51 = arith.constant 0 : i32
      %dma_start3A_52 = tpu.memref_slice %arg4[%add3A_26, %dma_start3A_51] : memref<81920x64xf32, #tpu.memory_space<hbm>> -> memref<128x64xf32, #tpu.memory_space<hbm>>
      tpu.enqueue_dma source(%arg8 : memref<128x64xf32, #tpu.memory_space<vmem>>) target(%dma_start3A_52 : memref<128x64xf32, #tpu.memory_space<hbm>>) target_semaphore(%arg12 : memref<!tpu.dma_semaphore, #tpu.memory_space<semaphore_mem>>)
    }
    %scan3A_7 = arith.constant 10 : i32
    %add3A_8 = arith.constant 2304 : i32
    %add3A_9 = arith.addi %mul3A_2, %add3A_8 : i32
    %dma_wait3A = arith.constant 0 : i32
    %dma_wait3A_10 = tpu.memref_slice %arg4[%add3A_9, %dma_wait3A] : memref<81920x64xf32, #tpu.memory_space<hbm>> -> memref<128x64xf32, #tpu.memory_space<hbm>>
    %dma_wait3A_11 = arith.constant 0 : i32
    %dma_wait3A_12 = tpu.memref_slice %arg4[%add3A_9, %dma_wait3A_11] : memref<81920x64xf32, #tpu.memory_space<hbm>> -> memref<128x64xf32, #tpu.memory_space<hbm>>
    tpu.wait_dma2 semaphore(%arg11 : memref<!tpu.dma_semaphore, #tpu.memory_space<semaphore_mem>>) src(%arg7 : memref<128x64xf32, #tpu.memory_space<vmem>>) dst(%dma_wait3A_12 : memref<128x64xf32, #tpu.memory_space<hbm>>)
    %add3A_13 = arith.constant 128 : i32
    %add3A_14 = arith.addi %add3A_9, %add3A_13 : i32
    %dma_wait3A_15 = arith.constant 0 : i32
    %dma_wait3A_16 = tpu.memref_slice %arg4[%add3A_14, %dma_wait3A_15] : memref<81920x64xf32, #tpu.memory_space<hbm>> -> memref<128x64xf32, #tpu.memory_space<hbm>>
    %dma_wait3A_17 = arith.constant 0 : i32
    %dma_wait3A_18 = tpu.memref_slice %arg4[%add3A_14, %dma_wait3A_17] : memref<81920x64xf32, #tpu.memory_space<hbm>> -> memref<128x64xf32, #tpu.memory_space<hbm>>
    tpu.wait_dma2 semaphore(%arg12 : memref<!tpu.dma_semaphore, #tpu.memory_space<semaphore_mem>>) src(%arg8 : memref<128x64xf32, #tpu.memory_space<vmem>>) dst(%dma_wait3A_18 : memref<128x64xf32, #tpu.memory_space<hbm>>)
    return
  }
}

#map = affine_map<(d0, d1) -> (0, 0)>
#map1 = affine_map<(d0, d1) -> (0)>
module attributes {stable_mosaic.version = 14 : i64} {
  func.func @sck(%arg0: i32, %arg1: i32, %arg2: memref<4096x128xf32, #tpu.memory_space<hbm>>, %arg3: memref<81920xi32, #tpu.memory_space<hbm>>, %arg4: memref<81920x128xf32, #tpu.memory_space<hbm>>, %arg5: memref<128xi32, #tpu.memory_space<vmem>>, %arg6: memref<128xi32, #tpu.memory_space<vmem>>, %arg7: memref<128x128xf32, #tpu.memory_space<vmem>>, %arg8: memref<128x128xf32, #tpu.memory_space<vmem>>, %arg9: memref<!tpu.dma_semaphore, #tpu.memory_space<semaphore_mem>>, %arg10: memref<!tpu.dma_semaphore, #tpu.memory_space<semaphore_mem>>, %arg11: memref<!tpu.dma_semaphore, #tpu.memory_space<semaphore_mem>>, %arg12: memref<!tpu.dma_semaphore, #tpu.memory_space<semaphore_mem>>) attributes {dimension_semantics = [#tpu.dimension_semantics<core_parallel>, #tpu.dimension_semantics<subcore_parallel>], iteration_bounds = array<i64: 2, 16>, scalar_prefetch = 0 : i64, scratch_operands = 8 : i64, tpu.core_type = #tpu.core_type<sc_vector_subcore>, window_params = [{transform_indices = #map}, {transform_indices = #map1}, {transform_indices = #map}]} {
    %mul3A = arith.constant 2 : i32
    %mul3A_0 = arith.muli %arg1, %mul3A : i32
    %add3A = arith.addi %mul3A_0, %arg0 : i32
    %mul3A_1 = arith.constant 2560 : i32
    %mul3A_2 = arith.muli %add3A, %mul3A_1 : i32
    %scan3A = arith.constant 0 : i32
    %scan3A_3 = arith.constant 0 : i32
    %scan3A_4 = arith.constant 10 : i32
    %scan3A_5 = arith.addi %scan3A_3, %scan3A_4 : i32
    %scan3A_6 = arith.constant 1 : i32
    scf.for %scan3A_19 = %scan3A_3 to %scan3A_5 step %scan3A_6  : i32 {
      %mul3A_20 = arith.constant 2 : i32
      %mul3A_21 = arith.muli %mul3A_20, %scan3A_19 : i32
      %mul3A_22 = arith.constant 128 : i32
      %mul3A_23 = arith.muli %mul3A_21, %mul3A_22 : i32
      %add3A_24 = arith.addi %mul3A_2, %mul3A_23 : i32
      %add3A_25 = arith.constant 128 : i32
      %add3A_26 = arith.addi %add3A_24, %add3A_25 : i32
      %ge3A = arith.constant 1 : i32
      %ge3A_27 = arith.cmpi sge, %scan3A_19, %ge3A : i32
      %convert_element_type3A = arith.extui %ge3A_27 : i1 to i32
      %cond3A = arith.constant 0 : i32
      %cond3A_28 = arith.cmpi ne, %convert_element_type3A, %cond3A : i32
      scf.if %cond3A_28 {
        %sub3A = arith.constant 256 : i32
        %sub3A_53 = arith.subi %add3A_24, %sub3A : i32
        %dma_wait3A_54 = arith.constant 0 : i32
        %dma_wait3A_55 = tpu.memref_slice %arg4[%sub3A_53, %dma_wait3A_54] : memref<81920x128xf32, #tpu.memory_space<hbm>> -> memref<128x128xf32, #tpu.memory_space<hbm>>
        %dma_wait3A_56 = arith.constant 0 : i32
        %dma_wait3A_57 = tpu.memref_slice %arg4[%sub3A_53, %dma_wait3A_56] : memref<81920x128xf32, #tpu.memory_space<hbm>> -> memref<128x128xf32, #tpu.memory_space<hbm>>
        tpu.wait_dma2 semaphore(%arg11 : memref<!tpu.dma_semaphore, #tpu.memory_space<semaphore_mem>>) src(%arg7 : memref<128x128xf32, #tpu.memory_space<vmem>>) dst(%dma_wait3A_57 : memref<128x128xf32, #tpu.memory_space<hbm>>)
      } else {
      }
      "tpu.region"() ({
        %run_scoped3A = tpu.sem_alloc : memref<!tpu.dma_semaphore, #tpu.memory_space<semaphore_mem>>
        %dma_start3A_53 = tpu.memref_slice %arg3[%add3A_24] : memref<81920xi32, #tpu.memory_space<hbm>> -> memref<128xi32, #tpu.memory_space<hbm>>
        %dma_start3A_54 = tpu.memref_slice %arg3[%add3A_24] : memref<81920xi32, #tpu.memory_space<hbm>> -> memref<128xi32, #tpu.memory_space<hbm>>
        tpu.enqueue_dma source(%dma_start3A_54 : memref<128xi32, #tpu.memory_space<hbm>>) target(%arg5 : memref<128xi32, #tpu.memory_space<vmem>>) target_semaphore(%run_scoped3A : memref<!tpu.dma_semaphore, #tpu.memory_space<semaphore_mem>>)
        %dma_wait3A_55 = tpu.memref_slice %arg3[%add3A_24] : memref<81920xi32, #tpu.memory_space<hbm>> -> memref<128xi32, #tpu.memory_space<hbm>>
        %dma_wait3A_56 = tpu.memref_slice %arg3[%add3A_24] : memref<81920xi32, #tpu.memory_space<hbm>> -> memref<128xi32, #tpu.memory_space<hbm>>
        tpu.wait_dma2 semaphore(%run_scoped3A : memref<!tpu.dma_semaphore, #tpu.memory_space<semaphore_mem>>) src(%dma_wait3A_56 : memref<128xi32, #tpu.memory_space<hbm>>) dst(%arg5 : memref<128xi32, #tpu.memory_space<vmem>>)
        tpu.yield
      }) : () -> ()
      %dma_start3A = arith.constant 0 : i32
      %dma_start3A_29 = arith.constant 0 : i32
      %dma_start3A_30 = tpu.memref_slice %arg2[%dma_start3A, %dma_start3A_29] : memref<4096x128xf32, #tpu.memory_space<hbm>> -> memref<4096x128xf32, #tpu.memory_space<hbm>>
      tpu.enqueue_indirect_dma source(%dma_start3A_30 : memref<4096x128xf32, #tpu.memory_space<hbm>>) target(%arg7 : memref<128x128xf32, #tpu.memory_space<vmem>>) offsets(%arg5 : memref<128xi32, #tpu.memory_space<vmem>>) semaphore(%arg9 : memref<!tpu.dma_semaphore, #tpu.memory_space<semaphore_mem>>)
      %ge3A_31 = arith.constant 1 : i32
      %ge3A_32 = arith.cmpi sge, %scan3A_19, %ge3A_31 : i32
      %convert_element_type3A_33 = arith.extui %ge3A_32 : i1 to i32
      %cond3A_34 = arith.constant 0 : i32
      %cond3A_35 = arith.cmpi ne, %convert_element_type3A_33, %cond3A_34 : i32
      scf.if %cond3A_35 {
        %sub3A = arith.constant 256 : i32
        %sub3A_53 = arith.subi %add3A_26, %sub3A : i32
        %dma_wait3A_54 = arith.constant 0 : i32
        %dma_wait3A_55 = tpu.memref_slice %arg4[%sub3A_53, %dma_wait3A_54] : memref<81920x128xf32, #tpu.memory_space<hbm>> -> memref<128x128xf32, #tpu.memory_space<hbm>>
        %dma_wait3A_56 = arith.constant 0 : i32
        %dma_wait3A_57 = tpu.memref_slice %arg4[%sub3A_53, %dma_wait3A_56] : memref<81920x128xf32, #tpu.memory_space<hbm>> -> memref<128x128xf32, #tpu.memory_space<hbm>>
        tpu.wait_dma2 semaphore(%arg12 : memref<!tpu.dma_semaphore, #tpu.memory_space<semaphore_mem>>) src(%arg8 : memref<128x128xf32, #tpu.memory_space<vmem>>) dst(%dma_wait3A_57 : memref<128x128xf32, #tpu.memory_space<hbm>>)
      } else {
      }
      "tpu.region"() ({
        %run_scoped3A = tpu.sem_alloc : memref<!tpu.dma_semaphore, #tpu.memory_space<semaphore_mem>>
        %dma_start3A_53 = tpu.memref_slice %arg3[%add3A_26] : memref<81920xi32, #tpu.memory_space<hbm>> -> memref<128xi32, #tpu.memory_space<hbm>>
        %dma_start3A_54 = tpu.memref_slice %arg3[%add3A_26] : memref<81920xi32, #tpu.memory_space<hbm>> -> memref<128xi32, #tpu.memory_space<hbm>>
        tpu.enqueue_dma source(%dma_start3A_54 : memref<128xi32, #tpu.memory_space<hbm>>) target(%arg6 : memref<128xi32, #tpu.memory_space<vmem>>) target_semaphore(%run_scoped3A : memref<!tpu.dma_semaphore, #tpu.memory_space<semaphore_mem>>)
        %dma_wait3A_55 = tpu.memref_slice %arg3[%add3A_26] : memref<81920xi32, #tpu.memory_space<hbm>> -> memref<128xi32, #tpu.memory_space<hbm>>
        %dma_wait3A_56 = tpu.memref_slice %arg3[%add3A_26] : memref<81920xi32, #tpu.memory_space<hbm>> -> memref<128xi32, #tpu.memory_space<hbm>>
        tpu.wait_dma2 semaphore(%run_scoped3A : memref<!tpu.dma_semaphore, #tpu.memory_space<semaphore_mem>>) src(%dma_wait3A_56 : memref<128xi32, #tpu.memory_space<hbm>>) dst(%arg6 : memref<128xi32, #tpu.memory_space<vmem>>)
        tpu.yield
      }) : () -> ()
      %dma_start3A_36 = arith.constant 0 : i32
      %dma_start3A_37 = arith.constant 0 : i32
      %dma_start3A_38 = tpu.memref_slice %arg2[%dma_start3A_36, %dma_start3A_37] : memref<4096x128xf32, #tpu.memory_space<hbm>> -> memref<4096x128xf32, #tpu.memory_space<hbm>>
      tpu.enqueue_indirect_dma source(%dma_start3A_38 : memref<4096x128xf32, #tpu.memory_space<hbm>>) target(%arg8 : memref<128x128xf32, #tpu.memory_space<vmem>>) offsets(%arg6 : memref<128xi32, #tpu.memory_space<vmem>>) semaphore(%arg10 : memref<!tpu.dma_semaphore, #tpu.memory_space<semaphore_mem>>)
      %dma_wait3A_39 = arith.constant 0 : i32
      %dma_wait3A_40 = arith.constant 0 : i32
      %dma_wait3A_41 = tpu.memref_slice %arg2[%dma_wait3A_39, %dma_wait3A_40] : memref<4096x128xf32, #tpu.memory_space<hbm>> -> memref<4096x128xf32, #tpu.memory_space<hbm>>
      tpu.wait_indirect_dma semaphore(%arg9 : memref<!tpu.dma_semaphore, #tpu.memory_space<semaphore_mem>>) src(%dma_wait3A_41 : memref<4096x128xf32, #tpu.memory_space<hbm>>) dst(%arg7 : memref<128x128xf32, #tpu.memory_space<vmem>>)
      %dma_start3A_42 = arith.constant 0 : i32
      %dma_start3A_43 = tpu.memref_slice %arg4[%add3A_24, %dma_start3A_42] : memref<81920x128xf32, #tpu.memory_space<hbm>> -> memref<128x128xf32, #tpu.memory_space<hbm>>
      %dma_start3A_44 = arith.constant 0 : i32
      %dma_start3A_45 = tpu.memref_slice %arg4[%add3A_24, %dma_start3A_44] : memref<81920x128xf32, #tpu.memory_space<hbm>> -> memref<128x128xf32, #tpu.memory_space<hbm>>
      tpu.enqueue_dma source(%arg7 : memref<128x128xf32, #tpu.memory_space<vmem>>) target(%dma_start3A_45 : memref<128x128xf32, #tpu.memory_space<hbm>>) target_semaphore(%arg11 : memref<!tpu.dma_semaphore, #tpu.memory_space<semaphore_mem>>)
      %dma_wait3A_46 = arith.constant 0 : i32
      %dma_wait3A_47 = arith.constant 0 : i32
      %dma_wait3A_48 = tpu.memref_slice %arg2[%dma_wait3A_46, %dma_wait3A_47] : memref<4096x128xf32, #tpu.memory_space<hbm>> -> memref<4096x128xf32, #tpu.memory_space<hbm>>
      tpu.wait_indirect_dma semaphore(%arg10 : memref<!tpu.dma_semaphore, #tpu.memory_space<semaphore_mem>>) src(%dma_wait3A_48 : memref<4096x128xf32, #tpu.memory_space<hbm>>) dst(%arg8 : memref<128x128xf32, #tpu.memory_space<vmem>>)
      %dma_start3A_49 = arith.constant 0 : i32
      %dma_start3A_50 = tpu.memref_slice %arg4[%add3A_26, %dma_start3A_49] : memref<81920x128xf32, #tpu.memory_space<hbm>> -> memref<128x128xf32, #tpu.memory_space<hbm>>
      %dma_start3A_51 = arith.constant 0 : i32
      %dma_start3A_52 = tpu.memref_slice %arg4[%add3A_26, %dma_start3A_51] : memref<81920x128xf32, #tpu.memory_space<hbm>> -> memref<128x128xf32, #tpu.memory_space<hbm>>
      tpu.enqueue_dma source(%arg8 : memref<128x128xf32, #tpu.memory_space<vmem>>) target(%dma_start3A_52 : memref<128x128xf32, #tpu.memory_space<hbm>>) target_semaphore(%arg12 : memref<!tpu.dma_semaphore, #tpu.memory_space<semaphore_mem>>)
    }
    %scan3A_7 = arith.constant 10 : i32
    %add3A_8 = arith.constant 2304 : i32
    %add3A_9 = arith.addi %mul3A_2, %add3A_8 : i32
    %dma_wait3A = arith.constant 0 : i32
    %dma_wait3A_10 = tpu.memref_slice %arg4[%add3A_9, %dma_wait3A] : memref<81920x128xf32, #tpu.memory_space<hbm>> -> memref<128x128xf32, #tpu.memory_space<hbm>>
    %dma_wait3A_11 = arith.constant 0 : i32
    %dma_wait3A_12 = tpu.memref_slice %arg4[%add3A_9, %dma_wait3A_11] : memref<81920x128xf32, #tpu.memory_space<hbm>> -> memref<128x128xf32, #tpu.memory_space<hbm>>
    tpu.wait_dma2 semaphore(%arg11 : memref<!tpu.dma_semaphore, #tpu.memory_space<semaphore_mem>>) src(%arg7 : memref<128x128xf32, #tpu.memory_space<vmem>>) dst(%dma_wait3A_12 : memref<128x128xf32, #tpu.memory_space<hbm>>)
    %add3A_13 = arith.constant 128 : i32
    %add3A_14 = arith.addi %add3A_9, %add3A_13 : i32
    %dma_wait3A_15 = arith.constant 0 : i32
    %dma_wait3A_16 = tpu.memref_slice %arg4[%add3A_14, %dma_wait3A_15] : memref<81920x128xf32, #tpu.memory_space<hbm>> -> memref<128x128xf32, #tpu.memory_space<hbm>>
    %dma_wait3A_17 = arith.constant 0 : i32
    %dma_wait3A_18 = tpu.memref_slice %arg4[%add3A_14, %dma_wait3A_17] : memref<81920x128xf32, #tpu.memory_space<hbm>> -> memref<128x128xf32, #tpu.memory_space<hbm>>
    tpu.wait_dma2 semaphore(%arg12 : memref<!tpu.dma_semaphore, #tpu.memory_space<semaphore_mem>>) src(%arg8 : memref<128x128xf32, #tpu.memory_space<vmem>>) dst(%dma_wait3A_18 : memref<128x128xf32, #tpu.memory_space<hbm>>)
    return
  }
}

module attributes {stable_mosaic.version = 14 : i64} {
  func.func @_topk_body(%arg0: i32, %arg1: i32, %arg2: memref<1x512x16xf32, #tpu.memory_space<vmem>>, %arg3: memref<1x16x1024xf32, #tpu.memory_space<vmem>>, %arg4: memref<1x512x1xf32, #tpu.memory_space<vmem>>, %arg5: memref<1x1x1024xf32, #tpu.memory_space<vmem>>, %arg6: memref<1x20x512xi32, #tpu.memory_space<vmem>>) attributes {dimension_semantics = [#tpu.dimension_semantics<arbitrary>, #tpu.dimension_semantics<arbitrary>], iteration_bounds = array<i64: 4, 2>, scalar_prefetch = 0 : i64, scratch_operands = 0 : i64, tpu.core_type = #tpu.core_type<tc>, window_params = [{transform_indices = @transform_0, window_bounds = array<i64: 1, 512, 16>}, {transform_indices = @transform_1, window_bounds = array<i64: 1, 16, 1024>}, {transform_indices = @transform_2, window_bounds = array<i64: 1, 512, 1>}, {transform_indices = @transform_3, window_bounds = array<i64: 1, 1, 1024>}, {transform_indices = @transform_4, window_bounds = array<i64: 1, 20, 512>}]} {
    %get3A = arith.constant 0 : index
    %get3A_0 = arith.constant 0 : index
    %get3A_1 = arith.constant 0 : index
    %get3A_2 = vector.load %arg2[%get3A, %get3A_0, %get3A_1] : memref<1x512x16xf32, #tpu.memory_space<vmem>>, vector<1x512x16xf32>
    %get3A_3 = vector.shape_cast %get3A_2 : vector<1x512x16xf32> to vector<512x16xf32>
    %get3A_4 = arith.constant 0 : index
    %get3A_5 = arith.constant 0 : index
    %get3A_6 = arith.constant 0 : index
    %get3A_7 = vector.load %arg3[%get3A_4, %get3A_5, %get3A_6] : memref<1x16x1024xf32, #tpu.memory_space<vmem>>, vector<1x16x1024xf32>
    %get3A_8 = vector.shape_cast %get3A_7 : vector<1x16x1024xf32> to vector<16x1024xf32>
    %convert_element_type3A = arith.truncf %get3A_3 : vector<512x16xf32> to vector<512x16xbf16>
    %convert_element_type3A_9 = arith.truncf %get3A_8 : vector<16x1024xf32> to vector<16x1024xbf16>
    %dot_general3A = arith.constant dense<0.000000e+00> : vector<512x1024xf32>
    %dot_general3A_10 = tpu.matmul %convert_element_type3A, %convert_element_type3A_9, %dot_general3A {dimension_numbers = #tpu.dot_dimension_numbers<[1], [0], [0], [1], [0, 0, 1, 1], [], []>, transpose_lhs_hint = false} : vector<512x16xbf16>, vector<16x1024xbf16>, vector<512x1024xf32> -> vector<512x1024xf32>
    %mul3A = arith.constant 2.000000e+00 : f32
    %mul3A_11 = vector.broadcast %mul3A : f32 to vector<512x1024xf32>
    %mul3A_12 = arith.mulf %mul3A_11, %dot_general3A_10 : vector<512x1024xf32>
    %get3A_13 = arith.constant 0 : index
    %get3A_14 = arith.constant 0 : index
    %get3A_15 = arith.constant 0 : index
    %get3A_16 = vector.load %arg4[%get3A_13, %get3A_14, %get3A_15] : memref<1x512x1xf32, #tpu.memory_space<vmem>>, vector<1x512x1xf32>
    %get3A_17 = vector.shape_cast %get3A_16 : vector<1x512x1xf32> to vector<512x1xf32>
    %get3A_18 = arith.constant 0 : index
    %get3A_19 = arith.constant 0 : index
    %get3A_20 = arith.constant 0 : index
    %get3A_21 = vector.load %arg5[%get3A_18, %get3A_19, %get3A_20] : memref<1x1x1024xf32, #tpu.memory_space<vmem>>, vector<1x1x1024xf32>
    %get3A_22 = vector.shape_cast %get3A_21 : vector<1x1x1024xf32> to vector<1x1024xf32>
    %sub3A = vector.broadcast %get3A_17 : vector<512x1xf32> to vector<512x1024xf32>
    %sub3A_23 = arith.subf %mul3A_12, %sub3A : vector<512x1024xf32>
    %sub3A_24 = vector.broadcast %get3A_22 : vector<1x1024xf32> to vector<512x1024xf32>
    %sub3A_25 = arith.subf %sub3A_23, %sub3A_24 : vector<512x1024xf32>
    %iota3A = tpu.iota {dimensions = array<i32: 1>} : vector<512x1024xi32>
    %iota3A_26 = tpu.iota {dimensions = array<i32: 1>} : vector<512x20xi32>
    %broadcast_in_dim3A = arith.constant 0 : i32
    %broadcast_in_dim3A_27 = vector.broadcast %broadcast_in_dim3A : i32 to vector<512x20xi32>
    %argmax3A = tpu.reduce_index %sub3A_25 {axis = 1 : i32, kind = #tpu.reduction_kind<arg_max>} : vector<512x1024xf32> -> vector<512xi32>
    %broadcast_in_dim3A_28 = vector.shape_cast %argmax3A : vector<512xi32> to vector<512x1xi32>
    %eq3A = arith.constant 0 : i32
    %eq3A_29 = vector.broadcast %eq3A : i32 to vector<512x20xi32>
    %eq3A_30 = arith.cmpi eq, %iota3A_26, %eq3A_29 : vector<512x20xi32>
    %broadcast_in_dim3A_31 = vector.shape_cast %broadcast_in_dim3A_28 : vector<512x1xi32> to vector<512x1xi32>
    %broadcast_in_dim3A_32 = vector.broadcast %broadcast_in_dim3A_31 : vector<512x1xi32> to vector<512x20xi32>
    %select_n3A = arith.select %eq3A_30, %broadcast_in_dim3A_32, %broadcast_in_dim3A_27 : vector<512x20xi1>, vector<512x20xi32>
    %eq3A_33 = vector.broadcast %broadcast_in_dim3A_28 : vector<512x1xi32> to vector<512x1024xi32>
    %eq3A_34 = arith.cmpi eq, %iota3A, %eq3A_33 : vector<512x1024xi32>
    %jit3A = arith.constant 0xFF800000 : f32
    %broadcast_in_dim3A_35 = vector.broadcast %jit3A : f32 to vector<512x1024xf32>
    %select_n3A_36 = arith.select %eq3A_34, %broadcast_in_dim3A_35, %sub3A_25 : vector<512x1024xi1>, vector<512x1024xf32>
    %argmax3A_37 = tpu.reduce_index %select_n3A_36 {axis = 1 : i32, kind = #tpu.reduction_kind<arg_max>} : vector<512x1024xf32> -> vector<512xi32>
    %broadcast_in_dim3A_38 = vector.shape_cast %argmax3A_37 : vector<512xi32> to vector<512x1xi32>
    %eq3A_39 = arith.constant 1 : i32
    %eq3A_40 = vector.broadcast %eq3A_39 : i32 to vector<512x20xi32>
    %eq3A_41 = arith.cmpi eq, %iota3A_26, %eq3A_40 : vector<512x20xi32>
    %broadcast_in_dim3A_42 = vector.shape_cast %broadcast_in_dim3A_38 : vector<512x1xi32> to vector<512x1xi32>
    %broadcast_in_dim3A_43 = vector.broadcast %broadcast_in_dim3A_42 : vector<512x1xi32> to vector<512x20xi32>
    %select_n3A_44 = arith.select %eq3A_41, %broadcast_in_dim3A_43, %select_n3A : vector<512x20xi1>, vector<512x20xi32>
    %eq3A_45 = vector.broadcast %broadcast_in_dim3A_38 : vector<512x1xi32> to vector<512x1024xi32>
    %eq3A_46 = arith.cmpi eq, %iota3A, %eq3A_45 : vector<512x1024xi32>
    %jit3A_47 = arith.constant 0xFF800000 : f32
    %broadcast_in_dim3A_48 = vector.broadcast %jit3A_47 : f32 to vector<512x1024xf32>
    %select_n3A_49 = arith.select %eq3A_46, %broadcast_in_dim3A_48, %select_n3A_36 : vector<512x1024xi1>, vector<512x1024xf32>
    %argmax3A_50 = tpu.reduce_index %select_n3A_49 {axis = 1 : i32, kind = #tpu.reduction_kind<arg_max>} : vector<512x1024xf32> -> vector<512xi32>
    %broadcast_in_dim3A_51 = vector.shape_cast %argmax3A_50 : vector<512xi32> to vector<512x1xi32>
    %eq3A_52 = arith.constant 2 : i32
    %eq3A_53 = vector.broadcast %eq3A_52 : i32 to vector<512x20xi32>
    %eq3A_54 = arith.cmpi eq, %iota3A_26, %eq3A_53 : vector<512x20xi32>
    %broadcast_in_dim3A_55 = vector.shape_cast %broadcast_in_dim3A_51 : vector<512x1xi32> to vector<512x1xi32>
    %broadcast_in_dim3A_56 = vector.broadcast %broadcast_in_dim3A_55 : vector<512x1xi32> to vector<512x20xi32>
    %select_n3A_57 = arith.select %eq3A_54, %broadcast_in_dim3A_56, %select_n3A_44 : vector<512x20xi1>, vector<512x20xi32>
    %eq3A_58 = vector.broadcast %broadcast_in_dim3A_51 : vector<512x1xi32> to vector<512x1024xi32>
    %eq3A_59 = arith.cmpi eq, %iota3A, %eq3A_58 : vector<512x1024xi32>
    %jit3A_60 = arith.constant 0xFF800000 : f32
    %broadcast_in_dim3A_61 = vector.broadcast %jit3A_60 : f32 to vector<512x1024xf32>
    %select_n3A_62 = arith.select %eq3A_59, %broadcast_in_dim3A_61, %select_n3A_49 : vector<512x1024xi1>, vector<512x1024xf32>
    %argmax3A_63 = tpu.reduce_index %select_n3A_62 {axis = 1 : i32, kind = #tpu.reduction_kind<arg_max>} : vector<512x1024xf32> -> vector<512xi32>
    %broadcast_in_dim3A_64 = vector.shape_cast %argmax3A_63 : vector<512xi32> to vector<512x1xi32>
    %eq3A_65 = arith.constant 3 : i32
    %eq3A_66 = vector.broadcast %eq3A_65 : i32 to vector<512x20xi32>
    %eq3A_67 = arith.cmpi eq, %iota3A_26, %eq3A_66 : vector<512x20xi32>
    %broadcast_in_dim3A_68 = vector.shape_cast %broadcast_in_dim3A_64 : vector<512x1xi32> to vector<512x1xi32>
    %broadcast_in_dim3A_69 = vector.broadcast %broadcast_in_dim3A_68 : vector<512x1xi32> to vector<512x20xi32>
    %select_n3A_70 = arith.select %eq3A_67, %broadcast_in_dim3A_69, %select_n3A_57 : vector<512x20xi1>, vector<512x20xi32>
    %eq3A_71 = vector.broadcast %broadcast_in_dim3A_64 : vector<512x1xi32> to vector<512x1024xi32>
    %eq3A_72 = arith.cmpi eq, %iota3A, %eq3A_71 : vector<512x1024xi32>
    %jit3A_73 = arith.constant 0xFF800000 : f32
    %broadcast_in_dim3A_74 = vector.broadcast %jit3A_73 : f32 to vector<512x1024xf32>
    %select_n3A_75 = arith.select %eq3A_72, %broadcast_in_dim3A_74, %select_n3A_62 : vector<512x1024xi1>, vector<512x1024xf32>
    %argmax3A_76 = tpu.reduce_index %select_n3A_75 {axis = 1 : i32, kind = #tpu.reduction_kind<arg_max>} : vector<512x1024xf32> -> vector<512xi32>
    %broadcast_in_dim3A_77 = vector.shape_cast %argmax3A_76 : vector<512xi32> to vector<512x1xi32>
    %eq3A_78 = arith.constant 4 : i32
    %eq3A_79 = vector.broadcast %eq3A_78 : i32 to vector<512x20xi32>
    %eq3A_80 = arith.cmpi eq, %iota3A_26, %eq3A_79 : vector<512x20xi32>
    %broadcast_in_dim3A_81 = vector.shape_cast %broadcast_in_dim3A_77 : vector<512x1xi32> to vector<512x1xi32>
    %broadcast_in_dim3A_82 = vector.broadcast %broadcast_in_dim3A_81 : vector<512x1xi32> to vector<512x20xi32>
    %select_n3A_83 = arith.select %eq3A_80, %broadcast_in_dim3A_82, %select_n3A_70 : vector<512x20xi1>, vector<512x20xi32>
    %eq3A_84 = vector.broadcast %broadcast_in_dim3A_77 : vector<512x1xi32> to vector<512x1024xi32>
    %eq3A_85 = arith.cmpi eq, %iota3A, %eq3A_84 : vector<512x1024xi32>
    %jit3A_86 = arith.constant 0xFF800000 : f32
    %broadcast_in_dim3A_87 = vector.broadcast %jit3A_86 : f32 to vector<512x1024xf32>
    %select_n3A_88 = arith.select %eq3A_85, %broadcast_in_dim3A_87, %select_n3A_75 : vector<512x1024xi1>, vector<512x1024xf32>
    %argmax3A_89 = tpu.reduce_index %select_n3A_88 {axis = 1 : i32, kind = #tpu.reduction_kind<arg_max>} : vector<512x1024xf32> -> vector<512xi32>
    %broadcast_in_dim3A_90 = vector.shape_cast %argmax3A_89 : vector<512xi32> to vector<512x1xi32>
    %eq3A_91 = arith.constant 5 : i32
    %eq3A_92 = vector.broadcast %eq3A_91 : i32 to vector<512x20xi32>
    %eq3A_93 = arith.cmpi eq, %iota3A_26, %eq3A_92 : vector<512x20xi32>
    %broadcast_in_dim3A_94 = vector.shape_cast %broadcast_in_dim3A_90 : vector<512x1xi32> to vector<512x1xi32>
    %broadcast_in_dim3A_95 = vector.broadcast %broadcast_in_dim3A_94 : vector<512x1xi32> to vector<512x20xi32>
    %select_n3A_96 = arith.select %eq3A_93, %broadcast_in_dim3A_95, %select_n3A_83 : vector<512x20xi1>, vector<512x20xi32>
    %eq3A_97 = vector.broadcast %broadcast_in_dim3A_90 : vector<512x1xi32> to vector<512x1024xi32>
    %eq3A_98 = arith.cmpi eq, %iota3A, %eq3A_97 : vector<512x1024xi32>
    %jit3A_99 = arith.constant 0xFF800000 : f32
    %broadcast_in_dim3A_100 = vector.broadcast %jit3A_99 : f32 to vector<512x1024xf32>
    %select_n3A_101 = arith.select %eq3A_98, %broadcast_in_dim3A_100, %select_n3A_88 : vector<512x1024xi1>, vector<512x1024xf32>
    %argmax3A_102 = tpu.reduce_index %select_n3A_101 {axis = 1 : i32, kind = #tpu.reduction_kind<arg_max>} : vector<512x1024xf32> -> vector<512xi32>
    %broadcast_in_dim3A_103 = vector.shape_cast %argmax3A_102 : vector<512xi32> to vector<512x1xi32>
    %eq3A_104 = arith.constant 6 : i32
    %eq3A_105 = vector.broadcast %eq3A_104 : i32 to vector<512x20xi32>
    %eq3A_106 = arith.cmpi eq, %iota3A_26, %eq3A_105 : vector<512x20xi32>
    %broadcast_in_dim3A_107 = vector.shape_cast %broadcast_in_dim3A_103 : vector<512x1xi32> to vector<512x1xi32>
    %broadcast_in_dim3A_108 = vector.broadcast %broadcast_in_dim3A_107 : vector<512x1xi32> to vector<512x20xi32>
    %select_n3A_109 = arith.select %eq3A_106, %broadcast_in_dim3A_108, %select_n3A_96 : vector<512x20xi1>, vector<512x20xi32>
    %eq3A_110 = vector.broadcast %broadcast_in_dim3A_103 : vector<512x1xi32> to vector<512x1024xi32>
    %eq3A_111 = arith.cmpi eq, %iota3A, %eq3A_110 : vector<512x1024xi32>
    %jit3A_112 = arith.constant 0xFF800000 : f32
    %broadcast_in_dim3A_113 = vector.broadcast %jit3A_112 : f32 to vector<512x1024xf32>
    %select_n3A_114 = arith.select %eq3A_111, %broadcast_in_dim3A_113, %select_n3A_101 : vector<512x1024xi1>, vector<512x1024xf32>
    %argmax3A_115 = tpu.reduce_index %select_n3A_114 {axis = 1 : i32, kind = #tpu.reduction_kind<arg_max>} : vector<512x1024xf32> -> vector<512xi32>
    %broadcast_in_dim3A_116 = vector.shape_cast %argmax3A_115 : vector<512xi32> to vector<512x1xi32>
    %eq3A_117 = arith.constant 7 : i32
    %eq3A_118 = vector.broadcast %eq3A_117 : i32 to vector<512x20xi32>
    %eq3A_119 = arith.cmpi eq, %iota3A_26, %eq3A_118 : vector<512x20xi32>
    %broadcast_in_dim3A_120 = vector.shape_cast %broadcast_in_dim3A_116 : vector<512x1xi32> to vector<512x1xi32>
    %broadcast_in_dim3A_121 = vector.broadcast %broadcast_in_dim3A_120 : vector<512x1xi32> to vector<512x20xi32>
    %select_n3A_122 = arith.select %eq3A_119, %broadcast_in_dim3A_121, %select_n3A_109 : vector<512x20xi1>, vector<512x20xi32>
    %eq3A_123 = vector.broadcast %broadcast_in_dim3A_116 : vector<512x1xi32> to vector<512x1024xi32>
    %eq3A_124 = arith.cmpi eq, %iota3A, %eq3A_123 : vector<512x1024xi32>
    %jit3A_125 = arith.constant 0xFF800000 : f32
    %broadcast_in_dim3A_126 = vector.broadcast %jit3A_125 : f32 to vector<512x1024xf32>
    %select_n3A_127 = arith.select %eq3A_124, %broadcast_in_dim3A_126, %select_n3A_114 : vector<512x1024xi1>, vector<512x1024xf32>
    %argmax3A_128 = tpu.reduce_index %select_n3A_127 {axis = 1 : i32, kind = #tpu.reduction_kind<arg_max>} : vector<512x1024xf32> -> vector<512xi32>
    %broadcast_in_dim3A_129 = vector.shape_cast %argmax3A_128 : vector<512xi32> to vector<512x1xi32>
    %eq3A_130 = arith.constant 8 : i32
    %eq3A_131 = vector.broadcast %eq3A_130 : i32 to vector<512x20xi32>
    %eq3A_132 = arith.cmpi eq, %iota3A_26, %eq3A_131 : vector<512x20xi32>
    %broadcast_in_dim3A_133 = vector.shape_cast %broadcast_in_dim3A_129 : vector<512x1xi32> to vector<512x1xi32>
    %broadcast_in_dim3A_134 = vector.broadcast %broadcast_in_dim3A_133 : vector<512x1xi32> to vector<512x20xi32>
    %select_n3A_135 = arith.select %eq3A_132, %broadcast_in_dim3A_134, %select_n3A_122 : vector<512x20xi1>, vector<512x20xi32>
    %eq3A_136 = vector.broadcast %broadcast_in_dim3A_129 : vector<512x1xi32> to vector<512x1024xi32>
    %eq3A_137 = arith.cmpi eq, %iota3A, %eq3A_136 : vector<512x1024xi32>
    %jit3A_138 = arith.constant 0xFF800000 : f32
    %broadcast_in_dim3A_139 = vector.broadcast %jit3A_138 : f32 to vector<512x1024xf32>
    %select_n3A_140 = arith.select %eq3A_137, %broadcast_in_dim3A_139, %select_n3A_127 : vector<512x1024xi1>, vector<512x1024xf32>
    %argmax3A_141 = tpu.reduce_index %select_n3A_140 {axis = 1 : i32, kind = #tpu.reduction_kind<arg_max>} : vector<512x1024xf32> -> vector<512xi32>
    %broadcast_in_dim3A_142 = vector.shape_cast %argmax3A_141 : vector<512xi32> to vector<512x1xi32>
    %eq3A_143 = arith.constant 9 : i32
    %eq3A_144 = vector.broadcast %eq3A_143 : i32 to vector<512x20xi32>
    %eq3A_145 = arith.cmpi eq, %iota3A_26, %eq3A_144 : vector<512x20xi32>
    %broadcast_in_dim3A_146 = vector.shape_cast %broadcast_in_dim3A_142 : vector<512x1xi32> to vector<512x1xi32>
    %broadcast_in_dim3A_147 = vector.broadcast %broadcast_in_dim3A_146 : vector<512x1xi32> to vector<512x20xi32>
    %select_n3A_148 = arith.select %eq3A_145, %broadcast_in_dim3A_147, %select_n3A_135 : vector<512x20xi1>, vector<512x20xi32>
    %eq3A_149 = vector.broadcast %broadcast_in_dim3A_142 : vector<512x1xi32> to vector<512x1024xi32>
    %eq3A_150 = arith.cmpi eq, %iota3A, %eq3A_149 : vector<512x1024xi32>
    %jit3A_151 = arith.constant 0xFF800000 : f32
    %broadcast_in_dim3A_152 = vector.broadcast %jit3A_151 : f32 to vector<512x1024xf32>
    %select_n3A_153 = arith.select %eq3A_150, %broadcast_in_dim3A_152, %select_n3A_140 : vector<512x1024xi1>, vector<512x1024xf32>
    %argmax3A_154 = tpu.reduce_index %select_n3A_153 {axis = 1 : i32, kind = #tpu.reduction_kind<arg_max>} : vector<512x1024xf32> -> vector<512xi32>
    %broadcast_in_dim3A_155 = vector.shape_cast %argmax3A_154 : vector<512xi32> to vector<512x1xi32>
    %eq3A_156 = arith.constant 10 : i32
    %eq3A_157 = vector.broadcast %eq3A_156 : i32 to vector<512x20xi32>
    %eq3A_158 = arith.cmpi eq, %iota3A_26, %eq3A_157 : vector<512x20xi32>
    %broadcast_in_dim3A_159 = vector.shape_cast %broadcast_in_dim3A_155 : vector<512x1xi32> to vector<512x1xi32>
    %broadcast_in_dim3A_160 = vector.broadcast %broadcast_in_dim3A_159 : vector<512x1xi32> to vector<512x20xi32>
    %select_n3A_161 = arith.select %eq3A_158, %broadcast_in_dim3A_160, %select_n3A_148 : vector<512x20xi1>, vector<512x20xi32>
    %eq3A_162 = vector.broadcast %broadcast_in_dim3A_155 : vector<512x1xi32> to vector<512x1024xi32>
    %eq3A_163 = arith.cmpi eq, %iota3A, %eq3A_162 : vector<512x1024xi32>
    %jit3A_164 = arith.constant 0xFF800000 : f32
    %broadcast_in_dim3A_165 = vector.broadcast %jit3A_164 : f32 to vector<512x1024xf32>
    %select_n3A_166 = arith.select %eq3A_163, %broadcast_in_dim3A_165, %select_n3A_153 : vector<512x1024xi1>, vector<512x1024xf32>
    %argmax3A_167 = tpu.reduce_index %select_n3A_166 {axis = 1 : i32, kind = #tpu.reduction_kind<arg_max>} : vector<512x1024xf32> -> vector<512xi32>
    %broadcast_in_dim3A_168 = vector.shape_cast %argmax3A_167 : vector<512xi32> to vector<512x1xi32>
    %eq3A_169 = arith.constant 11 : i32
    %eq3A_170 = vector.broadcast %eq3A_169 : i32 to vector<512x20xi32>
    %eq3A_171 = arith.cmpi eq, %iota3A_26, %eq3A_170 : vector<512x20xi32>
    %broadcast_in_dim3A_172 = vector.shape_cast %broadcast_in_dim3A_168 : vector<512x1xi32> to vector<512x1xi32>
    %broadcast_in_dim3A_173 = vector.broadcast %broadcast_in_dim3A_172 : vector<512x1xi32> to vector<512x20xi32>
    %select_n3A_174 = arith.select %eq3A_171, %broadcast_in_dim3A_173, %select_n3A_161 : vector<512x20xi1>, vector<512x20xi32>
    %eq3A_175 = vector.broadcast %broadcast_in_dim3A_168 : vector<512x1xi32> to vector<512x1024xi32>
    %eq3A_176 = arith.cmpi eq, %iota3A, %eq3A_175 : vector<512x1024xi32>
    %jit3A_177 = arith.constant 0xFF800000 : f32
    %broadcast_in_dim3A_178 = vector.broadcast %jit3A_177 : f32 to vector<512x1024xf32>
    %select_n3A_179 = arith.select %eq3A_176, %broadcast_in_dim3A_178, %select_n3A_166 : vector<512x1024xi1>, vector<512x1024xf32>
    %argmax3A_180 = tpu.reduce_index %select_n3A_179 {axis = 1 : i32, kind = #tpu.reduction_kind<arg_max>} : vector<512x1024xf32> -> vector<512xi32>
    %broadcast_in_dim3A_181 = vector.shape_cast %argmax3A_180 : vector<512xi32> to vector<512x1xi32>
    %eq3A_182 = arith.constant 12 : i32
    %eq3A_183 = vector.broadcast %eq3A_182 : i32 to vector<512x20xi32>
    %eq3A_184 = arith.cmpi eq, %iota3A_26, %eq3A_183 : vector<512x20xi32>
    %broadcast_in_dim3A_185 = vector.shape_cast %broadcast_in_dim3A_181 : vector<512x1xi32> to vector<512x1xi32>
    %broadcast_in_dim3A_186 = vector.broadcast %broadcast_in_dim3A_185 : vector<512x1xi32> to vector<512x20xi32>
    %select_n3A_187 = arith.select %eq3A_184, %broadcast_in_dim3A_186, %select_n3A_174 : vector<512x20xi1>, vector<512x20xi32>
    %eq3A_188 = vector.broadcast %broadcast_in_dim3A_181 : vector<512x1xi32> to vector<512x1024xi32>
    %eq3A_189 = arith.cmpi eq, %iota3A, %eq3A_188 : vector<512x1024xi32>
    %jit3A_190 = arith.constant 0xFF800000 : f32
    %broadcast_in_dim3A_191 = vector.broadcast %jit3A_190 : f32 to vector<512x1024xf32>
    %select_n3A_192 = arith.select %eq3A_189, %broadcast_in_dim3A_191, %select_n3A_179 : vector<512x1024xi1>, vector<512x1024xf32>
    %argmax3A_193 = tpu.reduce_index %select_n3A_192 {axis = 1 : i32, kind = #tpu.reduction_kind<arg_max>} : vector<512x1024xf32> -> vector<512xi32>
    %broadcast_in_dim3A_194 = vector.shape_cast %argmax3A_193 : vector<512xi32> to vector<512x1xi32>
    %eq3A_195 = arith.constant 13 : i32
    %eq3A_196 = vector.broadcast %eq3A_195 : i32 to vector<512x20xi32>
    %eq3A_197 = arith.cmpi eq, %iota3A_26, %eq3A_196 : vector<512x20xi32>
    %broadcast_in_dim3A_198 = vector.shape_cast %broadcast_in_dim3A_194 : vector<512x1xi32> to vector<512x1xi32>
    %broadcast_in_dim3A_199 = vector.broadcast %broadcast_in_dim3A_198 : vector<512x1xi32> to vector<512x20xi32>
    %select_n3A_200 = arith.select %eq3A_197, %broadcast_in_dim3A_199, %select_n3A_187 : vector<512x20xi1>, vector<512x20xi32>
    %eq3A_201 = vector.broadcast %broadcast_in_dim3A_194 : vector<512x1xi32> to vector<512x1024xi32>
    %eq3A_202 = arith.cmpi eq, %iota3A, %eq3A_201 : vector<512x1024xi32>
    %jit3A_203 = arith.constant 0xFF800000 : f32
    %broadcast_in_dim3A_204 = vector.broadcast %jit3A_203 : f32 to vector<512x1024xf32>
    %select_n3A_205 = arith.select %eq3A_202, %broadcast_in_dim3A_204, %select_n3A_192 : vector<512x1024xi1>, vector<512x1024xf32>
    %argmax3A_206 = tpu.reduce_index %select_n3A_205 {axis = 1 : i32, kind = #tpu.reduction_kind<arg_max>} : vector<512x1024xf32> -> vector<512xi32>
    %broadcast_in_dim3A_207 = vector.shape_cast %argmax3A_206 : vector<512xi32> to vector<512x1xi32>
    %eq3A_208 = arith.constant 14 : i32
    %eq3A_209 = vector.broadcast %eq3A_208 : i32 to vector<512x20xi32>
    %eq3A_210 = arith.cmpi eq, %iota3A_26, %eq3A_209 : vector<512x20xi32>
    %broadcast_in_dim3A_211 = vector.shape_cast %broadcast_in_dim3A_207 : vector<512x1xi32> to vector<512x1xi32>
    %broadcast_in_dim3A_212 = vector.broadcast %broadcast_in_dim3A_211 : vector<512x1xi32> to vector<512x20xi32>
    %select_n3A_213 = arith.select %eq3A_210, %broadcast_in_dim3A_212, %select_n3A_200 : vector<512x20xi1>, vector<512x20xi32>
    %eq3A_214 = vector.broadcast %broadcast_in_dim3A_207 : vector<512x1xi32> to vector<512x1024xi32>
    %eq3A_215 = arith.cmpi eq, %iota3A, %eq3A_214 : vector<512x1024xi32>
    %jit3A_216 = arith.constant 0xFF800000 : f32
    %broadcast_in_dim3A_217 = vector.broadcast %jit3A_216 : f32 to vector<512x1024xf32>
    %select_n3A_218 = arith.select %eq3A_215, %broadcast_in_dim3A_217, %select_n3A_205 : vector<512x1024xi1>, vector<512x1024xf32>
    %argmax3A_219 = tpu.reduce_index %select_n3A_218 {axis = 1 : i32, kind = #tpu.reduction_kind<arg_max>} : vector<512x1024xf32> -> vector<512xi32>
    %broadcast_in_dim3A_220 = vector.shape_cast %argmax3A_219 : vector<512xi32> to vector<512x1xi32>
    %eq3A_221 = arith.constant 15 : i32
    %eq3A_222 = vector.broadcast %eq3A_221 : i32 to vector<512x20xi32>
    %eq3A_223 = arith.cmpi eq, %iota3A_26, %eq3A_222 : vector<512x20xi32>
    %broadcast_in_dim3A_224 = vector.shape_cast %broadcast_in_dim3A_220 : vector<512x1xi32> to vector<512x1xi32>
    %broadcast_in_dim3A_225 = vector.broadcast %broadcast_in_dim3A_224 : vector<512x1xi32> to vector<512x20xi32>
    %select_n3A_226 = arith.select %eq3A_223, %broadcast_in_dim3A_225, %select_n3A_213 : vector<512x20xi1>, vector<512x20xi32>
    %eq3A_227 = vector.broadcast %broadcast_in_dim3A_220 : vector<512x1xi32> to vector<512x1024xi32>
    %eq3A_228 = arith.cmpi eq, %iota3A, %eq3A_227 : vector<512x1024xi32>
    %jit3A_229 = arith.constant 0xFF800000 : f32
    %broadcast_in_dim3A_230 = vector.broadcast %jit3A_229 : f32 to vector<512x1024xf32>
    %select_n3A_231 = arith.select %eq3A_228, %broadcast_in_dim3A_230, %select_n3A_218 : vector<512x1024xi1>, vector<512x1024xf32>
    %argmax3A_232 = tpu.reduce_index %select_n3A_231 {axis = 1 : i32, kind = #tpu.reduction_kind<arg_max>} : vector<512x1024xf32> -> vector<512xi32>
    %broadcast_in_dim3A_233 = vector.shape_cast %argmax3A_232 : vector<512xi32> to vector<512x1xi32>
    %eq3A_234 = arith.constant 16 : i32
    %eq3A_235 = vector.broadcast %eq3A_234 : i32 to vector<512x20xi32>
    %eq3A_236 = arith.cmpi eq, %iota3A_26, %eq3A_235 : vector<512x20xi32>
    %broadcast_in_dim3A_237 = vector.shape_cast %broadcast_in_dim3A_233 : vector<512x1xi32> to vector<512x1xi32>
    %broadcast_in_dim3A_238 = vector.broadcast %broadcast_in_dim3A_237 : vector<512x1xi32> to vector<512x20xi32>
    %select_n3A_239 = arith.select %eq3A_236, %broadcast_in_dim3A_238, %select_n3A_226 : vector<512x20xi1>, vector<512x20xi32>
    %eq3A_240 = vector.broadcast %broadcast_in_dim3A_233 : vector<512x1xi32> to vector<512x1024xi32>
    %eq3A_241 = arith.cmpi eq, %iota3A, %eq3A_240 : vector<512x1024xi32>
    %jit3A_242 = arith.constant 0xFF800000 : f32
    %broadcast_in_dim3A_243 = vector.broadcast %jit3A_242 : f32 to vector<512x1024xf32>
    %select_n3A_244 = arith.select %eq3A_241, %broadcast_in_dim3A_243, %select_n3A_231 : vector<512x1024xi1>, vector<512x1024xf32>
    %argmax3A_245 = tpu.reduce_index %select_n3A_244 {axis = 1 : i32, kind = #tpu.reduction_kind<arg_max>} : vector<512x1024xf32> -> vector<512xi32>
    %broadcast_in_dim3A_246 = vector.shape_cast %argmax3A_245 : vector<512xi32> to vector<512x1xi32>
    %eq3A_247 = arith.constant 17 : i32
    %eq3A_248 = vector.broadcast %eq3A_247 : i32 to vector<512x20xi32>
    %eq3A_249 = arith.cmpi eq, %iota3A_26, %eq3A_248 : vector<512x20xi32>
    %broadcast_in_dim3A_250 = vector.shape_cast %broadcast_in_dim3A_246 : vector<512x1xi32> to vector<512x1xi32>
    %broadcast_in_dim3A_251 = vector.broadcast %broadcast_in_dim3A_250 : vector<512x1xi32> to vector<512x20xi32>
    %select_n3A_252 = arith.select %eq3A_249, %broadcast_in_dim3A_251, %select_n3A_239 : vector<512x20xi1>, vector<512x20xi32>
    %eq3A_253 = vector.broadcast %broadcast_in_dim3A_246 : vector<512x1xi32> to vector<512x1024xi32>
    %eq3A_254 = arith.cmpi eq, %iota3A, %eq3A_253 : vector<512x1024xi32>
    %jit3A_255 = arith.constant 0xFF800000 : f32
    %broadcast_in_dim3A_256 = vector.broadcast %jit3A_255 : f32 to vector<512x1024xf32>
    %select_n3A_257 = arith.select %eq3A_254, %broadcast_in_dim3A_256, %select_n3A_244 : vector<512x1024xi1>, vector<512x1024xf32>
    %argmax3A_258 = tpu.reduce_index %select_n3A_257 {axis = 1 : i32, kind = #tpu.reduction_kind<arg_max>} : vector<512x1024xf32> -> vector<512xi32>
    %broadcast_in_dim3A_259 = vector.shape_cast %argmax3A_258 : vector<512xi32> to vector<512x1xi32>
    %eq3A_260 = arith.constant 18 : i32
    %eq3A_261 = vector.broadcast %eq3A_260 : i32 to vector<512x20xi32>
    %eq3A_262 = arith.cmpi eq, %iota3A_26, %eq3A_261 : vector<512x20xi32>
    %broadcast_in_dim3A_263 = vector.shape_cast %broadcast_in_dim3A_259 : vector<512x1xi32> to vector<512x1xi32>
    %broadcast_in_dim3A_264 = vector.broadcast %broadcast_in_dim3A_263 : vector<512x1xi32> to vector<512x20xi32>
    %select_n3A_265 = arith.select %eq3A_262, %broadcast_in_dim3A_264, %select_n3A_252 : vector<512x20xi1>, vector<512x20xi32>
    %eq3A_266 = vector.broadcast %broadcast_in_dim3A_259 : vector<512x1xi32> to vector<512x1024xi32>
    %eq3A_267 = arith.cmpi eq, %iota3A, %eq3A_266 : vector<512x1024xi32>
    %jit3A_268 = arith.constant 0xFF800000 : f32
    %broadcast_in_dim3A_269 = vector.broadcast %jit3A_268 : f32 to vector<512x1024xf32>
    %select_n3A_270 = arith.select %eq3A_267, %broadcast_in_dim3A_269, %select_n3A_257 : vector<512x1024xi1>, vector<512x1024xf32>
    %argmax3A_271 = tpu.reduce_index %select_n3A_270 {axis = 1 : i32, kind = #tpu.reduction_kind<arg_max>} : vector<512x1024xf32> -> vector<512xi32>
    %broadcast_in_dim3A_272 = vector.shape_cast %argmax3A_271 : vector<512xi32> to vector<512x1xi32>
    %eq3A_273 = arith.constant 19 : i32
    %eq3A_274 = vector.broadcast %eq3A_273 : i32 to vector<512x20xi32>
    %eq3A_275 = arith.cmpi eq, %iota3A_26, %eq3A_274 : vector<512x20xi32>
    %broadcast_in_dim3A_276 = vector.shape_cast %broadcast_in_dim3A_272 : vector<512x1xi32> to vector<512x1xi32>
    %broadcast_in_dim3A_277 = vector.broadcast %broadcast_in_dim3A_276 : vector<512x1xi32> to vector<512x20xi32>
    %select_n3A_278 = arith.select %eq3A_275, %broadcast_in_dim3A_277, %select_n3A_265 : vector<512x20xi1>, vector<512x20xi32>
    %transpose3A = tpu.transpose %select_n3A_278, [1, 0] : vector<512x20xi32> -> vector<20x512xi32>
    %mul3A_279 = arith.constant 1024 : i32
    %mul3A_280 = arith.muli %arg0, %mul3A_279 : i32
    %add3A = vector.broadcast %mul3A_280 : i32 to vector<20x512xi32>
    %add3A_281 = arith.addi %transpose3A, %add3A : vector<20x512xi32>
    %swap3A = arith.constant 0 : index
    %swap3A_282 = arith.constant 0 : index
    %swap3A_283 = arith.constant 0 : index
    %swap3A_284 = vector.load %arg6[%swap3A, %swap3A_282, %swap3A_283] : memref<1x20x512xi32, #tpu.memory_space<vmem>>, vector<1x20x512xi32>
    %swap3A_285 = vector.shape_cast %swap3A_284 : vector<1x20x512xi32> to vector<20x512xi32>
    %swap3A_286 = vector.shape_cast %add3A_281 : vector<20x512xi32> to vector<1x20x512xi32>
    tpu.vector_store %arg6[%swap3A, %swap3A_282, %swap3A_283], %swap3A_286 {strides = array<i32>} : memref<1x20x512xi32, #tpu.memory_space<vmem>>, vector<1x20x512xi32>,
    return
  }
  func.func @transform_0(%arg0: i32, %arg1: i32) -> (i32, i32, i32) {
    %c0_i32 = arith.constant 0 : i32
    %c0_i32_0 = arith.constant 0 : i32
    return %arg0, %arg1, %c0_i32 : i32, i32, i32
  }
  func.func @transform_1(%arg0: i32, %arg1: i32) -> (i32, i32, i32) {
    %c0_i32 = arith.constant 0 : i32
    %c0_i32_0 = arith.constant 0 : i32
    %c0_i32_1 = arith.constant 0 : i32
    return %arg0, %c0_i32, %c0_i32_0 : i32, i32, i32
  }
  func.func @transform_2(%arg0: i32, %arg1: i32) -> (i32, i32, i32) {
    %c0_i32 = arith.constant 0 : i32
    %c0_i32_0 = arith.constant 0 : i32
    return %arg0, %arg1, %c0_i32 : i32, i32, i32
  }
  func.func @transform_3(%arg0: i32, %arg1: i32) -> (i32, i32, i32) {
    %c0_i32 = arith.constant 0 : i32
    %c0_i32_0 = arith.constant 0 : i32
    %c0_i32_1 = arith.constant 0 : i32
    return %arg0, %c0_i32, %c0_i32_0 : i32, i32, i32
  }
  func.func @transform_4(%arg0: i32, %arg1: i32) -> (i32, i32, i32) {
    %c0_i32 = arith.constant 0 : i32
    %c0_i32_0 = arith.constant 0 : i32
    return %arg0, %c0_i32, %arg1 : i32, i32, i32
  }
}

module attributes {stable_mosaic.version = 14 : i64} {
  func.func @_econv_body(%arg0: i32, %arg1: i32, %arg2: memref<1x20x256x16xf32, #tpu.memory_space<vmem>>, %arg3: memref<1x256x16xf32, #tpu.memory_space<vmem>>, %arg4: memref<16x64xf32, #tpu.memory_space<vmem>>, %arg5: memref<16x64xf32, #tpu.memory_space<vmem>>, %arg6: memref<1x64xf32, #tpu.memory_space<vmem>>, %arg7: memref<1x256x64xf32, #tpu.memory_space<vmem>>, %arg8: memref<1x256x64xf32, #tpu.memory_space<vmem>>, %arg9: memref<8x64xf32, #tpu.memory_space<vmem>>) attributes {dimension_semantics = [#tpu.dimension_semantics<arbitrary>, #tpu.dimension_semantics<arbitrary>], iteration_bounds = array<i64: 4, 4>, scalar_prefetch = 0 : i64, scratch_operands = 0 : i64, tpu.core_type = #tpu.core_type<tc>, window_params = [{transform_indices = @transform_0, window_bounds = array<i64: 1, 20, 256, 16>}, {transform_indices = @transform_1, window_bounds = array<i64: 1, 256, 16>}, {pipeline_mode = #tpu.pipeline_mode<synchronous>, transform_indices = @transform_2, window_bounds = array<i64: 16, 64>}, {pipeline_mode = #tpu.pipeline_mode<synchronous>, transform_indices = @transform_3, window_bounds = array<i64: 16, 64>}, {pipeline_mode = #tpu.pipeline_mode<synchronous>, transform_indices = @transform_4, window_bounds = array<i64: 1, 64>}, {transform_indices = @transform_5, window_bounds = array<i64: 1, 256, 64>}, {transform_indices = @transform_6, window_bounds = array<i64: 1, 256, 64>}, {pipeline_mode = #tpu.pipeline_mode<synchronous>, transform_indices = @transform_7, window_bounds = array<i64: 8, 64>}]} {
    %get3A = arith.constant 0 : index
    %get3A_0 = arith.constant 0 : index
    %get3A_1 = arith.constant 0 : index
    %get3A_2 = vector.load %arg3[%get3A, %get3A_0, %get3A_1] : memref<1x256x16xf32, #tpu.memory_space<vmem>>, vector<1x256x16xf32>
    %get3A_3 = vector.shape_cast %get3A_2 : vector<1x256x16xf32> to vector<256x16xf32>
    %get3A_4 = arith.constant 0 : index
    %get3A_5 = arith.constant 0 : index
    %get3A_6 = vector.load %arg4[%get3A_4, %get3A_5] : memref<16x64xf32, #tpu.memory_space<vmem>>, vector<16x64xf32>
    %convert_element_type3A = arith.truncf %get3A_6 : vector<16x64xf32> to vector<16x64xbf16>
    %get3A_7 = arith.constant 0 : index
    %get3A_8 = arith.constant 0 : index
    %get3A_9 = arith.constant 0 : index
    %get3A_10 = arith.constant 0 : index
    %get3A_11 = vector.load %arg2[%get3A_7, %get3A_8, %get3A_9, %get3A_10] : memref<1x20x256x16xf32, #tpu.memory_space<vmem>>, vector<1x1x256x16xf32>
    %get3A_12 = vector.shape_cast %get3A_11 : vector<1x1x256x16xf32> to vector<256x16xf32>
    %sub3A = arith.subf %get3A_12, %get3A_3 : vector<256x16xf32>
    %convert_element_type3A_13 = arith.truncf %sub3A : vector<256x16xf32> to vector<256x16xbf16>
    %dot_general3A = arith.constant dense<0.000000e+00> : vector<256x64xf32>
    %dot_general3A_14 = tpu.matmul %convert_element_type3A_13, %convert_element_type3A, %dot_general3A {dimension_numbers = #tpu.dot_dimension_numbers<[1], [0], [0], [1], [0, 0, 1, 1], [], []>, transpose_lhs_hint = false} : vector<256x16xbf16>, vector<16x64xbf16>, vector<256x64xf32> -> vector<256x64xf32>
    %mul3A = arith.mulf %dot_general3A_14, %dot_general3A_14 : vector<256x64xf32>
    %get3A_15 = arith.constant 0 : index
    %get3A_16 = arith.constant 1 : index
    %get3A_17 = arith.constant 0 : index
    %get3A_18 = arith.constant 0 : index
    %get3A_19 = vector.load %arg2[%get3A_15, %get3A_16, %get3A_17, %get3A_18] : memref<1x20x256x16xf32, #tpu.memory_space<vmem>>, vector<1x1x256x16xf32>
    %get3A_20 = vector.shape_cast %get3A_19 : vector<1x1x256x16xf32> to vector<256x16xf32>
    %sub3A_21 = arith.subf %get3A_20, %get3A_3 : vector<256x16xf32>
    %convert_element_type3A_22 = arith.truncf %sub3A_21 : vector<256x16xf32> to vector<256x16xbf16>
    %dot_general3A_23 = arith.constant dense<0.000000e+00> : vector<256x64xf32>
    %dot_general3A_24 = tpu.matmul %convert_element_type3A_22, %convert_element_type3A, %dot_general3A_23 {dimension_numbers = #tpu.dot_dimension_numbers<[1], [0], [0], [1], [0, 0, 1, 1], [], []>, transpose_lhs_hint = false} : vector<256x16xbf16>, vector<16x64xbf16>, vector<256x64xf32> -> vector<256x64xf32>
    %add3A = arith.addf %dot_general3A_14, %dot_general3A_24 : vector<256x64xf32>
    %mul3A_25 = arith.mulf %dot_general3A_24, %dot_general3A_24 : vector<256x64xf32>
    %add3A_26 = arith.addf %mul3A, %mul3A_25 : vector<256x64xf32>
    %max3A = arith.maximumf %dot_general3A_14, %dot_general3A_24 : vector<256x64xf32>
    %get3A_27 = arith.constant 0 : index
    %get3A_28 = arith.constant 2 : index
    %get3A_29 = arith.constant 0 : index
    %get3A_30 = arith.constant 0 : index
    %get3A_31 = vector.load %arg2[%get3A_27, %get3A_28, %get3A_29, %get3A_30] : memref<1x20x256x16xf32, #tpu.memory_space<vmem>>, vector<1x1x256x16xf32>
    %get3A_32 = vector.shape_cast %get3A_31 : vector<1x1x256x16xf32> to vector<256x16xf32>
    %sub3A_33 = arith.subf %get3A_32, %get3A_3 : vector<256x16xf32>
    %convert_element_type3A_34 = arith.truncf %sub3A_33 : vector<256x16xf32> to vector<256x16xbf16>
    %dot_general3A_35 = arith.constant dense<0.000000e+00> : vector<256x64xf32>
    %dot_general3A_36 = tpu.matmul %convert_element_type3A_34, %convert_element_type3A, %dot_general3A_35 {dimension_numbers = #tpu.dot_dimension_numbers<[1], [0], [0], [1], [0, 0, 1, 1], [], []>, transpose_lhs_hint = false} : vector<256x16xbf16>, vector<16x64xbf16>, vector<256x64xf32> -> vector<256x64xf32>
    %add3A_37 = arith.addf %add3A, %dot_general3A_36 : vector<256x64xf32>
    %mul3A_38 = arith.mulf %dot_general3A_36, %dot_general3A_36 : vector<256x64xf32>
    %add3A_39 = arith.addf %add3A_26, %mul3A_38 : vector<256x64xf32>
    %max3A_40 = arith.maximumf %max3A, %dot_general3A_36 : vector<256x64xf32>
    %get3A_41 = arith.constant 0 : index
    %get3A_42 = arith.constant 3 : index
    %get3A_43 = arith.constant 0 : index
    %get3A_44 = arith.constant 0 : index
    %get3A_45 = vector.load %arg2[%get3A_41, %get3A_42, %get3A_43, %get3A_44] : memref<1x20x256x16xf32, #tpu.memory_space<vmem>>, vector<1x1x256x16xf32>
    %get3A_46 = vector.shape_cast %get3A_45 : vector<1x1x256x16xf32> to vector<256x16xf32>
    %sub3A_47 = arith.subf %get3A_46, %get3A_3 : vector<256x16xf32>
    %convert_element_type3A_48 = arith.truncf %sub3A_47 : vector<256x16xf32> to vector<256x16xbf16>
    %dot_general3A_49 = arith.constant dense<0.000000e+00> : vector<256x64xf32>
    %dot_general3A_50 = tpu.matmul %convert_element_type3A_48, %convert_element_type3A, %dot_general3A_49 {dimension_numbers = #tpu.dot_dimension_numbers<[1], [0], [0], [1], [0, 0, 1, 1], [], []>, transpose_lhs_hint = false} : vector<256x16xbf16>, vector<16x64xbf16>, vector<256x64xf32> -> vector<256x64xf32>
    %add3A_51 = arith.addf %add3A_37, %dot_general3A_50 : vector<256x64xf32>
    %mul3A_52 = arith.mulf %dot_general3A_50, %dot_general3A_50 : vector<256x64xf32>
    %add3A_53 = arith.addf %add3A_39, %mul3A_52 : vector<256x64xf32>
    %max3A_54 = arith.maximumf %max3A_40, %dot_general3A_50 : vector<256x64xf32>
    %get3A_55 = arith.constant 0 : index
    %get3A_56 = arith.constant 4 : index
    %get3A_57 = arith.constant 0 : index
    %get3A_58 = arith.constant 0 : index
    %get3A_59 = vector.load %arg2[%get3A_55, %get3A_56, %get3A_57, %get3A_58] : memref<1x20x256x16xf32, #tpu.memory_space<vmem>>, vector<1x1x256x16xf32>
    %get3A_60 = vector.shape_cast %get3A_59 : vector<1x1x256x16xf32> to vector<256x16xf32>
    %sub3A_61 = arith.subf %get3A_60, %get3A_3 : vector<256x16xf32>
    %convert_element_type3A_62 = arith.truncf %sub3A_61 : vector<256x16xf32> to vector<256x16xbf16>
    %dot_general3A_63 = arith.constant dense<0.000000e+00> : vector<256x64xf32>
    %dot_general3A_64 = tpu.matmul %convert_element_type3A_62, %convert_element_type3A, %dot_general3A_63 {dimension_numbers = #tpu.dot_dimension_numbers<[1], [0], [0], [1], [0, 0, 1, 1], [], []>, transpose_lhs_hint = false} : vector<256x16xbf16>, vector<16x64xbf16>, vector<256x64xf32> -> vector<256x64xf32>
    %add3A_65 = arith.addf %add3A_51, %dot_general3A_64 : vector<256x64xf32>
    %mul3A_66 = arith.mulf %dot_general3A_64, %dot_general3A_64 : vector<256x64xf32>
    %add3A_67 = arith.addf %add3A_53, %mul3A_66 : vector<256x64xf32>
    %max3A_68 = arith.maximumf %max3A_54, %dot_general3A_64 : vector<256x64xf32>
    %get3A_69 = arith.constant 0 : index
    %get3A_70 = arith.constant 5 : index
    %get3A_71 = arith.constant 0 : index
    %get3A_72 = arith.constant 0 : index
    %get3A_73 = vector.load %arg2[%get3A_69, %get3A_70, %get3A_71, %get3A_72] : memref<1x20x256x16xf32, #tpu.memory_space<vmem>>, vector<1x1x256x16xf32>
    %get3A_74 = vector.shape_cast %get3A_73 : vector<1x1x256x16xf32> to vector<256x16xf32>
    %sub3A_75 = arith.subf %get3A_74, %get3A_3 : vector<256x16xf32>
    %convert_element_type3A_76 = arith.truncf %sub3A_75 : vector<256x16xf32> to vector<256x16xbf16>
    %dot_general3A_77 = arith.constant dense<0.000000e+00> : vector<256x64xf32>
    %dot_general3A_78 = tpu.matmul %convert_element_type3A_76, %convert_element_type3A, %dot_general3A_77 {dimension_numbers = #tpu.dot_dimension_numbers<[1], [0], [0], [1], [0, 0, 1, 1], [], []>, transpose_lhs_hint = false} : vector<256x16xbf16>, vector<16x64xbf16>, vector<256x64xf32> -> vector<256x64xf32>
    %add3A_79 = arith.addf %add3A_65, %dot_general3A_78 : vector<256x64xf32>
    %mul3A_80 = arith.mulf %dot_general3A_78, %dot_general3A_78 : vector<256x64xf32>
    %add3A_81 = arith.addf %add3A_67, %mul3A_80 : vector<256x64xf32>
    %max3A_82 = arith.maximumf %max3A_68, %dot_general3A_78 : vector<256x64xf32>
    %get3A_83 = arith.constant 0 : index
    %get3A_84 = arith.constant 6 : index
    %get3A_85 = arith.constant 0 : index
    %get3A_86 = arith.constant 0 : index
    %get3A_87 = vector.load %arg2[%get3A_83, %get3A_84, %get3A_85, %get3A_86] : memref<1x20x256x16xf32, #tpu.memory_space<vmem>>, vector<1x1x256x16xf32>
    %get3A_88 = vector.shape_cast %get3A_87 : vector<1x1x256x16xf32> to vector<256x16xf32>
    %sub3A_89 = arith.subf %get3A_88, %get3A_3 : vector<256x16xf32>
    %convert_element_type3A_90 = arith.truncf %sub3A_89 : vector<256x16xf32> to vector<256x16xbf16>
    %dot_general3A_91 = arith.constant dense<0.000000e+00> : vector<256x64xf32>
    %dot_general3A_92 = tpu.matmul %convert_element_type3A_90, %convert_element_type3A, %dot_general3A_91 {dimension_numbers = #tpu.dot_dimension_numbers<[1], [0], [0], [1], [0, 0, 1, 1], [], []>, transpose_lhs_hint = false} : vector<256x16xbf16>, vector<16x64xbf16>, vector<256x64xf32> -> vector<256x64xf32>
    %add3A_93 = arith.addf %add3A_79, %dot_general3A_92 : vector<256x64xf32>
    %mul3A_94 = arith.mulf %dot_general3A_92, %dot_general3A_92 : vector<256x64xf32>
    %add3A_95 = arith.addf %add3A_81, %mul3A_94 : vector<256x64xf32>
    %max3A_96 = arith.maximumf %max3A_82, %dot_general3A_92 : vector<256x64xf32>
    %get3A_97 = arith.constant 0 : index
    %get3A_98 = arith.constant 7 : index
    %get3A_99 = arith.constant 0 : index
    %get3A_100 = arith.constant 0 : index
    %get3A_101 = vector.load %arg2[%get3A_97, %get3A_98, %get3A_99, %get3A_100] : memref<1x20x256x16xf32, #tpu.memory_space<vmem>>, vector<1x1x256x16xf32>
    %get3A_102 = vector.shape_cast %get3A_101 : vector<1x1x256x16xf32> to vector<256x16xf32>
    %sub3A_103 = arith.subf %get3A_102, %get3A_3 : vector<256x16xf32>
    %convert_element_type3A_104 = arith.truncf %sub3A_103 : vector<256x16xf32> to vector<256x16xbf16>
    %dot_general3A_105 = arith.constant dense<0.000000e+00> : vector<256x64xf32>
    %dot_general3A_106 = tpu.matmul %convert_element_type3A_104, %convert_element_type3A, %dot_general3A_105 {dimension_numbers = #tpu.dot_dimension_numbers<[1], [0], [0], [1], [0, 0, 1, 1], [], []>, transpose_lhs_hint = false} : vector<256x16xbf16>, vector<16x64xbf16>, vector<256x64xf32> -> vector<256x64xf32>
    %add3A_107 = arith.addf %add3A_93, %dot_general3A_106 : vector<256x64xf32>
    %mul3A_108 = arith.mulf %dot_general3A_106, %dot_general3A_106 : vector<256x64xf32>
    %add3A_109 = arith.addf %add3A_95, %mul3A_108 : vector<256x64xf32>
    %max3A_110 = arith.maximumf %max3A_96, %dot_general3A_106 : vector<256x64xf32>
    %get3A_111 = arith.constant 0 : index
    %get3A_112 = arith.constant 8 : index
    %get3A_113 = arith.constant 0 : index
    %get3A_114 = arith.constant 0 : index
    %get3A_115 = vector.load %arg2[%get3A_111, %get3A_112, %get3A_113, %get3A_114] : memref<1x20x256x16xf32, #tpu.memory_space<vmem>>, vector<1x1x256x16xf32>
    %get3A_116 = vector.shape_cast %get3A_115 : vector<1x1x256x16xf32> to vector<256x16xf32>
    %sub3A_117 = arith.subf %get3A_116, %get3A_3 : vector<256x16xf32>
    %convert_element_type3A_118 = arith.truncf %sub3A_117 : vector<256x16xf32> to vector<256x16xbf16>
    %dot_general3A_119 = arith.constant dense<0.000000e+00> : vector<256x64xf32>
    %dot_general3A_120 = tpu.matmul %convert_element_type3A_118, %convert_element_type3A, %dot_general3A_119 {dimension_numbers = #tpu.dot_dimension_numbers<[1], [0], [0], [1], [0, 0, 1, 1], [], []>, transpose_lhs_hint = false} : vector<256x16xbf16>, vector<16x64xbf16>, vector<256x64xf32> -> vector<256x64xf32>
    %add3A_121 = arith.addf %add3A_107, %dot_general3A_120 : vector<256x64xf32>
    %mul3A_122 = arith.mulf %dot_general3A_120, %dot_general3A_120 : vector<256x64xf32>
    %add3A_123 = arith.addf %add3A_109, %mul3A_122 : vector<256x64xf32>
    %max3A_124 = arith.maximumf %max3A_110, %dot_general3A_120 : vector<256x64xf32>
    %get3A_125 = arith.constant 0 : index
    %get3A_126 = arith.constant 9 : index
    %get3A_127 = arith.constant 0 : index
    %get3A_128 = arith.constant 0 : index
    %get3A_129 = vector.load %arg2[%get3A_125, %get3A_126, %get3A_127, %get3A_128] : memref<1x20x256x16xf32, #tpu.memory_space<vmem>>, vector<1x1x256x16xf32>
    %get3A_130 = vector.shape_cast %get3A_129 : vector<1x1x256x16xf32> to vector<256x16xf32>
    %sub3A_131 = arith.subf %get3A_130, %get3A_3 : vector<256x16xf32>
    %convert_element_type3A_132 = arith.truncf %sub3A_131 : vector<256x16xf32> to vector<256x16xbf16>
    %dot_general3A_133 = arith.constant dense<0.000000e+00> : vector<256x64xf32>
    %dot_general3A_134 = tpu.matmul %convert_element_type3A_132, %convert_element_type3A, %dot_general3A_133 {dimension_numbers = #tpu.dot_dimension_numbers<[1], [0], [0], [1], [0, 0, 1, 1], [], []>, transpose_lhs_hint = false} : vector<256x16xbf16>, vector<16x64xbf16>, vector<256x64xf32> -> vector<256x64xf32>
    %add3A_135 = arith.addf %add3A_121, %dot_general3A_134 : vector<256x64xf32>
    %mul3A_136 = arith.mulf %dot_general3A_134, %dot_general3A_134 : vector<256x64xf32>
    %add3A_137 = arith.addf %add3A_123, %mul3A_136 : vector<256x64xf32>
    %max3A_138 = arith.maximumf %max3A_124, %dot_general3A_134 : vector<256x64xf32>
    %get3A_139 = arith.constant 0 : index
    %get3A_140 = arith.constant 10 : index
    %get3A_141 = arith.constant 0 : index
    %get3A_142 = arith.constant 0 : index
    %get3A_143 = vector.load %arg2[%get3A_139, %get3A_140, %get3A_141, %get3A_142] : memref<1x20x256x16xf32, #tpu.memory_space<vmem>>, vector<1x1x256x16xf32>
    %get3A_144 = vector.shape_cast %get3A_143 : vector<1x1x256x16xf32> to vector<256x16xf32>
    %sub3A_145 = arith.subf %get3A_144, %get3A_3 : vector<256x16xf32>
    %convert_element_type3A_146 = arith.truncf %sub3A_145 : vector<256x16xf32> to vector<256x16xbf16>
    %dot_general3A_147 = arith.constant dense<0.000000e+00> : vector<256x64xf32>
    %dot_general3A_148 = tpu.matmul %convert_element_type3A_146, %convert_element_type3A, %dot_general3A_147 {dimension_numbers = #tpu.dot_dimension_numbers<[1], [0], [0], [1], [0, 0, 1, 1], [], []>, transpose_lhs_hint = false} : vector<256x16xbf16>, vector<16x64xbf16>, vector<256x64xf32> -> vector<256x64xf32>
    %add3A_149 = arith.addf %add3A_135, %dot_general3A_148 : vector<256x64xf32>
    %mul3A_150 = arith.mulf %dot_general3A_148, %dot_general3A_148 : vector<256x64xf32>
    %add3A_151 = arith.addf %add3A_137, %mul3A_150 : vector<256x64xf32>
    %max3A_152 = arith.maximumf %max3A_138, %dot_general3A_148 : vector<256x64xf32>
    %get3A_153 = arith.constant 0 : index
    %get3A_154 = arith.constant 11 : index
    %get3A_155 = arith.constant 0 : index
    %get3A_156 = arith.constant 0 : index
    %get3A_157 = vector.load %arg2[%get3A_153, %get3A_154, %get3A_155, %get3A_156] : memref<1x20x256x16xf32, #tpu.memory_space<vmem>>, vector<1x1x256x16xf32>
    %get3A_158 = vector.shape_cast %get3A_157 : vector<1x1x256x16xf32> to vector<256x16xf32>
    %sub3A_159 = arith.subf %get3A_158, %get3A_3 : vector<256x16xf32>
    %convert_element_type3A_160 = arith.truncf %sub3A_159 : vector<256x16xf32> to vector<256x16xbf16>
    %dot_general3A_161 = arith.constant dense<0.000000e+00> : vector<256x64xf32>
    %dot_general3A_162 = tpu.matmul %convert_element_type3A_160, %convert_element_type3A, %dot_general3A_161 {dimension_numbers = #tpu.dot_dimension_numbers<[1], [0], [0], [1], [0, 0, 1, 1], [], []>, transpose_lhs_hint = false} : vector<256x16xbf16>, vector<16x64xbf16>, vector<256x64xf32> -> vector<256x64xf32>
    %add3A_163 = arith.addf %add3A_149, %dot_general3A_162 : vector<256x64xf32>
    %mul3A_164 = arith.mulf %dot_general3A_162, %dot_general3A_162 : vector<256x64xf32>
    %add3A_165 = arith.addf %add3A_151, %mul3A_164 : vector<256x64xf32>
    %max3A_166 = arith.maximumf %max3A_152, %dot_general3A_162 : vector<256x64xf32>
    %get3A_167 = arith.constant 0 : index
    %get3A_168 = arith.constant 12 : index
    %get3A_169 = arith.constant 0 : index
    %get3A_170 = arith.constant 0 : index
    %get3A_171 = vector.load %arg2[%get3A_167, %get3A_168, %get3A_169, %get3A_170] : memref<1x20x256x16xf32, #tpu.memory_space<vmem>>, vector<1x1x256x16xf32>
    %get3A_172 = vector.shape_cast %get3A_171 : vector<1x1x256x16xf32> to vector<256x16xf32>
    %sub3A_173 = arith.subf %get3A_172, %get3A_3 : vector<256x16xf32>
    %convert_element_type3A_174 = arith.truncf %sub3A_173 : vector<256x16xf32> to vector<256x16xbf16>
    %dot_general3A_175 = arith.constant dense<0.000000e+00> : vector<256x64xf32>
    %dot_general3A_176 = tpu.matmul %convert_element_type3A_174, %convert_element_type3A, %dot_general3A_175 {dimension_numbers = #tpu.dot_dimension_numbers<[1], [0], [0], [1], [0, 0, 1, 1], [], []>, transpose_lhs_hint = false} : vector<256x16xbf16>, vector<16x64xbf16>, vector<256x64xf32> -> vector<256x64xf32>
    %add3A_177 = arith.addf %add3A_163, %dot_general3A_176 : vector<256x64xf32>
    %mul3A_178 = arith.mulf %dot_general3A_176, %dot_general3A_176 : vector<256x64xf32>
    %add3A_179 = arith.addf %add3A_165, %mul3A_178 : vector<256x64xf32>
    %max3A_180 = arith.maximumf %max3A_166, %dot_general3A_176 : vector<256x64xf32>
    %get3A_181 = arith.constant 0 : index
    %get3A_182 = arith.constant 13 : index
    %get3A_183 = arith.constant 0 : index
    %get3A_184 = arith.constant 0 : index
    %get3A_185 = vector.load %arg2[%get3A_181, %get3A_182, %get3A_183, %get3A_184] : memref<1x20x256x16xf32, #tpu.memory_space<vmem>>, vector<1x1x256x16xf32>
    %get3A_186 = vector.shape_cast %get3A_185 : vector<1x1x256x16xf32> to vector<256x16xf32>
    %sub3A_187 = arith.subf %get3A_186, %get3A_3 : vector<256x16xf32>
    %convert_element_type3A_188 = arith.truncf %sub3A_187 : vector<256x16xf32> to vector<256x16xbf16>
    %dot_general3A_189 = arith.constant dense<0.000000e+00> : vector<256x64xf32>
    %dot_general3A_190 = tpu.matmul %convert_element_type3A_188, %convert_element_type3A, %dot_general3A_189 {dimension_numbers = #tpu.dot_dimension_numbers<[1], [0], [0], [1], [0, 0, 1, 1], [], []>, transpose_lhs_hint = false} : vector<256x16xbf16>, vector<16x64xbf16>, vector<256x64xf32> -> vector<256x64xf32>
    %add3A_191 = arith.addf %add3A_177, %dot_general3A_190 : vector<256x64xf32>
    %mul3A_192 = arith.mulf %dot_general3A_190, %dot_general3A_190 : vector<256x64xf32>
    %add3A_193 = arith.addf %add3A_179, %mul3A_192 : vector<256x64xf32>
    %max3A_194 = arith.maximumf %max3A_180, %dot_general3A_190 : vector<256x64xf32>
    %get3A_195 = arith.constant 0 : index
    %get3A_196 = arith.constant 14 : index
    %get3A_197 = arith.constant 0 : index
    %get3A_198 = arith.constant 0 : index
    %get3A_199 = vector.load %arg2[%get3A_195, %get3A_196, %get3A_197, %get3A_198] : memref<1x20x256x16xf32, #tpu.memory_space<vmem>>, vector<1x1x256x16xf32>
    %get3A_200 = vector.shape_cast %get3A_199 : vector<1x1x256x16xf32> to vector<256x16xf32>
    %sub3A_201 = arith.subf %get3A_200, %get3A_3 : vector<256x16xf32>
    %convert_element_type3A_202 = arith.truncf %sub3A_201 : vector<256x16xf32> to vector<256x16xbf16>
    %dot_general3A_203 = arith.constant dense<0.000000e+00> : vector<256x64xf32>
    %dot_general3A_204 = tpu.matmul %convert_element_type3A_202, %convert_element_type3A, %dot_general3A_203 {dimension_numbers = #tpu.dot_dimension_numbers<[1], [0], [0], [1], [0, 0, 1, 1], [], []>, transpose_lhs_hint = false} : vector<256x16xbf16>, vector<16x64xbf16>, vector<256x64xf32> -> vector<256x64xf32>
    %add3A_205 = arith.addf %add3A_191, %dot_general3A_204 : vector<256x64xf32>
    %mul3A_206 = arith.mulf %dot_general3A_204, %dot_general3A_204 : vector<256x64xf32>
    %add3A_207 = arith.addf %add3A_193, %mul3A_206 : vector<256x64xf32>
    %max3A_208 = arith.maximumf %max3A_194, %dot_general3A_204 : vector<256x64xf32>
    %get3A_209 = arith.constant 0 : index
    %get3A_210 = arith.constant 15 : index
    %get3A_211 = arith.constant 0 : index
    %get3A_212 = arith.constant 0 : index
    %get3A_213 = vector.load %arg2[%get3A_209, %get3A_210, %get3A_211, %get3A_212] : memref<1x20x256x16xf32, #tpu.memory_space<vmem>>, vector<1x1x256x16xf32>
    %get3A_214 = vector.shape_cast %get3A_213 : vector<1x1x256x16xf32> to vector<256x16xf32>
    %sub3A_215 = arith.subf %get3A_214, %get3A_3 : vector<256x16xf32>
    %convert_element_type3A_216 = arith.truncf %sub3A_215 : vector<256x16xf32> to vector<256x16xbf16>
    %dot_general3A_217 = arith.constant dense<0.000000e+00> : vector<256x64xf32>
    %dot_general3A_218 = tpu.matmul %convert_element_type3A_216, %convert_element_type3A, %dot_general3A_217 {dimension_numbers = #tpu.dot_dimension_numbers<[1], [0], [0], [1], [0, 0, 1, 1], [], []>, transpose_lhs_hint = false} : vector<256x16xbf16>, vector<16x64xbf16>, vector<256x64xf32> -> vector<256x64xf32>
    %add3A_219 = arith.addf %add3A_205, %dot_general3A_218 : vector<256x64xf32>
    %mul3A_220 = arith.mulf %dot_general3A_218, %dot_general3A_218 : vector<256x64xf32>
    %add3A_221 = arith.addf %add3A_207, %mul3A_220 : vector<256x64xf32>
    %max3A_222 = arith.maximumf %max3A_208, %dot_general3A_218 : vector<256x64xf32>
    %get3A_223 = arith.constant 0 : index
    %get3A_224 = arith.constant 16 : index
    %get3A_225 = arith.constant 0 : index
    %get3A_226 = arith.constant 0 : index
    %get3A_227 = vector.load %arg2[%get3A_223, %get3A_224, %get3A_225, %get3A_226] : memref<1x20x256x16xf32, #tpu.memory_space<vmem>>, vector<1x1x256x16xf32>
    %get3A_228 = vector.shape_cast %get3A_227 : vector<1x1x256x16xf32> to vector<256x16xf32>
    %sub3A_229 = arith.subf %get3A_228, %get3A_3 : vector<256x16xf32>
    %convert_element_type3A_230 = arith.truncf %sub3A_229 : vector<256x16xf32> to vector<256x16xbf16>
    %dot_general3A_231 = arith.constant dense<0.000000e+00> : vector<256x64xf32>
    %dot_general3A_232 = tpu.matmul %convert_element_type3A_230, %convert_element_type3A, %dot_general3A_231 {dimension_numbers = #tpu.dot_dimension_numbers<[1], [0], [0], [1], [0, 0, 1, 1], [], []>, transpose_lhs_hint = false} : vector<256x16xbf16>, vector<16x64xbf16>, vector<256x64xf32> -> vector<256x64xf32>
    %add3A_233 = arith.addf %add3A_219, %dot_general3A_232 : vector<256x64xf32>
    %mul3A_234 = arith.mulf %dot_general3A_232, %dot_general3A_232 : vector<256x64xf32>
    %add3A_235 = arith.addf %add3A_221, %mul3A_234 : vector<256x64xf32>
    %max3A_236 = arith.maximumf %max3A_222, %dot_general3A_232 : vector<256x64xf32>
    %get3A_237 = arith.constant 0 : index
    %get3A_238 = arith.constant 17 : index
    %get3A_239 = arith.constant 0 : index
    %get3A_240 = arith.constant 0 : index
    %get3A_241 = vector.load %arg2[%get3A_237, %get3A_238, %get3A_239, %get3A_240] : memref<1x20x256x16xf32, #tpu.memory_space<vmem>>, vector<1x1x256x16xf32>
    %get3A_242 = vector.shape_cast %get3A_241 : vector<1x1x256x16xf32> to vector<256x16xf32>
    %sub3A_243 = arith.subf %get3A_242, %get3A_3 : vector<256x16xf32>
    %convert_element_type3A_244 = arith.truncf %sub3A_243 : vector<256x16xf32> to vector<256x16xbf16>
    %dot_general3A_245 = arith.constant dense<0.000000e+00> : vector<256x64xf32>
    %dot_general3A_246 = tpu.matmul %convert_element_type3A_244, %convert_element_type3A, %dot_general3A_245 {dimension_numbers = #tpu.dot_dimension_numbers<[1], [0], [0], [1], [0, 0, 1, 1], [], []>, transpose_lhs_hint = false} : vector<256x16xbf16>, vector<16x64xbf16>, vector<256x64xf32> -> vector<256x64xf32>
    %add3A_247 = arith.addf %add3A_233, %dot_general3A_246 : vector<256x64xf32>
    %mul3A_248 = arith.mulf %dot_general3A_246, %dot_general3A_246 : vector<256x64xf32>
    %add3A_249 = arith.addf %add3A_235, %mul3A_248 : vector<256x64xf32>
    %max3A_250 = arith.maximumf %max3A_236, %dot_general3A_246 : vector<256x64xf32>
    %get3A_251 = arith.constant 0 : index
    %get3A_252 = arith.constant 18 : index
    %get3A_253 = arith.constant 0 : index
    %get3A_254 = arith.constant 0 : index
    %get3A_255 = vector.load %arg2[%get3A_251, %get3A_252, %get3A_253, %get3A_254] : memref<1x20x256x16xf32, #tpu.memory_space<vmem>>, vector<1x1x256x16xf32>
    %get3A_256 = vector.shape_cast %get3A_255 : vector<1x1x256x16xf32> to vector<256x16xf32>
    %sub3A_257 = arith.subf %get3A_256, %get3A_3 : vector<256x16xf32>
    %convert_element_type3A_258 = arith.truncf %sub3A_257 : vector<256x16xf32> to vector<256x16xbf16>
    %dot_general3A_259 = arith.constant dense<0.000000e+00> : vector<256x64xf32>
    %dot_general3A_260 = tpu.matmul %convert_element_type3A_258, %convert_element_type3A, %dot_general3A_259 {dimension_numbers = #tpu.dot_dimension_numbers<[1], [0], [0], [1], [0, 0, 1, 1], [], []>, transpose_lhs_hint = false} : vector<256x16xbf16>, vector<16x64xbf16>, vector<256x64xf32> -> vector<256x64xf32>
    %add3A_261 = arith.addf %add3A_247, %dot_general3A_260 : vector<256x64xf32>
    %mul3A_262 = arith.mulf %dot_general3A_260, %dot_general3A_260 : vector<256x64xf32>
    %add3A_263 = arith.addf %add3A_249, %mul3A_262 : vector<256x64xf32>
    %max3A_264 = arith.maximumf %max3A_250, %dot_general3A_260 : vector<256x64xf32>
    %get3A_265 = arith.constant 0 : index
    %get3A_266 = arith.constant 19 : index
    %get3A_267 = arith.constant 0 : index
    %get3A_268 = arith.constant 0 : index
    %get3A_269 = vector.load %arg2[%get3A_265, %get3A_266, %get3A_267, %get3A_268] : memref<1x20x256x16xf32, #tpu.memory_space<vmem>>, vector<1x1x256x16xf32>
    %get3A_270 = vector.shape_cast %get3A_269 : vector<1x1x256x16xf32> to vector<256x16xf32>
    %sub3A_271 = arith.subf %get3A_270, %get3A_3 : vector<256x16xf32>
    %convert_element_type3A_272 = arith.truncf %sub3A_271 : vector<256x16xf32> to vector<256x16xbf16>
    %dot_general3A_273 = arith.constant dense<0.000000e+00> : vector<256x64xf32>
    %dot_general3A_274 = tpu.matmul %convert_element_type3A_272, %convert_element_type3A, %dot_general3A_273 {dimension_numbers = #tpu.dot_dimension_numbers<[1], [0], [0], [1], [0, 0, 1, 1], [], []>, transpose_lhs_hint = false} : vector<256x16xbf16>, vector<16x64xbf16>, vector<256x64xf32> -> vector<256x64xf32>
    %add3A_275 = arith.addf %add3A_261, %dot_general3A_274 : vector<256x64xf32>
    %mul3A_276 = arith.mulf %dot_general3A_274, %dot_general3A_274 : vector<256x64xf32>
    %add3A_277 = arith.addf %add3A_263, %mul3A_276 : vector<256x64xf32>
    %max3A_278 = arith.maximumf %max3A_264, %dot_general3A_274 : vector<256x64xf32>
    %convert_element_type3A_279 = arith.truncf %get3A_3 : vector<256x16xf32> to vector<256x16xbf16>
    %get3A_280 = arith.constant 0 : index
    %get3A_281 = arith.constant 0 : index
    %get3A_282 = vector.load %arg5[%get3A_280, %get3A_281] : memref<16x64xf32, #tpu.memory_space<vmem>>, vector<16x64xf32>
    %convert_element_type3A_283 = arith.truncf %get3A_282 : vector<16x64xf32> to vector<16x64xbf16>
    %dot_general3A_284 = arith.constant dense<0.000000e+00> : vector<256x64xf32>
    %dot_general3A_285 = tpu.matmul %convert_element_type3A_279, %convert_element_type3A_283, %dot_general3A_284 {dimension_numbers = #tpu.dot_dimension_numbers<[1], [0], [0], [1], [0, 0, 1, 1], [], []>, transpose_lhs_hint = false} : vector<256x16xbf16>, vector<16x64xbf16>, vector<256x64xf32> -> vector<256x64xf32>
    %get3A_286 = arith.constant 0 : index
    %get3A_287 = arith.constant 0 : index
    %get3A_288 = vector.load %arg6[%get3A_286, %get3A_287] : memref<1x64xf32, #tpu.memory_space<vmem>>, vector<1x64xf32>
    %add3A_289 = vector.broadcast %get3A_288 : vector<1x64xf32> to vector<256x64xf32>
    %add3A_290 = arith.addf %dot_general3A_285, %add3A_289 : vector<256x64xf32>
    %swap3A = arith.constant 0 : index
    %swap3A_291 = arith.constant 0 : index
    %swap3A_292 = arith.constant 0 : index
    %swap3A_293 = vector.load %arg7[%swap3A, %swap3A_291, %swap3A_292] : memref<1x256x64xf32, #tpu.memory_space<vmem>>, vector<1x256x64xf32>
    %swap3A_294 = vector.shape_cast %swap3A_293 : vector<1x256x64xf32> to vector<256x64xf32>
    %swap3A_295 = vector.shape_cast %max3A_278 : vector<256x64xf32> to vector<1x256x64xf32>
    tpu.vector_store %arg7[%swap3A, %swap3A_291, %swap3A_292], %swap3A_295 {strides = array<i32>} : memref<1x256x64xf32, #tpu.memory_space<vmem>>, vector<1x256x64xf32>,
    %swap3A_296 = arith.constant 0 : index
    %swap3A_297 = arith.constant 0 : index
    %swap3A_298 = arith.constant 0 : index
    %swap3A_299 = vector.load %arg8[%swap3A_296, %swap3A_297, %swap3A_298] : memref<1x256x64xf32, #tpu.memory_space<vmem>>, vector<1x256x64xf32>
    %swap3A_300 = vector.shape_cast %swap3A_299 : vector<1x256x64xf32> to vector<256x64xf32>
    %swap3A_301 = vector.shape_cast %add3A_290 : vector<256x64xf32> to vector<1x256x64xf32>
    tpu.vector_store %arg8[%swap3A_296, %swap3A_297, %swap3A_298], %swap3A_301 {strides = array<i32>} : memref<1x256x64xf32, #tpu.memory_space<vmem>>, vector<1x256x64xf32>,
    %eq3A = arith.constant 0 : i32
    %eq3A_302 = arith.cmpi eq, %arg0, %eq3A : i32
    %eq3A_303 = arith.constant 0 : i32
    %eq3A_304 = arith.cmpi eq, %arg1, %eq3A_303 : i32
    %and3A = arith.andi %eq3A_302, %eq3A_304 : i1
    %convert_element_type3A_305 = arith.extui %and3A : i1 to i32
    %cond3A = arith.constant 0 : i32
    %cond3A_306 = arith.cmpi ne, %convert_element_type3A_305, %cond3A : i32
    scf.if %cond3A_306 {
      %broadcast_in_dim3A_339 = arith.constant 0.000000e+00 : f32
      %broadcast_in_dim3A_340 = vector.broadcast %broadcast_in_dim3A_339 : f32 to vector<8x64xf32>
      %swap3A_341 = arith.constant 0 : index
      %swap3A_342 = arith.constant 0 : index
      %swap3A_343 = vector.load %arg9[%swap3A_341, %swap3A_342] : memref<8x64xf32, #tpu.memory_space<vmem>>, vector<8x64xf32>
      tpu.vector_store %arg9[%swap3A_341, %swap3A_342], %broadcast_in_dim3A_340 {strides = array<i32>} : memref<8x64xf32, #tpu.memory_space<vmem>>, vector<8x64xf32>,
    } else {
    }
    %mul3A_307 = arith.constant 2.000000e+01 : f32
    %mul3A_308 = vector.broadcast %mul3A_307 : f32 to vector<256x64xf32>
    %mul3A_309 = arith.mulf %mul3A_308, %add3A_290 : vector<256x64xf32>
    %add3A_310 = arith.addf %add3A_275, %mul3A_309 : vector<256x64xf32>
    %reduce_sum3A = arith.constant dense<0.000000e+00> : vector<64xf32>
    %reduce_sum3A_311 = vector.multi_reduction <add>, %add3A_310, %reduce_sum3A [0] : vector<256x64xf32> to vector<64xf32>
    %mul3A_312 = arith.constant 2.000000e+00 : f32
    %mul3A_313 = vector.broadcast %mul3A_312 : f32 to vector<256x64xf32>
    %mul3A_314 = arith.mulf %mul3A_313, %add3A_290 : vector<256x64xf32>
    %mul3A_315 = arith.mulf %mul3A_314, %add3A_275 : vector<256x64xf32>
    %add3A_316 = arith.addf %add3A_277, %mul3A_315 : vector<256x64xf32>
    %mul3A_317 = arith.constant 2.000000e+01 : f32
    %mul3A_318 = vector.broadcast %mul3A_317 : f32 to vector<256x64xf32>
    %mul3A_319 = arith.mulf %mul3A_318, %add3A_290 : vector<256x64xf32>
    %mul3A_320 = arith.mulf %mul3A_319, %add3A_290 : vector<256x64xf32>
    %add3A_321 = arith.addf %add3A_316, %mul3A_320 : vector<256x64xf32>
    %reduce_sum3A_322 = arith.constant dense<0.000000e+00> : vector<64xf32>
    %reduce_sum3A_323 = vector.multi_reduction <add>, %add3A_321, %reduce_sum3A_322 [0] : vector<256x64xf32> to vector<64xf32>
    %get3A_324 = arith.constant 0 : index
    %get3A_325 = arith.constant 0 : index
    %get3A_326 = vector.load %arg9[%get3A_324, %get3A_325] : memref<8x64xf32, #tpu.memory_space<vmem>>, vector<1x64xf32>
    %broadcast_in_dim3A = vector.shape_cast %reduce_sum3A_311 : vector<64xf32> to vector<1x64xf32>
    %add3A_327 = arith.addf %get3A_326, %broadcast_in_dim3A : vector<1x64xf32>
    %swap3A_328 = arith.constant 0 : index
    %swap3A_329 = arith.constant 0 : index
    %swap3A_330 = vector.load %arg9[%swap3A_328, %swap3A_329] : memref<8x64xf32, #tpu.memory_space<vmem>>, vector<1x64xf32>
    tpu.vector_store %arg9[%swap3A_328, %swap3A_329], %add3A_327 {strides = array<i32>} : memref<8x64xf32, #tpu.memory_space<vmem>>, vector<1x64xf32>,
    %get3A_331 = arith.constant 1 : index
    %get3A_332 = arith.constant 0 : index
    %get3A_333 = vector.load %arg9[%get3A_331, %get3A_332] : memref<8x64xf32, #tpu.memory_space<vmem>>, vector<1x64xf32>
    %broadcast_in_dim3A_334 = vector.shape_cast %reduce_sum3A_323 : vector<64xf32> to vector<1x64xf32>
    %add3A_335 = arith.addf %get3A_333, %broadcast_in_dim3A_334 : vector<1x64xf32>
    %swap3A_336 = arith.constant 1 : index
    %swap3A_337 = arith.constant 0 : index
    %swap3A_338 = vector.load %arg9[%swap3A_336, %swap3A_337] : memref<8x64xf32, #tpu.memory_space<vmem>>, vector<1x64xf32>
    tpu.vector_store %arg9[%swap3A_336, %swap3A_337], %add3A_335 {strides = array<i32>} : memref<8x64xf32, #tpu.memory_space<vmem>>, vector<1x64xf32>,
    return
  }
  func.func @transform_0(%arg0: i32, %arg1: i32) -> (i32, i32, i32, i32) {
    %c0_i32 = arith.constant 0 : i32
    %c0_i32_0 = arith.constant 0 : i32
    %c0_i32_1 = arith.constant 0 : i32
    return %arg0, %c0_i32, %arg1, %c0_i32_0 : i32, i32, i32, i32
  }
  func.func @transform_1(%arg0: i32, %arg1: i32) -> (i32, i32, i32) {
    %c0_i32 = arith.constant 0 : i32
    %c0_i32_0 = arith.constant 0 : i32
    return %arg0, %arg1, %c0_i32 : i32, i32, i32
  }
  func.func @transform_2(%arg0: i32, %arg1: i32) -> (i32, i32) {
    %c0_i32 = arith.constant 0 : i32
    %c0_i32_0 = arith.constant 0 : i32
    %c0_i32_1 = arith.constant 0 : i32
    return %c0_i32, %c0_i32_0 : i32, i32
  }
  func.func @transform_3(%arg0: i32, %arg1: i32) -> (i32, i32) {
    %c0_i32 = arith.constant 0 : i32
    %c0_i32_0 = arith.constant 0 : i32
    %c0_i32_1 = arith.constant 0 : i32
    return %c0_i32, %c0_i32_0 : i32, i32
  }
  func.func @transform_4(%arg0: i32, %arg1: i32) -> (i32, i32) {
    %c0_i32 = arith.constant 0 : i32
    %c0_i32_0 = arith.constant 0 : i32
    %c0_i32_1 = arith.constant 0 : i32
    return %c0_i32, %c0_i32_0 : i32, i32
  }
  func.func @transform_5(%arg0: i32, %arg1: i32) -> (i32, i32, i32) {
    %c0_i32 = arith.constant 0 : i32
    %c0_i32_0 = arith.constant 0 : i32
    return %arg0, %arg1, %c0_i32 : i32, i32, i32
  }
  func.func @transform_6(%arg0: i32, %arg1: i32) -> (i32, i32, i32) {
    %c0_i32 = arith.constant 0 : i32
    %c0_i32_0 = arith.constant 0 : i32
    return %arg0, %arg1, %c0_i32 : i32, i32, i32
  }
  func.func @transform_7(%arg0: i32, %arg1: i32) -> (i32, i32) {
    %c0_i32 = arith.constant 0 : i32
    %c0_i32_0 = arith.constant 0 : i32
    %c0_i32_1 = arith.constant 0 : i32
    return %c0_i32, %c0_i32_0 : i32, i32
  }
}

module attributes {stable_mosaic.version = 14 : i64} {
  func.func @_apply_body(%arg0: i32, %arg1: memref<1024x64xf32, #tpu.memory_space<vmem>>, %arg2: memref<1024x64xf32, #tpu.memory_space<vmem>>, %arg3: memref<8x64xf32, #tpu.memory_space<vmem>>, %arg4: memref<1x64xf32, #tpu.memory_space<vmem>>, %arg5: memref<1x64xf32, #tpu.memory_space<vmem>>, %arg6: memref<1024x64xf32, #tpu.memory_space<vmem>>) attributes {dimension_semantics = [#tpu.dimension_semantics<arbitrary>], iteration_bounds = array<i64: 4>, scalar_prefetch = 0 : i64, scratch_operands = 0 : i64, tpu.core_type = #tpu.core_type<tc>, window_params = [{transform_indices = @transform_0, window_bounds = array<i64: 1024, 64>}, {transform_indices = @transform_1, window_bounds = array<i64: 1024, 64>}, {pipeline_mode = #tpu.pipeline_mode<synchronous>, transform_indices = @transform_2, window_bounds = array<i64: 8, 64>}, {pipeline_mode = #tpu.pipeline_mode<synchronous>, transform_indices = @transform_3, window_bounds = array<i64: 1, 64>}, {pipeline_mode = #tpu.pipeline_mode<synchronous>, transform_indices = @transform_4, window_bounds = array<i64: 1, 64>}, {transform_indices = @transform_5, window_bounds = array<i64: 1024, 64>}]} {
    %get3A = arith.constant 0 : index
    %get3A_0 = arith.constant 0 : index
    %get3A_1 = vector.load %arg3[%get3A, %get3A_0] : memref<8x64xf32, #tpu.memory_space<vmem>>, vector<1x64xf32>
    %mul3A = arith.constant 1.22070314E-5 : f32
    %mul3A_2 = vector.broadcast %mul3A : f32 to vector<1x64xf32>
    %mul3A_3 = arith.mulf %get3A_1, %mul3A_2 : vector<1x64xf32>
    %get3A_4 = arith.constant 1 : index
    %get3A_5 = arith.constant 0 : index
    %get3A_6 = vector.load %arg3[%get3A_4, %get3A_5] : memref<8x64xf32, #tpu.memory_space<vmem>>, vector<1x64xf32>
    %mul3A_7 = arith.constant 1.22070314E-5 : f32
    %mul3A_8 = vector.broadcast %mul3A_7 : f32 to vector<1x64xf32>
    %mul3A_9 = arith.mulf %get3A_6, %mul3A_8 : vector<1x64xf32>
    %mul3A_10 = arith.mulf %mul3A_3, %mul3A_3 : vector<1x64xf32>
    %sub3A = arith.subf %mul3A_9, %mul3A_10 : vector<1x64xf32>
    %add3A = arith.constant 9.99999974E-6 : f32
    %add3A_11 = vector.broadcast %add3A : f32 to vector<1x64xf32>
    %add3A_12 = arith.addf %sub3A, %add3A_11 : vector<1x64xf32>
    %sqrt3A = math.sqrt %add3A_12 : vector<1x64xf32>
    %get3A_13 = arith.constant 0 : index
    %get3A_14 = arith.constant 0 : index
    %get3A_15 = vector.load %arg1[%get3A_13, %get3A_14] : memref<1024x64xf32, #tpu.memory_space<vmem>>, vector<1024x64xf32>
    %get3A_16 = arith.constant 0 : index
    %get3A_17 = arith.constant 0 : index
    %get3A_18 = vector.load %arg2[%get3A_16, %get3A_17] : memref<1024x64xf32, #tpu.memory_space<vmem>>, vector<1024x64xf32>
    %add3A_19 = arith.addf %get3A_15, %get3A_18 : vector<1024x64xf32>
    %sub3A_20 = vector.broadcast %mul3A_3 : vector<1x64xf32> to vector<1024x64xf32>
    %sub3A_21 = arith.subf %add3A_19, %sub3A_20 : vector<1024x64xf32>
    %div3A = vector.broadcast %sqrt3A : vector<1x64xf32> to vector<1024x64xf32>
    %div3A_22 = arith.divf %sub3A_21, %div3A : vector<1024x64xf32>
    %get3A_23 = arith.constant 0 : index
    %get3A_24 = arith.constant 0 : index
    %get3A_25 = vector.load %arg4[%get3A_23, %get3A_24] : memref<1x64xf32, #tpu.memory_space<vmem>>, vector<1x64xf32>
    %mul3A_26 = vector.broadcast %get3A_25 : vector<1x64xf32> to vector<1024x64xf32>
    %mul3A_27 = arith.mulf %div3A_22, %mul3A_26 : vector<1024x64xf32>
    %get3A_28 = arith.constant 0 : index
    %get3A_29 = arith.constant 0 : index
    %get3A_30 = vector.load %arg5[%get3A_28, %get3A_29] : memref<1x64xf32, #tpu.memory_space<vmem>>, vector<1x64xf32>
    %add3A_31 = vector.broadcast %get3A_30 : vector<1x64xf32> to vector<1024x64xf32>
    %add3A_32 = arith.addf %mul3A_27, %add3A_31 : vector<1024x64xf32>
    %max3A = arith.constant 0.000000e+00 : f32
    %max3A_33 = vector.broadcast %max3A : f32 to vector<1024x64xf32>
    %max3A_34 = arith.maximumf %add3A_32, %max3A_33 : vector<1024x64xf32>
    %swap3A = arith.constant 0 : index
    %swap3A_35 = arith.constant 0 : index
    %swap3A_36 = vector.load %arg6[%swap3A, %swap3A_35] : memref<1024x64xf32, #tpu.memory_space<vmem>>, vector<1024x64xf32>
    tpu.vector_store %arg6[%swap3A, %swap3A_35], %max3A_34 {strides = array<i32>} : memref<1024x64xf32, #tpu.memory_space<vmem>>, vector<1024x64xf32>,
    return
  }
  func.func @transform_0(%arg0: i32) -> (i32, i32) {
    %c0_i32 = arith.constant 0 : i32
    %c0_i32_0 = arith.constant 0 : i32
    return %arg0, %c0_i32 : i32, i32
  }
  func.func @transform_1(%arg0: i32) -> (i32, i32) {
    %c0_i32 = arith.constant 0 : i32
    %c0_i32_0 = arith.constant 0 : i32
    return %arg0, %c0_i32 : i32, i32
  }
  func.func @transform_2(%arg0: i32) -> (i32, i32) {
    %c0_i32 = arith.constant 0 : i32
    %c0_i32_0 = arith.constant 0 : i32
    %c0_i32_1 = arith.constant 0 : i32
    return %c0_i32, %c0_i32_0 : i32, i32
  }
  func.func @transform_3(%arg0: i32) -> (i32, i32) {
    %c0_i32 = arith.constant 0 : i32
    %c0_i32_0 = arith.constant 0 : i32
    %c0_i32_1 = arith.constant 0 : i32
    return %c0_i32, %c0_i32_0 : i32, i32
  }
  func.func @transform_4(%arg0: i32) -> (i32, i32) {
    %c0_i32 = arith.constant 0 : i32
    %c0_i32_0 = arith.constant 0 : i32
    %c0_i32_1 = arith.constant 0 : i32
    return %c0_i32, %c0_i32_0 : i32, i32
  }
  func.func @transform_5(%arg0: i32) -> (i32, i32) {
    %c0_i32 = arith.constant 0 : i32
    %c0_i32_0 = arith.constant 0 : i32
    return %arg0, %c0_i32 : i32, i32
  }
}

module attributes {stable_mosaic.version = 14 : i64} {
  func.func @_topk_body(%arg0: i32, %arg1: i32, %arg2: memref<1x512x64xf32, #tpu.memory_space<vmem>>, %arg3: memref<1x64x1024xf32, #tpu.memory_space<vmem>>, %arg4: memref<1x512x1xf32, #tpu.memory_space<vmem>>, %arg5: memref<1x1x1024xf32, #tpu.memory_space<vmem>>, %arg6: memref<1x20x512xi32, #tpu.memory_space<vmem>>) attributes {dimension_semantics = [#tpu.dimension_semantics<arbitrary>, #tpu.dimension_semantics<arbitrary>], iteration_bounds = array<i64: 4, 2>, scalar_prefetch = 0 : i64, scratch_operands = 0 : i64, tpu.core_type = #tpu.core_type<tc>, window_params = [{transform_indices = @transform_0, window_bounds = array<i64: 1, 512, 64>}, {transform_indices = @transform_1, window_bounds = array<i64: 1, 64, 1024>}, {transform_indices = @transform_2, window_bounds = array<i64: 1, 512, 1>}, {transform_indices = @transform_3, window_bounds = array<i64: 1, 1, 1024>}, {transform_indices = @transform_4, window_bounds = array<i64: 1, 20, 512>}]} {
    %get3A = arith.constant 0 : index
    %get3A_0 = arith.constant 0 : index
    %get3A_1 = arith.constant 0 : index
    %get3A_2 = vector.load %arg2[%get3A, %get3A_0, %get3A_1] : memref<1x512x64xf32, #tpu.memory_space<vmem>>, vector<1x512x64xf32>
    %get3A_3 = vector.shape_cast %get3A_2 : vector<1x512x64xf32> to vector<512x64xf32>
    %get3A_4 = arith.constant 0 : index
    %get3A_5 = arith.constant 0 : index
    %get3A_6 = arith.constant 0 : index
    %get3A_7 = vector.load %arg3[%get3A_4, %get3A_5, %get3A_6] : memref<1x64x1024xf32, #tpu.memory_space<vmem>>, vector<1x64x1024xf32>
    %get3A_8 = vector.shape_cast %get3A_7 : vector<1x64x1024xf32> to vector<64x1024xf32>
    %convert_element_type3A = arith.truncf %get3A_3 : vector<512x64xf32> to vector<512x64xbf16>
    %convert_element_type3A_9 = arith.truncf %get3A_8 : vector<64x1024xf32> to vector<64x1024xbf16>
    %dot_general3A = arith.constant dense<0.000000e+00> : vector<512x1024xf32>
    %dot_general3A_10 = tpu.matmul %convert_element_type3A, %convert_element_type3A_9, %dot_general3A {dimension_numbers = #tpu.dot_dimension_numbers<[1], [0], [0], [1], [0, 0, 1, 1], [], []>, transpose_lhs_hint = false} : vector<512x64xbf16>, vector<64x1024xbf16>, vector<512x1024xf32> -> vector<512x1024xf32>
    %mul3A = arith.constant 2.000000e+00 : f32
    %mul3A_11 = vector.broadcast %mul3A : f32 to vector<512x1024xf32>
    %mul3A_12 = arith.mulf %mul3A_11, %dot_general3A_10 : vector<512x1024xf32>
    %get3A_13 = arith.constant 0 : index
    %get3A_14 = arith.constant 0 : index
    %get3A_15 = arith.constant 0 : index
    %get3A_16 = vector.load %arg4[%get3A_13, %get3A_14, %get3A_15] : memref<1x512x1xf32, #tpu.memory_space<vmem>>, vector<1x512x1xf32>
    %get3A_17 = vector.shape_cast %get3A_16 : vector<1x512x1xf32> to vector<512x1xf32>
    %get3A_18 = arith.constant 0 : index
    %get3A_19 = arith.constant 0 : index
    %get3A_20 = arith.constant 0 : index
    %get3A_21 = vector.load %arg5[%get3A_18, %get3A_19, %get3A_20] : memref<1x1x1024xf32, #tpu.memory_space<vmem>>, vector<1x1x1024xf32>
    %get3A_22 = vector.shape_cast %get3A_21 : vector<1x1x1024xf32> to vector<1x1024xf32>
    %sub3A = vector.broadcast %get3A_17 : vector<512x1xf32> to vector<512x1024xf32>
    %sub3A_23 = arith.subf %mul3A_12, %sub3A : vector<512x1024xf32>
    %sub3A_24 = vector.broadcast %get3A_22 : vector<1x1024xf32> to vector<512x1024xf32>
    %sub3A_25 = arith.subf %sub3A_23, %sub3A_24 : vector<512x1024xf32>
    %iota3A = tpu.iota {dimensions = array<i32: 1>} : vector<512x1024xi32>
    %iota3A_26 = tpu.iota {dimensions = array<i32: 1>} : vector<512x20xi32>
    %broadcast_in_dim3A = arith.constant 0 : i32
    %broadcast_in_dim3A_27 = vector.broadcast %broadcast_in_dim3A : i32 to vector<512x20xi32>
    %argmax3A = tpu.reduce_index %sub3A_25 {axis = 1 : i32, kind = #tpu.reduction_kind<arg_max>} : vector<512x1024xf32> -> vector<512xi32>
    %broadcast_in_dim3A_28 = vector.shape_cast %argmax3A : vector<512xi32> to vector<512x1xi32>
    %eq3A = arith.constant 0 : i32
    %eq3A_29 = vector.broadcast %eq3A : i32 to vector<512x20xi32>
    %eq3A_30 = arith.cmpi eq, %iota3A_26, %eq3A_29 : vector<512x20xi32>
    %broadcast_in_dim3A_31 = vector.shape_cast %broadcast_in_dim3A_28 : vector<512x1xi32> to vector<512x1xi32>
    %broadcast_in_dim3A_32 = vector.broadcast %broadcast_in_dim3A_31 : vector<512x1xi32> to vector<512x20xi32>
    %select_n3A = arith.select %eq3A_30, %broadcast_in_dim3A_32, %broadcast_in_dim3A_27 : vector<512x20xi1>, vector<512x20xi32>
    %eq3A_33 = vector.broadcast %broadcast_in_dim3A_28 : vector<512x1xi32> to vector<512x1024xi32>
    %eq3A_34 = arith.cmpi eq, %iota3A, %eq3A_33 : vector<512x1024xi32>
    %jit3A = arith.constant 0xFF800000 : f32
    %broadcast_in_dim3A_35 = vector.broadcast %jit3A : f32 to vector<512x1024xf32>
    %select_n3A_36 = arith.select %eq3A_34, %broadcast_in_dim3A_35, %sub3A_25 : vector<512x1024xi1>, vector<512x1024xf32>
    %argmax3A_37 = tpu.reduce_index %select_n3A_36 {axis = 1 : i32, kind = #tpu.reduction_kind<arg_max>} : vector<512x1024xf32> -> vector<512xi32>
    %broadcast_in_dim3A_38 = vector.shape_cast %argmax3A_37 : vector<512xi32> to vector<512x1xi32>
    %eq3A_39 = arith.constant 1 : i32
    %eq3A_40 = vector.broadcast %eq3A_39 : i32 to vector<512x20xi32>
    %eq3A_41 = arith.cmpi eq, %iota3A_26, %eq3A_40 : vector<512x20xi32>
    %broadcast_in_dim3A_42 = vector.shape_cast %broadcast_in_dim3A_38 : vector<512x1xi32> to vector<512x1xi32>
    %broadcast_in_dim3A_43 = vector.broadcast %broadcast_in_dim3A_42 : vector<512x1xi32> to vector<512x20xi32>
    %select_n3A_44 = arith.select %eq3A_41, %broadcast_in_dim3A_43, %select_n3A : vector<512x20xi1>, vector<512x20xi32>
    %eq3A_45 = vector.broadcast %broadcast_in_dim3A_38 : vector<512x1xi32> to vector<512x1024xi32>
    %eq3A_46 = arith.cmpi eq, %iota3A, %eq3A_45 : vector<512x1024xi32>
    %jit3A_47 = arith.constant 0xFF800000 : f32
    %broadcast_in_dim3A_48 = vector.broadcast %jit3A_47 : f32 to vector<512x1024xf32>
    %select_n3A_49 = arith.select %eq3A_46, %broadcast_in_dim3A_48, %select_n3A_36 : vector<512x1024xi1>, vector<512x1024xf32>
    %argmax3A_50 = tpu.reduce_index %select_n3A_49 {axis = 1 : i32, kind = #tpu.reduction_kind<arg_max>} : vector<512x1024xf32> -> vector<512xi32>
    %broadcast_in_dim3A_51 = vector.shape_cast %argmax3A_50 : vector<512xi32> to vector<512x1xi32>
    %eq3A_52 = arith.constant 2 : i32
    %eq3A_53 = vector.broadcast %eq3A_52 : i32 to vector<512x20xi32>
    %eq3A_54 = arith.cmpi eq, %iota3A_26, %eq3A_53 : vector<512x20xi32>
    %broadcast_in_dim3A_55 = vector.shape_cast %broadcast_in_dim3A_51 : vector<512x1xi32> to vector<512x1xi32>
    %broadcast_in_dim3A_56 = vector.broadcast %broadcast_in_dim3A_55 : vector<512x1xi32> to vector<512x20xi32>
    %select_n3A_57 = arith.select %eq3A_54, %broadcast_in_dim3A_56, %select_n3A_44 : vector<512x20xi1>, vector<512x20xi32>
    %eq3A_58 = vector.broadcast %broadcast_in_dim3A_51 : vector<512x1xi32> to vector<512x1024xi32>
    %eq3A_59 = arith.cmpi eq, %iota3A, %eq3A_58 : vector<512x1024xi32>
    %jit3A_60 = arith.constant 0xFF800000 : f32
    %broadcast_in_dim3A_61 = vector.broadcast %jit3A_60 : f32 to vector<512x1024xf32>
    %select_n3A_62 = arith.select %eq3A_59, %broadcast_in_dim3A_61, %select_n3A_49 : vector<512x1024xi1>, vector<512x1024xf32>
    %argmax3A_63 = tpu.reduce_index %select_n3A_62 {axis = 1 : i32, kind = #tpu.reduction_kind<arg_max>} : vector<512x1024xf32> -> vector<512xi32>
    %broadcast_in_dim3A_64 = vector.shape_cast %argmax3A_63 : vector<512xi32> to vector<512x1xi32>
    %eq3A_65 = arith.constant 3 : i32
    %eq3A_66 = vector.broadcast %eq3A_65 : i32 to vector<512x20xi32>
    %eq3A_67 = arith.cmpi eq, %iota3A_26, %eq3A_66 : vector<512x20xi32>
    %broadcast_in_dim3A_68 = vector.shape_cast %broadcast_in_dim3A_64 : vector<512x1xi32> to vector<512x1xi32>
    %broadcast_in_dim3A_69 = vector.broadcast %broadcast_in_dim3A_68 : vector<512x1xi32> to vector<512x20xi32>
    %select_n3A_70 = arith.select %eq3A_67, %broadcast_in_dim3A_69, %select_n3A_57 : vector<512x20xi1>, vector<512x20xi32>
    %eq3A_71 = vector.broadcast %broadcast_in_dim3A_64 : vector<512x1xi32> to vector<512x1024xi32>
    %eq3A_72 = arith.cmpi eq, %iota3A, %eq3A_71 : vector<512x1024xi32>
    %jit3A_73 = arith.constant 0xFF800000 : f32
    %broadcast_in_dim3A_74 = vector.broadcast %jit3A_73 : f32 to vector<512x1024xf32>
    %select_n3A_75 = arith.select %eq3A_72, %broadcast_in_dim3A_74, %select_n3A_62 : vector<512x1024xi1>, vector<512x1024xf32>
    %argmax3A_76 = tpu.reduce_index %select_n3A_75 {axis = 1 : i32, kind = #tpu.reduction_kind<arg_max>} : vector<512x1024xf32> -> vector<512xi32>
    %broadcast_in_dim3A_77 = vector.shape_cast %argmax3A_76 : vector<512xi32> to vector<512x1xi32>
    %eq3A_78 = arith.constant 4 : i32
    %eq3A_79 = vector.broadcast %eq3A_78 : i32 to vector<512x20xi32>
    %eq3A_80 = arith.cmpi eq, %iota3A_26, %eq3A_79 : vector<512x20xi32>
    %broadcast_in_dim3A_81 = vector.shape_cast %broadcast_in_dim3A_77 : vector<512x1xi32> to vector<512x1xi32>
    %broadcast_in_dim3A_82 = vector.broadcast %broadcast_in_dim3A_81 : vector<512x1xi32> to vector<512x20xi32>
    %select_n3A_83 = arith.select %eq3A_80, %broadcast_in_dim3A_82, %select_n3A_70 : vector<512x20xi1>, vector<512x20xi32>
    %eq3A_84 = vector.broadcast %broadcast_in_dim3A_77 : vector<512x1xi32> to vector<512x1024xi32>
    %eq3A_85 = arith.cmpi eq, %iota3A, %eq3A_84 : vector<512x1024xi32>
    %jit3A_86 = arith.constant 0xFF800000 : f32
    %broadcast_in_dim3A_87 = vector.broadcast %jit3A_86 : f32 to vector<512x1024xf32>
    %select_n3A_88 = arith.select %eq3A_85, %broadcast_in_dim3A_87, %select_n3A_75 : vector<512x1024xi1>, vector<512x1024xf32>
    %argmax3A_89 = tpu.reduce_index %select_n3A_88 {axis = 1 : i32, kind = #tpu.reduction_kind<arg_max>} : vector<512x1024xf32> -> vector<512xi32>
    %broadcast_in_dim3A_90 = vector.shape_cast %argmax3A_89 : vector<512xi32> to vector<512x1xi32>
    %eq3A_91 = arith.constant 5 : i32
    %eq3A_92 = vector.broadcast %eq3A_91 : i32 to vector<512x20xi32>
    %eq3A_93 = arith.cmpi eq, %iota3A_26, %eq3A_92 : vector<512x20xi32>
    %broadcast_in_dim3A_94 = vector.shape_cast %broadcast_in_dim3A_90 : vector<512x1xi32> to vector<512x1xi32>
    %broadcast_in_dim3A_95 = vector.broadcast %broadcast_in_dim3A_94 : vector<512x1xi32> to vector<512x20xi32>
    %select_n3A_96 = arith.select %eq3A_93, %broadcast_in_dim3A_95, %select_n3A_83 : vector<512x20xi1>, vector<512x20xi32>
    %eq3A_97 = vector.broadcast %broadcast_in_dim3A_90 : vector<512x1xi32> to vector<512x1024xi32>
    %eq3A_98 = arith.cmpi eq, %iota3A, %eq3A_97 : vector<512x1024xi32>
    %jit3A_99 = arith.constant 0xFF800000 : f32
    %broadcast_in_dim3A_100 = vector.broadcast %jit3A_99 : f32 to vector<512x1024xf32>
    %select_n3A_101 = arith.select %eq3A_98, %broadcast_in_dim3A_100, %select_n3A_88 : vector<512x1024xi1>, vector<512x1024xf32>
    %argmax3A_102 = tpu.reduce_index %select_n3A_101 {axis = 1 : i32, kind = #tpu.reduction_kind<arg_max>} : vector<512x1024xf32> -> vector<512xi32>
    %broadcast_in_dim3A_103 = vector.shape_cast %argmax3A_102 : vector<512xi32> to vector<512x1xi32>
    %eq3A_104 = arith.constant 6 : i32
    %eq3A_105 = vector.broadcast %eq3A_104 : i32 to vector<512x20xi32>
    %eq3A_106 = arith.cmpi eq, %iota3A_26, %eq3A_105 : vector<512x20xi32>
    %broadcast_in_dim3A_107 = vector.shape_cast %broadcast_in_dim3A_103 : vector<512x1xi32> to vector<512x1xi32>
    %broadcast_in_dim3A_108 = vector.broadcast %broadcast_in_dim3A_107 : vector<512x1xi32> to vector<512x20xi32>
    %select_n3A_109 = arith.select %eq3A_106, %broadcast_in_dim3A_108, %select_n3A_96 : vector<512x20xi1>, vector<512x20xi32>
    %eq3A_110 = vector.broadcast %broadcast_in_dim3A_103 : vector<512x1xi32> to vector<512x1024xi32>
    %eq3A_111 = arith.cmpi eq, %iota3A, %eq3A_110 : vector<512x1024xi32>
    %jit3A_112 = arith.constant 0xFF800000 : f32
    %broadcast_in_dim3A_113 = vector.broadcast %jit3A_112 : f32 to vector<512x1024xf32>
    %select_n3A_114 = arith.select %eq3A_111, %broadcast_in_dim3A_113, %select_n3A_101 : vector<512x1024xi1>, vector<512x1024xf32>
    %argmax3A_115 = tpu.reduce_index %select_n3A_114 {axis = 1 : i32, kind = #tpu.reduction_kind<arg_max>} : vector<512x1024xf32> -> vector<512xi32>
    %broadcast_in_dim3A_116 = vector.shape_cast %argmax3A_115 : vector<512xi32> to vector<512x1xi32>
    %eq3A_117 = arith.constant 7 : i32
    %eq3A_118 = vector.broadcast %eq3A_117 : i32 to vector<512x20xi32>
    %eq3A_119 = arith.cmpi eq, %iota3A_26, %eq3A_118 : vector<512x20xi32>
    %broadcast_in_dim3A_120 = vector.shape_cast %broadcast_in_dim3A_116 : vector<512x1xi32> to vector<512x1xi32>
    %broadcast_in_dim3A_121 = vector.broadcast %broadcast_in_dim3A_120 : vector<512x1xi32> to vector<512x20xi32>
    %select_n3A_122 = arith.select %eq3A_119, %broadcast_in_dim3A_121, %select_n3A_109 : vector<512x20xi1>, vector<512x20xi32>
    %eq3A_123 = vector.broadcast %broadcast_in_dim3A_116 : vector<512x1xi32> to vector<512x1024xi32>
    %eq3A_124 = arith.cmpi eq, %iota3A, %eq3A_123 : vector<512x1024xi32>
    %jit3A_125 = arith.constant 0xFF800000 : f32
    %broadcast_in_dim3A_126 = vector.broadcast %jit3A_125 : f32 to vector<512x1024xf32>
    %select_n3A_127 = arith.select %eq3A_124, %broadcast_in_dim3A_126, %select_n3A_114 : vector<512x1024xi1>, vector<512x1024xf32>
    %argmax3A_128 = tpu.reduce_index %select_n3A_127 {axis = 1 : i32, kind = #tpu.reduction_kind<arg_max>} : vector<512x1024xf32> -> vector<512xi32>
    %broadcast_in_dim3A_129 = vector.shape_cast %argmax3A_128 : vector<512xi32> to vector<512x1xi32>
    %eq3A_130 = arith.constant 8 : i32
    %eq3A_131 = vector.broadcast %eq3A_130 : i32 to vector<512x20xi32>
    %eq3A_132 = arith.cmpi eq, %iota3A_26, %eq3A_131 : vector<512x20xi32>
    %broadcast_in_dim3A_133 = vector.shape_cast %broadcast_in_dim3A_129 : vector<512x1xi32> to vector<512x1xi32>
    %broadcast_in_dim3A_134 = vector.broadcast %broadcast_in_dim3A_133 : vector<512x1xi32> to vector<512x20xi32>
    %select_n3A_135 = arith.select %eq3A_132, %broadcast_in_dim3A_134, %select_n3A_122 : vector<512x20xi1>, vector<512x20xi32>
    %eq3A_136 = vector.broadcast %broadcast_in_dim3A_129 : vector<512x1xi32> to vector<512x1024xi32>
    %eq3A_137 = arith.cmpi eq, %iota3A, %eq3A_136 : vector<512x1024xi32>
    %jit3A_138 = arith.constant 0xFF800000 : f32
    %broadcast_in_dim3A_139 = vector.broadcast %jit3A_138 : f32 to vector<512x1024xf32>
    %select_n3A_140 = arith.select %eq3A_137, %broadcast_in_dim3A_139, %select_n3A_127 : vector<512x1024xi1>, vector<512x1024xf32>
    %argmax3A_141 = tpu.reduce_index %select_n3A_140 {axis = 1 : i32, kind = #tpu.reduction_kind<arg_max>} : vector<512x1024xf32> -> vector<512xi32>
    %broadcast_in_dim3A_142 = vector.shape_cast %argmax3A_141 : vector<512xi32> to vector<512x1xi32>
    %eq3A_143 = arith.constant 9 : i32
    %eq3A_144 = vector.broadcast %eq3A_143 : i32 to vector<512x20xi32>
    %eq3A_145 = arith.cmpi eq, %iota3A_26, %eq3A_144 : vector<512x20xi32>
    %broadcast_in_dim3A_146 = vector.shape_cast %broadcast_in_dim3A_142 : vector<512x1xi32> to vector<512x1xi32>
    %broadcast_in_dim3A_147 = vector.broadcast %broadcast_in_dim3A_146 : vector<512x1xi32> to vector<512x20xi32>
    %select_n3A_148 = arith.select %eq3A_145, %broadcast_in_dim3A_147, %select_n3A_135 : vector<512x20xi1>, vector<512x20xi32>
    %eq3A_149 = vector.broadcast %broadcast_in_dim3A_142 : vector<512x1xi32> to vector<512x1024xi32>
    %eq3A_150 = arith.cmpi eq, %iota3A, %eq3A_149 : vector<512x1024xi32>
    %jit3A_151 = arith.constant 0xFF800000 : f32
    %broadcast_in_dim3A_152 = vector.broadcast %jit3A_151 : f32 to vector<512x1024xf32>
    %select_n3A_153 = arith.select %eq3A_150, %broadcast_in_dim3A_152, %select_n3A_140 : vector<512x1024xi1>, vector<512x1024xf32>
    %argmax3A_154 = tpu.reduce_index %select_n3A_153 {axis = 1 : i32, kind = #tpu.reduction_kind<arg_max>} : vector<512x1024xf32> -> vector<512xi32>
    %broadcast_in_dim3A_155 = vector.shape_cast %argmax3A_154 : vector<512xi32> to vector<512x1xi32>
    %eq3A_156 = arith.constant 10 : i32
    %eq3A_157 = vector.broadcast %eq3A_156 : i32 to vector<512x20xi32>
    %eq3A_158 = arith.cmpi eq, %iota3A_26, %eq3A_157 : vector<512x20xi32>
    %broadcast_in_dim3A_159 = vector.shape_cast %broadcast_in_dim3A_155 : vector<512x1xi32> to vector<512x1xi32>
    %broadcast_in_dim3A_160 = vector.broadcast %broadcast_in_dim3A_159 : vector<512x1xi32> to vector<512x20xi32>
    %select_n3A_161 = arith.select %eq3A_158, %broadcast_in_dim3A_160, %select_n3A_148 : vector<512x20xi1>, vector<512x20xi32>
    %eq3A_162 = vector.broadcast %broadcast_in_dim3A_155 : vector<512x1xi32> to vector<512x1024xi32>
    %eq3A_163 = arith.cmpi eq, %iota3A, %eq3A_162 : vector<512x1024xi32>
    %jit3A_164 = arith.constant 0xFF800000 : f32
    %broadcast_in_dim3A_165 = vector.broadcast %jit3A_164 : f32 to vector<512x1024xf32>
    %select_n3A_166 = arith.select %eq3A_163, %broadcast_in_dim3A_165, %select_n3A_153 : vector<512x1024xi1>, vector<512x1024xf32>
    %argmax3A_167 = tpu.reduce_index %select_n3A_166 {axis = 1 : i32, kind = #tpu.reduction_kind<arg_max>} : vector<512x1024xf32> -> vector<512xi32>
    %broadcast_in_dim3A_168 = vector.shape_cast %argmax3A_167 : vector<512xi32> to vector<512x1xi32>
    %eq3A_169 = arith.constant 11 : i32
    %eq3A_170 = vector.broadcast %eq3A_169 : i32 to vector<512x20xi32>
    %eq3A_171 = arith.cmpi eq, %iota3A_26, %eq3A_170 : vector<512x20xi32>
    %broadcast_in_dim3A_172 = vector.shape_cast %broadcast_in_dim3A_168 : vector<512x1xi32> to vector<512x1xi32>
    %broadcast_in_dim3A_173 = vector.broadcast %broadcast_in_dim3A_172 : vector<512x1xi32> to vector<512x20xi32>
    %select_n3A_174 = arith.select %eq3A_171, %broadcast_in_dim3A_173, %select_n3A_161 : vector<512x20xi1>, vector<512x20xi32>
    %eq3A_175 = vector.broadcast %broadcast_in_dim3A_168 : vector<512x1xi32> to vector<512x1024xi32>
    %eq3A_176 = arith.cmpi eq, %iota3A, %eq3A_175 : vector<512x1024xi32>
    %jit3A_177 = arith.constant 0xFF800000 : f32
    %broadcast_in_dim3A_178 = vector.broadcast %jit3A_177 : f32 to vector<512x1024xf32>
    %select_n3A_179 = arith.select %eq3A_176, %broadcast_in_dim3A_178, %select_n3A_166 : vector<512x1024xi1>, vector<512x1024xf32>
    %argmax3A_180 = tpu.reduce_index %select_n3A_179 {axis = 1 : i32, kind = #tpu.reduction_kind<arg_max>} : vector<512x1024xf32> -> vector<512xi32>
    %broadcast_in_dim3A_181 = vector.shape_cast %argmax3A_180 : vector<512xi32> to vector<512x1xi32>
    %eq3A_182 = arith.constant 12 : i32
    %eq3A_183 = vector.broadcast %eq3A_182 : i32 to vector<512x20xi32>
    %eq3A_184 = arith.cmpi eq, %iota3A_26, %eq3A_183 : vector<512x20xi32>
    %broadcast_in_dim3A_185 = vector.shape_cast %broadcast_in_dim3A_181 : vector<512x1xi32> to vector<512x1xi32>
    %broadcast_in_dim3A_186 = vector.broadcast %broadcast_in_dim3A_185 : vector<512x1xi32> to vector<512x20xi32>
    %select_n3A_187 = arith.select %eq3A_184, %broadcast_in_dim3A_186, %select_n3A_174 : vector<512x20xi1>, vector<512x20xi32>
    %eq3A_188 = vector.broadcast %broadcast_in_dim3A_181 : vector<512x1xi32> to vector<512x1024xi32>
    %eq3A_189 = arith.cmpi eq, %iota3A, %eq3A_188 : vector<512x1024xi32>
    %jit3A_190 = arith.constant 0xFF800000 : f32
    %broadcast_in_dim3A_191 = vector.broadcast %jit3A_190 : f32 to vector<512x1024xf32>
    %select_n3A_192 = arith.select %eq3A_189, %broadcast_in_dim3A_191, %select_n3A_179 : vector<512x1024xi1>, vector<512x1024xf32>
    %argmax3A_193 = tpu.reduce_index %select_n3A_192 {axis = 1 : i32, kind = #tpu.reduction_kind<arg_max>} : vector<512x1024xf32> -> vector<512xi32>
    %broadcast_in_dim3A_194 = vector.shape_cast %argmax3A_193 : vector<512xi32> to vector<512x1xi32>
    %eq3A_195 = arith.constant 13 : i32
    %eq3A_196 = vector.broadcast %eq3A_195 : i32 to vector<512x20xi32>
    %eq3A_197 = arith.cmpi eq, %iota3A_26, %eq3A_196 : vector<512x20xi32>
    %broadcast_in_dim3A_198 = vector.shape_cast %broadcast_in_dim3A_194 : vector<512x1xi32> to vector<512x1xi32>
    %broadcast_in_dim3A_199 = vector.broadcast %broadcast_in_dim3A_198 : vector<512x1xi32> to vector<512x20xi32>
    %select_n3A_200 = arith.select %eq3A_197, %broadcast_in_dim3A_199, %select_n3A_187 : vector<512x20xi1>, vector<512x20xi32>
    %eq3A_201 = vector.broadcast %broadcast_in_dim3A_194 : vector<512x1xi32> to vector<512x1024xi32>
    %eq3A_202 = arith.cmpi eq, %iota3A, %eq3A_201 : vector<512x1024xi32>
    %jit3A_203 = arith.constant 0xFF800000 : f32
    %broadcast_in_dim3A_204 = vector.broadcast %jit3A_203 : f32 to vector<512x1024xf32>
    %select_n3A_205 = arith.select %eq3A_202, %broadcast_in_dim3A_204, %select_n3A_192 : vector<512x1024xi1>, vector<512x1024xf32>
    %argmax3A_206 = tpu.reduce_index %select_n3A_205 {axis = 1 : i32, kind = #tpu.reduction_kind<arg_max>} : vector<512x1024xf32> -> vector<512xi32>
    %broadcast_in_dim3A_207 = vector.shape_cast %argmax3A_206 : vector<512xi32> to vector<512x1xi32>
    %eq3A_208 = arith.constant 14 : i32
    %eq3A_209 = vector.broadcast %eq3A_208 : i32 to vector<512x20xi32>
    %eq3A_210 = arith.cmpi eq, %iota3A_26, %eq3A_209 : vector<512x20xi32>
    %broadcast_in_dim3A_211 = vector.shape_cast %broadcast_in_dim3A_207 : vector<512x1xi32> to vector<512x1xi32>
    %broadcast_in_dim3A_212 = vector.broadcast %broadcast_in_dim3A_211 : vector<512x1xi32> to vector<512x20xi32>
    %select_n3A_213 = arith.select %eq3A_210, %broadcast_in_dim3A_212, %select_n3A_200 : vector<512x20xi1>, vector<512x20xi32>
    %eq3A_214 = vector.broadcast %broadcast_in_dim3A_207 : vector<512x1xi32> to vector<512x1024xi32>
    %eq3A_215 = arith.cmpi eq, %iota3A, %eq3A_214 : vector<512x1024xi32>
    %jit3A_216 = arith.constant 0xFF800000 : f32
    %broadcast_in_dim3A_217 = vector.broadcast %jit3A_216 : f32 to vector<512x1024xf32>
    %select_n3A_218 = arith.select %eq3A_215, %broadcast_in_dim3A_217, %select_n3A_205 : vector<512x1024xi1>, vector<512x1024xf32>
    %argmax3A_219 = tpu.reduce_index %select_n3A_218 {axis = 1 : i32, kind = #tpu.reduction_kind<arg_max>} : vector<512x1024xf32> -> vector<512xi32>
    %broadcast_in_dim3A_220 = vector.shape_cast %argmax3A_219 : vector<512xi32> to vector<512x1xi32>
    %eq3A_221 = arith.constant 15 : i32
    %eq3A_222 = vector.broadcast %eq3A_221 : i32 to vector<512x20xi32>
    %eq3A_223 = arith.cmpi eq, %iota3A_26, %eq3A_222 : vector<512x20xi32>
    %broadcast_in_dim3A_224 = vector.shape_cast %broadcast_in_dim3A_220 : vector<512x1xi32> to vector<512x1xi32>
    %broadcast_in_dim3A_225 = vector.broadcast %broadcast_in_dim3A_224 : vector<512x1xi32> to vector<512x20xi32>
    %select_n3A_226 = arith.select %eq3A_223, %broadcast_in_dim3A_225, %select_n3A_213 : vector<512x20xi1>, vector<512x20xi32>
    %eq3A_227 = vector.broadcast %broadcast_in_dim3A_220 : vector<512x1xi32> to vector<512x1024xi32>
    %eq3A_228 = arith.cmpi eq, %iota3A, %eq3A_227 : vector<512x1024xi32>
    %jit3A_229 = arith.constant 0xFF800000 : f32
    %broadcast_in_dim3A_230 = vector.broadcast %jit3A_229 : f32 to vector<512x1024xf32>
    %select_n3A_231 = arith.select %eq3A_228, %broadcast_in_dim3A_230, %select_n3A_218 : vector<512x1024xi1>, vector<512x1024xf32>
    %argmax3A_232 = tpu.reduce_index %select_n3A_231 {axis = 1 : i32, kind = #tpu.reduction_kind<arg_max>} : vector<512x1024xf32> -> vector<512xi32>
    %broadcast_in_dim3A_233 = vector.shape_cast %argmax3A_232 : vector<512xi32> to vector<512x1xi32>
    %eq3A_234 = arith.constant 16 : i32
    %eq3A_235 = vector.broadcast %eq3A_234 : i32 to vector<512x20xi32>
    %eq3A_236 = arith.cmpi eq, %iota3A_26, %eq3A_235 : vector<512x20xi32>
    %broadcast_in_dim3A_237 = vector.shape_cast %broadcast_in_dim3A_233 : vector<512x1xi32> to vector<512x1xi32>
    %broadcast_in_dim3A_238 = vector.broadcast %broadcast_in_dim3A_237 : vector<512x1xi32> to vector<512x20xi32>
    %select_n3A_239 = arith.select %eq3A_236, %broadcast_in_dim3A_238, %select_n3A_226 : vector<512x20xi1>, vector<512x20xi32>
    %eq3A_240 = vector.broadcast %broadcast_in_dim3A_233 : vector<512x1xi32> to vector<512x1024xi32>
    %eq3A_241 = arith.cmpi eq, %iota3A, %eq3A_240 : vector<512x1024xi32>
    %jit3A_242 = arith.constant 0xFF800000 : f32
    %broadcast_in_dim3A_243 = vector.broadcast %jit3A_242 : f32 to vector<512x1024xf32>
    %select_n3A_244 = arith.select %eq3A_241, %broadcast_in_dim3A_243, %select_n3A_231 : vector<512x1024xi1>, vector<512x1024xf32>
    %argmax3A_245 = tpu.reduce_index %select_n3A_244 {axis = 1 : i32, kind = #tpu.reduction_kind<arg_max>} : vector<512x1024xf32> -> vector<512xi32>
    %broadcast_in_dim3A_246 = vector.shape_cast %argmax3A_245 : vector<512xi32> to vector<512x1xi32>
    %eq3A_247 = arith.constant 17 : i32
    %eq3A_248 = vector.broadcast %eq3A_247 : i32 to vector<512x20xi32>
    %eq3A_249 = arith.cmpi eq, %iota3A_26, %eq3A_248 : vector<512x20xi32>
    %broadcast_in_dim3A_250 = vector.shape_cast %broadcast_in_dim3A_246 : vector<512x1xi32> to vector<512x1xi32>
    %broadcast_in_dim3A_251 = vector.broadcast %broadcast_in_dim3A_250 : vector<512x1xi32> to vector<512x20xi32>
    %select_n3A_252 = arith.select %eq3A_249, %broadcast_in_dim3A_251, %select_n3A_239 : vector<512x20xi1>, vector<512x20xi32>
    %eq3A_253 = vector.broadcast %broadcast_in_dim3A_246 : vector<512x1xi32> to vector<512x1024xi32>
    %eq3A_254 = arith.cmpi eq, %iota3A, %eq3A_253 : vector<512x1024xi32>
    %jit3A_255 = arith.constant 0xFF800000 : f32
    %broadcast_in_dim3A_256 = vector.broadcast %jit3A_255 : f32 to vector<512x1024xf32>
    %select_n3A_257 = arith.select %eq3A_254, %broadcast_in_dim3A_256, %select_n3A_244 : vector<512x1024xi1>, vector<512x1024xf32>
    %argmax3A_258 = tpu.reduce_index %select_n3A_257 {axis = 1 : i32, kind = #tpu.reduction_kind<arg_max>} : vector<512x1024xf32> -> vector<512xi32>
    %broadcast_in_dim3A_259 = vector.shape_cast %argmax3A_258 : vector<512xi32> to vector<512x1xi32>
    %eq3A_260 = arith.constant 18 : i32
    %eq3A_261 = vector.broadcast %eq3A_260 : i32 to vector<512x20xi32>
    %eq3A_262 = arith.cmpi eq, %iota3A_26, %eq3A_261 : vector<512x20xi32>
    %broadcast_in_dim3A_263 = vector.shape_cast %broadcast_in_dim3A_259 : vector<512x1xi32> to vector<512x1xi32>
    %broadcast_in_dim3A_264 = vector.broadcast %broadcast_in_dim3A_263 : vector<512x1xi32> to vector<512x20xi32>
    %select_n3A_265 = arith.select %eq3A_262, %broadcast_in_dim3A_264, %select_n3A_252 : vector<512x20xi1>, vector<512x20xi32>
    %eq3A_266 = vector.broadcast %broadcast_in_dim3A_259 : vector<512x1xi32> to vector<512x1024xi32>
    %eq3A_267 = arith.cmpi eq, %iota3A, %eq3A_266 : vector<512x1024xi32>
    %jit3A_268 = arith.constant 0xFF800000 : f32
    %broadcast_in_dim3A_269 = vector.broadcast %jit3A_268 : f32 to vector<512x1024xf32>
    %select_n3A_270 = arith.select %eq3A_267, %broadcast_in_dim3A_269, %select_n3A_257 : vector<512x1024xi1>, vector<512x1024xf32>
    %argmax3A_271 = tpu.reduce_index %select_n3A_270 {axis = 1 : i32, kind = #tpu.reduction_kind<arg_max>} : vector<512x1024xf32> -> vector<512xi32>
    %broadcast_in_dim3A_272 = vector.shape_cast %argmax3A_271 : vector<512xi32> to vector<512x1xi32>
    %eq3A_273 = arith.constant 19 : i32
    %eq3A_274 = vector.broadcast %eq3A_273 : i32 to vector<512x20xi32>
    %eq3A_275 = arith.cmpi eq, %iota3A_26, %eq3A_274 : vector<512x20xi32>
    %broadcast_in_dim3A_276 = vector.shape_cast %broadcast_in_dim3A_272 : vector<512x1xi32> to vector<512x1xi32>
    %broadcast_in_dim3A_277 = vector.broadcast %broadcast_in_dim3A_276 : vector<512x1xi32> to vector<512x20xi32>
    %select_n3A_278 = arith.select %eq3A_275, %broadcast_in_dim3A_277, %select_n3A_265 : vector<512x20xi1>, vector<512x20xi32>
    %transpose3A = tpu.transpose %select_n3A_278, [1, 0] : vector<512x20xi32> -> vector<20x512xi32>
    %mul3A_279 = arith.constant 1024 : i32
    %mul3A_280 = arith.muli %arg0, %mul3A_279 : i32
    %add3A = vector.broadcast %mul3A_280 : i32 to vector<20x512xi32>
    %add3A_281 = arith.addi %transpose3A, %add3A : vector<20x512xi32>
    %swap3A = arith.constant 0 : index
    %swap3A_282 = arith.constant 0 : index
    %swap3A_283 = arith.constant 0 : index
    %swap3A_284 = vector.load %arg6[%swap3A, %swap3A_282, %swap3A_283] : memref<1x20x512xi32, #tpu.memory_space<vmem>>, vector<1x20x512xi32>
    %swap3A_285 = vector.shape_cast %swap3A_284 : vector<1x20x512xi32> to vector<20x512xi32>
    %swap3A_286 = vector.shape_cast %add3A_281 : vector<20x512xi32> to vector<1x20x512xi32>
    tpu.vector_store %arg6[%swap3A, %swap3A_282, %swap3A_283], %swap3A_286 {strides = array<i32>} : memref<1x20x512xi32, #tpu.memory_space<vmem>>, vector<1x20x512xi32>,
    return
  }
  func.func @transform_0(%arg0: i32, %arg1: i32) -> (i32, i32, i32) {
    %c0_i32 = arith.constant 0 : i32
    %c0_i32_0 = arith.constant 0 : i32
    return %arg0, %arg1, %c0_i32 : i32, i32, i32
  }
  func.func @transform_1(%arg0: i32, %arg1: i32) -> (i32, i32, i32) {
    %c0_i32 = arith.constant 0 : i32
    %c0_i32_0 = arith.constant 0 : i32
    %c0_i32_1 = arith.constant 0 : i32
    return %arg0, %c0_i32, %c0_i32_0 : i32, i32, i32
  }
  func.func @transform_2(%arg0: i32, %arg1: i32) -> (i32, i32, i32) {
    %c0_i32 = arith.constant 0 : i32
    %c0_i32_0 = arith.constant 0 : i32
    return %arg0, %arg1, %c0_i32 : i32, i32, i32
  }
  func.func @transform_3(%arg0: i32, %arg1: i32) -> (i32, i32, i32) {
    %c0_i32 = arith.constant 0 : i32
    %c0_i32_0 = arith.constant 0 : i32
    %c0_i32_1 = arith.constant 0 : i32
    return %arg0, %c0_i32, %c0_i32_0 : i32, i32, i32
  }
  func.func @transform_4(%arg0: i32, %arg1: i32) -> (i32, i32, i32) {
    %c0_i32 = arith.constant 0 : i32
    %c0_i32_0 = arith.constant 0 : i32
    return %arg0, %c0_i32, %arg1 : i32, i32, i32
  }
}

module attributes {stable_mosaic.version = 14 : i64} {
  func.func @_econv_body(%arg0: i32, %arg1: i32, %arg2: memref<1x20x256x64xf32, #tpu.memory_space<vmem>>, %arg3: memref<1x256x64xf32, #tpu.memory_space<vmem>>, %arg4: memref<64x128xf32, #tpu.memory_space<vmem>>, %arg5: memref<64x128xf32, #tpu.memory_space<vmem>>, %arg6: memref<1x128xf32, #tpu.memory_space<vmem>>, %arg7: memref<1x256x128xf32, #tpu.memory_space<vmem>>, %arg8: memref<1x256x128xf32, #tpu.memory_space<vmem>>, %arg9: memref<8x128xf32, #tpu.memory_space<vmem>>) attributes {dimension_semantics = [#tpu.dimension_semantics<arbitrary>, #tpu.dimension_semantics<arbitrary>], iteration_bounds = array<i64: 4, 4>, scalar_prefetch = 0 : i64, scratch_operands = 0 : i64, tpu.core_type = #tpu.core_type<tc>, window_params = [{transform_indices = @transform_0, window_bounds = array<i64: 1, 20, 256, 64>}, {transform_indices = @transform_1, window_bounds = array<i64: 1, 256, 64>}, {pipeline_mode = #tpu.pipeline_mode<synchronous>, transform_indices = @transform_2, window_bounds = array<i64: 64, 128>}, {pipeline_mode = #tpu.pipeline_mode<synchronous>, transform_indices = @transform_3, window_bounds = array<i64: 64, 128>}, {pipeline_mode = #tpu.pipeline_mode<synchronous>, transform_indices = @transform_4, window_bounds = array<i64: 1, 128>}, {transform_indices = @transform_5, window_bounds = array<i64: 1, 256, 128>}, {transform_indices = @transform_6, window_bounds = array<i64: 1, 256, 128>}, {pipeline_mode = #tpu.pipeline_mode<synchronous>, transform_indices = @transform_7, window_bounds = array<i64: 8, 128>}]} {
    %get3A = arith.constant 0 : index
    %get3A_0 = arith.constant 0 : index
    %get3A_1 = arith.constant 0 : index
    %get3A_2 = vector.load %arg3[%get3A, %get3A_0, %get3A_1] : memref<1x256x64xf32, #tpu.memory_space<vmem>>, vector<1x256x64xf32>
    %get3A_3 = vector.shape_cast %get3A_2 : vector<1x256x64xf32> to vector<256x64xf32>
    %get3A_4 = arith.constant 0 : index
    %get3A_5 = arith.constant 0 : index
    %get3A_6 = vector.load %arg4[%get3A_4, %get3A_5] : memref<64x128xf32, #tpu.memory_space<vmem>>, vector<64x128xf32>
    %convert_element_type3A = arith.truncf %get3A_6 : vector<64x128xf32> to vector<64x128xbf16>
    %get3A_7 = arith.constant 0 : index
    %get3A_8 = arith.constant 0 : index
    %get3A_9 = arith.constant 0 : index
    %get3A_10 = arith.constant 0 : index
    %get3A_11 = vector.load %arg2[%get3A_7, %get3A_8, %get3A_9, %get3A_10] : memref<1x20x256x64xf32, #tpu.memory_space<vmem>>, vector<1x1x256x64xf32>
    %get3A_12 = vector.shape_cast %get3A_11 : vector<1x1x256x64xf32> to vector<256x64xf32>
    %sub3A = arith.subf %get3A_12, %get3A_3 : vector<256x64xf32>
    %convert_element_type3A_13 = arith.truncf %sub3A : vector<256x64xf32> to vector<256x64xbf16>
    %dot_general3A = arith.constant dense<0.000000e+00> : vector<256x128xf32>
    %dot_general3A_14 = tpu.matmul %convert_element_type3A_13, %convert_element_type3A, %dot_general3A {dimension_numbers = #tpu.dot_dimension_numbers<[1], [0], [0], [1], [0, 0, 1, 1], [], []>, transpose_lhs_hint = false} : vector<256x64xbf16>, vector<64x128xbf16>, vector<256x128xf32> -> vector<256x128xf32>
    %mul3A = arith.mulf %dot_general3A_14, %dot_general3A_14 : vector<256x128xf32>
    %get3A_15 = arith.constant 0 : index
    %get3A_16 = arith.constant 1 : index
    %get3A_17 = arith.constant 0 : index
    %get3A_18 = arith.constant 0 : index
    %get3A_19 = vector.load %arg2[%get3A_15, %get3A_16, %get3A_17, %get3A_18] : memref<1x20x256x64xf32, #tpu.memory_space<vmem>>, vector<1x1x256x64xf32>
    %get3A_20 = vector.shape_cast %get3A_19 : vector<1x1x256x64xf32> to vector<256x64xf32>
    %sub3A_21 = arith.subf %get3A_20, %get3A_3 : vector<256x64xf32>
    %convert_element_type3A_22 = arith.truncf %sub3A_21 : vector<256x64xf32> to vector<256x64xbf16>
    %dot_general3A_23 = arith.constant dense<0.000000e+00> : vector<256x128xf32>
    %dot_general3A_24 = tpu.matmul %convert_element_type3A_22, %convert_element_type3A, %dot_general3A_23 {dimension_numbers = #tpu.dot_dimension_numbers<[1], [0], [0], [1], [0, 0, 1, 1], [], []>, transpose_lhs_hint = false} : vector<256x64xbf16>, vector<64x128xbf16>, vector<256x128xf32> -> vector<256x128xf32>
    %add3A = arith.addf %dot_general3A_14, %dot_general3A_24 : vector<256x128xf32>
    %mul3A_25 = arith.mulf %dot_general3A_24, %dot_general3A_24 : vector<256x128xf32>
    %add3A_26 = arith.addf %mul3A, %mul3A_25 : vector<256x128xf32>
    %max3A = arith.maximumf %dot_general3A_14, %dot_general3A_24 : vector<256x128xf32>
    %get3A_27 = arith.constant 0 : index
    %get3A_28 = arith.constant 2 : index
    %get3A_29 = arith.constant 0 : index
    %get3A_30 = arith.constant 0 : index
    %get3A_31 = vector.load %arg2[%get3A_27, %get3A_28, %get3A_29, %get3A_30] : memref<1x20x256x64xf32, #tpu.memory_space<vmem>>, vector<1x1x256x64xf32>
    %get3A_32 = vector.shape_cast %get3A_31 : vector<1x1x256x64xf32> to vector<256x64xf32>
    %sub3A_33 = arith.subf %get3A_32, %get3A_3 : vector<256x64xf32>
    %convert_element_type3A_34 = arith.truncf %sub3A_33 : vector<256x64xf32> to vector<256x64xbf16>
    %dot_general3A_35 = arith.constant dense<0.000000e+00> : vector<256x128xf32>
    %dot_general3A_36 = tpu.matmul %convert_element_type3A_34, %convert_element_type3A, %dot_general3A_35 {dimension_numbers = #tpu.dot_dimension_numbers<[1], [0], [0], [1], [0, 0, 1, 1], [], []>, transpose_lhs_hint = false} : vector<256x64xbf16>, vector<64x128xbf16>, vector<256x128xf32> -> vector<256x128xf32>
    %add3A_37 = arith.addf %add3A, %dot_general3A_36 : vector<256x128xf32>
    %mul3A_38 = arith.mulf %dot_general3A_36, %dot_general3A_36 : vector<256x128xf32>
    %add3A_39 = arith.addf %add3A_26, %mul3A_38 : vector<256x128xf32>
    %max3A_40 = arith.maximumf %max3A, %dot_general3A_36 : vector<256x128xf32>
    %get3A_41 = arith.constant 0 : index
    %get3A_42 = arith.constant 3 : index
    %get3A_43 = arith.constant 0 : index
    %get3A_44 = arith.constant 0 : index
    %get3A_45 = vector.load %arg2[%get3A_41, %get3A_42, %get3A_43, %get3A_44] : memref<1x20x256x64xf32, #tpu.memory_space<vmem>>, vector<1x1x256x64xf32>
    %get3A_46 = vector.shape_cast %get3A_45 : vector<1x1x256x64xf32> to vector<256x64xf32>
    %sub3A_47 = arith.subf %get3A_46, %get3A_3 : vector<256x64xf32>
    %convert_element_type3A_48 = arith.truncf %sub3A_47 : vector<256x64xf32> to vector<256x64xbf16>
    %dot_general3A_49 = arith.constant dense<0.000000e+00> : vector<256x128xf32>
    %dot_general3A_50 = tpu.matmul %convert_element_type3A_48, %convert_element_type3A, %dot_general3A_49 {dimension_numbers = #tpu.dot_dimension_numbers<[1], [0], [0], [1], [0, 0, 1, 1], [], []>, transpose_lhs_hint = false} : vector<256x64xbf16>, vector<64x128xbf16>, vector<256x128xf32> -> vector<256x128xf32>
    %add3A_51 = arith.addf %add3A_37, %dot_general3A_50 : vector<256x128xf32>
    %mul3A_52 = arith.mulf %dot_general3A_50, %dot_general3A_50 : vector<256x128xf32>
    %add3A_53 = arith.addf %add3A_39, %mul3A_52 : vector<256x128xf32>
    %max3A_54 = arith.maximumf %max3A_40, %dot_general3A_50 : vector<256x128xf32>
    %get3A_55 = arith.constant 0 : index
    %get3A_56 = arith.constant 4 : index
    %get3A_57 = arith.constant 0 : index
    %get3A_58 = arith.constant 0 : index
    %get3A_59 = vector.load %arg2[%get3A_55, %get3A_56, %get3A_57, %get3A_58] : memref<1x20x256x64xf32, #tpu.memory_space<vmem>>, vector<1x1x256x64xf32>
    %get3A_60 = vector.shape_cast %get3A_59 : vector<1x1x256x64xf32> to vector<256x64xf32>
    %sub3A_61 = arith.subf %get3A_60, %get3A_3 : vector<256x64xf32>
    %convert_element_type3A_62 = arith.truncf %sub3A_61 : vector<256x64xf32> to vector<256x64xbf16>
    %dot_general3A_63 = arith.constant dense<0.000000e+00> : vector<256x128xf32>
    %dot_general3A_64 = tpu.matmul %convert_element_type3A_62, %convert_element_type3A, %dot_general3A_63 {dimension_numbers = #tpu.dot_dimension_numbers<[1], [0], [0], [1], [0, 0, 1, 1], [], []>, transpose_lhs_hint = false} : vector<256x64xbf16>, vector<64x128xbf16>, vector<256x128xf32> -> vector<256x128xf32>
    %add3A_65 = arith.addf %add3A_51, %dot_general3A_64 : vector<256x128xf32>
    %mul3A_66 = arith.mulf %dot_general3A_64, %dot_general3A_64 : vector<256x128xf32>
    %add3A_67 = arith.addf %add3A_53, %mul3A_66 : vector<256x128xf32>
    %max3A_68 = arith.maximumf %max3A_54, %dot_general3A_64 : vector<256x128xf32>
    %get3A_69 = arith.constant 0 : index
    %get3A_70 = arith.constant 5 : index
    %get3A_71 = arith.constant 0 : index
    %get3A_72 = arith.constant 0 : index
    %get3A_73 = vector.load %arg2[%get3A_69, %get3A_70, %get3A_71, %get3A_72] : memref<1x20x256x64xf32, #tpu.memory_space<vmem>>, vector<1x1x256x64xf32>
    %get3A_74 = vector.shape_cast %get3A_73 : vector<1x1x256x64xf32> to vector<256x64xf32>
    %sub3A_75 = arith.subf %get3A_74, %get3A_3 : vector<256x64xf32>
    %convert_element_type3A_76 = arith.truncf %sub3A_75 : vector<256x64xf32> to vector<256x64xbf16>
    %dot_general3A_77 = arith.constant dense<0.000000e+00> : vector<256x128xf32>
    %dot_general3A_78 = tpu.matmul %convert_element_type3A_76, %convert_element_type3A, %dot_general3A_77 {dimension_numbers = #tpu.dot_dimension_numbers<[1], [0], [0], [1], [0, 0, 1, 1], [], []>, transpose_lhs_hint = false} : vector<256x64xbf16>, vector<64x128xbf16>, vector<256x128xf32> -> vector<256x128xf32>
    %add3A_79 = arith.addf %add3A_65, %dot_general3A_78 : vector<256x128xf32>
    %mul3A_80 = arith.mulf %dot_general3A_78, %dot_general3A_78 : vector<256x128xf32>
    %add3A_81 = arith.addf %add3A_67, %mul3A_80 : vector<256x128xf32>
    %max3A_82 = arith.maximumf %max3A_68, %dot_general3A_78 : vector<256x128xf32>
    %get3A_83 = arith.constant 0 : index
    %get3A_84 = arith.constant 6 : index
    %get3A_85 = arith.constant 0 : index
    %get3A_86 = arith.constant 0 : index
    %get3A_87 = vector.load %arg2[%get3A_83, %get3A_84, %get3A_85, %get3A_86] : memref<1x20x256x64xf32, #tpu.memory_space<vmem>>, vector<1x1x256x64xf32>
    %get3A_88 = vector.shape_cast %get3A_87 : vector<1x1x256x64xf32> to vector<256x64xf32>
    %sub3A_89 = arith.subf %get3A_88, %get3A_3 : vector<256x64xf32>
    %convert_element_type3A_90 = arith.truncf %sub3A_89 : vector<256x64xf32> to vector<256x64xbf16>
    %dot_general3A_91 = arith.constant dense<0.000000e+00> : vector<256x128xf32>
    %dot_general3A_92 = tpu.matmul %convert_element_type3A_90, %convert_element_type3A, %dot_general3A_91 {dimension_numbers = #tpu.dot_dimension_numbers<[1], [0], [0], [1], [0, 0, 1, 1], [], []>, transpose_lhs_hint = false} : vector<256x64xbf16>, vector<64x128xbf16>, vector<256x128xf32> -> vector<256x128xf32>
    %add3A_93 = arith.addf %add3A_79, %dot_general3A_92 : vector<256x128xf32>
    %mul3A_94 = arith.mulf %dot_general3A_92, %dot_general3A_92 : vector<256x128xf32>
    %add3A_95 = arith.addf %add3A_81, %mul3A_94 : vector<256x128xf32>
    %max3A_96 = arith.maximumf %max3A_82, %dot_general3A_92 : vector<256x128xf32>
    %get3A_97 = arith.constant 0 : index
    %get3A_98 = arith.constant 7 : index
    %get3A_99 = arith.constant 0 : index
    %get3A_100 = arith.constant 0 : index
    %get3A_101 = vector.load %arg2[%get3A_97, %get3A_98, %get3A_99, %get3A_100] : memref<1x20x256x64xf32, #tpu.memory_space<vmem>>, vector<1x1x256x64xf32>
    %get3A_102 = vector.shape_cast %get3A_101 : vector<1x1x256x64xf32> to vector<256x64xf32>
    %sub3A_103 = arith.subf %get3A_102, %get3A_3 : vector<256x64xf32>
    %convert_element_type3A_104 = arith.truncf %sub3A_103 : vector<256x64xf32> to vector<256x64xbf16>
    %dot_general3A_105 = arith.constant dense<0.000000e+00> : vector<256x128xf32>
    %dot_general3A_106 = tpu.matmul %convert_element_type3A_104, %convert_element_type3A, %dot_general3A_105 {dimension_numbers = #tpu.dot_dimension_numbers<[1], [0], [0], [1], [0, 0, 1, 1], [], []>, transpose_lhs_hint = false} : vector<256x64xbf16>, vector<64x128xbf16>, vector<256x128xf32> -> vector<256x128xf32>
    %add3A_107 = arith.addf %add3A_93, %dot_general3A_106 : vector<256x128xf32>
    %mul3A_108 = arith.mulf %dot_general3A_106, %dot_general3A_106 : vector<256x128xf32>
    %add3A_109 = arith.addf %add3A_95, %mul3A_108 : vector<256x128xf32>
    %max3A_110 = arith.maximumf %max3A_96, %dot_general3A_106 : vector<256x128xf32>
    %get3A_111 = arith.constant 0 : index
    %get3A_112 = arith.constant 8 : index
    %get3A_113 = arith.constant 0 : index
    %get3A_114 = arith.constant 0 : index
    %get3A_115 = vector.load %arg2[%get3A_111, %get3A_112, %get3A_113, %get3A_114] : memref<1x20x256x64xf32, #tpu.memory_space<vmem>>, vector<1x1x256x64xf32>
    %get3A_116 = vector.shape_cast %get3A_115 : vector<1x1x256x64xf32> to vector<256x64xf32>
    %sub3A_117 = arith.subf %get3A_116, %get3A_3 : vector<256x64xf32>
    %convert_element_type3A_118 = arith.truncf %sub3A_117 : vector<256x64xf32> to vector<256x64xbf16>
    %dot_general3A_119 = arith.constant dense<0.000000e+00> : vector<256x128xf32>
    %dot_general3A_120 = tpu.matmul %convert_element_type3A_118, %convert_element_type3A, %dot_general3A_119 {dimension_numbers = #tpu.dot_dimension_numbers<[1], [0], [0], [1], [0, 0, 1, 1], [], []>, transpose_lhs_hint = false} : vector<256x64xbf16>, vector<64x128xbf16>, vector<256x128xf32> -> vector<256x128xf32>
    %add3A_121 = arith.addf %add3A_107, %dot_general3A_120 : vector<256x128xf32>
    %mul3A_122 = arith.mulf %dot_general3A_120, %dot_general3A_120 : vector<256x128xf32>
    %add3A_123 = arith.addf %add3A_109, %mul3A_122 : vector<256x128xf32>
    %max3A_124 = arith.maximumf %max3A_110, %dot_general3A_120 : vector<256x128xf32>
    %get3A_125 = arith.constant 0 : index
    %get3A_126 = arith.constant 9 : index
    %get3A_127 = arith.constant 0 : index
    %get3A_128 = arith.constant 0 : index
    %get3A_129 = vector.load %arg2[%get3A_125, %get3A_126, %get3A_127, %get3A_128] : memref<1x20x256x64xf32, #tpu.memory_space<vmem>>, vector<1x1x256x64xf32>
    %get3A_130 = vector.shape_cast %get3A_129 : vector<1x1x256x64xf32> to vector<256x64xf32>
    %sub3A_131 = arith.subf %get3A_130, %get3A_3 : vector<256x64xf32>
    %convert_element_type3A_132 = arith.truncf %sub3A_131 : vector<256x64xf32> to vector<256x64xbf16>
    %dot_general3A_133 = arith.constant dense<0.000000e+00> : vector<256x128xf32>
    %dot_general3A_134 = tpu.matmul %convert_element_type3A_132, %convert_element_type3A, %dot_general3A_133 {dimension_numbers = #tpu.dot_dimension_numbers<[1], [0], [0], [1], [0, 0, 1, 1], [], []>, transpose_lhs_hint = false} : vector<256x64xbf16>, vector<64x128xbf16>, vector<256x128xf32> -> vector<256x128xf32>
    %add3A_135 = arith.addf %add3A_121, %dot_general3A_134 : vector<256x128xf32>
    %mul3A_136 = arith.mulf %dot_general3A_134, %dot_general3A_134 : vector<256x128xf32>
    %add3A_137 = arith.addf %add3A_123, %mul3A_136 : vector<256x128xf32>
    %max3A_138 = arith.maximumf %max3A_124, %dot_general3A_134 : vector<256x128xf32>
    %get3A_139 = arith.constant 0 : index
    %get3A_140 = arith.constant 10 : index
    %get3A_141 = arith.constant 0 : index
    %get3A_142 = arith.constant 0 : index
    %get3A_143 = vector.load %arg2[%get3A_139, %get3A_140, %get3A_141, %get3A_142] : memref<1x20x256x64xf32, #tpu.memory_space<vmem>>, vector<1x1x256x64xf32>
    %get3A_144 = vector.shape_cast %get3A_143 : vector<1x1x256x64xf32> to vector<256x64xf32>
    %sub3A_145 = arith.subf %get3A_144, %get3A_3 : vector<256x64xf32>
    %convert_element_type3A_146 = arith.truncf %sub3A_145 : vector<256x64xf32> to vector<256x64xbf16>
    %dot_general3A_147 = arith.constant dense<0.000000e+00> : vector<256x128xf32>
    %dot_general3A_148 = tpu.matmul %convert_element_type3A_146, %convert_element_type3A, %dot_general3A_147 {dimension_numbers = #tpu.dot_dimension_numbers<[1], [0], [0], [1], [0, 0, 1, 1], [], []>, transpose_lhs_hint = false} : vector<256x64xbf16>, vector<64x128xbf16>, vector<256x128xf32> -> vector<256x128xf32>
    %add3A_149 = arith.addf %add3A_135, %dot_general3A_148 : vector<256x128xf32>
    %mul3A_150 = arith.mulf %dot_general3A_148, %dot_general3A_148 : vector<256x128xf32>
    %add3A_151 = arith.addf %add3A_137, %mul3A_150 : vector<256x128xf32>
    %max3A_152 = arith.maximumf %max3A_138, %dot_general3A_148 : vector<256x128xf32>
    %get3A_153 = arith.constant 0 : index
    %get3A_154 = arith.constant 11 : index
    %get3A_155 = arith.constant 0 : index
    %get3A_156 = arith.constant 0 : index
    %get3A_157 = vector.load %arg2[%get3A_153, %get3A_154, %get3A_155, %get3A_156] : memref<1x20x256x64xf32, #tpu.memory_space<vmem>>, vector<1x1x256x64xf32>
    %get3A_158 = vector.shape_cast %get3A_157 : vector<1x1x256x64xf32> to vector<256x64xf32>
    %sub3A_159 = arith.subf %get3A_158, %get3A_3 : vector<256x64xf32>
    %convert_element_type3A_160 = arith.truncf %sub3A_159 : vector<256x64xf32> to vector<256x64xbf16>
    %dot_general3A_161 = arith.constant dense<0.000000e+00> : vector<256x128xf32>
    %dot_general3A_162 = tpu.matmul %convert_element_type3A_160, %convert_element_type3A, %dot_general3A_161 {dimension_numbers = #tpu.dot_dimension_numbers<[1], [0], [0], [1], [0, 0, 1, 1], [], []>, transpose_lhs_hint = false} : vector<256x64xbf16>, vector<64x128xbf16>, vector<256x128xf32> -> vector<256x128xf32>
    %add3A_163 = arith.addf %add3A_149, %dot_general3A_162 : vector<256x128xf32>
    %mul3A_164 = arith.mulf %dot_general3A_162, %dot_general3A_162 : vector<256x128xf32>
    %add3A_165 = arith.addf %add3A_151, %mul3A_164 : vector<256x128xf32>
    %max3A_166 = arith.maximumf %max3A_152, %dot_general3A_162 : vector<256x128xf32>
    %get3A_167 = arith.constant 0 : index
    %get3A_168 = arith.constant 12 : index
    %get3A_169 = arith.constant 0 : index
    %get3A_170 = arith.constant 0 : index
    %get3A_171 = vector.load %arg2[%get3A_167, %get3A_168, %get3A_169, %get3A_170] : memref<1x20x256x64xf32, #tpu.memory_space<vmem>>, vector<1x1x256x64xf32>
    %get3A_172 = vector.shape_cast %get3A_171 : vector<1x1x256x64xf32> to vector<256x64xf32>
    %sub3A_173 = arith.subf %get3A_172, %get3A_3 : vector<256x64xf32>
    %convert_element_type3A_174 = arith.truncf %sub3A_173 : vector<256x64xf32> to vector<256x64xbf16>
    %dot_general3A_175 = arith.constant dense<0.000000e+00> : vector<256x128xf32>
    %dot_general3A_176 = tpu.matmul %convert_element_type3A_174, %convert_element_type3A, %dot_general3A_175 {dimension_numbers = #tpu.dot_dimension_numbers<[1], [0], [0], [1], [0, 0, 1, 1], [], []>, transpose_lhs_hint = false} : vector<256x64xbf16>, vector<64x128xbf16>, vector<256x128xf32> -> vector<256x128xf32>
    %add3A_177 = arith.addf %add3A_163, %dot_general3A_176 : vector<256x128xf32>
    %mul3A_178 = arith.mulf %dot_general3A_176, %dot_general3A_176 : vector<256x128xf32>
    %add3A_179 = arith.addf %add3A_165, %mul3A_178 : vector<256x128xf32>
    %max3A_180 = arith.maximumf %max3A_166, %dot_general3A_176 : vector<256x128xf32>
    %get3A_181 = arith.constant 0 : index
    %get3A_182 = arith.constant 13 : index
    %get3A_183 = arith.constant 0 : index
    %get3A_184 = arith.constant 0 : index
    %get3A_185 = vector.load %arg2[%get3A_181, %get3A_182, %get3A_183, %get3A_184] : memref<1x20x256x64xf32, #tpu.memory_space<vmem>>, vector<1x1x256x64xf32>
    %get3A_186 = vector.shape_cast %get3A_185 : vector<1x1x256x64xf32> to vector<256x64xf32>
    %sub3A_187 = arith.subf %get3A_186, %get3A_3 : vector<256x64xf32>
    %convert_element_type3A_188 = arith.truncf %sub3A_187 : vector<256x64xf32> to vector<256x64xbf16>
    %dot_general3A_189 = arith.constant dense<0.000000e+00> : vector<256x128xf32>
    %dot_general3A_190 = tpu.matmul %convert_element_type3A_188, %convert_element_type3A, %dot_general3A_189 {dimension_numbers = #tpu.dot_dimension_numbers<[1], [0], [0], [1], [0, 0, 1, 1], [], []>, transpose_lhs_hint = false} : vector<256x64xbf16>, vector<64x128xbf16>, vector<256x128xf32> -> vector<256x128xf32>
    %add3A_191 = arith.addf %add3A_177, %dot_general3A_190 : vector<256x128xf32>
    %mul3A_192 = arith.mulf %dot_general3A_190, %dot_general3A_190 : vector<256x128xf32>
    %add3A_193 = arith.addf %add3A_179, %mul3A_192 : vector<256x128xf32>
    %max3A_194 = arith.maximumf %max3A_180, %dot_general3A_190 : vector<256x128xf32>
    %get3A_195 = arith.constant 0 : index
    %get3A_196 = arith.constant 14 : index
    %get3A_197 = arith.constant 0 : index
    %get3A_198 = arith.constant 0 : index
    %get3A_199 = vector.load %arg2[%get3A_195, %get3A_196, %get3A_197, %get3A_198] : memref<1x20x256x64xf32, #tpu.memory_space<vmem>>, vector<1x1x256x64xf32>
    %get3A_200 = vector.shape_cast %get3A_199 : vector<1x1x256x64xf32> to vector<256x64xf32>
    %sub3A_201 = arith.subf %get3A_200, %get3A_3 : vector<256x64xf32>
    %convert_element_type3A_202 = arith.truncf %sub3A_201 : vector<256x64xf32> to vector<256x64xbf16>
    %dot_general3A_203 = arith.constant dense<0.000000e+00> : vector<256x128xf32>
    %dot_general3A_204 = tpu.matmul %convert_element_type3A_202, %convert_element_type3A, %dot_general3A_203 {dimension_numbers = #tpu.dot_dimension_numbers<[1], [0], [0], [1], [0, 0, 1, 1], [], []>, transpose_lhs_hint = false} : vector<256x64xbf16>, vector<64x128xbf16>, vector<256x128xf32> -> vector<256x128xf32>
    %add3A_205 = arith.addf %add3A_191, %dot_general3A_204 : vector<256x128xf32>
    %mul3A_206 = arith.mulf %dot_general3A_204, %dot_general3A_204 : vector<256x128xf32>
    %add3A_207 = arith.addf %add3A_193, %mul3A_206 : vector<256x128xf32>
    %max3A_208 = arith.maximumf %max3A_194, %dot_general3A_204 : vector<256x128xf32>
    %get3A_209 = arith.constant 0 : index
    %get3A_210 = arith.constant 15 : index
    %get3A_211 = arith.constant 0 : index
    %get3A_212 = arith.constant 0 : index
    %get3A_213 = vector.load %arg2[%get3A_209, %get3A_210, %get3A_211, %get3A_212] : memref<1x20x256x64xf32, #tpu.memory_space<vmem>>, vector<1x1x256x64xf32>
    %get3A_214 = vector.shape_cast %get3A_213 : vector<1x1x256x64xf32> to vector<256x64xf32>
    %sub3A_215 = arith.subf %get3A_214, %get3A_3 : vector<256x64xf32>
    %convert_element_type3A_216 = arith.truncf %sub3A_215 : vector<256x64xf32> to vector<256x64xbf16>
    %dot_general3A_217 = arith.constant dense<0.000000e+00> : vector<256x128xf32>
    %dot_general3A_218 = tpu.matmul %convert_element_type3A_216, %convert_element_type3A, %dot_general3A_217 {dimension_numbers = #tpu.dot_dimension_numbers<[1], [0], [0], [1], [0, 0, 1, 1], [], []>, transpose_lhs_hint = false} : vector<256x64xbf16>, vector<64x128xbf16>, vector<256x128xf32> -> vector<256x128xf32>
    %add3A_219 = arith.addf %add3A_205, %dot_general3A_218 : vector<256x128xf32>
    %mul3A_220 = arith.mulf %dot_general3A_218, %dot_general3A_218 : vector<256x128xf32>
    %add3A_221 = arith.addf %add3A_207, %mul3A_220 : vector<256x128xf32>
    %max3A_222 = arith.maximumf %max3A_208, %dot_general3A_218 : vector<256x128xf32>
    %get3A_223 = arith.constant 0 : index
    %get3A_224 = arith.constant 16 : index
    %get3A_225 = arith.constant 0 : index
    %get3A_226 = arith.constant 0 : index
    %get3A_227 = vector.load %arg2[%get3A_223, %get3A_224, %get3A_225, %get3A_226] : memref<1x20x256x64xf32, #tpu.memory_space<vmem>>, vector<1x1x256x64xf32>
    %get3A_228 = vector.shape_cast %get3A_227 : vector<1x1x256x64xf32> to vector<256x64xf32>
    %sub3A_229 = arith.subf %get3A_228, %get3A_3 : vector<256x64xf32>
    %convert_element_type3A_230 = arith.truncf %sub3A_229 : vector<256x64xf32> to vector<256x64xbf16>
    %dot_general3A_231 = arith.constant dense<0.000000e+00> : vector<256x128xf32>
    %dot_general3A_232 = tpu.matmul %convert_element_type3A_230, %convert_element_type3A, %dot_general3A_231 {dimension_numbers = #tpu.dot_dimension_numbers<[1], [0], [0], [1], [0, 0, 1, 1], [], []>, transpose_lhs_hint = false} : vector<256x64xbf16>, vector<64x128xbf16>, vector<256x128xf32> -> vector<256x128xf32>
    %add3A_233 = arith.addf %add3A_219, %dot_general3A_232 : vector<256x128xf32>
    %mul3A_234 = arith.mulf %dot_general3A_232, %dot_general3A_232 : vector<256x128xf32>
    %add3A_235 = arith.addf %add3A_221, %mul3A_234 : vector<256x128xf32>
    %max3A_236 = arith.maximumf %max3A_222, %dot_general3A_232 : vector<256x128xf32>
    %get3A_237 = arith.constant 0 : index
    %get3A_238 = arith.constant 17 : index
    %get3A_239 = arith.constant 0 : index
    %get3A_240 = arith.constant 0 : index
    %get3A_241 = vector.load %arg2[%get3A_237, %get3A_238, %get3A_239, %get3A_240] : memref<1x20x256x64xf32, #tpu.memory_space<vmem>>, vector<1x1x256x64xf32>
    %get3A_242 = vector.shape_cast %get3A_241 : vector<1x1x256x64xf32> to vector<256x64xf32>
    %sub3A_243 = arith.subf %get3A_242, %get3A_3 : vector<256x64xf32>
    %convert_element_type3A_244 = arith.truncf %sub3A_243 : vector<256x64xf32> to vector<256x64xbf16>
    %dot_general3A_245 = arith.constant dense<0.000000e+00> : vector<256x128xf32>
    %dot_general3A_246 = tpu.matmul %convert_element_type3A_244, %convert_element_type3A, %dot_general3A_245 {dimension_numbers = #tpu.dot_dimension_numbers<[1], [0], [0], [1], [0, 0, 1, 1], [], []>, transpose_lhs_hint = false} : vector<256x64xbf16>, vector<64x128xbf16>, vector<256x128xf32> -> vector<256x128xf32>
    %add3A_247 = arith.addf %add3A_233, %dot_general3A_246 : vector<256x128xf32>
    %mul3A_248 = arith.mulf %dot_general3A_246, %dot_general3A_246 : vector<256x128xf32>
    %add3A_249 = arith.addf %add3A_235, %mul3A_248 : vector<256x128xf32>
    %max3A_250 = arith.maximumf %max3A_236, %dot_general3A_246 : vector<256x128xf32>
    %get3A_251 = arith.constant 0 : index
    %get3A_252 = arith.constant 18 : index
    %get3A_253 = arith.constant 0 : index
    %get3A_254 = arith.constant 0 : index
    %get3A_255 = vector.load %arg2[%get3A_251, %get3A_252, %get3A_253, %get3A_254] : memref<1x20x256x64xf32, #tpu.memory_space<vmem>>, vector<1x1x256x64xf32>
    %get3A_256 = vector.shape_cast %get3A_255 : vector<1x1x256x64xf32> to vector<256x64xf32>
    %sub3A_257 = arith.subf %get3A_256, %get3A_3 : vector<256x64xf32>
    %convert_element_type3A_258 = arith.truncf %sub3A_257 : vector<256x64xf32> to vector<256x64xbf16>
    %dot_general3A_259 = arith.constant dense<0.000000e+00> : vector<256x128xf32>
    %dot_general3A_260 = tpu.matmul %convert_element_type3A_258, %convert_element_type3A, %dot_general3A_259 {dimension_numbers = #tpu.dot_dimension_numbers<[1], [0], [0], [1], [0, 0, 1, 1], [], []>, transpose_lhs_hint = false} : vector<256x64xbf16>, vector<64x128xbf16>, vector<256x128xf32> -> vector<256x128xf32>
    %add3A_261 = arith.addf %add3A_247, %dot_general3A_260 : vector<256x128xf32>
    %mul3A_262 = arith.mulf %dot_general3A_260, %dot_general3A_260 : vector<256x128xf32>
    %add3A_263 = arith.addf %add3A_249, %mul3A_262 : vector<256x128xf32>
    %max3A_264 = arith.maximumf %max3A_250, %dot_general3A_260 : vector<256x128xf32>
    %get3A_265 = arith.constant 0 : index
    %get3A_266 = arith.constant 19 : index
    %get3A_267 = arith.constant 0 : index
    %get3A_268 = arith.constant 0 : index
    %get3A_269 = vector.load %arg2[%get3A_265, %get3A_266, %get3A_267, %get3A_268] : memref<1x20x256x64xf32, #tpu.memory_space<vmem>>, vector<1x1x256x64xf32>
    %get3A_270 = vector.shape_cast %get3A_269 : vector<1x1x256x64xf32> to vector<256x64xf32>
    %sub3A_271 = arith.subf %get3A_270, %get3A_3 : vector<256x64xf32>
    %convert_element_type3A_272 = arith.truncf %sub3A_271 : vector<256x64xf32> to vector<256x64xbf16>
    %dot_general3A_273 = arith.constant dense<0.000000e+00> : vector<256x128xf32>
    %dot_general3A_274 = tpu.matmul %convert_element_type3A_272, %convert_element_type3A, %dot_general3A_273 {dimension_numbers = #tpu.dot_dimension_numbers<[1], [0], [0], [1], [0, 0, 1, 1], [], []>, transpose_lhs_hint = false} : vector<256x64xbf16>, vector<64x128xbf16>, vector<256x128xf32> -> vector<256x128xf32>
    %add3A_275 = arith.addf %add3A_261, %dot_general3A_274 : vector<256x128xf32>
    %mul3A_276 = arith.mulf %dot_general3A_274, %dot_general3A_274 : vector<256x128xf32>
    %add3A_277 = arith.addf %add3A_263, %mul3A_276 : vector<256x128xf32>
    %max3A_278 = arith.maximumf %max3A_264, %dot_general3A_274 : vector<256x128xf32>
    %convert_element_type3A_279 = arith.truncf %get3A_3 : vector<256x64xf32> to vector<256x64xbf16>
    %get3A_280 = arith.constant 0 : index
    %get3A_281 = arith.constant 0 : index
    %get3A_282 = vector.load %arg5[%get3A_280, %get3A_281] : memref<64x128xf32, #tpu.memory_space<vmem>>, vector<64x128xf32>
    %convert_element_type3A_283 = arith.truncf %get3A_282 : vector<64x128xf32> to vector<64x128xbf16>
    %dot_general3A_284 = arith.constant dense<0.000000e+00> : vector<256x128xf32>
    %dot_general3A_285 = tpu.matmul %convert_element_type3A_279, %convert_element_type3A_283, %dot_general3A_284 {dimension_numbers = #tpu.dot_dimension_numbers<[1], [0], [0], [1], [0, 0, 1, 1], [], []>, transpose_lhs_hint = false} : vector<256x64xbf16>, vector<64x128xbf16>, vector<256x128xf32> -> vector<256x128xf32>
    %get3A_286 = arith.constant 0 : index
    %get3A_287 = arith.constant 0 : index
    %get3A_288 = vector.load %arg6[%get3A_286, %get3A_287] : memref<1x128xf32, #tpu.memory_space<vmem>>, vector<1x128xf32>
    %add3A_289 = vector.broadcast %get3A_288 : vector<1x128xf32> to vector<256x128xf32>
    %add3A_290 = arith.addf %dot_general3A_285, %add3A_289 : vector<256x128xf32>
    %swap3A = arith.constant 0 : index
    %swap3A_291 = arith.constant 0 : index
    %swap3A_292 = arith.constant 0 : index
    %swap3A_293 = vector.load %arg7[%swap3A, %swap3A_291, %swap3A_292] : memref<1x256x128xf32, #tpu.memory_space<vmem>>, vector<1x256x128xf32>
    %swap3A_294 = vector.shape_cast %swap3A_293 : vector<1x256x128xf32> to vector<256x128xf32>
    %swap3A_295 = vector.shape_cast %max3A_278 : vector<256x128xf32> to vector<1x256x128xf32>
    tpu.vector_store %arg7[%swap3A, %swap3A_291, %swap3A_292], %swap3A_295 {strides = array<i32>} : memref<1x256x128xf32, #tpu.memory_space<vmem>>, vector<1x256x128xf32>,
    %swap3A_296 = arith.constant 0 : index
    %swap3A_297 = arith.constant 0 : index
    %swap3A_298 = arith.constant 0 : index
    %swap3A_299 = vector.load %arg8[%swap3A_296, %swap3A_297, %swap3A_298] : memref<1x256x128xf32, #tpu.memory_space<vmem>>, vector<1x256x128xf32>
    %swap3A_300 = vector.shape_cast %swap3A_299 : vector<1x256x128xf32> to vector<256x128xf32>
    %swap3A_301 = vector.shape_cast %add3A_290 : vector<256x128xf32> to vector<1x256x128xf32>
    tpu.vector_store %arg8[%swap3A_296, %swap3A_297, %swap3A_298], %swap3A_301 {strides = array<i32>} : memref<1x256x128xf32, #tpu.memory_space<vmem>>, vector<1x256x128xf32>,
    %eq3A = arith.constant 0 : i32
    %eq3A_302 = arith.cmpi eq, %arg0, %eq3A : i32
    %eq3A_303 = arith.constant 0 : i32
    %eq3A_304 = arith.cmpi eq, %arg1, %eq3A_303 : i32
    %and3A = arith.andi %eq3A_302, %eq3A_304 : i1
    %convert_element_type3A_305 = arith.extui %and3A : i1 to i32
    %cond3A = arith.constant 0 : i32
    %cond3A_306 = arith.cmpi ne, %convert_element_type3A_305, %cond3A : i32
    scf.if %cond3A_306 {
      %broadcast_in_dim3A_339 = arith.constant 0.000000e+00 : f32
      %broadcast_in_dim3A_340 = vector.broadcast %broadcast_in_dim3A_339 : f32 to vector<8x128xf32>
      %swap3A_341 = arith.constant 0 : index
      %swap3A_342 = arith.constant 0 : index
      %swap3A_343 = vector.load %arg9[%swap3A_341, %swap3A_342] : memref<8x128xf32, #tpu.memory_space<vmem>>, vector<8x128xf32>
      tpu.vector_store %arg9[%swap3A_341, %swap3A_342], %broadcast_in_dim3A_340 {strides = array<i32>} : memref<8x128xf32, #tpu.memory_space<vmem>>, vector<8x128xf32>,
    } else {
    }
    %mul3A_307 = arith.constant 2.000000e+01 : f32
    %mul3A_308 = vector.broadcast %mul3A_307 : f32 to vector<256x128xf32>
    %mul3A_309 = arith.mulf %mul3A_308, %add3A_290 : vector<256x128xf32>
    %add3A_310 = arith.addf %add3A_275, %mul3A_309 : vector<256x128xf32>
    %reduce_sum3A = arith.constant dense<0.000000e+00> : vector<128xf32>
    %reduce_sum3A_311 = vector.multi_reduction <add>, %add3A_310, %reduce_sum3A [0] : vector<256x128xf32> to vector<128xf32>
    %mul3A_312 = arith.constant 2.000000e+00 : f32
    %mul3A_313 = vector.broadcast %mul3A_312 : f32 to vector<256x128xf32>
    %mul3A_314 = arith.mulf %mul3A_313, %add3A_290 : vector<256x128xf32>
    %mul3A_315 = arith.mulf %mul3A_314, %add3A_275 : vector<256x128xf32>
    %add3A_316 = arith.addf %add3A_277, %mul3A_315 : vector<256x128xf32>
    %mul3A_317 = arith.constant 2.000000e+01 : f32
    %mul3A_318 = vector.broadcast %mul3A_317 : f32 to vector<256x128xf32>
    %mul3A_319 = arith.mulf %mul3A_318, %add3A_290 : vector<256x128xf32>
    %mul3A_320 = arith.mulf %mul3A_319, %add3A_290 : vector<256x128xf32>
    %add3A_321 = arith.addf %add3A_316, %mul3A_320 : vector<256x128xf32>
    %reduce_sum3A_322 = arith.constant dense<0.000000e+00> : vector<128xf32>
    %reduce_sum3A_323 = vector.multi_reduction <add>, %add3A_321, %reduce_sum3A_322 [0] : vector<256x128xf32> to vector<128xf32>
    %get3A_324 = arith.constant 0 : index
    %get3A_325 = arith.constant 0 : index
    %get3A_326 = vector.load %arg9[%get3A_324, %get3A_325] : memref<8x128xf32, #tpu.memory_space<vmem>>, vector<1x128xf32>
    %broadcast_in_dim3A = vector.shape_cast %reduce_sum3A_311 : vector<128xf32> to vector<1x128xf32>
    %add3A_327 = arith.addf %get3A_326, %broadcast_in_dim3A : vector<1x128xf32>
    %swap3A_328 = arith.constant 0 : index
    %swap3A_329 = arith.constant 0 : index
    %swap3A_330 = vector.load %arg9[%swap3A_328, %swap3A_329] : memref<8x128xf32, #tpu.memory_space<vmem>>, vector<1x128xf32>
    tpu.vector_store %arg9[%swap3A_328, %swap3A_329], %add3A_327 {strides = array<i32>} : memref<8x128xf32, #tpu.memory_space<vmem>>, vector<1x128xf32>,
    %get3A_331 = arith.constant 1 : index
    %get3A_332 = arith.constant 0 : index
    %get3A_333 = vector.load %arg9[%get3A_331, %get3A_332] : memref<8x128xf32, #tpu.memory_space<vmem>>, vector<1x128xf32>
    %broadcast_in_dim3A_334 = vector.shape_cast %reduce_sum3A_323 : vector<128xf32> to vector<1x128xf32>
    %add3A_335 = arith.addf %get3A_333, %broadcast_in_dim3A_334 : vector<1x128xf32>
    %swap3A_336 = arith.constant 1 : index
    %swap3A_337 = arith.constant 0 : index
    %swap3A_338 = vector.load %arg9[%swap3A_336, %swap3A_337] : memref<8x128xf32, #tpu.memory_space<vmem>>, vector<1x128xf32>
    tpu.vector_store %arg9[%swap3A_336, %swap3A_337], %add3A_335 {strides = array<i32>} : memref<8x128xf32, #tpu.memory_space<vmem>>, vector<1x128xf32>,
    return
  }
  func.func @transform_0(%arg0: i32, %arg1: i32) -> (i32, i32, i32, i32) {
    %c0_i32 = arith.constant 0 : i32
    %c0_i32_0 = arith.constant 0 : i32
    %c0_i32_1 = arith.constant 0 : i32
    return %arg0, %c0_i32, %arg1, %c0_i32_0 : i32, i32, i32, i32
  }
  func.func @transform_1(%arg0: i32, %arg1: i32) -> (i32, i32, i32) {
    %c0_i32 = arith.constant 0 : i32
    %c0_i32_0 = arith.constant 0 : i32
    return %arg0, %arg1, %c0_i32 : i32, i32, i32
  }
  func.func @transform_2(%arg0: i32, %arg1: i32) -> (i32, i32) {
    %c0_i32 = arith.constant 0 : i32
    %c0_i32_0 = arith.constant 0 : i32
    %c0_i32_1 = arith.constant 0 : i32
    return %c0_i32, %c0_i32_0 : i32, i32
  }
  func.func @transform_3(%arg0: i32, %arg1: i32) -> (i32, i32) {
    %c0_i32 = arith.constant 0 : i32
    %c0_i32_0 = arith.constant 0 : i32
    %c0_i32_1 = arith.constant 0 : i32
    return %c0_i32, %c0_i32_0 : i32, i32
  }
  func.func @transform_4(%arg0: i32, %arg1: i32) -> (i32, i32) {
    %c0_i32 = arith.constant 0 : i32
    %c0_i32_0 = arith.constant 0 : i32
    %c0_i32_1 = arith.constant 0 : i32
    return %c0_i32, %c0_i32_0 : i32, i32
  }
  func.func @transform_5(%arg0: i32, %arg1: i32) -> (i32, i32, i32) {
    %c0_i32 = arith.constant 0 : i32
    %c0_i32_0 = arith.constant 0 : i32
    return %arg0, %arg1, %c0_i32 : i32, i32, i32
  }
  func.func @transform_6(%arg0: i32, %arg1: i32) -> (i32, i32, i32) {
    %c0_i32 = arith.constant 0 : i32
    %c0_i32_0 = arith.constant 0 : i32
    return %arg0, %arg1, %c0_i32 : i32, i32, i32
  }
  func.func @transform_7(%arg0: i32, %arg1: i32) -> (i32, i32) {
    %c0_i32 = arith.constant 0 : i32
    %c0_i32_0 = arith.constant 0 : i32
    %c0_i32_1 = arith.constant 0 : i32
    return %c0_i32, %c0_i32_0 : i32, i32
  }
}

module attributes {stable_mosaic.version = 14 : i64} {
  func.func @_apply_body(%arg0: i32, %arg1: memref<1024x128xf32, #tpu.memory_space<vmem>>, %arg2: memref<1024x128xf32, #tpu.memory_space<vmem>>, %arg3: memref<8x128xf32, #tpu.memory_space<vmem>>, %arg4: memref<1x128xf32, #tpu.memory_space<vmem>>, %arg5: memref<1x128xf32, #tpu.memory_space<vmem>>, %arg6: memref<1024x128xf32, #tpu.memory_space<vmem>>) attributes {dimension_semantics = [#tpu.dimension_semantics<arbitrary>], iteration_bounds = array<i64: 4>, scalar_prefetch = 0 : i64, scratch_operands = 0 : i64, tpu.core_type = #tpu.core_type<tc>, window_params = [{transform_indices = @transform_0, window_bounds = array<i64: 1024, 128>}, {transform_indices = @transform_1, window_bounds = array<i64: 1024, 128>}, {pipeline_mode = #tpu.pipeline_mode<synchronous>, transform_indices = @transform_2, window_bounds = array<i64: 8, 128>}, {pipeline_mode = #tpu.pipeline_mode<synchronous>, transform_indices = @transform_3, window_bounds = array<i64: 1, 128>}, {pipeline_mode = #tpu.pipeline_mode<synchronous>, transform_indices = @transform_4, window_bounds = array<i64: 1, 128>}, {transform_indices = @transform_5, window_bounds = array<i64: 1024, 128>}]} {
    %get3A = arith.constant 0 : index
    %get3A_0 = arith.constant 0 : index
    %get3A_1 = vector.load %arg3[%get3A, %get3A_0] : memref<8x128xf32, #tpu.memory_space<vmem>>, vector<1x128xf32>
    %mul3A = arith.constant 1.22070314E-5 : f32
    %mul3A_2 = vector.broadcast %mul3A : f32 to vector<1x128xf32>
    %mul3A_3 = arith.mulf %get3A_1, %mul3A_2 : vector<1x128xf32>
    %get3A_4 = arith.constant 1 : index
    %get3A_5 = arith.constant 0 : index
    %get3A_6 = vector.load %arg3[%get3A_4, %get3A_5] : memref<8x128xf32, #tpu.memory_space<vmem>>, vector<1x128xf32>
    %mul3A_7 = arith.constant 1.22070314E-5 : f32
    %mul3A_8 = vector.broadcast %mul3A_7 : f32 to vector<1x128xf32>
    %mul3A_9 = arith.mulf %get3A_6, %mul3A_8 : vector<1x128xf32>
    %mul3A_10 = arith.mulf %mul3A_3, %mul3A_3 : vector<1x128xf32>
    %sub3A = arith.subf %mul3A_9, %mul3A_10 : vector<1x128xf32>
    %add3A = arith.constant 9.99999974E-6 : f32
    %add3A_11 = vector.broadcast %add3A : f32 to vector<1x128xf32>
    %add3A_12 = arith.addf %sub3A, %add3A_11 : vector<1x128xf32>
    %sqrt3A = math.sqrt %add3A_12 : vector<1x128xf32>
    %get3A_13 = arith.constant 0 : index
    %get3A_14 = arith.constant 0 : index
    %get3A_15 = vector.load %arg1[%get3A_13, %get3A_14] : memref<1024x128xf32, #tpu.memory_space<vmem>>, vector<1024x128xf32>
    %get3A_16 = arith.constant 0 : index
    %get3A_17 = arith.constant 0 : index
    %get3A_18 = vector.load %arg2[%get3A_16, %get3A_17] : memref<1024x128xf32, #tpu.memory_space<vmem>>, vector<1024x128xf32>
    %add3A_19 = arith.addf %get3A_15, %get3A_18 : vector<1024x128xf32>
    %sub3A_20 = vector.broadcast %mul3A_3 : vector<1x128xf32> to vector<1024x128xf32>
    %sub3A_21 = arith.subf %add3A_19, %sub3A_20 : vector<1024x128xf32>
    %div3A = vector.broadcast %sqrt3A : vector<1x128xf32> to vector<1024x128xf32>
    %div3A_22 = arith.divf %sub3A_21, %div3A : vector<1024x128xf32>
    %get3A_23 = arith.constant 0 : index
    %get3A_24 = arith.constant 0 : index
    %get3A_25 = vector.load %arg4[%get3A_23, %get3A_24] : memref<1x128xf32, #tpu.memory_space<vmem>>, vector<1x128xf32>
    %mul3A_26 = vector.broadcast %get3A_25 : vector<1x128xf32> to vector<1024x128xf32>
    %mul3A_27 = arith.mulf %div3A_22, %mul3A_26 : vector<1024x128xf32>
    %get3A_28 = arith.constant 0 : index
    %get3A_29 = arith.constant 0 : index
    %get3A_30 = vector.load %arg5[%get3A_28, %get3A_29] : memref<1x128xf32, #tpu.memory_space<vmem>>, vector<1x128xf32>
    %add3A_31 = vector.broadcast %get3A_30 : vector<1x128xf32> to vector<1024x128xf32>
    %add3A_32 = arith.addf %mul3A_27, %add3A_31 : vector<1024x128xf32>
    %max3A = arith.constant 0.000000e+00 : f32
    %max3A_33 = vector.broadcast %max3A : f32 to vector<1024x128xf32>
    %max3A_34 = arith.maximumf %add3A_32, %max3A_33 : vector<1024x128xf32>
    %swap3A = arith.constant 0 : index
    %swap3A_35 = arith.constant 0 : index
    %swap3A_36 = vector.load %arg6[%swap3A, %swap3A_35] : memref<1024x128xf32, #tpu.memory_space<vmem>>, vector<1024x128xf32>
    tpu.vector_store %arg6[%swap3A, %swap3A_35], %max3A_34 {strides = array<i32>} : memref<1024x128xf32, #tpu.memory_space<vmem>>, vector<1024x128xf32>,
    return
  }
  func.func @transform_0(%arg0: i32) -> (i32, i32) {
    %c0_i32 = arith.constant 0 : i32
    %c0_i32_0 = arith.constant 0 : i32
    return %arg0, %c0_i32 : i32, i32
  }
  func.func @transform_1(%arg0: i32) -> (i32, i32) {
    %c0_i32 = arith.constant 0 : i32
    %c0_i32_0 = arith.constant 0 : i32
    return %arg0, %c0_i32 : i32, i32
  }
  func.func @transform_2(%arg0: i32) -> (i32, i32) {
    %c0_i32 = arith.constant 0 : i32
    %c0_i32_0 = arith.constant 0 : i32
    %c0_i32_1 = arith.constant 0 : i32
    return %c0_i32, %c0_i32_0 : i32, i32
  }
  func.func @transform_3(%arg0: i32) -> (i32, i32) {
    %c0_i32 = arith.constant 0 : i32
    %c0_i32_0 = arith.constant 0 : i32
    %c0_i32_1 = arith.constant 0 : i32
    return %c0_i32, %c0_i32_0 : i32, i32
  }
  func.func @transform_4(%arg0: i32) -> (i32, i32) {
    %c0_i32 = arith.constant 0 : i32
    %c0_i32_0 = arith.constant 0 : i32
    %c0_i32_1 = arith.constant 0 : i32
    return %c0_i32, %c0_i32_0 : i32, i32
  }
  func.func @transform_5(%arg0: i32) -> (i32, i32) {
    %c0_i32 = arith.constant 0 : i32
    %c0_i32_0 = arith.constant 0 : i32
    return %arg0, %c0_i32 : i32, i32
  }
}

module attributes {stable_mosaic.version = 14 : i64} {
  func.func @_topk_body(%arg0: i32, %arg1: i32, %arg2: memref<1x512x128xf32, #tpu.memory_space<vmem>>, %arg3: memref<1x128x1024xf32, #tpu.memory_space<vmem>>, %arg4: memref<1x512x1xf32, #tpu.memory_space<vmem>>, %arg5: memref<1x1x1024xf32, #tpu.memory_space<vmem>>, %arg6: memref<1x20x512xi32, #tpu.memory_space<vmem>>) attributes {dimension_semantics = [#tpu.dimension_semantics<arbitrary>, #tpu.dimension_semantics<arbitrary>], iteration_bounds = array<i64: 4, 2>, scalar_prefetch = 0 : i64, scratch_operands = 0 : i64, tpu.core_type = #tpu.core_type<tc>, window_params = [{transform_indices = @transform_0, window_bounds = array<i64: 1, 512, 128>}, {transform_indices = @transform_1, window_bounds = array<i64: 1, 128, 1024>}, {transform_indices = @transform_2, window_bounds = array<i64: 1, 512, 1>}, {transform_indices = @transform_3, window_bounds = array<i64: 1, 1, 1024>}, {transform_indices = @transform_4, window_bounds = array<i64: 1, 20, 512>}]} {
    %get3A = arith.constant 0 : index
    %get3A_0 = arith.constant 0 : index
    %get3A_1 = arith.constant 0 : index
    %get3A_2 = vector.load %arg2[%get3A, %get3A_0, %get3A_1] : memref<1x512x128xf32, #tpu.memory_space<vmem>>, vector<1x512x128xf32>
    %get3A_3 = vector.shape_cast %get3A_2 : vector<1x512x128xf32> to vector<512x128xf32>
    %get3A_4 = arith.constant 0 : index
    %get3A_5 = arith.constant 0 : index
    %get3A_6 = arith.constant 0 : index
    %get3A_7 = vector.load %arg3[%get3A_4, %get3A_5, %get3A_6] : memref<1x128x1024xf32, #tpu.memory_space<vmem>>, vector<1x128x1024xf32>
    %get3A_8 = vector.shape_cast %get3A_7 : vector<1x128x1024xf32> to vector<128x1024xf32>
    %convert_element_type3A = arith.truncf %get3A_3 : vector<512x128xf32> to vector<512x128xbf16>
    %convert_element_type3A_9 = arith.truncf %get3A_8 : vector<128x1024xf32> to vector<128x1024xbf16>
    %dot_general3A = arith.constant dense<0.000000e+00> : vector<512x1024xf32>
    %dot_general3A_10 = tpu.matmul %convert_element_type3A, %convert_element_type3A_9, %dot_general3A {dimension_numbers = #tpu.dot_dimension_numbers<[1], [0], [0], [1], [0, 0, 1, 1], [], []>, transpose_lhs_hint = false} : vector<512x128xbf16>, vector<128x1024xbf16>, vector<512x1024xf32> -> vector<512x1024xf32>
    %mul3A = arith.constant 2.000000e+00 : f32
    %mul3A_11 = vector.broadcast %mul3A : f32 to vector<512x1024xf32>
    %mul3A_12 = arith.mulf %mul3A_11, %dot_general3A_10 : vector<512x1024xf32>
    %get3A_13 = arith.constant 0 : index
    %get3A_14 = arith.constant 0 : index
    %get3A_15 = arith.constant 0 : index
    %get3A_16 = vector.load %arg4[%get3A_13, %get3A_14, %get3A_15] : memref<1x512x1xf32, #tpu.memory_space<vmem>>, vector<1x512x1xf32>
    %get3A_17 = vector.shape_cast %get3A_16 : vector<1x512x1xf32> to vector<512x1xf32>
    %get3A_18 = arith.constant 0 : index
    %get3A_19 = arith.constant 0 : index
    %get3A_20 = arith.constant 0 : index
    %get3A_21 = vector.load %arg5[%get3A_18, %get3A_19, %get3A_20] : memref<1x1x1024xf32, #tpu.memory_space<vmem>>, vector<1x1x1024xf32>
    %get3A_22 = vector.shape_cast %get3A_21 : vector<1x1x1024xf32> to vector<1x1024xf32>
    %sub3A = vector.broadcast %get3A_17 : vector<512x1xf32> to vector<512x1024xf32>
    %sub3A_23 = arith.subf %mul3A_12, %sub3A : vector<512x1024xf32>
    %sub3A_24 = vector.broadcast %get3A_22 : vector<1x1024xf32> to vector<512x1024xf32>
    %sub3A_25 = arith.subf %sub3A_23, %sub3A_24 : vector<512x1024xf32>
    %iota3A = tpu.iota {dimensions = array<i32: 1>} : vector<512x1024xi32>
    %iota3A_26 = tpu.iota {dimensions = array<i32: 1>} : vector<512x20xi32>
    %broadcast_in_dim3A = arith.constant 0 : i32
    %broadcast_in_dim3A_27 = vector.broadcast %broadcast_in_dim3A : i32 to vector<512x20xi32>
    %argmax3A = tpu.reduce_index %sub3A_25 {axis = 1 : i32, kind = #tpu.reduction_kind<arg_max>} : vector<512x1024xf32> -> vector<512xi32>
    %broadcast_in_dim3A_28 = vector.shape_cast %argmax3A : vector<512xi32> to vector<512x1xi32>
    %eq3A = arith.constant 0 : i32
    %eq3A_29 = vector.broadcast %eq3A : i32 to vector<512x20xi32>
    %eq3A_30 = arith.cmpi eq, %iota3A_26, %eq3A_29 : vector<512x20xi32>
    %broadcast_in_dim3A_31 = vector.shape_cast %broadcast_in_dim3A_28 : vector<512x1xi32> to vector<512x1xi32>
    %broadcast_in_dim3A_32 = vector.broadcast %broadcast_in_dim3A_31 : vector<512x1xi32> to vector<512x20xi32>
    %select_n3A = arith.select %eq3A_30, %broadcast_in_dim3A_32, %broadcast_in_dim3A_27 : vector<512x20xi1>, vector<512x20xi32>
    %eq3A_33 = vector.broadcast %broadcast_in_dim3A_28 : vector<512x1xi32> to vector<512x1024xi32>
    %eq3A_34 = arith.cmpi eq, %iota3A, %eq3A_33 : vector<512x1024xi32>
    %jit3A = arith.constant 0xFF800000 : f32
    %broadcast_in_dim3A_35 = vector.broadcast %jit3A : f32 to vector<512x1024xf32>
    %select_n3A_36 = arith.select %eq3A_34, %broadcast_in_dim3A_35, %sub3A_25 : vector<512x1024xi1>, vector<512x1024xf32>
    %argmax3A_37 = tpu.reduce_index %select_n3A_36 {axis = 1 : i32, kind = #tpu.reduction_kind<arg_max>} : vector<512x1024xf32> -> vector<512xi32>
    %broadcast_in_dim3A_38 = vector.shape_cast %argmax3A_37 : vector<512xi32> to vector<512x1xi32>
    %eq3A_39 = arith.constant 1 : i32
    %eq3A_40 = vector.broadcast %eq3A_39 : i32 to vector<512x20xi32>
    %eq3A_41 = arith.cmpi eq, %iota3A_26, %eq3A_40 : vector<512x20xi32>
    %broadcast_in_dim3A_42 = vector.shape_cast %broadcast_in_dim3A_38 : vector<512x1xi32> to vector<512x1xi32>
    %broadcast_in_dim3A_43 = vector.broadcast %broadcast_in_dim3A_42 : vector<512x1xi32> to vector<512x20xi32>
    %select_n3A_44 = arith.select %eq3A_41, %broadcast_in_dim3A_43, %select_n3A : vector<512x20xi1>, vector<512x20xi32>
    %eq3A_45 = vector.broadcast %broadcast_in_dim3A_38 : vector<512x1xi32> to vector<512x1024xi32>
    %eq3A_46 = arith.cmpi eq, %iota3A, %eq3A_45 : vector<512x1024xi32>
    %jit3A_47 = arith.constant 0xFF800000 : f32
    %broadcast_in_dim3A_48 = vector.broadcast %jit3A_47 : f32 to vector<512x1024xf32>
    %select_n3A_49 = arith.select %eq3A_46, %broadcast_in_dim3A_48, %select_n3A_36 : vector<512x1024xi1>, vector<512x1024xf32>
    %argmax3A_50 = tpu.reduce_index %select_n3A_49 {axis = 1 : i32, kind = #tpu.reduction_kind<arg_max>} : vector<512x1024xf32> -> vector<512xi32>
    %broadcast_in_dim3A_51 = vector.shape_cast %argmax3A_50 : vector<512xi32> to vector<512x1xi32>
    %eq3A_52 = arith.constant 2 : i32
    %eq3A_53 = vector.broadcast %eq3A_52 : i32 to vector<512x20xi32>
    %eq3A_54 = arith.cmpi eq, %iota3A_26, %eq3A_53 : vector<512x20xi32>
    %broadcast_in_dim3A_55 = vector.shape_cast %broadcast_in_dim3A_51 : vector<512x1xi32> to vector<512x1xi32>
    %broadcast_in_dim3A_56 = vector.broadcast %broadcast_in_dim3A_55 : vector<512x1xi32> to vector<512x20xi32>
    %select_n3A_57 = arith.select %eq3A_54, %broadcast_in_dim3A_56, %select_n3A_44 : vector<512x20xi1>, vector<512x20xi32>
    %eq3A_58 = vector.broadcast %broadcast_in_dim3A_51 : vector<512x1xi32> to vector<512x1024xi32>
    %eq3A_59 = arith.cmpi eq, %iota3A, %eq3A_58 : vector<512x1024xi32>
    %jit3A_60 = arith.constant 0xFF800000 : f32
    %broadcast_in_dim3A_61 = vector.broadcast %jit3A_60 : f32 to vector<512x1024xf32>
    %select_n3A_62 = arith.select %eq3A_59, %broadcast_in_dim3A_61, %select_n3A_49 : vector<512x1024xi1>, vector<512x1024xf32>
    %argmax3A_63 = tpu.reduce_index %select_n3A_62 {axis = 1 : i32, kind = #tpu.reduction_kind<arg_max>} : vector<512x1024xf32> -> vector<512xi32>
    %broadcast_in_dim3A_64 = vector.shape_cast %argmax3A_63 : vector<512xi32> to vector<512x1xi32>
    %eq3A_65 = arith.constant 3 : i32
    %eq3A_66 = vector.broadcast %eq3A_65 : i32 to vector<512x20xi32>
    %eq3A_67 = arith.cmpi eq, %iota3A_26, %eq3A_66 : vector<512x20xi32>
    %broadcast_in_dim3A_68 = vector.shape_cast %broadcast_in_dim3A_64 : vector<512x1xi32> to vector<512x1xi32>
    %broadcast_in_dim3A_69 = vector.broadcast %broadcast_in_dim3A_68 : vector<512x1xi32> to vector<512x20xi32>
    %select_n3A_70 = arith.select %eq3A_67, %broadcast_in_dim3A_69, %select_n3A_57 : vector<512x20xi1>, vector<512x20xi32>
    %eq3A_71 = vector.broadcast %broadcast_in_dim3A_64 : vector<512x1xi32> to vector<512x1024xi32>
    %eq3A_72 = arith.cmpi eq, %iota3A, %eq3A_71 : vector<512x1024xi32>
    %jit3A_73 = arith.constant 0xFF800000 : f32
    %broadcast_in_dim3A_74 = vector.broadcast %jit3A_73 : f32 to vector<512x1024xf32>
    %select_n3A_75 = arith.select %eq3A_72, %broadcast_in_dim3A_74, %select_n3A_62 : vector<512x1024xi1>, vector<512x1024xf32>
    %argmax3A_76 = tpu.reduce_index %select_n3A_75 {axis = 1 : i32, kind = #tpu.reduction_kind<arg_max>} : vector<512x1024xf32> -> vector<512xi32>
    %broadcast_in_dim3A_77 = vector.shape_cast %argmax3A_76 : vector<512xi32> to vector<512x1xi32>
    %eq3A_78 = arith.constant 4 : i32
    %eq3A_79 = vector.broadcast %eq3A_78 : i32 to vector<512x20xi32>
    %eq3A_80 = arith.cmpi eq, %iota3A_26, %eq3A_79 : vector<512x20xi32>
    %broadcast_in_dim3A_81 = vector.shape_cast %broadcast_in_dim3A_77 : vector<512x1xi32> to vector<512x1xi32>
    %broadcast_in_dim3A_82 = vector.broadcast %broadcast_in_dim3A_81 : vector<512x1xi32> to vector<512x20xi32>
    %select_n3A_83 = arith.select %eq3A_80, %broadcast_in_dim3A_82, %select_n3A_70 : vector<512x20xi1>, vector<512x20xi32>
    %eq3A_84 = vector.broadcast %broadcast_in_dim3A_77 : vector<512x1xi32> to vector<512x1024xi32>
    %eq3A_85 = arith.cmpi eq, %iota3A, %eq3A_84 : vector<512x1024xi32>
    %jit3A_86 = arith.constant 0xFF800000 : f32
    %broadcast_in_dim3A_87 = vector.broadcast %jit3A_86 : f32 to vector<512x1024xf32>
    %select_n3A_88 = arith.select %eq3A_85, %broadcast_in_dim3A_87, %select_n3A_75 : vector<512x1024xi1>, vector<512x1024xf32>
    %argmax3A_89 = tpu.reduce_index %select_n3A_88 {axis = 1 : i32, kind = #tpu.reduction_kind<arg_max>} : vector<512x1024xf32> -> vector<512xi32>
    %broadcast_in_dim3A_90 = vector.shape_cast %argmax3A_89 : vector<512xi32> to vector<512x1xi32>
    %eq3A_91 = arith.constant 5 : i32
    %eq3A_92 = vector.broadcast %eq3A_91 : i32 to vector<512x20xi32>
    %eq3A_93 = arith.cmpi eq, %iota3A_26, %eq3A_92 : vector<512x20xi32>
    %broadcast_in_dim3A_94 = vector.shape_cast %broadcast_in_dim3A_90 : vector<512x1xi32> to vector<512x1xi32>
    %broadcast_in_dim3A_95 = vector.broadcast %broadcast_in_dim3A_94 : vector<512x1xi32> to vector<512x20xi32>
    %select_n3A_96 = arith.select %eq3A_93, %broadcast_in_dim3A_95, %select_n3A_83 : vector<512x20xi1>, vector<512x20xi32>
    %eq3A_97 = vector.broadcast %broadcast_in_dim3A_90 : vector<512x1xi32> to vector<512x1024xi32>
    %eq3A_98 = arith.cmpi eq, %iota3A, %eq3A_97 : vector<512x1024xi32>
    %jit3A_99 = arith.constant 0xFF800000 : f32
    %broadcast_in_dim3A_100 = vector.broadcast %jit3A_99 : f32 to vector<512x1024xf32>
    %select_n3A_101 = arith.select %eq3A_98, %broadcast_in_dim3A_100, %select_n3A_88 : vector<512x1024xi1>, vector<512x1024xf32>
    %argmax3A_102 = tpu.reduce_index %select_n3A_101 {axis = 1 : i32, kind = #tpu.reduction_kind<arg_max>} : vector<512x1024xf32> -> vector<512xi32>
    %broadcast_in_dim3A_103 = vector.shape_cast %argmax3A_102 : vector<512xi32> to vector<512x1xi32>
    %eq3A_104 = arith.constant 6 : i32
    %eq3A_105 = vector.broadcast %eq3A_104 : i32 to vector<512x20xi32>
    %eq3A_106 = arith.cmpi eq, %iota3A_26, %eq3A_105 : vector<512x20xi32>
    %broadcast_in_dim3A_107 = vector.shape_cast %broadcast_in_dim3A_103 : vector<512x1xi32> to vector<512x1xi32>
    %broadcast_in_dim3A_108 = vector.broadcast %broadcast_in_dim3A_107 : vector<512x1xi32> to vector<512x20xi32>
    %select_n3A_109 = arith.select %eq3A_106, %broadcast_in_dim3A_108, %select_n3A_96 : vector<512x20xi1>, vector<512x20xi32>
    %eq3A_110 = vector.broadcast %broadcast_in_dim3A_103 : vector<512x1xi32> to vector<512x1024xi32>
    %eq3A_111 = arith.cmpi eq, %iota3A, %eq3A_110 : vector<512x1024xi32>
    %jit3A_112 = arith.constant 0xFF800000 : f32
    %broadcast_in_dim3A_113 = vector.broadcast %jit3A_112 : f32 to vector<512x1024xf32>
    %select_n3A_114 = arith.select %eq3A_111, %broadcast_in_dim3A_113, %select_n3A_101 : vector<512x1024xi1>, vector<512x1024xf32>
    %argmax3A_115 = tpu.reduce_index %select_n3A_114 {axis = 1 : i32, kind = #tpu.reduction_kind<arg_max>} : vector<512x1024xf32> -> vector<512xi32>
    %broadcast_in_dim3A_116 = vector.shape_cast %argmax3A_115 : vector<512xi32> to vector<512x1xi32>
    %eq3A_117 = arith.constant 7 : i32
    %eq3A_118 = vector.broadcast %eq3A_117 : i32 to vector<512x20xi32>
    %eq3A_119 = arith.cmpi eq, %iota3A_26, %eq3A_118 : vector<512x20xi32>
    %broadcast_in_dim3A_120 = vector.shape_cast %broadcast_in_dim3A_116 : vector<512x1xi32> to vector<512x1xi32>
    %broadcast_in_dim3A_121 = vector.broadcast %broadcast_in_dim3A_120 : vector<512x1xi32> to vector<512x20xi32>
    %select_n3A_122 = arith.select %eq3A_119, %broadcast_in_dim3A_121, %select_n3A_109 : vector<512x20xi1>, vector<512x20xi32>
    %eq3A_123 = vector.broadcast %broadcast_in_dim3A_116 : vector<512x1xi32> to vector<512x1024xi32>
    %eq3A_124 = arith.cmpi eq, %iota3A, %eq3A_123 : vector<512x1024xi32>
    %jit3A_125 = arith.constant 0xFF800000 : f32
    %broadcast_in_dim3A_126 = vector.broadcast %jit3A_125 : f32 to vector<512x1024xf32>
    %select_n3A_127 = arith.select %eq3A_124, %broadcast_in_dim3A_126, %select_n3A_114 : vector<512x1024xi1>, vector<512x1024xf32>
    %argmax3A_128 = tpu.reduce_index %select_n3A_127 {axis = 1 : i32, kind = #tpu.reduction_kind<arg_max>} : vector<512x1024xf32> -> vector<512xi32>
    %broadcast_in_dim3A_129 = vector.shape_cast %argmax3A_128 : vector<512xi32> to vector<512x1xi32>
    %eq3A_130 = arith.constant 8 : i32
    %eq3A_131 = vector.broadcast %eq3A_130 : i32 to vector<512x20xi32>
    %eq3A_132 = arith.cmpi eq, %iota3A_26, %eq3A_131 : vector<512x20xi32>
    %broadcast_in_dim3A_133 = vector.shape_cast %broadcast_in_dim3A_129 : vector<512x1xi32> to vector<512x1xi32>
    %broadcast_in_dim3A_134 = vector.broadcast %broadcast_in_dim3A_133 : vector<512x1xi32> to vector<512x20xi32>
    %select_n3A_135 = arith.select %eq3A_132, %broadcast_in_dim3A_134, %select_n3A_122 : vector<512x20xi1>, vector<512x20xi32>
    %eq3A_136 = vector.broadcast %broadcast_in_dim3A_129 : vector<512x1xi32> to vector<512x1024xi32>
    %eq3A_137 = arith.cmpi eq, %iota3A, %eq3A_136 : vector<512x1024xi32>
    %jit3A_138 = arith.constant 0xFF800000 : f32
    %broadcast_in_dim3A_139 = vector.broadcast %jit3A_138 : f32 to vector<512x1024xf32>
    %select_n3A_140 = arith.select %eq3A_137, %broadcast_in_dim3A_139, %select_n3A_127 : vector<512x1024xi1>, vector<512x1024xf32>
    %argmax3A_141 = tpu.reduce_index %select_n3A_140 {axis = 1 : i32, kind = #tpu.reduction_kind<arg_max>} : vector<512x1024xf32> -> vector<512xi32>
    %broadcast_in_dim3A_142 = vector.shape_cast %argmax3A_141 : vector<512xi32> to vector<512x1xi32>
    %eq3A_143 = arith.constant 9 : i32
    %eq3A_144 = vector.broadcast %eq3A_143 : i32 to vector<512x20xi32>
    %eq3A_145 = arith.cmpi eq, %iota3A_26, %eq3A_144 : vector<512x20xi32>
    %broadcast_in_dim3A_146 = vector.shape_cast %broadcast_in_dim3A_142 : vector<512x1xi32> to vector<512x1xi32>
    %broadcast_in_dim3A_147 = vector.broadcast %broadcast_in_dim3A_146 : vector<512x1xi32> to vector<512x20xi32>
    %select_n3A_148 = arith.select %eq3A_145, %broadcast_in_dim3A_147, %select_n3A_135 : vector<512x20xi1>, vector<512x20xi32>
    %eq3A_149 = vector.broadcast %broadcast_in_dim3A_142 : vector<512x1xi32> to vector<512x1024xi32>
    %eq3A_150 = arith.cmpi eq, %iota3A, %eq3A_149 : vector<512x1024xi32>
    %jit3A_151 = arith.constant 0xFF800000 : f32
    %broadcast_in_dim3A_152 = vector.broadcast %jit3A_151 : f32 to vector<512x1024xf32>
    %select_n3A_153 = arith.select %eq3A_150, %broadcast_in_dim3A_152, %select_n3A_140 : vector<512x1024xi1>, vector<512x1024xf32>
    %argmax3A_154 = tpu.reduce_index %select_n3A_153 {axis = 1 : i32, kind = #tpu.reduction_kind<arg_max>} : vector<512x1024xf32> -> vector<512xi32>
    %broadcast_in_dim3A_155 = vector.shape_cast %argmax3A_154 : vector<512xi32> to vector<512x1xi32>
    %eq3A_156 = arith.constant 10 : i32
    %eq3A_157 = vector.broadcast %eq3A_156 : i32 to vector<512x20xi32>
    %eq3A_158 = arith.cmpi eq, %iota3A_26, %eq3A_157 : vector<512x20xi32>
    %broadcast_in_dim3A_159 = vector.shape_cast %broadcast_in_dim3A_155 : vector<512x1xi32> to vector<512x1xi32>
    %broadcast_in_dim3A_160 = vector.broadcast %broadcast_in_dim3A_159 : vector<512x1xi32> to vector<512x20xi32>
    %select_n3A_161 = arith.select %eq3A_158, %broadcast_in_dim3A_160, %select_n3A_148 : vector<512x20xi1>, vector<512x20xi32>
    %eq3A_162 = vector.broadcast %broadcast_in_dim3A_155 : vector<512x1xi32> to vector<512x1024xi32>
    %eq3A_163 = arith.cmpi eq, %iota3A, %eq3A_162 : vector<512x1024xi32>
    %jit3A_164 = arith.constant 0xFF800000 : f32
    %broadcast_in_dim3A_165 = vector.broadcast %jit3A_164 : f32 to vector<512x1024xf32>
    %select_n3A_166 = arith.select %eq3A_163, %broadcast_in_dim3A_165, %select_n3A_153 : vector<512x1024xi1>, vector<512x1024xf32>
    %argmax3A_167 = tpu.reduce_index %select_n3A_166 {axis = 1 : i32, kind = #tpu.reduction_kind<arg_max>} : vector<512x1024xf32> -> vector<512xi32>
    %broadcast_in_dim3A_168 = vector.shape_cast %argmax3A_167 : vector<512xi32> to vector<512x1xi32>
    %eq3A_169 = arith.constant 11 : i32
    %eq3A_170 = vector.broadcast %eq3A_169 : i32 to vector<512x20xi32>
    %eq3A_171 = arith.cmpi eq, %iota3A_26, %eq3A_170 : vector<512x20xi32>
    %broadcast_in_dim3A_172 = vector.shape_cast %broadcast_in_dim3A_168 : vector<512x1xi32> to vector<512x1xi32>
    %broadcast_in_dim3A_173 = vector.broadcast %broadcast_in_dim3A_172 : vector<512x1xi32> to vector<512x20xi32>
    %select_n3A_174 = arith.select %eq3A_171, %broadcast_in_dim3A_173, %select_n3A_161 : vector<512x20xi1>, vector<512x20xi32>
    %eq3A_175 = vector.broadcast %broadcast_in_dim3A_168 : vector<512x1xi32> to vector<512x1024xi32>
    %eq3A_176 = arith.cmpi eq, %iota3A, %eq3A_175 : vector<512x1024xi32>
    %jit3A_177 = arith.constant 0xFF800000 : f32
    %broadcast_in_dim3A_178 = vector.broadcast %jit3A_177 : f32 to vector<512x1024xf32>
    %select_n3A_179 = arith.select %eq3A_176, %broadcast_in_dim3A_178, %select_n3A_166 : vector<512x1024xi1>, vector<512x1024xf32>
    %argmax3A_180 = tpu.reduce_index %select_n3A_179 {axis = 1 : i32, kind = #tpu.reduction_kind<arg_max>} : vector<512x1024xf32> -> vector<512xi32>
    %broadcast_in_dim3A_181 = vector.shape_cast %argmax3A_180 : vector<512xi32> to vector<512x1xi32>
    %eq3A_182 = arith.constant 12 : i32
    %eq3A_183 = vector.broadcast %eq3A_182 : i32 to vector<512x20xi32>
    %eq3A_184 = arith.cmpi eq, %iota3A_26, %eq3A_183 : vector<512x20xi32>
    %broadcast_in_dim3A_185 = vector.shape_cast %broadcast_in_dim3A_181 : vector<512x1xi32> to vector<512x1xi32>
    %broadcast_in_dim3A_186 = vector.broadcast %broadcast_in_dim3A_185 : vector<512x1xi32> to vector<512x20xi32>
    %select_n3A_187 = arith.select %eq3A_184, %broadcast_in_dim3A_186, %select_n3A_174 : vector<512x20xi1>, vector<512x20xi32>
    %eq3A_188 = vector.broadcast %broadcast_in_dim3A_181 : vector<512x1xi32> to vector<512x1024xi32>
    %eq3A_189 = arith.cmpi eq, %iota3A, %eq3A_188 : vector<512x1024xi32>
    %jit3A_190 = arith.constant 0xFF800000 : f32
    %broadcast_in_dim3A_191 = vector.broadcast %jit3A_190 : f32 to vector<512x1024xf32>
    %select_n3A_192 = arith.select %eq3A_189, %broadcast_in_dim3A_191, %select_n3A_179 : vector<512x1024xi1>, vector<512x1024xf32>
    %argmax3A_193 = tpu.reduce_index %select_n3A_192 {axis = 1 : i32, kind = #tpu.reduction_kind<arg_max>} : vector<512x1024xf32> -> vector<512xi32>
    %broadcast_in_dim3A_194 = vector.shape_cast %argmax3A_193 : vector<512xi32> to vector<512x1xi32>
    %eq3A_195 = arith.constant 13 : i32
    %eq3A_196 = vector.broadcast %eq3A_195 : i32 to vector<512x20xi32>
    %eq3A_197 = arith.cmpi eq, %iota3A_26, %eq3A_196 : vector<512x20xi32>
    %broadcast_in_dim3A_198 = vector.shape_cast %broadcast_in_dim3A_194 : vector<512x1xi32> to vector<512x1xi32>
    %broadcast_in_dim3A_199 = vector.broadcast %broadcast_in_dim3A_198 : vector<512x1xi32> to vector<512x20xi32>
    %select_n3A_200 = arith.select %eq3A_197, %broadcast_in_dim3A_199, %select_n3A_187 : vector<512x20xi1>, vector<512x20xi32>
    %eq3A_201 = vector.broadcast %broadcast_in_dim3A_194 : vector<512x1xi32> to vector<512x1024xi32>
    %eq3A_202 = arith.cmpi eq, %iota3A, %eq3A_201 : vector<512x1024xi32>
    %jit3A_203 = arith.constant 0xFF800000 : f32
    %broadcast_in_dim3A_204 = vector.broadcast %jit3A_203 : f32 to vector<512x1024xf32>
    %select_n3A_205 = arith.select %eq3A_202, %broadcast_in_dim3A_204, %select_n3A_192 : vector<512x1024xi1>, vector<512x1024xf32>
    %argmax3A_206 = tpu.reduce_index %select_n3A_205 {axis = 1 : i32, kind = #tpu.reduction_kind<arg_max>} : vector<512x1024xf32> -> vector<512xi32>
    %broadcast_in_dim3A_207 = vector.shape_cast %argmax3A_206 : vector<512xi32> to vector<512x1xi32>
    %eq3A_208 = arith.constant 14 : i32
    %eq3A_209 = vector.broadcast %eq3A_208 : i32 to vector<512x20xi32>
    %eq3A_210 = arith.cmpi eq, %iota3A_26, %eq3A_209 : vector<512x20xi32>
    %broadcast_in_dim3A_211 = vector.shape_cast %broadcast_in_dim3A_207 : vector<512x1xi32> to vector<512x1xi32>
    %broadcast_in_dim3A_212 = vector.broadcast %broadcast_in_dim3A_211 : vector<512x1xi32> to vector<512x20xi32>
    %select_n3A_213 = arith.select %eq3A_210, %broadcast_in_dim3A_212, %select_n3A_200 : vector<512x20xi1>, vector<512x20xi32>
    %eq3A_214 = vector.broadcast %broadcast_in_dim3A_207 : vector<512x1xi32> to vector<512x1024xi32>
    %eq3A_215 = arith.cmpi eq, %iota3A, %eq3A_214 : vector<512x1024xi32>
    %jit3A_216 = arith.constant 0xFF800000 : f32
    %broadcast_in_dim3A_217 = vector.broadcast %jit3A_216 : f32 to vector<512x1024xf32>
    %select_n3A_218 = arith.select %eq3A_215, %broadcast_in_dim3A_217, %select_n3A_205 : vector<512x1024xi1>, vector<512x1024xf32>
    %argmax3A_219 = tpu.reduce_index %select_n3A_218 {axis = 1 : i32, kind = #tpu.reduction_kind<arg_max>} : vector<512x1024xf32> -> vector<512xi32>
    %broadcast_in_dim3A_220 = vector.shape_cast %argmax3A_219 : vector<512xi32> to vector<512x1xi32>
    %eq3A_221 = arith.constant 15 : i32
    %eq3A_222 = vector.broadcast %eq3A_221 : i32 to vector<512x20xi32>
    %eq3A_223 = arith.cmpi eq, %iota3A_26, %eq3A_222 : vector<512x20xi32>
    %broadcast_in_dim3A_224 = vector.shape_cast %broadcast_in_dim3A_220 : vector<512x1xi32> to vector<512x1xi32>
    %broadcast_in_dim3A_225 = vector.broadcast %broadcast_in_dim3A_224 : vector<512x1xi32> to vector<512x20xi32>
    %select_n3A_226 = arith.select %eq3A_223, %broadcast_in_dim3A_225, %select_n3A_213 : vector<512x20xi1>, vector<512x20xi32>
    %eq3A_227 = vector.broadcast %broadcast_in_dim3A_220 : vector<512x1xi32> to vector<512x1024xi32>
    %eq3A_228 = arith.cmpi eq, %iota3A, %eq3A_227 : vector<512x1024xi32>
    %jit3A_229 = arith.constant 0xFF800000 : f32
    %broadcast_in_dim3A_230 = vector.broadcast %jit3A_229 : f32 to vector<512x1024xf32>
    %select_n3A_231 = arith.select %eq3A_228, %broadcast_in_dim3A_230, %select_n3A_218 : vector<512x1024xi1>, vector<512x1024xf32>
    %argmax3A_232 = tpu.reduce_index %select_n3A_231 {axis = 1 : i32, kind = #tpu.reduction_kind<arg_max>} : vector<512x1024xf32> -> vector<512xi32>
    %broadcast_in_dim3A_233 = vector.shape_cast %argmax3A_232 : vector<512xi32> to vector<512x1xi32>
    %eq3A_234 = arith.constant 16 : i32
    %eq3A_235 = vector.broadcast %eq3A_234 : i32 to vector<512x20xi32>
    %eq3A_236 = arith.cmpi eq, %iota3A_26, %eq3A_235 : vector<512x20xi32>
    %broadcast_in_dim3A_237 = vector.shape_cast %broadcast_in_dim3A_233 : vector<512x1xi32> to vector<512x1xi32>
    %broadcast_in_dim3A_238 = vector.broadcast %broadcast_in_dim3A_237 : vector<512x1xi32> to vector<512x20xi32>
    %select_n3A_239 = arith.select %eq3A_236, %broadcast_in_dim3A_238, %select_n3A_226 : vector<512x20xi1>, vector<512x20xi32>
    %eq3A_240 = vector.broadcast %broadcast_in_dim3A_233 : vector<512x1xi32> to vector<512x1024xi32>
    %eq3A_241 = arith.cmpi eq, %iota3A, %eq3A_240 : vector<512x1024xi32>
    %jit3A_242 = arith.constant 0xFF800000 : f32
    %broadcast_in_dim3A_243 = vector.broadcast %jit3A_242 : f32 to vector<512x1024xf32>
    %select_n3A_244 = arith.select %eq3A_241, %broadcast_in_dim3A_243, %select_n3A_231 : vector<512x1024xi1>, vector<512x1024xf32>
    %argmax3A_245 = tpu.reduce_index %select_n3A_244 {axis = 1 : i32, kind = #tpu.reduction_kind<arg_max>} : vector<512x1024xf32> -> vector<512xi32>
    %broadcast_in_dim3A_246 = vector.shape_cast %argmax3A_245 : vector<512xi32> to vector<512x1xi32>
    %eq3A_247 = arith.constant 17 : i32
    %eq3A_248 = vector.broadcast %eq3A_247 : i32 to vector<512x20xi32>
    %eq3A_249 = arith.cmpi eq, %iota3A_26, %eq3A_248 : vector<512x20xi32>
    %broadcast_in_dim3A_250 = vector.shape_cast %broadcast_in_dim3A_246 : vector<512x1xi32> to vector<512x1xi32>
    %broadcast_in_dim3A_251 = vector.broadcast %broadcast_in_dim3A_250 : vector<512x1xi32> to vector<512x20xi32>
    %select_n3A_252 = arith.select %eq3A_249, %broadcast_in_dim3A_251, %select_n3A_239 : vector<512x20xi1>, vector<512x20xi32>
    %eq3A_253 = vector.broadcast %broadcast_in_dim3A_246 : vector<512x1xi32> to vector<512x1024xi32>
    %eq3A_254 = arith.cmpi eq, %iota3A, %eq3A_253 : vector<512x1024xi32>
    %jit3A_255 = arith.constant 0xFF800000 : f32
    %broadcast_in_dim3A_256 = vector.broadcast %jit3A_255 : f32 to vector<512x1024xf32>
    %select_n3A_257 = arith.select %eq3A_254, %broadcast_in_dim3A_256, %select_n3A_244 : vector<512x1024xi1>, vector<512x1024xf32>
    %argmax3A_258 = tpu.reduce_index %select_n3A_257 {axis = 1 : i32, kind = #tpu.reduction_kind<arg_max>} : vector<512x1024xf32> -> vector<512xi32>
    %broadcast_in_dim3A_259 = vector.shape_cast %argmax3A_258 : vector<512xi32> to vector<512x1xi32>
    %eq3A_260 = arith.constant 18 : i32
    %eq3A_261 = vector.broadcast %eq3A_260 : i32 to vector<512x20xi32>
    %eq3A_262 = arith.cmpi eq, %iota3A_26, %eq3A_261 : vector<512x20xi32>
    %broadcast_in_dim3A_263 = vector.shape_cast %broadcast_in_dim3A_259 : vector<512x1xi32> to vector<512x1xi32>
    %broadcast_in_dim3A_264 = vector.broadcast %broadcast_in_dim3A_263 : vector<512x1xi32> to vector<512x20xi32>
    %select_n3A_265 = arith.select %eq3A_262, %broadcast_in_dim3A_264, %select_n3A_252 : vector<512x20xi1>, vector<512x20xi32>
    %eq3A_266 = vector.broadcast %broadcast_in_dim3A_259 : vector<512x1xi32> to vector<512x1024xi32>
    %eq3A_267 = arith.cmpi eq, %iota3A, %eq3A_266 : vector<512x1024xi32>
    %jit3A_268 = arith.constant 0xFF800000 : f32
    %broadcast_in_dim3A_269 = vector.broadcast %jit3A_268 : f32 to vector<512x1024xf32>
    %select_n3A_270 = arith.select %eq3A_267, %broadcast_in_dim3A_269, %select_n3A_257 : vector<512x1024xi1>, vector<512x1024xf32>
    %argmax3A_271 = tpu.reduce_index %select_n3A_270 {axis = 1 : i32, kind = #tpu.reduction_kind<arg_max>} : vector<512x1024xf32> -> vector<512xi32>
    %broadcast_in_dim3A_272 = vector.shape_cast %argmax3A_271 : vector<512xi32> to vector<512x1xi32>
    %eq3A_273 = arith.constant 19 : i32
    %eq3A_274 = vector.broadcast %eq3A_273 : i32 to vector<512x20xi32>
    %eq3A_275 = arith.cmpi eq, %iota3A_26, %eq3A_274 : vector<512x20xi32>
    %broadcast_in_dim3A_276 = vector.shape_cast %broadcast_in_dim3A_272 : vector<512x1xi32> to vector<512x1xi32>
    %broadcast_in_dim3A_277 = vector.broadcast %broadcast_in_dim3A_276 : vector<512x1xi32> to vector<512x20xi32>
    %select_n3A_278 = arith.select %eq3A_275, %broadcast_in_dim3A_277, %select_n3A_265 : vector<512x20xi1>, vector<512x20xi32>
    %transpose3A = tpu.transpose %select_n3A_278, [1, 0] : vector<512x20xi32> -> vector<20x512xi32>
    %mul3A_279 = arith.constant 1024 : i32
    %mul3A_280 = arith.muli %arg0, %mul3A_279 : i32
    %add3A = vector.broadcast %mul3A_280 : i32 to vector<20x512xi32>
    %add3A_281 = arith.addi %transpose3A, %add3A : vector<20x512xi32>
    %swap3A = arith.constant 0 : index
    %swap3A_282 = arith.constant 0 : index
    %swap3A_283 = arith.constant 0 : index
    %swap3A_284 = vector.load %arg6[%swap3A, %swap3A_282, %swap3A_283] : memref<1x20x512xi32, #tpu.memory_space<vmem>>, vector<1x20x512xi32>
    %swap3A_285 = vector.shape_cast %swap3A_284 : vector<1x20x512xi32> to vector<20x512xi32>
    %swap3A_286 = vector.shape_cast %add3A_281 : vector<20x512xi32> to vector<1x20x512xi32>
    tpu.vector_store %arg6[%swap3A, %swap3A_282, %swap3A_283], %swap3A_286 {strides = array<i32>} : memref<1x20x512xi32, #tpu.memory_space<vmem>>, vector<1x20x512xi32>,
    return
  }
  func.func @transform_0(%arg0: i32, %arg1: i32) -> (i32, i32, i32) {
    %c0_i32 = arith.constant 0 : i32
    %c0_i32_0 = arith.constant 0 : i32
    return %arg0, %arg1, %c0_i32 : i32, i32, i32
  }
  func.func @transform_1(%arg0: i32, %arg1: i32) -> (i32, i32, i32) {
    %c0_i32 = arith.constant 0 : i32
    %c0_i32_0 = arith.constant 0 : i32
    %c0_i32_1 = arith.constant 0 : i32
    return %arg0, %c0_i32, %c0_i32_0 : i32, i32, i32
  }
  func.func @transform_2(%arg0: i32, %arg1: i32) -> (i32, i32, i32) {
    %c0_i32 = arith.constant 0 : i32
    %c0_i32_0 = arith.constant 0 : i32
    return %arg0, %arg1, %c0_i32 : i32, i32, i32
  }
  func.func @transform_3(%arg0: i32, %arg1: i32) -> (i32, i32, i32) {
    %c0_i32 = arith.constant 0 : i32
    %c0_i32_0 = arith.constant 0 : i32
    %c0_i32_1 = arith.constant 0 : i32
    return %arg0, %c0_i32, %c0_i32_0 : i32, i32, i32
  }
  func.func @transform_4(%arg0: i32, %arg1: i32) -> (i32, i32, i32) {
    %c0_i32 = arith.constant 0 : i32
    %c0_i32_0 = arith.constant 0 : i32
    return %arg0, %c0_i32, %arg1 : i32, i32, i32
  }
}

module attributes {stable_mosaic.version = 14 : i64} {
  func.func @_econv_body(%arg0: i32, %arg1: i32, %arg2: memref<1x20x256x128xf32, #tpu.memory_space<vmem>>, %arg3: memref<1x256x128xf32, #tpu.memory_space<vmem>>, %arg4: memref<128x256xf32, #tpu.memory_space<vmem>>, %arg5: memref<128x256xf32, #tpu.memory_space<vmem>>, %arg6: memref<1x256xf32, #tpu.memory_space<vmem>>, %arg7: memref<1x256x256xf32, #tpu.memory_space<vmem>>, %arg8: memref<1x256x256xf32, #tpu.memory_space<vmem>>, %arg9: memref<8x256xf32, #tpu.memory_space<vmem>>) attributes {dimension_semantics = [#tpu.dimension_semantics<arbitrary>, #tpu.dimension_semantics<arbitrary>], iteration_bounds = array<i64: 4, 4>, scalar_prefetch = 0 : i64, scratch_operands = 0 : i64, tpu.core_type = #tpu.core_type<tc>, window_params = [{transform_indices = @transform_0, window_bounds = array<i64: 1, 20, 256, 128>}, {transform_indices = @transform_1, window_bounds = array<i64: 1, 256, 128>}, {pipeline_mode = #tpu.pipeline_mode<synchronous>, transform_indices = @transform_2, window_bounds = array<i64: 128, 256>}, {pipeline_mode = #tpu.pipeline_mode<synchronous>, transform_indices = @transform_3, window_bounds = array<i64: 128, 256>}, {pipeline_mode = #tpu.pipeline_mode<synchronous>, transform_indices = @transform_4, window_bounds = array<i64: 1, 256>}, {transform_indices = @transform_5, window_bounds = array<i64: 1, 256, 256>}, {transform_indices = @transform_6, window_bounds = array<i64: 1, 256, 256>}, {pipeline_mode = #tpu.pipeline_mode<synchronous>, transform_indices = @transform_7, window_bounds = array<i64: 8, 256>}]} {
    %get3A = arith.constant 0 : index
    %get3A_0 = arith.constant 0 : index
    %get3A_1 = arith.constant 0 : index
    %get3A_2 = vector.load %arg3[%get3A, %get3A_0, %get3A_1] : memref<1x256x128xf32, #tpu.memory_space<vmem>>, vector<1x256x128xf32>
    %get3A_3 = vector.shape_cast %get3A_2 : vector<1x256x128xf32> to vector<256x128xf32>
    %get3A_4 = arith.constant 0 : index
    %get3A_5 = arith.constant 0 : index
    %get3A_6 = vector.load %arg4[%get3A_4, %get3A_5] : memref<128x256xf32, #tpu.memory_space<vmem>>, vector<128x256xf32>
    %convert_element_type3A = arith.truncf %get3A_6 : vector<128x256xf32> to vector<128x256xbf16>
    %get3A_7 = arith.constant 0 : index
    %get3A_8 = arith.constant 0 : index
    %get3A_9 = arith.constant 0 : index
    %get3A_10 = arith.constant 0 : index
    %get3A_11 = vector.load %arg2[%get3A_7, %get3A_8, %get3A_9, %get3A_10] : memref<1x20x256x128xf32, #tpu.memory_space<vmem>>, vector<1x1x256x128xf32>
    %get3A_12 = vector.shape_cast %get3A_11 : vector<1x1x256x128xf32> to vector<256x128xf32>
    %sub3A = arith.subf %get3A_12, %get3A_3 : vector<256x128xf32>
    %convert_element_type3A_13 = arith.truncf %sub3A : vector<256x128xf32> to vector<256x128xbf16>
    %dot_general3A = arith.constant dense<0.000000e+00> : vector<256x256xf32>
    %dot_general3A_14 = tpu.matmul %convert_element_type3A_13, %convert_element_type3A, %dot_general3A {dimension_numbers = #tpu.dot_dimension_numbers<[1], [0], [0], [1], [0, 0, 1, 1], [], []>, transpose_lhs_hint = false} : vector<256x128xbf16>, vector<128x256xbf16>, vector<256x256xf32> -> vector<256x256xf32>
    %mul3A = arith.mulf %dot_general3A_14, %dot_general3A_14 : vector<256x256xf32>
    %get3A_15 = arith.constant 0 : index
    %get3A_16 = arith.constant 1 : index
    %get3A_17 = arith.constant 0 : index
    %get3A_18 = arith.constant 0 : index
    %get3A_19 = vector.load %arg2[%get3A_15, %get3A_16, %get3A_17, %get3A_18] : memref<1x20x256x128xf32, #tpu.memory_space<vmem>>, vector<1x1x256x128xf32>
    %get3A_20 = vector.shape_cast %get3A_19 : vector<1x1x256x128xf32> to vector<256x128xf32>
    %sub3A_21 = arith.subf %get3A_20, %get3A_3 : vector<256x128xf32>
    %convert_element_type3A_22 = arith.truncf %sub3A_21 : vector<256x128xf32> to vector<256x128xbf16>
    %dot_general3A_23 = arith.constant dense<0.000000e+00> : vector<256x256xf32>
    %dot_general3A_24 = tpu.matmul %convert_element_type3A_22, %convert_element_type3A, %dot_general3A_23 {dimension_numbers = #tpu.dot_dimension_numbers<[1], [0], [0], [1], [0, 0, 1, 1], [], []>, transpose_lhs_hint = false} : vector<256x128xbf16>, vector<128x256xbf16>, vector<256x256xf32> -> vector<256x256xf32>
    %add3A = arith.addf %dot_general3A_14, %dot_general3A_24 : vector<256x256xf32>
    %mul3A_25 = arith.mulf %dot_general3A_24, %dot_general3A_24 : vector<256x256xf32>
    %add3A_26 = arith.addf %mul3A, %mul3A_25 : vector<256x256xf32>
    %max3A = arith.maximumf %dot_general3A_14, %dot_general3A_24 : vector<256x256xf32>
    %get3A_27 = arith.constant 0 : index
    %get3A_28 = arith.constant 2 : index
    %get3A_29 = arith.constant 0 : index
    %get3A_30 = arith.constant 0 : index
    %get3A_31 = vector.load %arg2[%get3A_27, %get3A_28, %get3A_29, %get3A_30] : memref<1x20x256x128xf32, #tpu.memory_space<vmem>>, vector<1x1x256x128xf32>
    %get3A_32 = vector.shape_cast %get3A_31 : vector<1x1x256x128xf32> to vector<256x128xf32>
    %sub3A_33 = arith.subf %get3A_32, %get3A_3 : vector<256x128xf32>
    %convert_element_type3A_34 = arith.truncf %sub3A_33 : vector<256x128xf32> to vector<256x128xbf16>
    %dot_general3A_35 = arith.constant dense<0.000000e+00> : vector<256x256xf32>
    %dot_general3A_36 = tpu.matmul %convert_element_type3A_34, %convert_element_type3A, %dot_general3A_35 {dimension_numbers = #tpu.dot_dimension_numbers<[1], [0], [0], [1], [0, 0, 1, 1], [], []>, transpose_lhs_hint = false} : vector<256x128xbf16>, vector<128x256xbf16>, vector<256x256xf32> -> vector<256x256xf32>
    %add3A_37 = arith.addf %add3A, %dot_general3A_36 : vector<256x256xf32>
    %mul3A_38 = arith.mulf %dot_general3A_36, %dot_general3A_36 : vector<256x256xf32>
    %add3A_39 = arith.addf %add3A_26, %mul3A_38 : vector<256x256xf32>
    %max3A_40 = arith.maximumf %max3A, %dot_general3A_36 : vector<256x256xf32>
    %get3A_41 = arith.constant 0 : index
    %get3A_42 = arith.constant 3 : index
    %get3A_43 = arith.constant 0 : index
    %get3A_44 = arith.constant 0 : index
    %get3A_45 = vector.load %arg2[%get3A_41, %get3A_42, %get3A_43, %get3A_44] : memref<1x20x256x128xf32, #tpu.memory_space<vmem>>, vector<1x1x256x128xf32>
    %get3A_46 = vector.shape_cast %get3A_45 : vector<1x1x256x128xf32> to vector<256x128xf32>
    %sub3A_47 = arith.subf %get3A_46, %get3A_3 : vector<256x128xf32>
    %convert_element_type3A_48 = arith.truncf %sub3A_47 : vector<256x128xf32> to vector<256x128xbf16>
    %dot_general3A_49 = arith.constant dense<0.000000e+00> : vector<256x256xf32>
    %dot_general3A_50 = tpu.matmul %convert_element_type3A_48, %convert_element_type3A, %dot_general3A_49 {dimension_numbers = #tpu.dot_dimension_numbers<[1], [0], [0], [1], [0, 0, 1, 1], [], []>, transpose_lhs_hint = false} : vector<256x128xbf16>, vector<128x256xbf16>, vector<256x256xf32> -> vector<256x256xf32>
    %add3A_51 = arith.addf %add3A_37, %dot_general3A_50 : vector<256x256xf32>
    %mul3A_52 = arith.mulf %dot_general3A_50, %dot_general3A_50 : vector<256x256xf32>
    %add3A_53 = arith.addf %add3A_39, %mul3A_52 : vector<256x256xf32>
    %max3A_54 = arith.maximumf %max3A_40, %dot_general3A_50 : vector<256x256xf32>
    %get3A_55 = arith.constant 0 : index
    %get3A_56 = arith.constant 4 : index
    %get3A_57 = arith.constant 0 : index
    %get3A_58 = arith.constant 0 : index
    %get3A_59 = vector.load %arg2[%get3A_55, %get3A_56, %get3A_57, %get3A_58] : memref<1x20x256x128xf32, #tpu.memory_space<vmem>>, vector<1x1x256x128xf32>
    %get3A_60 = vector.shape_cast %get3A_59 : vector<1x1x256x128xf32> to vector<256x128xf32>
    %sub3A_61 = arith.subf %get3A_60, %get3A_3 : vector<256x128xf32>
    %convert_element_type3A_62 = arith.truncf %sub3A_61 : vector<256x128xf32> to vector<256x128xbf16>
    %dot_general3A_63 = arith.constant dense<0.000000e+00> : vector<256x256xf32>
    %dot_general3A_64 = tpu.matmul %convert_element_type3A_62, %convert_element_type3A, %dot_general3A_63 {dimension_numbers = #tpu.dot_dimension_numbers<[1], [0], [0], [1], [0, 0, 1, 1], [], []>, transpose_lhs_hint = false} : vector<256x128xbf16>, vector<128x256xbf16>, vector<256x256xf32> -> vector<256x256xf32>
    %add3A_65 = arith.addf %add3A_51, %dot_general3A_64 : vector<256x256xf32>
    %mul3A_66 = arith.mulf %dot_general3A_64, %dot_general3A_64 : vector<256x256xf32>
    %add3A_67 = arith.addf %add3A_53, %mul3A_66 : vector<256x256xf32>
    %max3A_68 = arith.maximumf %max3A_54, %dot_general3A_64 : vector<256x256xf32>
    %get3A_69 = arith.constant 0 : index
    %get3A_70 = arith.constant 5 : index
    %get3A_71 = arith.constant 0 : index
    %get3A_72 = arith.constant 0 : index
    %get3A_73 = vector.load %arg2[%get3A_69, %get3A_70, %get3A_71, %get3A_72] : memref<1x20x256x128xf32, #tpu.memory_space<vmem>>, vector<1x1x256x128xf32>
    %get3A_74 = vector.shape_cast %get3A_73 : vector<1x1x256x128xf32> to vector<256x128xf32>
    %sub3A_75 = arith.subf %get3A_74, %get3A_3 : vector<256x128xf32>
    %convert_element_type3A_76 = arith.truncf %sub3A_75 : vector<256x128xf32> to vector<256x128xbf16>
    %dot_general3A_77 = arith.constant dense<0.000000e+00> : vector<256x256xf32>
    %dot_general3A_78 = tpu.matmul %convert_element_type3A_76, %convert_element_type3A, %dot_general3A_77 {dimension_numbers = #tpu.dot_dimension_numbers<[1], [0], [0], [1], [0, 0, 1, 1], [], []>, transpose_lhs_hint = false} : vector<256x128xbf16>, vector<128x256xbf16>, vector<256x256xf32> -> vector<256x256xf32>
    %add3A_79 = arith.addf %add3A_65, %dot_general3A_78 : vector<256x256xf32>
    %mul3A_80 = arith.mulf %dot_general3A_78, %dot_general3A_78 : vector<256x256xf32>
    %add3A_81 = arith.addf %add3A_67, %mul3A_80 : vector<256x256xf32>
    %max3A_82 = arith.maximumf %max3A_68, %dot_general3A_78 : vector<256x256xf32>
    %get3A_83 = arith.constant 0 : index
    %get3A_84 = arith.constant 6 : index
    %get3A_85 = arith.constant 0 : index
    %get3A_86 = arith.constant 0 : index
    %get3A_87 = vector.load %arg2[%get3A_83, %get3A_84, %get3A_85, %get3A_86] : memref<1x20x256x128xf32, #tpu.memory_space<vmem>>, vector<1x1x256x128xf32>
    %get3A_88 = vector.shape_cast %get3A_87 : vector<1x1x256x128xf32> to vector<256x128xf32>
    %sub3A_89 = arith.subf %get3A_88, %get3A_3 : vector<256x128xf32>
    %convert_element_type3A_90 = arith.truncf %sub3A_89 : vector<256x128xf32> to vector<256x128xbf16>
    %dot_general3A_91 = arith.constant dense<0.000000e+00> : vector<256x256xf32>
    %dot_general3A_92 = tpu.matmul %convert_element_type3A_90, %convert_element_type3A, %dot_general3A_91 {dimension_numbers = #tpu.dot_dimension_numbers<[1], [0], [0], [1], [0, 0, 1, 1], [], []>, transpose_lhs_hint = false} : vector<256x128xbf16>, vector<128x256xbf16>, vector<256x256xf32> -> vector<256x256xf32>
    %add3A_93 = arith.addf %add3A_79, %dot_general3A_92 : vector<256x256xf32>
    %mul3A_94 = arith.mulf %dot_general3A_92, %dot_general3A_92 : vector<256x256xf32>
    %add3A_95 = arith.addf %add3A_81, %mul3A_94 : vector<256x256xf32>
    %max3A_96 = arith.maximumf %max3A_82, %dot_general3A_92 : vector<256x256xf32>
    %get3A_97 = arith.constant 0 : index
    %get3A_98 = arith.constant 7 : index
    %get3A_99 = arith.constant 0 : index
    %get3A_100 = arith.constant 0 : index
    %get3A_101 = vector.load %arg2[%get3A_97, %get3A_98, %get3A_99, %get3A_100] : memref<1x20x256x128xf32, #tpu.memory_space<vmem>>, vector<1x1x256x128xf32>
    %get3A_102 = vector.shape_cast %get3A_101 : vector<1x1x256x128xf32> to vector<256x128xf32>
    %sub3A_103 = arith.subf %get3A_102, %get3A_3 : vector<256x128xf32>
    %convert_element_type3A_104 = arith.truncf %sub3A_103 : vector<256x128xf32> to vector<256x128xbf16>
    %dot_general3A_105 = arith.constant dense<0.000000e+00> : vector<256x256xf32>
    %dot_general3A_106 = tpu.matmul %convert_element_type3A_104, %convert_element_type3A, %dot_general3A_105 {dimension_numbers = #tpu.dot_dimension_numbers<[1], [0], [0], [1], [0, 0, 1, 1], [], []>, transpose_lhs_hint = false} : vector<256x128xbf16>, vector<128x256xbf16>, vector<256x256xf32> -> vector<256x256xf32>
    %add3A_107 = arith.addf %add3A_93, %dot_general3A_106 : vector<256x256xf32>
    %mul3A_108 = arith.mulf %dot_general3A_106, %dot_general3A_106 : vector<256x256xf32>
    %add3A_109 = arith.addf %add3A_95, %mul3A_108 : vector<256x256xf32>
    %max3A_110 = arith.maximumf %max3A_96, %dot_general3A_106 : vector<256x256xf32>
    %get3A_111 = arith.constant 0 : index
    %get3A_112 = arith.constant 8 : index
    %get3A_113 = arith.constant 0 : index
    %get3A_114 = arith.constant 0 : index
    %get3A_115 = vector.load %arg2[%get3A_111, %get3A_112, %get3A_113, %get3A_114] : memref<1x20x256x128xf32, #tpu.memory_space<vmem>>, vector<1x1x256x128xf32>
    %get3A_116 = vector.shape_cast %get3A_115 : vector<1x1x256x128xf32> to vector<256x128xf32>
    %sub3A_117 = arith.subf %get3A_116, %get3A_3 : vector<256x128xf32>
    %convert_element_type3A_118 = arith.truncf %sub3A_117 : vector<256x128xf32> to vector<256x128xbf16>
    %dot_general3A_119 = arith.constant dense<0.000000e+00> : vector<256x256xf32>
    %dot_general3A_120 = tpu.matmul %convert_element_type3A_118, %convert_element_type3A, %dot_general3A_119 {dimension_numbers = #tpu.dot_dimension_numbers<[1], [0], [0], [1], [0, 0, 1, 1], [], []>, transpose_lhs_hint = false} : vector<256x128xbf16>, vector<128x256xbf16>, vector<256x256xf32> -> vector<256x256xf32>
    %add3A_121 = arith.addf %add3A_107, %dot_general3A_120 : vector<256x256xf32>
    %mul3A_122 = arith.mulf %dot_general3A_120, %dot_general3A_120 : vector<256x256xf32>
    %add3A_123 = arith.addf %add3A_109, %mul3A_122 : vector<256x256xf32>
    %max3A_124 = arith.maximumf %max3A_110, %dot_general3A_120 : vector<256x256xf32>
    %get3A_125 = arith.constant 0 : index
    %get3A_126 = arith.constant 9 : index
    %get3A_127 = arith.constant 0 : index
    %get3A_128 = arith.constant 0 : index
    %get3A_129 = vector.load %arg2[%get3A_125, %get3A_126, %get3A_127, %get3A_128] : memref<1x20x256x128xf32, #tpu.memory_space<vmem>>, vector<1x1x256x128xf32>
    %get3A_130 = vector.shape_cast %get3A_129 : vector<1x1x256x128xf32> to vector<256x128xf32>
    %sub3A_131 = arith.subf %get3A_130, %get3A_3 : vector<256x128xf32>
    %convert_element_type3A_132 = arith.truncf %sub3A_131 : vector<256x128xf32> to vector<256x128xbf16>
    %dot_general3A_133 = arith.constant dense<0.000000e+00> : vector<256x256xf32>
    %dot_general3A_134 = tpu.matmul %convert_element_type3A_132, %convert_element_type3A, %dot_general3A_133 {dimension_numbers = #tpu.dot_dimension_numbers<[1], [0], [0], [1], [0, 0, 1, 1], [], []>, transpose_lhs_hint = false} : vector<256x128xbf16>, vector<128x256xbf16>, vector<256x256xf32> -> vector<256x256xf32>
    %add3A_135 = arith.addf %add3A_121, %dot_general3A_134 : vector<256x256xf32>
    %mul3A_136 = arith.mulf %dot_general3A_134, %dot_general3A_134 : vector<256x256xf32>
    %add3A_137 = arith.addf %add3A_123, %mul3A_136 : vector<256x256xf32>
    %max3A_138 = arith.maximumf %max3A_124, %dot_general3A_134 : vector<256x256xf32>
    %get3A_139 = arith.constant 0 : index
    %get3A_140 = arith.constant 10 : index
    %get3A_141 = arith.constant 0 : index
    %get3A_142 = arith.constant 0 : index
    %get3A_143 = vector.load %arg2[%get3A_139, %get3A_140, %get3A_141, %get3A_142] : memref<1x20x256x128xf32, #tpu.memory_space<vmem>>, vector<1x1x256x128xf32>
    %get3A_144 = vector.shape_cast %get3A_143 : vector<1x1x256x128xf32> to vector<256x128xf32>
    %sub3A_145 = arith.subf %get3A_144, %get3A_3 : vector<256x128xf32>
    %convert_element_type3A_146 = arith.truncf %sub3A_145 : vector<256x128xf32> to vector<256x128xbf16>
    %dot_general3A_147 = arith.constant dense<0.000000e+00> : vector<256x256xf32>
    %dot_general3A_148 = tpu.matmul %convert_element_type3A_146, %convert_element_type3A, %dot_general3A_147 {dimension_numbers = #tpu.dot_dimension_numbers<[1], [0], [0], [1], [0, 0, 1, 1], [], []>, transpose_lhs_hint = false} : vector<256x128xbf16>, vector<128x256xbf16>, vector<256x256xf32> -> vector<256x256xf32>
    %add3A_149 = arith.addf %add3A_135, %dot_general3A_148 : vector<256x256xf32>
    %mul3A_150 = arith.mulf %dot_general3A_148, %dot_general3A_148 : vector<256x256xf32>
    %add3A_151 = arith.addf %add3A_137, %mul3A_150 : vector<256x256xf32>
    %max3A_152 = arith.maximumf %max3A_138, %dot_general3A_148 : vector<256x256xf32>
    %get3A_153 = arith.constant 0 : index
    %get3A_154 = arith.constant 11 : index
    %get3A_155 = arith.constant 0 : index
    %get3A_156 = arith.constant 0 : index
    %get3A_157 = vector.load %arg2[%get3A_153, %get3A_154, %get3A_155, %get3A_156] : memref<1x20x256x128xf32, #tpu.memory_space<vmem>>, vector<1x1x256x128xf32>
    %get3A_158 = vector.shape_cast %get3A_157 : vector<1x1x256x128xf32> to vector<256x128xf32>
    %sub3A_159 = arith.subf %get3A_158, %get3A_3 : vector<256x128xf32>
    %convert_element_type3A_160 = arith.truncf %sub3A_159 : vector<256x128xf32> to vector<256x128xbf16>
    %dot_general3A_161 = arith.constant dense<0.000000e+00> : vector<256x256xf32>
    %dot_general3A_162 = tpu.matmul %convert_element_type3A_160, %convert_element_type3A, %dot_general3A_161 {dimension_numbers = #tpu.dot_dimension_numbers<[1], [0], [0], [1], [0, 0, 1, 1], [], []>, transpose_lhs_hint = false} : vector<256x128xbf16>, vector<128x256xbf16>, vector<256x256xf32> -> vector<256x256xf32>
    %add3A_163 = arith.addf %add3A_149, %dot_general3A_162 : vector<256x256xf32>
    %mul3A_164 = arith.mulf %dot_general3A_162, %dot_general3A_162 : vector<256x256xf32>
    %add3A_165 = arith.addf %add3A_151, %mul3A_164 : vector<256x256xf32>
    %max3A_166 = arith.maximumf %max3A_152, %dot_general3A_162 : vector<256x256xf32>
    %get3A_167 = arith.constant 0 : index
    %get3A_168 = arith.constant 12 : index
    %get3A_169 = arith.constant 0 : index
    %get3A_170 = arith.constant 0 : index
    %get3A_171 = vector.load %arg2[%get3A_167, %get3A_168, %get3A_169, %get3A_170] : memref<1x20x256x128xf32, #tpu.memory_space<vmem>>, vector<1x1x256x128xf32>
    %get3A_172 = vector.shape_cast %get3A_171 : vector<1x1x256x128xf32> to vector<256x128xf32>
    %sub3A_173 = arith.subf %get3A_172, %get3A_3 : vector<256x128xf32>
    %convert_element_type3A_174 = arith.truncf %sub3A_173 : vector<256x128xf32> to vector<256x128xbf16>
    %dot_general3A_175 = arith.constant dense<0.000000e+00> : vector<256x256xf32>
    %dot_general3A_176 = tpu.matmul %convert_element_type3A_174, %convert_element_type3A, %dot_general3A_175 {dimension_numbers = #tpu.dot_dimension_numbers<[1], [0], [0], [1], [0, 0, 1, 1], [], []>, transpose_lhs_hint = false} : vector<256x128xbf16>, vector<128x256xbf16>, vector<256x256xf32> -> vector<256x256xf32>
    %add3A_177 = arith.addf %add3A_163, %dot_general3A_176 : vector<256x256xf32>
    %mul3A_178 = arith.mulf %dot_general3A_176, %dot_general3A_176 : vector<256x256xf32>
    %add3A_179 = arith.addf %add3A_165, %mul3A_178 : vector<256x256xf32>
    %max3A_180 = arith.maximumf %max3A_166, %dot_general3A_176 : vector<256x256xf32>
    %get3A_181 = arith.constant 0 : index
    %get3A_182 = arith.constant 13 : index
    %get3A_183 = arith.constant 0 : index
    %get3A_184 = arith.constant 0 : index
    %get3A_185 = vector.load %arg2[%get3A_181, %get3A_182, %get3A_183, %get3A_184] : memref<1x20x256x128xf32, #tpu.memory_space<vmem>>, vector<1x1x256x128xf32>
    %get3A_186 = vector.shape_cast %get3A_185 : vector<1x1x256x128xf32> to vector<256x128xf32>
    %sub3A_187 = arith.subf %get3A_186, %get3A_3 : vector<256x128xf32>
    %convert_element_type3A_188 = arith.truncf %sub3A_187 : vector<256x128xf32> to vector<256x128xbf16>
    %dot_general3A_189 = arith.constant dense<0.000000e+00> : vector<256x256xf32>
    %dot_general3A_190 = tpu.matmul %convert_element_type3A_188, %convert_element_type3A, %dot_general3A_189 {dimension_numbers = #tpu.dot_dimension_numbers<[1], [0], [0], [1], [0, 0, 1, 1], [], []>, transpose_lhs_hint = false} : vector<256x128xbf16>, vector<128x256xbf16>, vector<256x256xf32> -> vector<256x256xf32>
    %add3A_191 = arith.addf %add3A_177, %dot_general3A_190 : vector<256x256xf32>
    %mul3A_192 = arith.mulf %dot_general3A_190, %dot_general3A_190 : vector<256x256xf32>
    %add3A_193 = arith.addf %add3A_179, %mul3A_192 : vector<256x256xf32>
    %max3A_194 = arith.maximumf %max3A_180, %dot_general3A_190 : vector<256x256xf32>
    %get3A_195 = arith.constant 0 : index
    %get3A_196 = arith.constant 14 : index
    %get3A_197 = arith.constant 0 : index
    %get3A_198 = arith.constant 0 : index
    %get3A_199 = vector.load %arg2[%get3A_195, %get3A_196, %get3A_197, %get3A_198] : memref<1x20x256x128xf32, #tpu.memory_space<vmem>>, vector<1x1x256x128xf32>
    %get3A_200 = vector.shape_cast %get3A_199 : vector<1x1x256x128xf32> to vector<256x128xf32>
    %sub3A_201 = arith.subf %get3A_200, %get3A_3 : vector<256x128xf32>
    %convert_element_type3A_202 = arith.truncf %sub3A_201 : vector<256x128xf32> to vector<256x128xbf16>
    %dot_general3A_203 = arith.constant dense<0.000000e+00> : vector<256x256xf32>
    %dot_general3A_204 = tpu.matmul %convert_element_type3A_202, %convert_element_type3A, %dot_general3A_203 {dimension_numbers = #tpu.dot_dimension_numbers<[1], [0], [0], [1], [0, 0, 1, 1], [], []>, transpose_lhs_hint = false} : vector<256x128xbf16>, vector<128x256xbf16>, vector<256x256xf32> -> vector<256x256xf32>
    %add3A_205 = arith.addf %add3A_191, %dot_general3A_204 : vector<256x256xf32>
    %mul3A_206 = arith.mulf %dot_general3A_204, %dot_general3A_204 : vector<256x256xf32>
    %add3A_207 = arith.addf %add3A_193, %mul3A_206 : vector<256x256xf32>
    %max3A_208 = arith.maximumf %max3A_194, %dot_general3A_204 : vector<256x256xf32>
    %get3A_209 = arith.constant 0 : index
    %get3A_210 = arith.constant 15 : index
    %get3A_211 = arith.constant 0 : index
    %get3A_212 = arith.constant 0 : index
    %get3A_213 = vector.load %arg2[%get3A_209, %get3A_210, %get3A_211, %get3A_212] : memref<1x20x256x128xf32, #tpu.memory_space<vmem>>, vector<1x1x256x128xf32>
    %get3A_214 = vector.shape_cast %get3A_213 : vector<1x1x256x128xf32> to vector<256x128xf32>
    %sub3A_215 = arith.subf %get3A_214, %get3A_3 : vector<256x128xf32>
    %convert_element_type3A_216 = arith.truncf %sub3A_215 : vector<256x128xf32> to vector<256x128xbf16>
    %dot_general3A_217 = arith.constant dense<0.000000e+00> : vector<256x256xf32>
    %dot_general3A_218 = tpu.matmul %convert_element_type3A_216, %convert_element_type3A, %dot_general3A_217 {dimension_numbers = #tpu.dot_dimension_numbers<[1], [0], [0], [1], [0, 0, 1, 1], [], []>, transpose_lhs_hint = false} : vector<256x128xbf16>, vector<128x256xbf16>, vector<256x256xf32> -> vector<256x256xf32>
    %add3A_219 = arith.addf %add3A_205, %dot_general3A_218 : vector<256x256xf32>
    %mul3A_220 = arith.mulf %dot_general3A_218, %dot_general3A_218 : vector<256x256xf32>
    %add3A_221 = arith.addf %add3A_207, %mul3A_220 : vector<256x256xf32>
    %max3A_222 = arith.maximumf %max3A_208, %dot_general3A_218 : vector<256x256xf32>
    %get3A_223 = arith.constant 0 : index
    %get3A_224 = arith.constant 16 : index
    %get3A_225 = arith.constant 0 : index
    %get3A_226 = arith.constant 0 : index
    %get3A_227 = vector.load %arg2[%get3A_223, %get3A_224, %get3A_225, %get3A_226] : memref<1x20x256x128xf32, #tpu.memory_space<vmem>>, vector<1x1x256x128xf32>
    %get3A_228 = vector.shape_cast %get3A_227 : vector<1x1x256x128xf32> to vector<256x128xf32>
    %sub3A_229 = arith.subf %get3A_228, %get3A_3 : vector<256x128xf32>
    %convert_element_type3A_230 = arith.truncf %sub3A_229 : vector<256x128xf32> to vector<256x128xbf16>
    %dot_general3A_231 = arith.constant dense<0.000000e+00> : vector<256x256xf32>
    %dot_general3A_232 = tpu.matmul %convert_element_type3A_230, %convert_element_type3A, %dot_general3A_231 {dimension_numbers = #tpu.dot_dimension_numbers<[1], [0], [0], [1], [0, 0, 1, 1], [], []>, transpose_lhs_hint = false} : vector<256x128xbf16>, vector<128x256xbf16>, vector<256x256xf32> -> vector<256x256xf32>
    %add3A_233 = arith.addf %add3A_219, %dot_general3A_232 : vector<256x256xf32>
    %mul3A_234 = arith.mulf %dot_general3A_232, %dot_general3A_232 : vector<256x256xf32>
    %add3A_235 = arith.addf %add3A_221, %mul3A_234 : vector<256x256xf32>
    %max3A_236 = arith.maximumf %max3A_222, %dot_general3A_232 : vector<256x256xf32>
    %get3A_237 = arith.constant 0 : index
    %get3A_238 = arith.constant 17 : index
    %get3A_239 = arith.constant 0 : index
    %get3A_240 = arith.constant 0 : index
    %get3A_241 = vector.load %arg2[%get3A_237, %get3A_238, %get3A_239, %get3A_240] : memref<1x20x256x128xf32, #tpu.memory_space<vmem>>, vector<1x1x256x128xf32>
    %get3A_242 = vector.shape_cast %get3A_241 : vector<1x1x256x128xf32> to vector<256x128xf32>
    %sub3A_243 = arith.subf %get3A_242, %get3A_3 : vector<256x128xf32>
    %convert_element_type3A_244 = arith.truncf %sub3A_243 : vector<256x128xf32> to vector<256x128xbf16>
    %dot_general3A_245 = arith.constant dense<0.000000e+00> : vector<256x256xf32>
    %dot_general3A_246 = tpu.matmul %convert_element_type3A_244, %convert_element_type3A, %dot_general3A_245 {dimension_numbers = #tpu.dot_dimension_numbers<[1], [0], [0], [1], [0, 0, 1, 1], [], []>, transpose_lhs_hint = false} : vector<256x128xbf16>, vector<128x256xbf16>, vector<256x256xf32> -> vector<256x256xf32>
    %add3A_247 = arith.addf %add3A_233, %dot_general3A_246 : vector<256x256xf32>
    %mul3A_248 = arith.mulf %dot_general3A_246, %dot_general3A_246 : vector<256x256xf32>
    %add3A_249 = arith.addf %add3A_235, %mul3A_248 : vector<256x256xf32>
    %max3A_250 = arith.maximumf %max3A_236, %dot_general3A_246 : vector<256x256xf32>
    %get3A_251 = arith.constant 0 : index
    %get3A_252 = arith.constant 18 : index
    %get3A_253 = arith.constant 0 : index
    %get3A_254 = arith.constant 0 : index
    %get3A_255 = vector.load %arg2[%get3A_251, %get3A_252, %get3A_253, %get3A_254] : memref<1x20x256x128xf32, #tpu.memory_space<vmem>>, vector<1x1x256x128xf32>
    %get3A_256 = vector.shape_cast %get3A_255 : vector<1x1x256x128xf32> to vector<256x128xf32>
    %sub3A_257 = arith.subf %get3A_256, %get3A_3 : vector<256x128xf32>
    %convert_element_type3A_258 = arith.truncf %sub3A_257 : vector<256x128xf32> to vector<256x128xbf16>
    %dot_general3A_259 = arith.constant dense<0.000000e+00> : vector<256x256xf32>
    %dot_general3A_260 = tpu.matmul %convert_element_type3A_258, %convert_element_type3A, %dot_general3A_259 {dimension_numbers = #tpu.dot_dimension_numbers<[1], [0], [0], [1], [0, 0, 1, 1], [], []>, transpose_lhs_hint = false} : vector<256x128xbf16>, vector<128x256xbf16>, vector<256x256xf32> -> vector<256x256xf32>
    %add3A_261 = arith.addf %add3A_247, %dot_general3A_260 : vector<256x256xf32>
    %mul3A_262 = arith.mulf %dot_general3A_260, %dot_general3A_260 : vector<256x256xf32>
    %add3A_263 = arith.addf %add3A_249, %mul3A_262 : vector<256x256xf32>
    %max3A_264 = arith.maximumf %max3A_250, %dot_general3A_260 : vector<256x256xf32>
    %get3A_265 = arith.constant 0 : index
    %get3A_266 = arith.constant 19 : index
    %get3A_267 = arith.constant 0 : index
    %get3A_268 = arith.constant 0 : index
    %get3A_269 = vector.load %arg2[%get3A_265, %get3A_266, %get3A_267, %get3A_268] : memref<1x20x256x128xf32, #tpu.memory_space<vmem>>, vector<1x1x256x128xf32>
    %get3A_270 = vector.shape_cast %get3A_269 : vector<1x1x256x128xf32> to vector<256x128xf32>
    %sub3A_271 = arith.subf %get3A_270, %get3A_3 : vector<256x128xf32>
    %convert_element_type3A_272 = arith.truncf %sub3A_271 : vector<256x128xf32> to vector<256x128xbf16>
    %dot_general3A_273 = arith.constant dense<0.000000e+00> : vector<256x256xf32>
    %dot_general3A_274 = tpu.matmul %convert_element_type3A_272, %convert_element_type3A, %dot_general3A_273 {dimension_numbers = #tpu.dot_dimension_numbers<[1], [0], [0], [1], [0, 0, 1, 1], [], []>, transpose_lhs_hint = false} : vector<256x128xbf16>, vector<128x256xbf16>, vector<256x256xf32> -> vector<256x256xf32>
    %add3A_275 = arith.addf %add3A_261, %dot_general3A_274 : vector<256x256xf32>
    %mul3A_276 = arith.mulf %dot_general3A_274, %dot_general3A_274 : vector<256x256xf32>
    %add3A_277 = arith.addf %add3A_263, %mul3A_276 : vector<256x256xf32>
    %max3A_278 = arith.maximumf %max3A_264, %dot_general3A_274 : vector<256x256xf32>
    %convert_element_type3A_279 = arith.truncf %get3A_3 : vector<256x128xf32> to vector<256x128xbf16>
    %get3A_280 = arith.constant 0 : index
    %get3A_281 = arith.constant 0 : index
    %get3A_282 = vector.load %arg5[%get3A_280, %get3A_281] : memref<128x256xf32, #tpu.memory_space<vmem>>, vector<128x256xf32>
    %convert_element_type3A_283 = arith.truncf %get3A_282 : vector<128x256xf32> to vector<128x256xbf16>
    %dot_general3A_284 = arith.constant dense<0.000000e+00> : vector<256x256xf32>
    %dot_general3A_285 = tpu.matmul %convert_element_type3A_279, %convert_element_type3A_283, %dot_general3A_284 {dimension_numbers = #tpu.dot_dimension_numbers<[1], [0], [0], [1], [0, 0, 1, 1], [], []>, transpose_lhs_hint = false} : vector<256x128xbf16>, vector<128x256xbf16>, vector<256x256xf32> -> vector<256x256xf32>
    %get3A_286 = arith.constant 0 : index
    %get3A_287 = arith.constant 0 : index
    %get3A_288 = vector.load %arg6[%get3A_286, %get3A_287] : memref<1x256xf32, #tpu.memory_space<vmem>>, vector<1x256xf32>
    %add3A_289 = vector.broadcast %get3A_288 : vector<1x256xf32> to vector<256x256xf32>
    %add3A_290 = arith.addf %dot_general3A_285, %add3A_289 : vector<256x256xf32>
    %swap3A = arith.constant 0 : index
    %swap3A_291 = arith.constant 0 : index
    %swap3A_292 = arith.constant 0 : index
    %swap3A_293 = vector.load %arg7[%swap3A, %swap3A_291, %swap3A_292] : memref<1x256x256xf32, #tpu.memory_space<vmem>>, vector<1x256x256xf32>
    %swap3A_294 = vector.shape_cast %swap3A_293 : vector<1x256x256xf32> to vector<256x256xf32>
    %swap3A_295 = vector.shape_cast %max3A_278 : vector<256x256xf32> to vector<1x256x256xf32>
    tpu.vector_store %arg7[%swap3A, %swap3A_291, %swap3A_292], %swap3A_295 {strides = array<i32>} : memref<1x256x256xf32, #tpu.memory_space<vmem>>, vector<1x256x256xf32>,
    %swap3A_296 = arith.constant 0 : index
    %swap3A_297 = arith.constant 0 : index
    %swap3A_298 = arith.constant 0 : index
    %swap3A_299 = vector.load %arg8[%swap3A_296, %swap3A_297, %swap3A_298] : memref<1x256x256xf32, #tpu.memory_space<vmem>>, vector<1x256x256xf32>
    %swap3A_300 = vector.shape_cast %swap3A_299 : vector<1x256x256xf32> to vector<256x256xf32>
    %swap3A_301 = vector.shape_cast %add3A_290 : vector<256x256xf32> to vector<1x256x256xf32>
    tpu.vector_store %arg8[%swap3A_296, %swap3A_297, %swap3A_298], %swap3A_301 {strides = array<i32>} : memref<1x256x256xf32, #tpu.memory_space<vmem>>, vector<1x256x256xf32>,
    %eq3A = arith.constant 0 : i32
    %eq3A_302 = arith.cmpi eq, %arg0, %eq3A : i32
    %eq3A_303 = arith.constant 0 : i32
    %eq3A_304 = arith.cmpi eq, %arg1, %eq3A_303 : i32
    %and3A = arith.andi %eq3A_302, %eq3A_304 : i1
    %convert_element_type3A_305 = arith.extui %and3A : i1 to i32
    %cond3A = arith.constant 0 : i32
    %cond3A_306 = arith.cmpi ne, %convert_element_type3A_305, %cond3A : i32
    scf.if %cond3A_306 {
      %broadcast_in_dim3A_339 = arith.constant 0.000000e+00 : f32
      %broadcast_in_dim3A_340 = vector.broadcast %broadcast_in_dim3A_339 : f32 to vector<8x256xf32>
      %swap3A_341 = arith.constant 0 : index
      %swap3A_342 = arith.constant 0 : index
      %swap3A_343 = vector.load %arg9[%swap3A_341, %swap3A_342] : memref<8x256xf32, #tpu.memory_space<vmem>>, vector<8x256xf32>
      tpu.vector_store %arg9[%swap3A_341, %swap3A_342], %broadcast_in_dim3A_340 {strides = array<i32>} : memref<8x256xf32, #tpu.memory_space<vmem>>, vector<8x256xf32>,
    } else {
    }
    %mul3A_307 = arith.constant 2.000000e+01 : f32
    %mul3A_308 = vector.broadcast %mul3A_307 : f32 to vector<256x256xf32>
    %mul3A_309 = arith.mulf %mul3A_308, %add3A_290 : vector<256x256xf32>
    %add3A_310 = arith.addf %add3A_275, %mul3A_309 : vector<256x256xf32>
    %reduce_sum3A = arith.constant dense<0.000000e+00> : vector<256xf32>
    %reduce_sum3A_311 = vector.multi_reduction <add>, %add3A_310, %reduce_sum3A [0] : vector<256x256xf32> to vector<256xf32>
    %mul3A_312 = arith.constant 2.000000e+00 : f32
    %mul3A_313 = vector.broadcast %mul3A_312 : f32 to vector<256x256xf32>
    %mul3A_314 = arith.mulf %mul3A_313, %add3A_290 : vector<256x256xf32>
    %mul3A_315 = arith.mulf %mul3A_314, %add3A_275 : vector<256x256xf32>
    %add3A_316 = arith.addf %add3A_277, %mul3A_315 : vector<256x256xf32>
    %mul3A_317 = arith.constant 2.000000e+01 : f32
    %mul3A_318 = vector.broadcast %mul3A_317 : f32 to vector<256x256xf32>
    %mul3A_319 = arith.mulf %mul3A_318, %add3A_290 : vector<256x256xf32>
    %mul3A_320 = arith.mulf %mul3A_319, %add3A_290 : vector<256x256xf32>
    %add3A_321 = arith.addf %add3A_316, %mul3A_320 : vector<256x256xf32>
    %reduce_sum3A_322 = arith.constant dense<0.000000e+00> : vector<256xf32>
    %reduce_sum3A_323 = vector.multi_reduction <add>, %add3A_321, %reduce_sum3A_322 [0] : vector<256x256xf32> to vector<256xf32>
    %get3A_324 = arith.constant 0 : index
    %get3A_325 = arith.constant 0 : index
    %get3A_326 = vector.load %arg9[%get3A_324, %get3A_325] : memref<8x256xf32, #tpu.memory_space<vmem>>, vector<1x256xf32>
    %broadcast_in_dim3A = vector.shape_cast %reduce_sum3A_311 : vector<256xf32> to vector<1x256xf32>
    %add3A_327 = arith.addf %get3A_326, %broadcast_in_dim3A : vector<1x256xf32>
    %swap3A_328 = arith.constant 0 : index
    %swap3A_329 = arith.constant 0 : index
    %swap3A_330 = vector.load %arg9[%swap3A_328, %swap3A_329] : memref<8x256xf32, #tpu.memory_space<vmem>>, vector<1x256xf32>
    tpu.vector_store %arg9[%swap3A_328, %swap3A_329], %add3A_327 {strides = array<i32>} : memref<8x256xf32, #tpu.memory_space<vmem>>, vector<1x256xf32>,
    %get3A_331 = arith.constant 1 : index
    %get3A_332 = arith.constant 0 : index
    %get3A_333 = vector.load %arg9[%get3A_331, %get3A_332] : memref<8x256xf32, #tpu.memory_space<vmem>>, vector<1x256xf32>
    %broadcast_in_dim3A_334 = vector.shape_cast %reduce_sum3A_323 : vector<256xf32> to vector<1x256xf32>
    %add3A_335 = arith.addf %get3A_333, %broadcast_in_dim3A_334 : vector<1x256xf32>
    %swap3A_336 = arith.constant 1 : index
    %swap3A_337 = arith.constant 0 : index
    %swap3A_338 = vector.load %arg9[%swap3A_336, %swap3A_337] : memref<8x256xf32, #tpu.memory_space<vmem>>, vector<1x256xf32>
    tpu.vector_store %arg9[%swap3A_336, %swap3A_337], %add3A_335 {strides = array<i32>} : memref<8x256xf32, #tpu.memory_space<vmem>>, vector<1x256xf32>,
    return
  }
  func.func @transform_0(%arg0: i32, %arg1: i32) -> (i32, i32, i32, i32) {
    %c0_i32 = arith.constant 0 : i32
    %c0_i32_0 = arith.constant 0 : i32
    %c0_i32_1 = arith.constant 0 : i32
    return %arg0, %c0_i32, %arg1, %c0_i32_0 : i32, i32, i32, i32
  }
  func.func @transform_1(%arg0: i32, %arg1: i32) -> (i32, i32, i32) {
    %c0_i32 = arith.constant 0 : i32
    %c0_i32_0 = arith.constant 0 : i32
    return %arg0, %arg1, %c0_i32 : i32, i32, i32
  }
  func.func @transform_2(%arg0: i32, %arg1: i32) -> (i32, i32) {
    %c0_i32 = arith.constant 0 : i32
    %c0_i32_0 = arith.constant 0 : i32
    %c0_i32_1 = arith.constant 0 : i32
    return %c0_i32, %c0_i32_0 : i32, i32
  }
  func.func @transform_3(%arg0: i32, %arg1: i32) -> (i32, i32) {
    %c0_i32 = arith.constant 0 : i32
    %c0_i32_0 = arith.constant 0 : i32
    %c0_i32_1 = arith.constant 0 : i32
    return %c0_i32, %c0_i32_0 : i32, i32
  }
  func.func @transform_4(%arg0: i32, %arg1: i32) -> (i32, i32) {
    %c0_i32 = arith.constant 0 : i32
    %c0_i32_0 = arith.constant 0 : i32
    %c0_i32_1 = arith.constant 0 : i32
    return %c0_i32, %c0_i32_0 : i32, i32
  }
  func.func @transform_5(%arg0: i32, %arg1: i32) -> (i32, i32, i32) {
    %c0_i32 = arith.constant 0 : i32
    %c0_i32_0 = arith.constant 0 : i32
    return %arg0, %arg1, %c0_i32 : i32, i32, i32
  }
  func.func @transform_6(%arg0: i32, %arg1: i32) -> (i32, i32, i32) {
    %c0_i32 = arith.constant 0 : i32
    %c0_i32_0 = arith.constant 0 : i32
    return %arg0, %arg1, %c0_i32 : i32, i32, i32
  }
  func.func @transform_7(%arg0: i32, %arg1: i32) -> (i32, i32) {
    %c0_i32 = arith.constant 0 : i32
    %c0_i32_0 = arith.constant 0 : i32
    %c0_i32_1 = arith.constant 0 : i32
    return %c0_i32, %c0_i32_0 : i32, i32
  }
}

module attributes {stable_mosaic.version = 14 : i64} {
  func.func @_final_mm_body(%arg0: i32, %arg1: memref<1024x64xf32, #tpu.memory_space<vmem>>, %arg2: memref<1024x128xf32, #tpu.memory_space<vmem>>, %arg3: memref<1024x256xf32, #tpu.memory_space<vmem>>, %arg4: memref<1024x256xf32, #tpu.memory_space<vmem>>, %arg5: memref<8x256xf32, #tpu.memory_space<vmem>>, %arg6: memref<1x256xf32, #tpu.memory_space<vmem>>, %arg7: memref<1x256xf32, #tpu.memory_space<vmem>>, %arg8: memref<64x512xf32, #tpu.memory_space<vmem>>, %arg9: memref<128x512xf32, #tpu.memory_space<vmem>>, %arg10: memref<256x512xf32, #tpu.memory_space<vmem>>, %arg11: memref<1x512xf32, #tpu.memory_space<vmem>>, %arg12: memref<1024x512xf32, #tpu.memory_space<vmem>>, %arg13: memref<8x512xf32, #tpu.memory_space<vmem>>) attributes {dimension_semantics = [#tpu.dimension_semantics<arbitrary>], iteration_bounds = array<i64: 4>, scalar_prefetch = 0 : i64, scratch_operands = 0 : i64, tpu.core_type = #tpu.core_type<tc>, window_params = [{transform_indices = @transform_0, window_bounds = array<i64: 1024, 64>}, {transform_indices = @transform_1, window_bounds = array<i64: 1024, 128>}, {transform_indices = @transform_2, window_bounds = array<i64: 1024, 256>}, {transform_indices = @transform_3, window_bounds = array<i64: 1024, 256>}, {pipeline_mode = #tpu.pipeline_mode<synchronous>, transform_indices = @transform_4, window_bounds = array<i64: 8, 256>}, {pipeline_mode = #tpu.pipeline_mode<synchronous>, transform_indices = @transform_5, window_bounds = array<i64: 1, 256>}, {pipeline_mode = #tpu.pipeline_mode<synchronous>, transform_indices = @transform_6, window_bounds = array<i64: 1, 256>}, {pipeline_mode = #tpu.pipeline_mode<synchronous>, transform_indices = @transform_7, window_bounds = array<i64: 64, 512>}, {pipeline_mode = #tpu.pipeline_mode<synchronous>, transform_indices = @transform_8, window_bounds = array<i64: 128, 512>}, {pipeline_mode = #tpu.pipeline_mode<synchronous>, transform_indices = @transform_9, window_bounds = array<i64: 256, 512>}, {pipeline_mode = #tpu.pipeline_mode<synchronous>, transform_indices = @transform_10, window_bounds = array<i64: 1, 512>}, {transform_indices = @transform_11, window_bounds = array<i64: 1024, 512>}, {pipeline_mode = #tpu.pipeline_mode<synchronous>, transform_indices = @transform_12, window_bounds = array<i64: 8, 512>}]} {
    %get3A = arith.constant 0 : index
    %get3A_0 = arith.constant 0 : index
    %get3A_1 = vector.load %arg5[%get3A, %get3A_0] : memref<8x256xf32, #tpu.memory_space<vmem>>, vector<1x256xf32>
    %mul3A = arith.constant 1.22070314E-5 : f32
    %mul3A_2 = vector.broadcast %mul3A : f32 to vector<1x256xf32>
    %mul3A_3 = arith.mulf %get3A_1, %mul3A_2 : vector<1x256xf32>
    %get3A_4 = arith.constant 1 : index
    %get3A_5 = arith.constant 0 : index
    %get3A_6 = vector.load %arg5[%get3A_4, %get3A_5] : memref<8x256xf32, #tpu.memory_space<vmem>>, vector<1x256xf32>
    %mul3A_7 = arith.constant 1.22070314E-5 : f32
    %mul3A_8 = vector.broadcast %mul3A_7 : f32 to vector<1x256xf32>
    %mul3A_9 = arith.mulf %get3A_6, %mul3A_8 : vector<1x256xf32>
    %mul3A_10 = arith.mulf %mul3A_3, %mul3A_3 : vector<1x256xf32>
    %sub3A = arith.subf %mul3A_9, %mul3A_10 : vector<1x256xf32>
    %get3A_11 = arith.constant 0 : index
    %get3A_12 = arith.constant 0 : index
    %get3A_13 = vector.load %arg3[%get3A_11, %get3A_12] : memref<1024x256xf32, #tpu.memory_space<vmem>>, vector<1024x256xf32>
    %get3A_14 = arith.constant 0 : index
    %get3A_15 = arith.constant 0 : index
    %get3A_16 = vector.load %arg4[%get3A_14, %get3A_15] : memref<1024x256xf32, #tpu.memory_space<vmem>>, vector<1024x256xf32>
    %add3A = arith.addf %get3A_13, %get3A_16 : vector<1024x256xf32>
    %sub3A_17 = vector.broadcast %mul3A_3 : vector<1x256xf32> to vector<1024x256xf32>
    %sub3A_18 = arith.subf %add3A, %sub3A_17 : vector<1024x256xf32>
    %add3A_19 = arith.constant 9.99999974E-6 : f32
    %add3A_20 = vector.broadcast %add3A_19 : f32 to vector<1x256xf32>
    %add3A_21 = arith.addf %sub3A, %add3A_20 : vector<1x256xf32>
    %sqrt3A = math.sqrt %add3A_21 : vector<1x256xf32>
    %div3A = vector.broadcast %sqrt3A : vector<1x256xf32> to vector<1024x256xf32>
    %div3A_22 = arith.divf %sub3A_18, %div3A : vector<1024x256xf32>
    %get3A_23 = arith.constant 0 : index
    %get3A_24 = arith.constant 0 : index
    %get3A_25 = vector.load %arg6[%get3A_23, %get3A_24] : memref<1x256xf32, #tpu.memory_space<vmem>>, vector<1x256xf32>
    %mul3A_26 = vector.broadcast %get3A_25 : vector<1x256xf32> to vector<1024x256xf32>
    %mul3A_27 = arith.mulf %div3A_22, %mul3A_26 : vector<1024x256xf32>
    %get3A_28 = arith.constant 0 : index
    %get3A_29 = arith.constant 0 : index
    %get3A_30 = vector.load %arg7[%get3A_28, %get3A_29] : memref<1x256xf32, #tpu.memory_space<vmem>>, vector<1x256xf32>
    %add3A_31 = vector.broadcast %get3A_30 : vector<1x256xf32> to vector<1024x256xf32>
    %add3A_32 = arith.addf %mul3A_27, %add3A_31 : vector<1024x256xf32>
    %max3A = arith.constant 0.000000e+00 : f32
    %max3A_33 = vector.broadcast %max3A : f32 to vector<1024x256xf32>
    %max3A_34 = arith.maximumf %add3A_32, %max3A_33 : vector<1024x256xf32>
    %get3A_35 = arith.constant 0 : index
    %get3A_36 = arith.constant 0 : index
    %get3A_37 = vector.load %arg1[%get3A_35, %get3A_36] : memref<1024x64xf32, #tpu.memory_space<vmem>>, vector<1024x64xf32>
    %convert_element_type3A = arith.truncf %get3A_37 : vector<1024x64xf32> to vector<1024x64xbf16>
    %get3A_38 = arith.constant 0 : index
    %get3A_39 = arith.constant 0 : index
    %get3A_40 = vector.load %arg8[%get3A_38, %get3A_39] : memref<64x512xf32, #tpu.memory_space<vmem>>, vector<64x512xf32>
    %convert_element_type3A_41 = arith.truncf %get3A_40 : vector<64x512xf32> to vector<64x512xbf16>
    %dot_general3A = arith.constant dense<0.000000e+00> : vector<1024x512xf32>
    %dot_general3A_42 = tpu.matmul %convert_element_type3A, %convert_element_type3A_41, %dot_general3A {dimension_numbers = #tpu.dot_dimension_numbers<[1], [0], [0], [1], [0, 0, 1, 1], [], []>, transpose_lhs_hint = false} : vector<1024x64xbf16>, vector<64x512xbf16>, vector<1024x512xf32> -> vector<1024x512xf32>
    %get3A_43 = arith.constant 0 : index
    %get3A_44 = arith.constant 0 : index
    %get3A_45 = vector.load %arg2[%get3A_43, %get3A_44] : memref<1024x128xf32, #tpu.memory_space<vmem>>, vector<1024x128xf32>
    %convert_element_type3A_46 = arith.truncf %get3A_45 : vector<1024x128xf32> to vector<1024x128xbf16>
    %get3A_47 = arith.constant 0 : index
    %get3A_48 = arith.constant 0 : index
    %get3A_49 = vector.load %arg9[%get3A_47, %get3A_48] : memref<128x512xf32, #tpu.memory_space<vmem>>, vector<128x512xf32>
    %convert_element_type3A_50 = arith.truncf %get3A_49 : vector<128x512xf32> to vector<128x512xbf16>
    %dot_general3A_51 = arith.constant dense<0.000000e+00> : vector<1024x512xf32>
    %dot_general3A_52 = tpu.matmul %convert_element_type3A_46, %convert_element_type3A_50, %dot_general3A_51 {dimension_numbers = #tpu.dot_dimension_numbers<[1], [0], [0], [1], [0, 0, 1, 1], [], []>, transpose_lhs_hint = false} : vector<1024x128xbf16>, vector<128x512xbf16>, vector<1024x512xf32> -> vector<1024x512xf32>
    %add3A_53 = arith.addf %dot_general3A_42, %dot_general3A_52 : vector<1024x512xf32>
    %convert_element_type3A_54 = arith.truncf %max3A_34 : vector<1024x256xf32> to vector<1024x256xbf16>
    %get3A_55 = arith.constant 0 : index
    %get3A_56 = arith.constant 0 : index
    %get3A_57 = vector.load %arg10[%get3A_55, %get3A_56] : memref<256x512xf32, #tpu.memory_space<vmem>>, vector<256x512xf32>
    %convert_element_type3A_58 = arith.truncf %get3A_57 : vector<256x512xf32> to vector<256x512xbf16>
    %dot_general3A_59 = arith.constant dense<0.000000e+00> : vector<1024x512xf32>
    %dot_general3A_60 = tpu.matmul %convert_element_type3A_54, %convert_element_type3A_58, %dot_general3A_59 {dimension_numbers = #tpu.dot_dimension_numbers<[1], [0], [0], [1], [0, 0, 1, 1], [], []>, transpose_lhs_hint = false} : vector<1024x256xbf16>, vector<256x512xbf16>, vector<1024x512xf32> -> vector<1024x512xf32>
    %add3A_61 = arith.addf %add3A_53, %dot_general3A_60 : vector<1024x512xf32>
    %get3A_62 = arith.constant 0 : index
    %get3A_63 = arith.constant 0 : index
    %get3A_64 = vector.load %arg11[%get3A_62, %get3A_63] : memref<1x512xf32, #tpu.memory_space<vmem>>, vector<1x512xf32>
    %add3A_65 = vector.broadcast %get3A_64 : vector<1x512xf32> to vector<1024x512xf32>
    %add3A_66 = arith.addf %add3A_61, %add3A_65 : vector<1024x512xf32>
    %swap3A = arith.constant 0 : index
    %swap3A_67 = arith.constant 0 : index
    %swap3A_68 = vector.load %arg12[%swap3A, %swap3A_67] : memref<1024x512xf32, #tpu.memory_space<vmem>>, vector<1024x512xf32>
    tpu.vector_store %arg12[%swap3A, %swap3A_67], %add3A_66 {strides = array<i32>} : memref<1024x512xf32, #tpu.memory_space<vmem>>, vector<1024x512xf32>,
    %eq3A = arith.constant 0 : i32
    %eq3A_69 = arith.cmpi eq, %arg0, %eq3A : i32
    %convert_element_type3A_70 = arith.extui %eq3A_69 : i1 to i32
    %cond3A = arith.constant 0 : i32
    %cond3A_71 = arith.cmpi ne, %convert_element_type3A_70, %cond3A : i32
    scf.if %cond3A_71 {
      %broadcast_in_dim3A_91 = arith.constant 0.000000e+00 : f32
      %broadcast_in_dim3A_92 = vector.broadcast %broadcast_in_dim3A_91 : f32 to vector<8x512xf32>
      %swap3A_93 = arith.constant 0 : index
      %swap3A_94 = arith.constant 0 : index
      %swap3A_95 = vector.load %arg13[%swap3A_93, %swap3A_94] : memref<8x512xf32, #tpu.memory_space<vmem>>, vector<8x512xf32>
      tpu.vector_store %arg13[%swap3A_93, %swap3A_94], %broadcast_in_dim3A_92 {strides = array<i32>} : memref<8x512xf32, #tpu.memory_space<vmem>>, vector<8x512xf32>,
    } else {
    }
    %get3A_72 = arith.constant 0 : index
    %get3A_73 = arith.constant 0 : index
    %get3A_74 = vector.load %arg13[%get3A_72, %get3A_73] : memref<8x512xf32, #tpu.memory_space<vmem>>, vector<1x512xf32>
    %reduce_sum3A = arith.constant dense<0.000000e+00> : vector<512xf32>
    %reduce_sum3A_75 = vector.multi_reduction <add>, %add3A_66, %reduce_sum3A [0] : vector<1024x512xf32> to vector<512xf32>
    %broadcast_in_dim3A = vector.shape_cast %reduce_sum3A_75 : vector<512xf32> to vector<1x512xf32>
    %add3A_76 = arith.addf %get3A_74, %broadcast_in_dim3A : vector<1x512xf32>
    %swap3A_77 = arith.constant 0 : index
    %swap3A_78 = arith.constant 0 : index
    %swap3A_79 = vector.load %arg13[%swap3A_77, %swap3A_78] : memref<8x512xf32, #tpu.memory_space<vmem>>, vector<1x512xf32>
    tpu.vector_store %arg13[%swap3A_77, %swap3A_78], %add3A_76 {strides = array<i32>} : memref<8x512xf32, #tpu.memory_space<vmem>>, vector<1x512xf32>,
    %get3A_80 = arith.constant 1 : index
    %get3A_81 = arith.constant 0 : index
    %get3A_82 = vector.load %arg13[%get3A_80, %get3A_81] : memref<8x512xf32, #tpu.memory_space<vmem>>, vector<1x512xf32>
    %mul3A_83 = arith.mulf %add3A_66, %add3A_66 : vector<1024x512xf32>
    %reduce_sum3A_84 = arith.constant dense<0.000000e+00> : vector<512xf32>
    %reduce_sum3A_85 = vector.multi_reduction <add>, %mul3A_83, %reduce_sum3A_84 [0] : vector<1024x512xf32> to vector<512xf32>
    %broadcast_in_dim3A_86 = vector.shape_cast %reduce_sum3A_85 : vector<512xf32> to vector<1x512xf32>
    %add3A_87 = arith.addf %get3A_82, %broadcast_in_dim3A_86 : vector<1x512xf32>
    %swap3A_88 = arith.constant 1 : index
    %swap3A_89 = arith.constant 0 : index
    %swap3A_90 = vector.load %arg13[%swap3A_88, %swap3A_89] : memref<8x512xf32, #tpu.memory_space<vmem>>, vector<1x512xf32>
    tpu.vector_store %arg13[%swap3A_88, %swap3A_89], %add3A_87 {strides = array<i32>} : memref<8x512xf32, #tpu.memory_space<vmem>>, vector<1x512xf32>,
    return
  }
  func.func @transform_0(%arg0: i32) -> (i32, i32) {
    %c0_i32 = arith.constant 0 : i32
    %c0_i32_0 = arith.constant 0 : i32
    return %arg0, %c0_i32 : i32, i32
  }
  func.func @transform_1(%arg0: i32) -> (i32, i32) {
    %c0_i32 = arith.constant 0 : i32
    %c0_i32_0 = arith.constant 0 : i32
    return %arg0, %c0_i32 : i32, i32
  }
  func.func @transform_2(%arg0: i32) -> (i32, i32) {
    %c0_i32 = arith.constant 0 : i32
    %c0_i32_0 = arith.constant 0 : i32
    return %arg0, %c0_i32 : i32, i32
  }
  func.func @transform_3(%arg0: i32) -> (i32, i32) {
    %c0_i32 = arith.constant 0 : i32
    %c0_i32_0 = arith.constant 0 : i32
    return %arg0, %c0_i32 : i32, i32
  }
  func.func @transform_4(%arg0: i32) -> (i32, i32) {
    %c0_i32 = arith.constant 0 : i32
    %c0_i32_0 = arith.constant 0 : i32
    %c0_i32_1 = arith.constant 0 : i32
    return %c0_i32, %c0_i32_0 : i32, i32
  }
  func.func @transform_5(%arg0: i32) -> (i32, i32) {
    %c0_i32 = arith.constant 0 : i32
    %c0_i32_0 = arith.constant 0 : i32
    %c0_i32_1 = arith.constant 0 : i32
    return %c0_i32, %c0_i32_0 : i32, i32
  }
  func.func @transform_6(%arg0: i32) -> (i32, i32) {
    %c0_i32 = arith.constant 0 : i32
    %c0_i32_0 = arith.constant 0 : i32
    %c0_i32_1 = arith.constant 0 : i32
    return %c0_i32, %c0_i32_0 : i32, i32
  }
  func.func @transform_7(%arg0: i32) -> (i32, i32) {
    %c0_i32 = arith.constant 0 : i32
    %c0_i32_0 = arith.constant 0 : i32
    %c0_i32_1 = arith.constant 0 : i32
    return %c0_i32, %c0_i32_0 : i32, i32
  }
  func.func @transform_8(%arg0: i32) -> (i32, i32) {
    %c0_i32 = arith.constant 0 : i32
    %c0_i32_0 = arith.constant 0 : i32
    %c0_i32_1 = arith.constant 0 : i32
    return %c0_i32, %c0_i32_0 : i32, i32
  }
  func.func @transform_9(%arg0: i32) -> (i32, i32) {
    %c0_i32 = arith.constant 0 : i32
    %c0_i32_0 = arith.constant 0 : i32
    %c0_i32_1 = arith.constant 0 : i32
    return %c0_i32, %c0_i32_0 : i32, i32
  }
  func.func @transform_10(%arg0: i32) -> (i32, i32) {
    %c0_i32 = arith.constant 0 : i32
    %c0_i32_0 = arith.constant 0 : i32
    %c0_i32_1 = arith.constant 0 : i32
    return %c0_i32, %c0_i32_0 : i32, i32
  }
  func.func @transform_11(%arg0: i32) -> (i32, i32) {
    %c0_i32 = arith.constant 0 : i32
    %c0_i32_0 = arith.constant 0 : i32
    return %arg0, %c0_i32 : i32, i32
  }
  func.func @transform_12(%arg0: i32) -> (i32, i32) {
    %c0_i32 = arith.constant 0 : i32
    %c0_i32_0 = arith.constant 0 : i32
    %c0_i32_1 = arith.constant 0 : i32
    return %c0_i32, %c0_i32_0 : i32, i32
  }
}

module attributes {stable_mosaic.version = 14 : i64} {
  func.func @body(%arg0: i32, %arg1: i32, %arg2: memref<1x256x512xf32, #tpu.memory_space<vmem>>, %arg3: memref<8x512xf32, #tpu.memory_space<vmem>>, %arg4: memref<1x512xf32, #tpu.memory_space<vmem>>, %arg5: memref<1x512xf32, #tpu.memory_space<vmem>>, %arg6: memref<1x512x256xf32, #tpu.memory_space<vmem>>) attributes {dimension_semantics = [#tpu.dimension_semantics<arbitrary>, #tpu.dimension_semantics<arbitrary>], iteration_bounds = array<i64: 4, 4>, scalar_prefetch = 0 : i64, scratch_operands = 0 : i64, tpu.core_type = #tpu.core_type<tc>, window_params = [{transform_indices = @transform_0, window_bounds = array<i64: 1, 256, 512>}, {pipeline_mode = #tpu.pipeline_mode<synchronous>, transform_indices = @transform_1, window_bounds = array<i64: 8, 512>}, {pipeline_mode = #tpu.pipeline_mode<synchronous>, transform_indices = @transform_2, window_bounds = array<i64: 1, 512>}, {pipeline_mode = #tpu.pipeline_mode<synchronous>, transform_indices = @transform_3, window_bounds = array<i64: 1, 512>}, {transform_indices = @transform_4, window_bounds = array<i64: 1, 512, 256>}]} {
    %get3A = arith.constant 0 : index
    %get3A_0 = arith.constant 0 : index
    %get3A_1 = vector.load %arg3[%get3A, %get3A_0] : memref<8x512xf32, #tpu.memory_space<vmem>>, vector<1x512xf32>
    %mul3A = arith.constant 2.44140625E-4 : f32
    %mul3A_2 = vector.broadcast %mul3A : f32 to vector<1x512xf32>
    %mul3A_3 = arith.mulf %get3A_1, %mul3A_2 : vector<1x512xf32>
    %get3A_4 = arith.constant 1 : index
    %get3A_5 = arith.constant 0 : index
    %get3A_6 = vector.load %arg3[%get3A_4, %get3A_5] : memref<8x512xf32, #tpu.memory_space<vmem>>, vector<1x512xf32>
    %mul3A_7 = arith.constant 2.44140625E-4 : f32
    %mul3A_8 = vector.broadcast %mul3A_7 : f32 to vector<1x512xf32>
    %mul3A_9 = arith.mulf %get3A_6, %mul3A_8 : vector<1x512xf32>
    %mul3A_10 = arith.mulf %mul3A_3, %mul3A_3 : vector<1x512xf32>
    %sub3A = arith.subf %mul3A_9, %mul3A_10 : vector<1x512xf32>
    %add3A = arith.constant 9.99999974E-6 : f32
    %add3A_11 = vector.broadcast %add3A : f32 to vector<1x512xf32>
    %add3A_12 = arith.addf %sub3A, %add3A_11 : vector<1x512xf32>
    %sqrt3A = math.sqrt %add3A_12 : vector<1x512xf32>
    %get3A_13 = arith.constant 0 : index
    %get3A_14 = arith.constant 0 : index
    %get3A_15 = arith.constant 0 : index
    %get3A_16 = vector.load %arg2[%get3A_13, %get3A_14, %get3A_15] : memref<1x256x512xf32, #tpu.memory_space<vmem>>, vector<1x256x512xf32>
    %get3A_17 = vector.shape_cast %get3A_16 : vector<1x256x512xf32> to vector<256x512xf32>
    %sub3A_18 = vector.broadcast %mul3A_3 : vector<1x512xf32> to vector<256x512xf32>
    %sub3A_19 = arith.subf %get3A_17, %sub3A_18 : vector<256x512xf32>
    %div3A = vector.broadcast %sqrt3A : vector<1x512xf32> to vector<256x512xf32>
    %div3A_20 = arith.divf %sub3A_19, %div3A : vector<256x512xf32>
    %get3A_21 = arith.constant 0 : index
    %get3A_22 = arith.constant 0 : index
    %get3A_23 = vector.load %arg4[%get3A_21, %get3A_22] : memref<1x512xf32, #tpu.memory_space<vmem>>, vector<1x512xf32>
    %mul3A_24 = vector.broadcast %get3A_23 : vector<1x512xf32> to vector<256x512xf32>
    %mul3A_25 = arith.mulf %div3A_20, %mul3A_24 : vector<256x512xf32>
    %get3A_26 = arith.constant 0 : index
    %get3A_27 = arith.constant 0 : index
    %get3A_28 = vector.load %arg5[%get3A_26, %get3A_27] : memref<1x512xf32, #tpu.memory_space<vmem>>, vector<1x512xf32>
    %add3A_29 = vector.broadcast %get3A_28 : vector<1x512xf32> to vector<256x512xf32>
    %add3A_30 = arith.addf %mul3A_25, %add3A_29 : vector<256x512xf32>
    %max3A = arith.constant 0.000000e+00 : f32
    %max3A_31 = vector.broadcast %max3A : f32 to vector<256x512xf32>
    %max3A_32 = arith.maximumf %add3A_30, %max3A_31 : vector<256x512xf32>
    %transpose3A = tpu.transpose %max3A_32, [1, 0] : vector<256x512xf32> -> vector<512x256xf32>
    %swap3A = arith.constant 0 : index
    %swap3A_33 = arith.constant 0 : index
    %swap3A_34 = arith.constant 0 : index
    %swap3A_35 = vector.load %arg6[%swap3A, %swap3A_33, %swap3A_34] : memref<1x512x256xf32, #tpu.memory_space<vmem>>, vector<1x512x256xf32>
    %swap3A_36 = vector.shape_cast %swap3A_35 : vector<1x512x256xf32> to vector<512x256xf32>
    %swap3A_37 = vector.shape_cast %transpose3A : vector<512x256xf32> to vector<1x512x256xf32>
    tpu.vector_store %arg6[%swap3A, %swap3A_33, %swap3A_34], %swap3A_37 {strides = array<i32>} : memref<1x512x256xf32, #tpu.memory_space<vmem>>, vector<1x512x256xf32>,
    return
  }
  func.func @transform_0(%arg0: i32, %arg1: i32) -> (i32, i32, i32) {
    %c0_i32 = arith.constant 0 : i32
    %c0_i32_0 = arith.constant 0 : i32
    return %arg0, %arg1, %c0_i32 : i32, i32, i32
  }
  func.func @transform_1(%arg0: i32, %arg1: i32) -> (i32, i32) {
    %c0_i32 = arith.constant 0 : i32
    %c0_i32_0 = arith.constant 0 : i32
    %c0_i32_1 = arith.constant 0 : i32
    return %c0_i32, %c0_i32_0 : i32, i32
  }
  func.func @transform_2(%arg0: i32, %arg1: i32) -> (i32, i32) {
    %c0_i32 = arith.constant 0 : i32
    %c0_i32_0 = arith.constant 0 : i32
    %c0_i32_1 = arith.constant 0 : i32
    return %c0_i32, %c0_i32_0 : i32, i32
  }
  func.func @transform_3(%arg0: i32, %arg1: i32) -> (i32, i32) {
    %c0_i32 = arith.constant 0 : i32
    %c0_i32_0 = arith.constant 0 : i32
    %c0_i32_1 = arith.constant 0 : i32
    return %c0_i32, %c0_i32_0 : i32, i32
  }
  func.func @transform_4(%arg0: i32, %arg1: i32) -> (i32, i32, i32) {
    %c0_i32 = arith.constant 0 : i32
    %c0_i32_0 = arith.constant 0 : i32
    return %arg0, %c0_i32, %arg1 : i32, i32, i32
  }
}

</mosaic_0001>

<sc_bundles>
// kernel: kernel.15.cloned.1.call-start
scs
__scs_entry_jumppad:
0x0: {  	(pc) =	sbr.rel $0x88, $3  }
0x1: {  	(tag) =	ssettag $0x0;
	lr =	simm.s32 $0x1  }
0x2: {  	[smem:$0x3F90] =	sst lr;
	_ =	strace $0xD0000000  }
0x3: {  	_ = 	snop  }
0x4: {  	_ = 	snop  }
0x5: {  	_ = 	snop  }
0x6: {  	_ = 	snop  }
0x7: {  	_ = 	snop  }
__scs_overlays_trampoline_lowered:
0x8: {  	[smem:$0x3F9F] =	sst s0  }
0x9: {  	[smem:$0x3FA0] =	sst s1  }
0xa: {  	[smem:$0x3FA1] =	sst s2  }
0xb: {  	[smem:$0x3FA2] =	sst s3  }
0xc: {  	[smem:$0x3FA3] =	sst s4  }
0xd: {  	[smem:$0x3FA4] =	sst s5  }
0xe: {  	[smem:$0x3FA5] =	sst s6  }
0xf: {  	[smem:$0x3FA6] =	sst s7  }
0x10: {  	[smem:$0x3FA7] =	sst s8  }
0x11: {  	[smem:$0x3FA8] =	sst s9;
	s0 =	simm.s32 @!p0 $0x0  }
0x12: {  	s1 =	sld [smem:$0x3F8E];
	s0 =	simm.s32 @p0 $0x1  }
0x13: {  	[smem:$0x3FA9] =	sst s0;
	s0 =	simm.s32 @!p1 $0x0  }
0x14: {  	s2 =	sld [smem:$0x3F8D];
	s0 =	simm.s32 @p1 $0x1  }
0x15: {  	[smem:$0x3FAA] =	sst s0;
	s0 =	simm.s32 @!p2 $0x0  }
0x16: {  	s3 =	sld [smem:$0x3FDB];
	s0 =	simm.s32 @p2 $0x1  }
0x17: {  	s4 =	simm.s32 $0x1BF5;
	[smem:$0x3FAC] =	sst s0  }
0x18: {  	s0 =	sld [smem:$0x3F8F];
	_ =	swait.ge [sflag:s4], $0x0  }
0x19: {  	s7 =	sld [smem:$0x3F90]  }
0x1a: {  	s8 =	sadd.s32 $0xFFFFE003, lr  }
0x1b: {  	s9 =	sadd.s32 $0xFFFFFEF7, lr;
	s5 =	simm.s32 $0xFFFFFFFF;
	p2 =	slt.u32 s8, $0xFFFFF086  }
0x1c: {  	p1 =	slt.u32 s9, $0xF7A;
	s5 =	simm.s32 @!p2 $0x0  }
0x1d: {  	s5 =	simm.s32 @p1 $0x1;
	p0 =	seq.s32 s7, s2  }
0x1e: {  	s7 =	smul.u32 @!p0 $0xF7A, s2;
	p2 =	seq.s32 @!p0 s5, $0x0  }
0x1f: {  	s9 =	smul.u32 $0xF7A, s1;
	s8 =	simm.s32 @!p0 $0x1BF5;
	p2 =	por !p2, p0  }
0x20: {  	[sflag:s8] =	ssyncset.s32 @!p0 $0xFFFFF086;
	s6 =	sadd.s32 @!p0 s3, s7;
	s7 =	simm.s32 @!p0 $0x108  }
0x21: {  	s3 =	sadd.s32 s3, s9;
	s6 =	sadd.s32 @!p0 $0x88, s6;
	s7 =	simm.s32 @p2 $0x1082  }
0x22: {  	[simem:s7], [sflag:s8] =	dma.local @!p0 [hbm:s6], $0xF7A  }
0x23: {  	s9 =	sor.u32 $0xD0000000, s2;
	s6 =	simm.s32 $0x108;
	_ =	swait.ge @!p0 [sflag:s8], $0x0  }
0x24: {  	s3 =	sadd.s32 $0x88, s3;
	s6 =	simm.s32 @!p1 $0x1082;
	[sflag:s4] =	ssyncset.s32 $0xFFFFF086  }
0x25: {  	[simem:s6], [sflag:s4] =	dma.local [hbm:s3], $0xF7A  }
0x26: {  	[smem:$0x3F90] =	sst s1;
	(tag) =	ssettag s2;
	_ =	strace s9  }
0x27: {  	s1 =	sld [smem:$0x3FA0]  }
0x28: {  	s2 =	sld [smem:$0x3FA1]  }
0x29: {  	s4 =	sld [smem:$0x3FA3]  }
0x2a: {  	p0 =	seq.s32 s5, $0x0;
	s5 =	sld [smem:$0x3FA4]  }
0x2b: {  	s6 =	sld [smem:$0x3FA5]  }
0x2c: {  	s7 =	sld [smem:$0x3FA6]  }
0x2d: {  	s3 =	simm.s32 $0x108;
	s8 =	sld [smem:$0x3FA7]  }
0x2e: {  	s3 =	simm.s32 @!p0 $0x1082;
	s9 =	sld [smem:$0x3FA8]  }
0x2f: {  	lr =	sadd.s32 s0, s3;
	s0 =	sld [smem:$0x3F9F]  }
0x30: {  	s3 =	sld [smem:$0x3FA2]  }
0x31: {  	[smem:$0x3FAB] =	sst s10  }
0x32: {  	s10 =	sld [smem:$0x3FA9];
	_ =	sdelay $0x3  }
0x33: {  	p0 =	seq.s32 s10, $0x1;
	s10 =	sld [smem:$0x3FAB];
	_ =	sdelay $0x3  }
0x34: {  	[smem:$0x3FAB] =	sst s10  }
0x35: {  	s10 =	sld [smem:$0x3FAA];
	_ =	sdelay $0x3  }
0x36: {  	p1 =	seq.s32 s10, $0x1;
	s10 =	sld [smem:$0x3FAB];
	_ =	sdelay $0x3  }
0x37: {  	[smem:$0x3FAB] =	sst s10  }
0x38: {  	s10 =	sld [smem:$0x3FAC]  }
0x39: {  	_ = 	snop;
	(pc) =	sbr.ind lr, $3  }
0x3a: {  	_ = 	snop  }
0x3b: {  	_ = 	snop  }
0x3c: {  	p2 =	seq.s32 s10, $0x1;
	s10 =	sld [smem:$0x3FAB]  }
0x3d: {  	_ =	shalt  }
0x3e: {  	_ =	shalt  }
0x3f: {  	_ =	shalt  }
0x40: {  	_ =	shalt  }
0x41: {  	_ =	shalt  }
0x42: {  	_ =	shalt  }
0x43: {  	_ =	shalt  }
0x44: {  	_ =	shalt  }
0x45: {  	_ =	shalt  }
0x46: {  	_ =	shalt  }
0x47: {  	_ =	shalt  }
0x48: {  	_ =	shalt  }
0x49: {  	_ =	shalt  }
0x4a: {  	_ =	shalt  }
0x4b: {  	_ =	shalt  }
0x4c: {  	_ =	shalt  }
0x4d: {  	_ =	shalt  }
0x4e: {  	_ =	shalt  }
0x4f: {  	_ =	shalt  }
0x50: {  	_ =	shalt  }
0x51: {  	_ =	shalt  }
0x52: {  	_ =	shalt  }
0x53: {  	_ =	shalt  }
0x54: {  	_ =	shalt  }
0x55: {  	_ =	shalt  }
0x56: {  	_ =	shalt  }
0x57: {  	_ =	shalt  }
0x58: {  	_ =	shalt  }
0x59: {  	_ =	shalt  }
0x5a: {  	_ =	shalt  }
0x5b: {  	_ =	shalt  }
0x5c: {  	_ =	shalt  }
0x5d: {  	_ =	shalt  }
0x5e: {  	_ =	shalt  }
0x5f: {  	_ =	shalt  }
0x60: {  	_ =	shalt  }
0x61: {  	_ =	shalt  }
0x62: {  	_ =	shalt  }
0x63: {  	_ =	shalt  }
0x64: {  	_ =	shalt  }
0x65: {  	_ =	shalt  }
0x66: {  	_ =	shalt  }
0x67: {  	_ =	shalt  }
0x68: {  	_ =	shalt  }
0x69: {  	_ =	shalt  }
0x6a: {  	_ =	shalt  }
0x6b: {  	_ =	shalt  }
0x6c: {  	_ =	shalt  }
0x6d: {  	_ =	shalt  }
0x6e: {  	_ =	shalt  }
0x6f: {  	_ =	shalt  }
0x70: {  	_ =	shalt  }
0x71: {  	_ =	shalt  }
0x72: {  	_ =	shalt  }
0x73: {  	_ =	shalt  }
0x74: {  	_ =	shalt  }
0x75: {  	_ =	shalt  }
0x76: {  	_ =	shalt  }
0x77: {  	_ =	shalt  }
0x78: {  	_ =	shalt  }
0x79: {  	_ =	shalt  }
0x7a: {  	_ =	shalt  }
0x7b: {  	_ =	shalt  }
0x7c: {  	_ =	shalt  }
0x7d: {  	_ =	shalt  }
0x7e: {  	_ =	shalt  }
0x7f: {  	_ =	shalt  }
0x80: {  	_ =	shalt  }
0x81: {  	_ =	shalt  }
0x82: {  	_ =	shalt  }
0x83: {  	_ =	shalt  }
0x84: {  	_ =	shalt  }
0x85: {  	_ =	shalt  }
0x86: {  	_ =	shalt  }
0x87: {  	_ =	shalt  }
.Lfunc_end0:
.L_simem_size_0:
called_computation_lowered:
.L_overlay_start_0:
0x88: {  	s2 =	sld [smem:$0x3FD9]  }
0x89: {  	s3 =	sld [smem:$0x3FFE];
	_ =	sdelay $0x1  }
0x8a: {  	s1 =	srdreg.scid  }
0x8b: {  	s0 =	sand.u32 $0x1, s1  }
0x8c: {  	s17 =	sshll.u32 s0, $0xA;
	s2 =	sadd.s32 s3, s2  }
0x8d: {  	s2 =	sadd.s32 s2, s17  }
0x8e: {  	[smem:$0x3FB7] =	sst s2  }
0x8f: {  	_ = 	snop  }
0x90: {  	s2 =	sld [smem:$0x3FD0];
	(tm) =	ssettm $0x1  }
0x91: {  	s18 =	sld [smem:$0x3FFB];
	_ =	sdelay $0x3  }
0x92: {  	_ =	strace s18  }
0x93: {  	s3 =	sld [smem:$0x3FFC];
	_ =	sdelay $0x3  }
0x94: {  	_ =	strace s3  }
0x95: {  	s3 =	sld [smem:$0x3FFD];
	_ =	sdelay $0x3  }
0x96: {  	_ =	strace s3  }
0x97: {  	_ =	strace $0x8FFFFFFF  }
0x98: {  	s19 =	sld [smem:$0x3FDB];
	_ =	sdelay $0x1  }
0x99: {  	s4 =	simm.s32 $_scs_section_size  }
0x9a: {  	s5 =	simm.s32 $_size__tile_overlayer_lowered;
	s6 =	simm.s32 $_tile_overlayer_lowered  }
0x9b: {  	s22 =	simm.s32 $0x1BFF;
	s21 =	sshll.u32 s6, $0x1;
	s3 =	sadd.s32 s4, s19  }
0x9c: {  	s7 =	simm.s32 $0x0;
	s20 =	sshll.u32 s5, $0x1;
	s5 =	sadd.s32 s21, s3  }
0x9d: {  	[timem:s7], [sflag:s22] =	dma.local [hbm:s5], s20  }
0x9e: {  	_ =	swait.ge [sflag:s22], s20  }
0x9f: {  	s4 =	ssub.s32 $0x0, s20;
	[sflag:s22] =	ssyncset.done $0x0  }
0xa0: {  	[sflag:s22] =	ssyncadd.s32 s4;
	_ =	sdelay $0x1  }
0xa1: {  	s23 =	simm.s32 $0x1B8B  }
0xa2: {  	_ =	swait.ge [sflag:s23], $0x1  }
0xa3: {  	[sflag:s23] =	ssyncset.done $0x0  }
0xa4: {  	s25 =	simm.s32 $0x1B8E;
	s24 =	sld [smem:$0x3FFE];
	[sflag:s23] =	ssyncadd.s32 $0xFFFFFFFF  }
0xa5: {  	s26 =	simm.s32 $execute0_lowered;
	[smem:$0x3FD2] =	sst s25  }
0xa6: {  	s5 =	sshll.u32 s26, $0x1;
	_ =	strace $0x80000046;
	[dreg:$0x1] =	wrdreg $0xFFFFFFFF  }
0xa7: {  	s28 =	simm.s32 $_size_execute0_lowered;
	s3 =	sadd.s32 s3, s5;
	[dreg:$0x0] =	wrdreg $0x0  }
0xa8: {  	s5 =	sshll.u32 s28, $0x1;
	[dreg:$0x2] =	wrdreg s3  }
0xa9: {  	[dreg:$0x3] =	wrdreg s5  }
0xaa: {  	[dreg:$0x4] =	wrdreg $0xC0  }
0xab: {  	_ =	task [dreg:s7], $0x5FFFF  }
0xac: {  	[dreg:$0x1] =	wrdreg $0xFFFFFFFF  }
0xad: {  	[dreg:$0x0] =	wrdreg $0x60  }
0xae: {  	[dreg:$0x2] =	wrdreg s24  }
0xaf: {  	[dreg:$0x3] =	wrdreg s2  }
0xb0: {  	[dreg:$0x4] =	wrdreg $0x9  }
0xb1: {  	_ =	task.clear_ibuf [dreg:s7], $0x5FFFF;
	_ =	strace $0x90000046  }
0xb2: {  	s29 =	simm.s32 $0x9;
	_ =	strace $0x80000048  }
0xb3: {  	_ =	swait.ge [sflag:s29], $0x1  }
0xb4: {  	[sflag:s29] =	ssyncadd.s32 $0xFFFFFFFF  }
0xb5: {  	_ =	strace $0x90000048  }
0xb6: {  	_ =	sfence  }
0xb7: {  	s30 =	sld [smem:$0x0];
	_ =	sdelay $0x2  }
0xb8: {  	s31 =	sshll.u32 s1, $0xD;
	s1 =	sshrl.u32 s1, $0x2  }
0xb9: {  	s3 =	sand.u32 $0x4000, s31;
	s1 =	sadd.s32 s1, s30  }
0xba: {  	s0 =	sor.u32 s3, s0;
	s1 =	sshll.u32 s1, $0x11  }
0xbb: {  	s0 =	sor.u32 s1, s0  }
0xbc: {  	s0 =	sadd.s32 $0x8F2B, s0  }
0xbd: {  	[sflag:s0] =	ssyncadd.remote.s32 $0x1  }
0xbe: {  	_ =	sfence.sel $0xFFFF  }
0xbf: {  	[dreg:$0x0] =	wrdreg $0xFFFFFFFF;
	(pc) =	sbr.abs _section_cstart, $3  }
0xc0: {  	[dreg:$0x1] =	wrdreg $0xFFFFFFFF  }
0xc1: {  	_ =	task.clear_ibuf [dreg:s7], $0x2FFFF;
	_ =	strace $0x9FFFFFFF  }
0xc2: {  	(tm) =	ssettm $0x7FFFFFFF  }
0xc3: {  	_ =	shalt  }
tec
execute0_lowered:
.L_overlay_start_1:
0x0: {  	(tag) =	ssettag $0x1  }
0x1: {  	s4 =	rddreg [dreg:$0x0]  }
0x2: {  	s11 =	rddreg [dreg:$0x1]  }
0x3: {  	s0 =	rddreg [dreg:$0x2];
	s3 =	srdreg.scid  }
0x4: {  	s1 =	stileid.u32;
	s2 =	simm.s32 $0x0;
	s17 =	simm.s32 $0x1  }
0x5: {  	s18 =	simm.s32 $0x2;
	s19 =	simm.s32 $0x3;
	s20 =	simm.s32 $0x4  }
0x6: {  	s7 =	sand.u32 $0x1, s3;
	s21 =	sshll.u32 s1, $0x1;
	s23 =	smul.u32 $0x2800, s1  }
0x7: {  	[smem:$0x7FF] =	sst s2;
	s3 =	sadd.s32 $0x2E00, s4;
	s15 =	smul.u32 $0x1400, s1  }
0x8: {  	s12 =	sadd.s32 $0x4E00, s4;
	s5 =	sor.u32 s7, s21;
	s14 =	smul.u32 $0x1400, s7  }
0x9: {  	_ =	strace $0x80000047;
	s6 =	ssub.s32 $0x2, s7;
	s16 =	smul.u32 $0xA00, s7  }
0xa: {  	s21 =	simm.s32 $0x0;
	s8 =	smul.u32 $0xA00, s5;
	s9 =	sshrl.u32 s6, $0x1  }
0xb: {  	s10 =	smul.u32 $0x1400, s5;
	s22 =	ssub.s32 s6, s9;
	s9 =	sadd.s32 s23, s11  }
0xc: {  	s28 =	sadd.s32 s16, s15;
	s15 =	simm.s32 $0x100;
	s16 =	simm.s32 $0x900  }
0xd: {  	s4 =	smax.u32 s22, $0x1;
	s13 =	sor.u32 $0x80, s8;
	s24 =	sshrl.u32 s8, $0x3  }
0xe: {  	s7 =	sadd.s32 s11, s10;
	s9 =	sadd.s32 s14, s9;
	s29 =	sor.u32 $0x100, s28  }
0xf: {  	s10 =	sor.u32 $0x180, s28;
	s14 =	simm.s32 $0x80;
	s25 =	sshrl.u32 s13, $0x3  }
0x10: {  	s5 =	sadd.s32 s12, s24;
	s26 =	sshll.u32 s13, $0x1;
	s9 =	sadd.s32 $0x200, s9  }
0x11: {  	s13 =	sshrl.u32 s29, $0x3;
	s30 =	sshll.u32 s10, $0x1;
	s31 =	sshrl.u32 s10, $0x3  }
0x12: {  	s6 =	sadd.s32 s12, s25;
	s8 =	sadd.s32 s11, s26;
	s10 =	sadd.s32 s13, s12  }
0x13: {  	s11 =	sadd.s32 s30, s11;
	s12 =	sadd.s32 s31, s12;
	s13 =	simm.s32 $0x5  }
.LBB2_1:
0x14: {  	[tilespmem:s2], [sflag:$0x5] =	stream.linear.gather [hbm4b:s5+s2], $0x80, $0x38;
	[tilespmem:$0x1100] =	vst v63  }
0x15: {  	_ =	swait.ge [sflag:s13], $0x80  }
0x16: {  	[sflag:s13] =	ssyncset.done $0x0  }
0x17: {  	[sflag:s13] =	ssyncadd.s32 $0xFFFFFF80  }
0x18: {  	[tilespmem:s15], [sflag:$0x1] =	stream.indirect.gather [hbm4b:s3+s14], $0x10, s2, s14, $0xb8;
	[tilespmem:$0x1100] =	vst v63  }
0x19: {  	_ = 	snop  }
0x1a: {  	[tilespmem:s14], [sflag:$0x5] =	stream.linear.gather [hbm4b:s6+s2], $0x80, $0x38;
	[tilespmem:$0x1100] =	vst v63  }
0x1b: {  	_ =	swait.ge [sflag:s13], $0x80  }
0x1c: {  	[sflag:s13] =	ssyncset.done $0x0  }
0x1d: {  	[sflag:s13] =	ssyncadd.s32 $0xFFFFFF80  }
0x1e: {  	[tilespmem:s16], [sflag:$0x2] =	stream.indirect.gather [hbm4b:s3+s14], $0x10, s14, s14, $0xb8;
	[tilespmem:$0x1100] =	vst v63  }
0x1f: {  	_ =	swait.ge [sflag:s17], $0x800  }
0x20: {  	[sflag:s17] =	ssyncset.done $0x0  }
0x21: {  	[sflag:s17] =	ssyncadd.s32 $0xFFFFF800  }
0x22: {  	[hbm4b:s7+s2] =	stream.linear.scatter [tilespmem:s15], [sflag:$0x3], $0x800, $0x38;
	[tilespmem:$0x1100] =	vst v63  }
0x23: {  	_ =	swait.ge [sflag:s18], $0x800  }
0x24: {  	[sflag:s18] =	ssyncset.done $0x0  }
0x25: {  	[sflag:s18] =	ssyncadd.s32 $0xFFFFF800  }
0x26: {  	[hbm4b:s8+s2] =	stream.linear.scatter [tilespmem:s16], [sflag:$0x4], $0x800, $0x38;
	[tilespmem:$0x1100] =	vst v63  }
0x27: {  	_ =	swait.ge [sflag:s19], $0x800  }
0x28: {  	[sflag:s19] =	ssyncset.done $0x0  }
0x29: {  	s22 =	sadd.s32 $0x0, s10;
	[sflag:s19] =	ssyncadd.s32 $0xFFFFF800  }
0x2a: {  	[tilespmem:s2], [sflag:$0x5] =	stream.linear.gather [hbm4b:s22+s2], $0x80, $0x38;
	[tilespmem:$0x1100] =	vst v63  }
0x2b: {  	_ =	swait.ge [sflag:s13], $0x80  }
0x2c: {  	[sflag:s13] =	ssyncset.done $0x0  }
0x2d: {  	[sflag:s13] =	ssyncadd.s32 $0xFFFFFF80  }
0x2e: {  	[tilespmem:s15], [sflag:$0x1] =	stream.indirect.gather [hbm4b:s3+s14], $0x10, s2, s14, $0xb8;
	[tilespmem:$0x1100] =	vst v63  }
0x2f: {  	_ =	swait.ge [sflag:s20], $0x800  }
0x30: {  	[sflag:s20] =	ssyncset.done $0x0  }
0x31: {  	s31 =	sadd.s32 $0x0, s12;
	[sflag:s20] =	ssyncadd.s32 $0xFFFFF800  }
0x32: {  	[tilespmem:s14], [sflag:$0x5] =	stream.linear.gather [hbm4b:s31+s2], $0x80, $0x38;
	[tilespmem:$0x1100] =	vst v63  }
0x33: {  	_ =	swait.ge [sflag:s13], $0x80  }
0x34: {  	[sflag:s13] =	ssyncset.done $0x0  }
0x35: {  	[sflag:s13] =	ssyncadd.s32 $0xFFFFFF80  }
0x36: {  	[tilespmem:s16], [sflag:$0x2] =	stream.indirect.gather [hbm4b:s3+s14], $0x10, s14, s14, $0xb8;
	[tilespmem:$0x1100] =	vst v63  }
0x37: {  	_ =	swait.ge [sflag:s17], $0x800  }
0x38: {  	[sflag:s17] =	ssyncset.done $0x0  }
0x39: {  	[sflag:s17] =	ssyncadd.s32 $0xFFFFF800  }
0x3a: {  	[hbm4b:s9+s2] =	stream.linear.scatter [tilespmem:s15], [sflag:$0x3], $0x800, $0x38;
	[tilespmem:$0x1100] =	vst v63  }
0x3b: {  	_ =	swait.ge [sflag:s18], $0x800  }
0x3c: {  	s23 =	sadd.s32 $0x200, s9;
	s24 =	sadd.s32 $0x200, s11;
	[sflag:s18] =	ssyncset.done $0x0  }
0x3d: {  	s25 =	smov.u32 s11;
	s22 =	simm.s32 $0x20;
	[sflag:s18] =	ssyncadd.s32 $0xFFFFF800  }
.LBB2_2:
0x3e: {  	[hbm4b:s25+s2] =	stream.linear.scatter [tilespmem:s16], [sflag:$0x4], $0x800, $0x38;
	[tilespmem:$0x1100] =	vst v63  }
0x3f: {  	s26 =	smov.u32 s22;
	s25 =	smov.u32 s24  }
0x40: {  	p0 =	sne.s32 s22, $0x100;
	s22 =	sadd.s32 $0x20, s22;
	_ =	swait.ge [sflag:s19], $0x800  }
0x41: {  	[sflag:s19] =	ssyncset.done $0x0  }
0x42: {  	s28 =	sadd.s32 s26, s10;
	[sflag:s19] =	ssyncadd.s32 $0xFFFFF800  }
0x43: {  	[tilespmem:s2], [sflag:$0x5] =	stream.linear.gather [hbm4b:s28+s2], $0x80, $0x38;
	[tilespmem:$0x1100] =	vst v63  }
0x44: {  	_ =	swait.ge [sflag:s13], $0x80  }
0x45: {  	[sflag:s13] =	ssyncset.done $0x0  }
0x46: {  	[sflag:s13] =	ssyncadd.s32 $0xFFFFFF80  }
0x47: {  	[tilespmem:s15], [sflag:$0x1] =	stream.indirect.gather [hbm4b:s3+s14], $0x10, s2, s14, $0xb8;
	[tilespmem:$0x1100] =	vst v63  }
0x48: {  	_ =	swait.ge [sflag:s20], $0x800  }
0x49: {  	[sflag:s20] =	ssyncset.done $0x0  }
0x4a: {  	s26 =	sadd.s32 s26, s12;
	[sflag:s20] =	ssyncadd.s32 $0xFFFFF800  }
0x4b: {  	[tilespmem:s14], [sflag:$0x5] =	stream.linear.gather [hbm4b:s26+s2], $0x80, $0x38;
	[tilespmem:$0x1100] =	vst v63  }
0x4c: {  	_ =	swait.ge [sflag:s13], $0x80  }
0x4d: {  	[sflag:s13] =	ssyncset.done $0x0  }
0x4e: {  	[sflag:s13] =	ssyncadd.s32 $0xFFFFFF80  }
0x4f: {  	[tilespmem:s16], [sflag:$0x2] =	stream.indirect.gather [hbm4b:s3+s14], $0x10, s14, s14, $0xb8;
	[tilespmem:$0x1100] =	vst v63  }
0x50: {  	_ =	swait.ge [sflag:s17], $0x800  }
0x51: {  	[sflag:s17] =	ssyncset.done $0x0  }
.Ltmp0:
0x52: {  	[sflag:s17] =	ssyncadd.s32 $0xFFFFF800;
	(pc) =	sbr.rel @p0 .LBB2_2-.Ltmp0, $4  }
0x53: {  	[hbm4b:s23+s2] =	stream.linear.scatter [tilespmem:s15], [sflag:$0x3], $0x800, $0x38;
	[tilespmem:$0x1100] =	vst v63  }
0x54: {  	_ =	swait.ge [sflag:s18], $0x800  }
0x55: {  	[sflag:s18] =	ssyncset.done $0x0  }
0x56: {  	s24 =	sadd.s32 $0x200, s24;
	s23 =	sadd.s32 $0x200, s23;
	[sflag:s18] =	ssyncadd.s32 $0xFFFFF800  }
0x57: {  	[hbm4b:s25+s2] =	stream.linear.scatter [tilespmem:s16], [sflag:$0x4], $0x800, $0x38;
	[tilespmem:$0x1100] =	vst v63  }
0x58: {  	s21 =	sadd.s32 $0x1, s21  }
0x59: {  	_ =	swait.ge [sflag:s19], $0x800;
	p0 =	sne.s32 s21, s4  }
.Ltmp1:
0x5a: {  	[sflag:s19] =	ssyncset.done $0x0;
	(pc) =	sbr.rel @p0 .LBB2_1-.Ltmp1, $4  }
0x5b: {  	[sflag:s19] =	ssyncadd.s32 $0xFFFFF800  }
0x5c: {  	_ =	swait.ge [sflag:s20], $0x800  }
0x5d: {  	[sflag:s20] =	ssyncset.done $0x0  }
0x5e: {  	[sflag:s20] =	ssyncadd.s32 $0xFFFFF800  }
0x5f: {  	_ =	sfence.sel $0x180000  }
0x60: {  	[bflag:$0x0] =	sbarrier.arrive $0xFFFF  }
0x61: {  	p0 =	sne.s32 s1, $0x0;
	_ =	strace $0x90000047  }
0x62: {  	s0 =	sadd.s32 @!p0 $0x100000, s0;
	[bflag:$0x2] =	sbarrier.arrive $0xFFFF  }
0x63: {  	[sflag:s0] =	ssyncadd.tile.s32 @!p0 $0x1;
	_ =	shalt  }
.Lfunc_end2:
_tile_overlayer_lowered:
.L_overlay_start_2:
0x64: {  	(tag) =	ssettag $0x2  }
0x65: {  	s0 =	rddreg [dreg:$0x0];
	s2 =	stileid.u32  }
0x66: {  	s1 =	rddreg [dreg:$0x1];
	p0 =	sne.s32 s2, $0x0  }
0x67: {  	s3 =	rddreg [dreg:$0x2];
	[bflag:$0x3] =	sbarrier.arrive $0xFFFF;
	s2 =	simm.s32 @!p0 $0x1C05  }
0x68: {  	[timem:s3], [sflag:s2] =	dma.local @!p0 [hbm:s0], s1  }
0x69: {  	s0 =	simm.s32 @!p0 $0x5  }
0x6a: {  	_ =	swait.ge @!p0 [sflag:s0], s1  }
0x6b: {  	s1 =	ssub.s32 @!p0 $0x0, s1;
	[sflag:s0] =	ssyncset.done @!p0 $0x0  }
0x6c: {  	[sflag:s0] =	ssyncadd.s32 @!p0 s1  }
0x6d: {  	[bflag:$0x3] =	sbarrier.arrive $0xFFFF  }
0x6e: {  	_ =	shalt  }

// kernel: kernel.18.cloned.1.call-start
scs
__scs_entry_jumppad:
0x0: {  	(pc) =	sbr.rel $0x88, $3  }
0x1: {  	(tag) =	ssettag $0x0;
	lr =	simm.s32 $0x1  }
0x2: {  	[smem:$0x3F90] =	sst lr;
	_ =	strace $0xD0000000  }
0x3: {  	_ = 	snop  }
0x4: {  	_ = 	snop  }
0x5: {  	_ = 	snop  }
0x6: {  	_ = 	snop  }
0x7: {  	_ = 	snop  }
__scs_overlays_trampoline_lowered:
0x8: {  	[smem:$0x3F9F] =	sst s0  }
0x9: {  	[smem:$0x3FA0] =	sst s1  }
0xa: {  	[smem:$0x3FA1] =	sst s2  }
0xb: {  	[smem:$0x3FA2] =	sst s3  }
0xc: {  	[smem:$0x3FA3] =	sst s4  }
0xd: {  	[smem:$0x3FA4] =	sst s5  }
0xe: {  	[smem:$0x3FA5] =	sst s6  }
0xf: {  	[smem:$0x3FA6] =	sst s7  }
0x10: {  	[smem:$0x3FA7] =	sst s8  }
0x11: {  	[smem:$0x3FA8] =	sst s9;
	s0 =	simm.s32 @!p0 $0x0  }
0x12: {  	s1 =	sld [smem:$0x3F8E];
	s0 =	simm.s32 @p0 $0x1  }
0x13: {  	[smem:$0x3FA9] =	sst s0;
	s0 =	simm.s32 @!p1 $0x0  }
0x14: {  	s2 =	sld [smem:$0x3F8D];
	s0 =	simm.s32 @p1 $0x1  }
0x15: {  	[smem:$0x3FAA] =	sst s0;
	s0 =	simm.s32 @!p2 $0x0  }
0x16: {  	s3 =	sld [smem:$0x3FDB];
	s0 =	simm.s32 @p2 $0x1  }
0x17: {  	s4 =	simm.s32 $0x1BF5;
	[smem:$0x3FAC] =	sst s0  }
0x18: {  	s0 =	sld [smem:$0x3F8F];
	_ =	swait.ge [sflag:s4], $0x0  }
0x19: {  	s7 =	sld [smem:$0x3F90]  }
0x1a: {  	s8 =	sadd.s32 $0xFFFFE003, lr  }
0x1b: {  	s9 =	sadd.s32 $0xFFFFFEF7, lr;
	s5 =	simm.s32 $0xFFFFFFFF;
	p2 =	slt.u32 s8, $0xFFFFF086  }
0x1c: {  	p1 =	slt.u32 s9, $0xF7A;
	s5 =	simm.s32 @!p2 $0x0  }
0x1d: {  	s5 =	simm.s32 @p1 $0x1;
	p0 =	seq.s32 s7, s2  }
0x1e: {  	s7 =	smul.u32 @!p0 $0xF7A, s2;
	p2 =	seq.s32 @!p0 s5, $0x0  }
0x1f: {  	s9 =	smul.u32 $0xF7A, s1;
	s8 =	simm.s32 @!p0 $0x1BF5;
	p2 =	por !p2, p0  }
0x20: {  	[sflag:s8] =	ssyncset.s32 @!p0 $0xFFFFF086;
	s6 =	sadd.s32 @!p0 s3, s7;
	s7 =	simm.s32 @!p0 $0x108  }
0x21: {  	s3 =	sadd.s32 s3, s9;
	s6 =	sadd.s32 @!p0 $0x88, s6;
	s7 =	simm.s32 @p2 $0x1082  }
0x22: {  	[simem:s7], [sflag:s8] =	dma.local @!p0 [hbm:s6], $0xF7A  }
0x23: {  	s9 =	sor.u32 $0xD0000000, s2;
	s6 =	simm.s32 $0x108;
	_ =	swait.ge @!p0 [sflag:s8], $0x0  }
0x24: {  	s3 =	sadd.s32 $0x88, s3;
	s6 =	simm.s32 @!p1 $0x1082;
	[sflag:s4] =	ssyncset.s32 $0xFFFFF086  }
0x25: {  	[simem:s6], [sflag:s4] =	dma.local [hbm:s3], $0xF7A  }
0x26: {  	[smem:$0x3F90] =	sst s1;
	(tag) =	ssettag s2;
	_ =	strace s9  }
0x27: {  	s1 =	sld [smem:$0x3FA0]  }
0x28: {  	s2 =	sld [smem:$0x3FA1]  }
0x29: {  	s4 =	sld [smem:$0x3FA3]  }
0x2a: {  	p0 =	seq.s32 s5, $0x0;
	s5 =	sld [smem:$0x3FA4]  }
0x2b: {  	s6 =	sld [smem:$0x3FA5]  }
0x2c: {  	s7 =	sld [smem:$0x3FA6]  }
0x2d: {  	s3 =	simm.s32 $0x108;
	s8 =	sld [smem:$0x3FA7]  }
0x2e: {  	s3 =	simm.s32 @!p0 $0x1082;
	s9 =	sld [smem:$0x3FA8]  }
0x2f: {  	lr =	sadd.s32 s0, s3;
	s0 =	sld [smem:$0x3F9F]  }
0x30: {  	s3 =	sld [smem:$0x3FA2]  }
0x31: {  	[smem:$0x3FAB] =	sst s10  }
0x32: {  	s10 =	sld [smem:$0x3FA9];
	_ =	sdelay $0x3  }
0x33: {  	p0 =	seq.s32 s10, $0x1;
	s10 =	sld [smem:$0x3FAB];
	_ =	sdelay $0x3  }
0x34: {  	[smem:$0x3FAB] =	sst s10  }
0x35: {  	s10 =	sld [smem:$0x3FAA];
	_ =	sdelay $0x3  }
0x36: {  	p1 =	seq.s32 s10, $0x1;
	s10 =	sld [smem:$0x3FAB];
	_ =	sdelay $0x3  }
0x37: {  	[smem:$0x3FAB] =	sst s10  }
0x38: {  	s10 =	sld [smem:$0x3FAC]  }
0x39: {  	_ = 	snop;
	(pc) =	sbr.ind lr, $3  }
0x3a: {  	_ = 	snop  }
0x3b: {  	_ = 	snop  }
0x3c: {  	p2 =	seq.s32 s10, $0x1;
	s10 =	sld [smem:$0x3FAB]  }
0x3d: {  	_ =	shalt  }
0x3e: {  	_ =	shalt  }
0x3f: {  	_ =	shalt  }
0x40: {  	_ =	shalt  }
0x41: {  	_ =	shalt  }
0x42: {  	_ =	shalt  }
0x43: {  	_ =	shalt  }
0x44: {  	_ =	shalt  }
0x45: {  	_ =	shalt  }
0x46: {  	_ =	shalt  }
0x47: {  	_ =	shalt  }
0x48: {  	_ =	shalt  }
0x49: {  	_ =	shalt  }
0x4a: {  	_ =	shalt  }
0x4b: {  	_ =	shalt  }
0x4c: {  	_ =	shalt  }
0x4d: {  	_ =	shalt  }
0x4e: {  	_ =	shalt  }
0x4f: {  	_ =	shalt  }
0x50: {  	_ =	shalt  }
0x51: {  	_ =	shalt  }
0x52: {  	_ =	shalt  }
0x53: {  	_ =	shalt  }
0x54: {  	_ =	shalt  }
0x55: {  	_ =	shalt  }
0x56: {  	_ =	shalt  }
0x57: {  	_ =	shalt  }
0x58: {  	_ =	shalt  }
0x59: {  	_ =	shalt  }
0x5a: {  	_ =	shalt  }
0x5b: {  	_ =	shalt  }
0x5c: {  	_ =	shalt  }
0x5d: {  	_ =	shalt  }
0x5e: {  	_ =	shalt  }
0x5f: {  	_ =	shalt  }
0x60: {  	_ =	shalt  }
0x61: {  	_ =	shalt  }
0x62: {  	_ =	shalt  }
0x63: {  	_ =	shalt  }
0x64: {  	_ =	shalt  }
0x65: {  	_ =	shalt  }
0x66: {  	_ =	shalt  }
0x67: {  	_ =	shalt  }
0x68: {  	_ =	shalt  }
0x69: {  	_ =	shalt  }
0x6a: {  	_ =	shalt  }
0x6b: {  	_ =	shalt  }
0x6c: {  	_ =	shalt  }
0x6d: {  	_ =	shalt  }
0x6e: {  	_ =	shalt  }
0x6f: {  	_ =	shalt  }
0x70: {  	_ =	shalt  }
0x71: {  	_ =	shalt  }
0x72: {  	_ =	shalt  }
0x73: {  	_ =	shalt  }
0x74: {  	_ =	shalt  }
0x75: {  	_ =	shalt  }
0x76: {  	_ =	shalt  }
0x77: {  	_ =	shalt  }
0x78: {  	_ =	shalt  }
0x79: {  	_ =	shalt  }
0x7a: {  	_ =	shalt  }
0x7b: {  	_ =	shalt  }
0x7c: {  	_ =	shalt  }
0x7d: {  	_ =	shalt  }
0x7e: {  	_ =	shalt  }
0x7f: {  	_ =	shalt  }
0x80: {  	_ =	shalt  }
0x81: {  	_ =	shalt  }
0x82: {  	_ =	shalt  }
0x83: {  	_ =	shalt  }
0x84: {  	_ =	shalt  }
0x85: {  	_ =	shalt  }
0x86: {  	_ =	shalt  }
0x87: {  	_ =	shalt  }
.Lfunc_end0:
.L_simem_size_0:
called_computation.1_lowered:
.L_overlay_start_0:
0x88: {  	s2 =	sld [smem:$0x3FD9]  }
0x89: {  	s3 =	sld [smem:$0x3FFE];
	_ =	sdelay $0x1  }
0x8a: {  	s1 =	srdreg.scid  }
0x8b: {  	s0 =	sand.u32 $0x1, s1  }
0x8c: {  	s17 =	sshll.u32 s0, $0xA;
	s2 =	sadd.s32 s3, s2  }
0x8d: {  	s2 =	sadd.s32 s2, s17  }
0x8e: {  	[smem:$0x3FB7] =	sst s2  }
0x8f: {  	_ = 	snop  }
0x90: {  	s2 =	sld [smem:$0x3FD0];
	(tm) =	ssettm $0x1  }
0x91: {  	s18 =	sld [smem:$0x3FFB];
	_ =	sdelay $0x3  }
0x92: {  	_ =	strace s18  }
0x93: {  	s3 =	sld [smem:$0x3FFC];
	_ =	sdelay $0x3  }
0x94: {  	_ =	strace s3  }
0x95: {  	s3 =	sld [smem:$0x3FFD];
	_ =	sdelay $0x3  }
0x96: {  	_ =	strace s3  }
0x97: {  	_ =	strace $0x8FFFFFFF  }
0x98: {  	s19 =	sld [smem:$0x3FDB];
	_ =	sdelay $0x1  }
0x99: {  	s4 =	simm.s32 $_scs_section_size  }
0x9a: {  	s5 =	simm.s32 $_size__tile_overlayer_lowered;
	s6 =	simm.s32 $_tile_overlayer_lowered  }
0x9b: {  	s22 =	simm.s32 $0x1BFF;
	s21 =	sshll.u32 s6, $0x1;
	s3 =	sadd.s32 s4, s19  }
0x9c: {  	s7 =	simm.s32 $0x0;
	s20 =	sshll.u32 s5, $0x1;
	s5 =	sadd.s32 s21, s3  }
0x9d: {  	[timem:s7], [sflag:s22] =	dma.local [hbm:s5], s20  }
0x9e: {  	_ =	swait.ge [sflag:s22], s20  }
0x9f: {  	s4 =	ssub.s32 $0x0, s20;
	[sflag:s22] =	ssyncset.done $0x0  }
0xa0: {  	[sflag:s22] =	ssyncadd.s32 s4;
	_ =	sdelay $0x1  }
0xa1: {  	s23 =	simm.s32 $0x1B8B  }
0xa2: {  	_ =	swait.ge [sflag:s23], $0x1  }
0xa3: {  	[sflag:s23] =	ssyncset.done $0x0  }
0xa4: {  	s25 =	simm.s32 $0x1B8E;
	s24 =	sld [smem:$0x3FFE];
	[sflag:s23] =	ssyncadd.s32 $0xFFFFFFFF  }
0xa5: {  	s26 =	simm.s32 $execute0_lowered;
	[smem:$0x3FD2] =	sst s25  }
0xa6: {  	s5 =	sshll.u32 s26, $0x1;
	_ =	strace $0x80000049;
	[dreg:$0x1] =	wrdreg $0xFFFFFFFF  }
0xa7: {  	s28 =	simm.s32 $_size_execute0_lowered;
	s3 =	sadd.s32 s3, s5;
	[dreg:$0x0] =	wrdreg $0x0  }
0xa8: {  	s5 =	sshll.u32 s28, $0x1;
	[dreg:$0x2] =	wrdreg s3  }
0xa9: {  	[dreg:$0x3] =	wrdreg s5  }
0xaa: {  	[dreg:$0x4] =	wrdreg $0xC0  }
0xab: {  	_ =	task [dreg:s7], $0x5FFFF  }
0xac: {  	[dreg:$0x1] =	wrdreg $0xFFFFFFFF  }
0xad: {  	[dreg:$0x0] =	wrdreg $0x60  }
0xae: {  	[dreg:$0x2] =	wrdreg s2  }
0xaf: {  	[dreg:$0x3] =	wrdreg s24  }
0xb0: {  	[dreg:$0x4] =	wrdreg $0x9  }
0xb1: {  	_ =	task.clear_ibuf [dreg:s7], $0x5FFFF;
	_ =	strace $0x90000049  }
0xb2: {  	s29 =	simm.s32 $0x9;
	_ =	strace $0x8000004B  }
0xb3: {  	_ =	swait.ge [sflag:s29], $0x1  }
0xb4: {  	[sflag:s29] =	ssyncadd.s32 $0xFFFFFFFF  }
0xb5: {  	_ =	strace $0x9000004B  }
0xb6: {  	_ =	sfence  }
0xb7: {  	s30 =	sld [smem:$0x0];
	_ =	sdelay $0x2  }
0xb8: {  	s31 =	sshll.u32 s1, $0xD;
	s1 =	sshrl.u32 s1, $0x2  }
0xb9: {  	s3 =	sand.u32 $0x4000, s31;
	s1 =	sadd.s32 s1, s30  }
0xba: {  	s0 =	sor.u32 s3, s0;
	s1 =	sshll.u32 s1, $0x11  }
0xbb: {  	s0 =	sor.u32 s1, s0  }
0xbc: {  	s0 =	sadd.s32 $0x8F2B, s0  }
0xbd: {  	[sflag:s0] =	ssyncadd.remote.s32 $0x1  }
0xbe: {  	_ =	sfence.sel $0xFFFF  }
0xbf: {  	[dreg:$0x0] =	wrdreg $0xFFFFFFFF;
	(pc) =	sbr.abs _section_cstart, $3  }
0xc0: {  	[dreg:$0x1] =	wrdreg $0xFFFFFFFF  }
0xc1: {  	_ =	task.clear_ibuf [dreg:s7], $0x2FFFF;
	_ =	strace $0x9FFFFFFF  }
0xc2: {  	(tm) =	ssettm $0x7FFFFFFF  }
0xc3: {  	_ =	shalt  }
tec
execute0_lowered:
.L_overlay_start_1:
0x0: {  	(tag) =	ssettag $0x1  }
0x1: {  	s2 =	rddreg [dreg:$0x0]  }
0x2: {  	s4 =	rddreg [dreg:$0x1]  }
0x3: {  	s0 =	rddreg [dreg:$0x2];
	s5 =	srdreg.scid  }
0x4: {  	s1 =	stileid.u32;
	s3 =	simm.s32 $0x0;
	s17 =	simm.s32 $0x1  }
0x5: {  	s18 =	simm.s32 $0x2;
	s19 =	simm.s32 $0x3;
	s20 =	simm.s32 $0x4  }
0x6: {  	s7 =	sand.u32 $0x1, s5;
	s21 =	sshll.u32 s1, $0x1;
	s23 =	smul.u32 $0xA000, s1  }
0x7: {  	[smem:$0x7FF] =	sst s3;
	s12 =	sadd.s32 $0x2E00, s4;
	s15 =	smul.u32 $0x1400, s1  }
0x8: {  	s11 =	sadd.s32 $0x5600, s4;
	s5 =	sor.u32 s7, s21;
	s14 =	smul.u32 $0x5000, s7  }
0x9: {  	_ =	strace $0x8000004A;
	s6 =	ssub.s32 $0x2, s7;
	s16 =	smul.u32 $0xA00, s7  }
0xa: {  	s21 =	simm.s32 $0x0;
	s8 =	smul.u32 $0xA00, s5;
	s9 =	sshrl.u32 s6, $0x1  }
0xb: {  	s10 =	smul.u32 $0x5000, s5;
	s22 =	ssub.s32 s6, s9;
	s9 =	sadd.s32 s23, s11  }
0xc: {  	s28 =	sadd.s32 s16, s15;
	s15 =	simm.s32 $0x100;
	s16 =	simm.s32 $0x2100  }
0xd: {  	s4 =	smax.u32 s22, $0x1;
	s13 =	sor.u32 $0x80, s8;
	s24 =	sshrl.u32 s8, $0x3  }
0xe: {  	s7 =	sadd.s32 s11, s10;
	s9 =	sadd.s32 s14, s9;
	s29 =	sor.u32 $0x100, s28  }
0xf: {  	s10 =	sor.u32 $0x180, s28;
	s14 =	simm.s32 $0x80;
	s25 =	sshrl.u32 s13, $0x3  }
0x10: {  	s5 =	sadd.s32 s12, s24;
	s26 =	sshll.u32 s13, $0x3;
	s9 =	sadd.s32 $0x800, s9  }
0x11: {  	s13 =	sshrl.u32 s29, $0x3;
	s30 =	sshll.u32 s10, $0x3;
	s31 =	sshrl.u32 s10, $0x3  }
0x12: {  	s6 =	sadd.s32 s12, s25;
	s8 =	sadd.s32 s11, s26;
	s10 =	sadd.s32 s13, s12  }
0x13: {  	s11 =	sadd.s32 s30, s11;
	s12 =	sadd.s32 s31, s12;
	s13 =	simm.s32 $0x5  }
.LBB2_1:
0x14: {  	[tilespmem:s3], [sflag:$0x5] =	stream.linear.gather [hbm4b:s5+s3], $0x80, $0x38;
	[tilespmem:$0x4100] =	vst v63  }
0x15: {  	_ =	swait.ge [sflag:s13], $0x80  }
0x16: {  	[sflag:s13] =	ssyncset.done $0x0  }
0x17: {  	[sflag:s13] =	ssyncadd.s32 $0xFFFFFF80  }
0x18: {  	[tilespmem:s15], [sflag:$0x1] =	stream.indirect.gather [hbm4b:s2+s14], $0x40, s3, s14, $0xb8;
	[tilespmem:$0x4100] =	vst v63  }
0x19: {  	_ = 	snop  }
0x1a: {  	[tilespmem:s14], [sflag:$0x5] =	stream.linear.gather [hbm4b:s6+s3], $0x80, $0x38;
	[tilespmem:$0x4100] =	vst v63  }
0x1b: {  	_ =	swait.ge [sflag:s13], $0x80  }
0x1c: {  	[sflag:s13] =	ssyncset.done $0x0  }
0x1d: {  	[sflag:s13] =	ssyncadd.s32 $0xFFFFFF80  }
0x1e: {  	[tilespmem:s16], [sflag:$0x2] =	stream.indirect.gather [hbm4b:s2+s14], $0x40, s14, s14, $0xb8;
	[tilespmem:$0x4100] =	vst v63  }
0x1f: {  	_ =	swait.ge [sflag:s17], $0x2000  }
0x20: {  	[sflag:s17] =	ssyncset.done $0x0  }
0x21: {  	[sflag:s17] =	ssyncadd.s32 $0xFFFFE000  }
0x22: {  	[hbm4b:s7+s3] =	stream.linear.scatter [tilespmem:s15], [sflag:$0x3], $0x2000, $0x38;
	[tilespmem:$0x4100] =	vst v63  }
0x23: {  	_ =	swait.ge [sflag:s18], $0x2000  }
0x24: {  	[sflag:s18] =	ssyncset.done $0x0  }
0x25: {  	[sflag:s18] =	ssyncadd.s32 $0xFFFFE000  }
0x26: {  	[hbm4b:s8+s3] =	stream.linear.scatter [tilespmem:s16], [sflag:$0x4], $0x2000, $0x38;
	[tilespmem:$0x4100] =	vst v63  }
0x27: {  	_ =	swait.ge [sflag:s19], $0x2000  }
0x28: {  	[sflag:s19] =	ssyncset.done $0x0  }
0x29: {  	s22 =	sadd.s32 $0x0, s10;
	[sflag:s19] =	ssyncadd.s32 $0xFFFFE000  }
0x2a: {  	[tilespmem:s3], [sflag:$0x5] =	stream.linear.gather [hbm4b:s22+s3], $0x80, $0x38;
	[tilespmem:$0x4100] =	vst v63  }
0x2b: {  	_ =	swait.ge [sflag:s13], $0x80  }
0x2c: {  	[sflag:s13] =	ssyncset.done $0x0  }
0x2d: {  	[sflag:s13] =	ssyncadd.s32 $0xFFFFFF80  }
0x2e: {  	[tilespmem:s15], [sflag:$0x1] =	stream.indirect.gather [hbm4b:s2+s14], $0x40, s3, s14, $0xb8;
	[tilespmem:$0x4100] =	vst v63  }
0x2f: {  	_ =	swait.ge [sflag:s20], $0x2000  }
0x30: {  	[sflag:s20] =	ssyncset.done $0x0  }
0x31: {  	s31 =	sadd.s32 $0x0, s12;
	[sflag:s20] =	ssyncadd.s32 $0xFFFFE000  }
0x32: {  	[tilespmem:s14], [sflag:$0x5] =	stream.linear.gather [hbm4b:s31+s3], $0x80, $0x38;
	[tilespmem:$0x4100] =	vst v63  }
0x33: {  	_ =	swait.ge [sflag:s13], $0x80  }
0x34: {  	[sflag:s13] =	ssyncset.done $0x0  }
0x35: {  	[sflag:s13] =	ssyncadd.s32 $0xFFFFFF80  }
0x36: {  	[tilespmem:s16], [sflag:$0x2] =	stream.indirect.gather [hbm4b:s2+s14], $0x40, s14, s14, $0xb8;
	[tilespmem:$0x4100] =	vst v63  }
0x37: {  	_ =	swait.ge [sflag:s17], $0x2000  }
0x38: {  	[sflag:s17] =	ssyncset.done $0x0  }
0x39: {  	[sflag:s17] =	ssyncadd.s32 $0xFFFFE000  }
0x3a: {  	[hbm4b:s9+s3] =	stream.linear.scatter [tilespmem:s15], [sflag:$0x3], $0x2000, $0x38;
	[tilespmem:$0x4100] =	vst v63  }
0x3b: {  	_ =	swait.ge [sflag:s18], $0x2000  }
0x3c: {  	s23 =	sadd.s32 $0x800, s9;
	s24 =	sadd.s32 $0x800, s11;
	[sflag:s18] =	ssyncset.done $0x0  }
0x3d: {  	s25 =	smov.u32 s11;
	s22 =	simm.s32 $0x20;
	[sflag:s18] =	ssyncadd.s32 $0xFFFFE000  }
.LBB2_2:
0x3e: {  	[hbm4b:s25+s3] =	stream.linear.scatter [tilespmem:s16], [sflag:$0x4], $0x2000, $0x38;
	[tilespmem:$0x4100] =	vst v63  }
0x3f: {  	s26 =	smov.u32 s22;
	s25 =	smov.u32 s24  }
0x40: {  	p0 =	sne.s32 s22, $0x100;
	s22 =	sadd.s32 $0x20, s22;
	_ =	swait.ge [sflag:s19], $0x2000  }
0x41: {  	[sflag:s19] =	ssyncset.done $0x0  }
0x42: {  	s28 =	sadd.s32 s26, s10;
	[sflag:s19] =	ssyncadd.s32 $0xFFFFE000  }
0x43: {  	[tilespmem:s3], [sflag:$0x5] =	stream.linear.gather [hbm4b:s28+s3], $0x80, $0x38;
	[tilespmem:$0x4100] =	vst v63  }
0x44: {  	_ =	swait.ge [sflag:s13], $0x80  }
0x45: {  	[sflag:s13] =	ssyncset.done $0x0  }
0x46: {  	[sflag:s13] =	ssyncadd.s32 $0xFFFFFF80  }
0x47: {  	[tilespmem:s15], [sflag:$0x1] =	stream.indirect.gather [hbm4b:s2+s14], $0x40, s3, s14, $0xb8;
	[tilespmem:$0x4100] =	vst v63  }
0x48: {  	_ =	swait.ge [sflag:s20], $0x2000  }
0x49: {  	[sflag:s20] =	ssyncset.done $0x0  }
0x4a: {  	s26 =	sadd.s32 s26, s12;
	[sflag:s20] =	ssyncadd.s32 $0xFFFFE000  }
0x4b: {  	[tilespmem:s14], [sflag:$0x5] =	stream.linear.gather [hbm4b:s26+s3], $0x80, $0x38;
	[tilespmem:$0x4100] =	vst v63  }
0x4c: {  	_ =	swait.ge [sflag:s13], $0x80  }
0x4d: {  	[sflag:s13] =	ssyncset.done $0x0  }
0x4e: {  	[sflag:s13] =	ssyncadd.s32 $0xFFFFFF80  }
0x4f: {  	[tilespmem:s16], [sflag:$0x2] =	stream.indirect.gather [hbm4b:s2+s14], $0x40, s14, s14, $0xb8;
	[tilespmem:$0x4100] =	vst v63  }
0x50: {  	_ =	swait.ge [sflag:s17], $0x2000  }
0x51: {  	[sflag:s17] =	ssyncset.done $0x0  }
.Ltmp0:
0x52: {  	[sflag:s17] =	ssyncadd.s32 $0xFFFFE000;
	(pc) =	sbr.rel @p0 .LBB2_2-.Ltmp0, $4  }
0x53: {  	[hbm4b:s23+s3] =	stream.linear.scatter [tilespmem:s15], [sflag:$0x3], $0x2000, $0x38;
	[tilespmem:$0x4100] =	vst v63  }
0x54: {  	_ =	swait.ge [sflag:s18], $0x2000  }
0x55: {  	[sflag:s18] =	ssyncset.done $0x0  }
0x56: {  	s24 =	sadd.s32 $0x800, s24;
	s23 =	sadd.s32 $0x800, s23;
	[sflag:s18] =	ssyncadd.s32 $0xFFFFE000  }
0x57: {  	[hbm4b:s25+s3] =	stream.linear.scatter [tilespmem:s16], [sflag:$0x4], $0x2000, $0x38;
	[tilespmem:$0x4100] =	vst v63  }
0x58: {  	s21 =	sadd.s32 $0x1, s21  }
0x59: {  	_ =	swait.ge [sflag:s19], $0x2000;
	p0 =	sne.s32 s21, s4  }
.Ltmp1:
0x5a: {  	[sflag:s19] =	ssyncset.done $0x0;
	(pc) =	sbr.rel @p0 .LBB2_1-.Ltmp1, $4  }
0x5b: {  	[sflag:s19] =	ssyncadd.s32 $0xFFFFE000  }
0x5c: {  	_ =	swait.ge [sflag:s20], $0x2000  }
0x5d: {  	[sflag:s20] =	ssyncset.done $0x0  }
0x5e: {  	[sflag:s20] =	ssyncadd.s32 $0xFFFFE000  }
0x5f: {  	_ =	sfence.sel $0x180000  }
0x60: {  	[bflag:$0x0] =	sbarrier.arrive $0xFFFF  }
0x61: {  	p0 =	sne.s32 s1, $0x0;
	_ =	strace $0x9000004A  }
0x62: {  	s0 =	sadd.s32 @!p0 $0x100000, s0;
	[bflag:$0x2] =	sbarrier.arrive $0xFFFF  }
0x63: {  	[sflag:s0] =	ssyncadd.tile.s32 @!p0 $0x1;
	_ =	shalt  }
.Lfunc_end2:
_tile_overlayer_lowered:
.L_overlay_start_2:
0x64: {  	(tag) =	ssettag $0x2  }
0x65: {  	s0 =	rddreg [dreg:$0x0];
	s2 =	stileid.u32  }
0x66: {  	s1 =	rddreg [dreg:$0x1];
	p0 =	sne.s32 s2, $0x0  }
0x67: {  	s3 =	rddreg [dreg:$0x2];
	[bflag:$0x3] =	sbarrier.arrive $0xFFFF;
	s2 =	simm.s32 @!p0 $0x1C05  }
0x68: {  	[timem:s3], [sflag:s2] =	dma.local @!p0 [hbm:s0], s1  }
0x69: {  	s0 =	simm.s32 @!p0 $0x5  }
0x6a: {  	_ =	swait.ge @!p0 [sflag:s0], s1  }
0x6b: {  	s1 =	ssub.s32 @!p0 $0x0, s1;
	[sflag:s0] =	ssyncset.done @!p0 $0x0  }
0x6c: {  	[sflag:s0] =	ssyncadd.s32 @!p0 s1  }
0x6d: {  	[bflag:$0x3] =	sbarrier.arrive $0xFFFF  }
0x6e: {  	_ =	shalt  }

// kernel: kernel.21.cloned.1.call-start
scs
__scs_entry_jumppad:
0x0: {  	(pc) =	sbr.rel $0x88, $3  }
0x1: {  	(tag) =	ssettag $0x0;
	lr =	simm.s32 $0x1  }
0x2: {  	[smem:$0x3F90] =	sst lr;
	_ =	strace $0xD0000000  }
0x3: {  	_ = 	snop  }
0x4: {  	_ = 	snop  }
0x5: {  	_ = 	snop  }
0x6: {  	_ = 	snop  }
0x7: {  	_ = 	snop  }
__scs_overlays_trampoline_lowered:
0x8: {  	[smem:$0x3F9F] =	sst s0  }
0x9: {  	[smem:$0x3FA0] =	sst s1  }
0xa: {  	[smem:$0x3FA1] =	sst s2  }
0xb: {  	[smem:$0x3FA2] =	sst s3  }
0xc: {  	[smem:$0x3FA3] =	sst s4  }
0xd: {  	[smem:$0x3FA4] =	sst s5  }
0xe: {  	[smem:$0x3FA5] =	sst s6  }
0xf: {  	[smem:$0x3FA6] =	sst s7  }
0x10: {  	[smem:$0x3FA7] =	sst s8  }
0x11: {  	[smem:$0x3FA8] =	sst s9;
	s0 =	simm.s32 @!p0 $0x0  }
0x12: {  	s1 =	sld [smem:$0x3F8E];
	s0 =	simm.s32 @p0 $0x1  }
0x13: {  	[smem:$0x3FA9] =	sst s0;
	s0 =	simm.s32 @!p1 $0x0  }
0x14: {  	s2 =	sld [smem:$0x3F8D];
	s0 =	simm.s32 @p1 $0x1  }
0x15: {  	[smem:$0x3FAA] =	sst s0;
	s0 =	simm.s32 @!p2 $0x0  }
0x16: {  	s3 =	sld [smem:$0x3FDB];
	s0 =	simm.s32 @p2 $0x1  }
0x17: {  	s4 =	simm.s32 $0x1BF5;
	[smem:$0x3FAC] =	sst s0  }
0x18: {  	s0 =	sld [smem:$0x3F8F];
	_ =	swait.ge [sflag:s4], $0x0  }
0x19: {  	s7 =	sld [smem:$0x3F90]  }
0x1a: {  	s8 =	sadd.s32 $0xFFFFE003, lr  }
0x1b: {  	s9 =	sadd.s32 $0xFFFFFEF7, lr;
	s5 =	simm.s32 $0xFFFFFFFF;
	p2 =	slt.u32 s8, $0xFFFFF086  }
0x1c: {  	p1 =	slt.u32 s9, $0xF7A;
	s5 =	simm.s32 @!p2 $0x0  }
0x1d: {  	s5 =	simm.s32 @p1 $0x1;
	p0 =	seq.s32 s7, s2  }
0x1e: {  	s7 =	smul.u32 @!p0 $0xF7A, s2;
	p2 =	seq.s32 @!p0 s5, $0x0  }
0x1f: {  	s9 =	smul.u32 $0xF7A, s1;
	s8 =	simm.s32 @!p0 $0x1BF5;
	p2 =	por !p2, p0  }
0x20: {  	[sflag:s8] =	ssyncset.s32 @!p0 $0xFFFFF086;
	s6 =	sadd.s32 @!p0 s3, s7;
	s7 =	simm.s32 @!p0 $0x108  }
0x21: {  	s3 =	sadd.s32 s3, s9;
	s6 =	sadd.s32 @!p0 $0x88, s6;
	s7 =	simm.s32 @p2 $0x1082  }
0x22: {  	[simem:s7], [sflag:s8] =	dma.local @!p0 [hbm:s6], $0xF7A  }
0x23: {  	s9 =	sor.u32 $0xD0000000, s2;
	s6 =	simm.s32 $0x108;
	_ =	swait.ge @!p0 [sflag:s8], $0x0  }
0x24: {  	s3 =	sadd.s32 $0x88, s3;
	s6 =	simm.s32 @!p1 $0x1082;
	[sflag:s4] =	ssyncset.s32 $0xFFFFF086  }
0x25: {  	[simem:s6], [sflag:s4] =	dma.local [hbm:s3], $0xF7A  }
0x26: {  	[smem:$0x3F90] =	sst s1;
	(tag) =	ssettag s2;
	_ =	strace s9  }
0x27: {  	s1 =	sld [smem:$0x3FA0]  }
0x28: {  	s2 =	sld [smem:$0x3FA1]  }
0x29: {  	s4 =	sld [smem:$0x3FA3]  }
0x2a: {  	p0 =	seq.s32 s5, $0x0;
	s5 =	sld [smem:$0x3FA4]  }
0x2b: {  	s6 =	sld [smem:$0x3FA5]  }
0x2c: {  	s7 =	sld [smem:$0x3FA6]  }
0x2d: {  	s3 =	simm.s32 $0x108;
	s8 =	sld [smem:$0x3FA7]  }
0x2e: {  	s3 =	simm.s32 @!p0 $0x1082;
	s9 =	sld [smem:$0x3FA8]  }
0x2f: {  	lr =	sadd.s32 s0, s3;
	s0 =	sld [smem:$0x3F9F]  }
0x30: {  	s3 =	sld [smem:$0x3FA2]  }
0x31: {  	[smem:$0x3FAB] =	sst s10  }
0x32: {  	s10 =	sld [smem:$0x3FA9];
	_ =	sdelay $0x3  }
0x33: {  	p0 =	seq.s32 s10, $0x1;
	s10 =	sld [smem:$0x3FAB];
	_ =	sdelay $0x3  }
0x34: {  	[smem:$0x3FAB] =	sst s10  }
0x35: {  	s10 =	sld [smem:$0x3FAA];
	_ =	sdelay $0x3  }
0x36: {  	p1 =	seq.s32 s10, $0x1;
	s10 =	sld [smem:$0x3FAB];
	_ =	sdelay $0x3  }
0x37: {  	[smem:$0x3FAB] =	sst s10  }
0x38: {  	s10 =	sld [smem:$0x3FAC]  }
0x39: {  	_ = 	snop;
	(pc) =	sbr.ind lr, $3  }
0x3a: {  	_ = 	snop  }
0x3b: {  	_ = 	snop  }
0x3c: {  	p2 =	seq.s32 s10, $0x1;
	s10 =	sld [smem:$0x3FAB]  }
0x3d: {  	_ =	shalt  }
0x3e: {  	_ =	shalt  }
0x3f: {  	_ =	shalt  }
0x40: {  	_ =	shalt  }
0x41: {  	_ =	shalt  }
0x42: {  	_ =	shalt  }
0x43: {  	_ =	shalt  }
0x44: {  	_ =	shalt  }
0x45: {  	_ =	shalt  }
0x46: {  	_ =	shalt  }
0x47: {  	_ =	shalt  }
0x48: {  	_ =	shalt  }
0x49: {  	_ =	shalt  }
0x4a: {  	_ =	shalt  }
0x4b: {  	_ =	shalt  }
0x4c: {  	_ =	shalt  }
0x4d: {  	_ =	shalt  }
0x4e: {  	_ =	shalt  }
0x4f: {  	_ =	shalt  }
0x50: {  	_ =	shalt  }
0x51: {  	_ =	shalt  }
0x52: {  	_ =	shalt  }
0x53: {  	_ =	shalt  }
0x54: {  	_ =	shalt  }
0x55: {  	_ =	shalt  }
0x56: {  	_ =	shalt  }
0x57: {  	_ =	shalt  }
0x58: {  	_ =	shalt  }
0x59: {  	_ =	shalt  }
0x5a: {  	_ =	shalt  }
0x5b: {  	_ =	shalt  }
0x5c: {  	_ =	shalt  }
0x5d: {  	_ =	shalt  }
0x5e: {  	_ =	shalt  }
0x5f: {  	_ =	shalt  }
0x60: {  	_ =	shalt  }
0x61: {  	_ =	shalt  }
0x62: {  	_ =	shalt  }
0x63: {  	_ =	shalt  }
0x64: {  	_ =	shalt  }
0x65: {  	_ =	shalt  }
0x66: {  	_ =	shalt  }
0x67: {  	_ =	shalt  }
0x68: {  	_ =	shalt  }
0x69: {  	_ =	shalt  }
0x6a: {  	_ =	shalt  }
0x6b: {  	_ =	shalt  }
0x6c: {  	_ =	shalt  }
0x6d: {  	_ =	shalt  }
0x6e: {  	_ =	shalt  }
0x6f: {  	_ =	shalt  }
0x70: {  	_ =	shalt  }
0x71: {  	_ =	shalt  }
0x72: {  	_ =	shalt  }
0x73: {  	_ =	shalt  }
0x74: {  	_ =	shalt  }
0x75: {  	_ =	shalt  }
0x76: {  	_ =	shalt  }
0x77: {  	_ =	shalt  }
0x78: {  	_ =	shalt  }
0x79: {  	_ =	shalt  }
0x7a: {  	_ =	shalt  }
0x7b: {  	_ =	shalt  }
0x7c: {  	_ =	shalt  }
0x7d: {  	_ =	shalt  }
0x7e: {  	_ =	shalt  }
0x7f: {  	_ =	shalt  }
0x80: {  	_ =	shalt  }
0x81: {  	_ =	shalt  }
0x82: {  	_ =	shalt  }
0x83: {  	_ =	shalt  }
0x84: {  	_ =	shalt  }
0x85: {  	_ =	shalt  }
0x86: {  	_ =	shalt  }
0x87: {  	_ =	shalt  }
.Lfunc_end0:
.L_simem_size_0:
called_computation.2_lowered:
.L_overlay_start_0:
0x88: {  	s2 =	sld [smem:$0x3FD9]  }
0x89: {  	s3 =	sld [smem:$0x3FFE];
	_ =	sdelay $0x1  }
0x8a: {  	s1 =	srdreg.scid  }
0x8b: {  	s0 =	sand.u32 $0x1, s1  }
0x8c: {  	s17 =	sshll.u32 s0, $0xA;
	s2 =	sadd.s32 s3, s2  }
0x8d: {  	s2 =	sadd.s32 s2, s17  }
0x8e: {  	[smem:$0x3FB7] =	sst s2  }
0x8f: {  	_ = 	snop  }
0x90: {  	s2 =	sld [smem:$0x3FD0];
	(tm) =	ssettm $0x1  }
0x91: {  	s18 =	sld [smem:$0x3FFB];
	_ =	sdelay $0x3  }
0x92: {  	_ =	strace s18  }
0x93: {  	s3 =	sld [smem:$0x3FFC];
	_ =	sdelay $0x3  }
0x94: {  	_ =	strace s3  }
0x95: {  	s3 =	sld [smem:$0x3FFD];
	_ =	sdelay $0x3  }
0x96: {  	_ =	strace s3  }
0x97: {  	_ =	strace $0x8FFFFFFF  }
0x98: {  	s19 =	sld [smem:$0x3FDB];
	_ =	sdelay $0x1  }
0x99: {  	s4 =	simm.s32 $_scs_section_size  }
0x9a: {  	s5 =	simm.s32 $_size__tile_overlayer_lowered;
	s6 =	simm.s32 $_tile_overlayer_lowered  }
0x9b: {  	s22 =	simm.s32 $0x1BFF;
	s21 =	sshll.u32 s6, $0x1;
	s3 =	sadd.s32 s4, s19  }
0x9c: {  	s7 =	simm.s32 $0x0;
	s20 =	sshll.u32 s5, $0x1;
	s5 =	sadd.s32 s21, s3  }
0x9d: {  	[timem:s7], [sflag:s22] =	dma.local [hbm:s5], s20  }
0x9e: {  	_ =	swait.ge [sflag:s22], s20  }
0x9f: {  	s4 =	ssub.s32 $0x0, s20;
	[sflag:s22] =	ssyncset.done $0x0  }
0xa0: {  	[sflag:s22] =	ssyncadd.s32 s4;
	_ =	sdelay $0x1  }
0xa1: {  	s23 =	simm.s32 $0x1B8B  }
0xa2: {  	_ =	swait.ge [sflag:s23], $0x1  }
0xa3: {  	[sflag:s23] =	ssyncset.done $0x0  }
0xa4: {  	s25 =	simm.s32 $0x1B8E;
	s24 =	sld [smem:$0x3FFE];
	[sflag:s23] =	ssyncadd.s32 $0xFFFFFFFF  }
0xa5: {  	s26 =	simm.s32 $execute0_lowered;
	[smem:$0x3FD2] =	sst s25  }
0xa6: {  	s5 =	sshll.u32 s26, $0x1;
	_ =	strace $0x8000004C;
	[dreg:$0x1] =	wrdreg $0xFFFFFFFF  }
0xa7: {  	s28 =	simm.s32 $_size_execute0_lowered;
	s3 =	sadd.s32 s3, s5;
	[dreg:$0x0] =	wrdreg $0x0  }
0xa8: {  	s5 =	sshll.u32 s28, $0x1;
	[dreg:$0x2] =	wrdreg s3  }
0xa9: {  	[dreg:$0x3] =	wrdreg s5  }
0xaa: {  	[dreg:$0x4] =	wrdreg $0xC0  }
0xab: {  	_ =	task [dreg:s7], $0x5FFFF  }
0xac: {  	[dreg:$0x1] =	wrdreg $0xFFFFFFFF  }
0xad: {  	[dreg:$0x0] =	wrdreg $0x60  }
0xae: {  	[dreg:$0x2] =	wrdreg s2  }
0xaf: {  	[dreg:$0x3] =	wrdreg s24  }
0xb0: {  	[dreg:$0x4] =	wrdreg $0x9  }
0xb1: {  	_ =	task.clear_ibuf [dreg:s7], $0x5FFFF;
	_ =	strace $0x9000004C  }
0xb2: {  	s29 =	simm.s32 $0x9;
	_ =	strace $0x8000004E  }
0xb3: {  	_ =	swait.ge [sflag:s29], $0x1  }
0xb4: {  	[sflag:s29] =	ssyncadd.s32 $0xFFFFFFFF  }
0xb5: {  	_ =	strace $0x9000004E  }
0xb6: {  	_ =	sfence  }
0xb7: {  	s30 =	sld [smem:$0x0];
	_ =	sdelay $0x2  }
0xb8: {  	s31 =	sshll.u32 s1, $0xD;
	s1 =	sshrl.u32 s1, $0x2  }
0xb9: {  	s3 =	sand.u32 $0x4000, s31;
	s1 =	sadd.s32 s1, s30  }
0xba: {  	s0 =	sor.u32 s3, s0;
	s1 =	sshll.u32 s1, $0x11  }
0xbb: {  	s0 =	sor.u32 s1, s0  }
0xbc: {  	s0 =	sadd.s32 $0x8F2B, s0  }
0xbd: {  	[sflag:s0] =	ssyncadd.remote.s32 $0x1  }
0xbe: {  	_ =	sfence.sel $0xFFFF  }
0xbf: {  	[dreg:$0x0] =	wrdreg $0xFFFFFFFF;
	(pc) =	sbr.abs _section_cstart, $3  }
0xc0: {  	[dreg:$0x1] =	wrdreg $0xFFFFFFFF  }
0xc1: {  	_ =	task.clear_ibuf [dreg:s7], $0x2FFFF;
	_ =	strace $0x9FFFFFFF  }
0xc2: {  	(tm) =	ssettm $0x7FFFFFFF  }
0xc3: {  	_ =	shalt  }
tec
execute0_lowered:
.L_overlay_start_1:
0x0: {  	(tag) =	ssettag $0x1  }
0x1: {  	s2 =	rddreg [dreg:$0x0]  }
0x2: {  	s4 =	rddreg [dreg:$0x1]  }
0x3: {  	s0 =	rddreg [dreg:$0x2];
	s5 =	srdreg.scid  }
0x4: {  	s1 =	stileid.u32;
	s3 =	simm.s32 $0x0;
	s17 =	simm.s32 $0x1  }
0x5: {  	s18 =	simm.s32 $0x2;
	s19 =	simm.s32 $0x3;
	s20 =	simm.s32 $0x4  }
0x6: {  	s7 =	sand.u32 $0x1, s5;
	s21 =	sshll.u32 s1, $0x1;
	s23 =	smul.u32 $0x14000, s1  }
0x7: {  	[smem:$0x7FF] =	sst s3;
	s12 =	sadd.s32 $0x2E00, s4;
	s15 =	smul.u32 $0x1400, s1  }
0x8: {  	s11 =	sadd.s32 $0x5600, s4;
	s5 =	sor.u32 s7, s21;
	s14 =	smul.u32 $0xA000, s7  }
0x9: {  	_ =	strace $0x8000004D;
	s6 =	ssub.s32 $0x2, s7;
	s16 =	smul.u32 $0xA00, s7  }
0xa: {  	s21 =	simm.s32 $0x0;
	s8 =	smul.u32 $0xA00, s5;
	s9 =	sshrl.u32 s6, $0x1  }
0xb: {  	s10 =	smul.u32 $0xA000, s5;
	s22 =	ssub.s32 s6, s9;
	s9 =	sadd.s32 s23, s11  }
0xc: {  	s28 =	sadd.s32 s16, s15;
	s15 =	simm.s32 $0x100;
	s16 =	simm.s32 $0x4100  }
0xd: {  	s4 =	smax.u32 s22, $0x1;
	s13 =	sor.u32 $0x80, s8;
	s24 =	sshrl.u32 s8, $0x3  }
0xe: {  	s7 =	sadd.s32 s11, s10;
	s9 =	sadd.s32 s14, s9;
	s29 =	sor.u32 $0x100, s28  }
0xf: {  	s10 =	sor.u32 $0x180, s28;
	s14 =	simm.s32 $0x80;
	s25 =	sshrl.u32 s13, $0x3  }
0x10: {  	s5 =	sadd.s32 s12, s24;
	s26 =	sshll.u32 s13, $0x4;
	s9 =	sadd.s32 $0x1000, s9  }
0x11: {  	s13 =	sshrl.u32 s29, $0x3;
	s30 =	sshll.u32 s10, $0x4;
	s31 =	sshrl.u32 s10, $0x3  }
0x12: {  	s6 =	sadd.s32 s12, s25;
	s8 =	sadd.s32 s11, s26;
	s10 =	sadd.s32 s13, s12  }
0x13: {  	s11 =	sadd.s32 s30, s11;
	s12 =	sadd.s32 s31, s12;
	s13 =	simm.s32 $0x5  }
.LBB2_1:
0x14: {  	[tilespmem:s3], [sflag:$0x5] =	stream.linear.gather [hbm4b:s5+s3], $0x80, $0x38;
	[tilespmem:$0x8100] =	vst v63  }
0x15: {  	_ =	swait.ge [sflag:s13], $0x80  }
0x16: {  	[sflag:s13] =	ssyncset.done $0x0  }
0x17: {  	[sflag:s13] =	ssyncadd.s32 $0xFFFFFF80  }
0x18: {  	[tilespmem:s15], [sflag:$0x1] =	stream.indirect.gather [hbm4b:s2+s14], $0x80, s3, s14, $0xb8;
	[tilespmem:$0x8100] =	vst v63  }
0x19: {  	_ = 	snop  }
0x1a: {  	[tilespmem:s14], [sflag:$0x5] =	stream.linear.gather [hbm4b:s6+s3], $0x80, $0x38;
	[tilespmem:$0x8100] =	vst v63  }
0x1b: {  	_ =	swait.ge [sflag:s13], $0x80  }
0x1c: {  	[sflag:s13] =	ssyncset.done $0x0  }
0x1d: {  	[sflag:s13] =	ssyncadd.s32 $0xFFFFFF80  }
0x1e: {  	[tilespmem:s16], [sflag:$0x2] =	stream.indirect.gather [hbm4b:s2+s14], $0x80, s14, s14, $0xb8;
	[tilespmem:$0x8100] =	vst v63  }
0x1f: {  	_ =	swait.ge [sflag:s17], $0x4000  }
0x20: {  	[sflag:s17] =	ssyncset.done $0x0  }
0x21: {  	[sflag:s17] =	ssyncadd.s32 $0xFFFFC000  }
0x22: {  	[hbm4b:s7+s3] =	stream.linear.scatter [tilespmem:s15], [sflag:$0x3], $0x4000, $0x38;
	[tilespmem:$0x8100] =	vst v63  }
0x23: {  	_ =	swait.ge [sflag:s18], $0x4000  }
0x24: {  	[sflag:s18] =	ssyncset.done $0x0  }
0x25: {  	[sflag:s18] =	ssyncadd.s32 $0xFFFFC000  }
0x26: {  	[hbm4b:s8+s3] =	stream.linear.scatter [tilespmem:s16], [sflag:$0x4], $0x4000, $0x38;
	[tilespmem:$0x8100] =	vst v63  }
0x27: {  	_ =	swait.ge [sflag:s19], $0x4000  }
0x28: {  	[sflag:s19] =	ssyncset.done $0x0  }
0x29: {  	s22 =	sadd.s32 $0x0, s10;
	[sflag:s19] =	ssyncadd.s32 $0xFFFFC000  }
0x2a: {  	[tilespmem:s3], [sflag:$0x5] =	stream.linear.gather [hbm4b:s22+s3], $0x80, $0x38;
	[tilespmem:$0x8100] =	vst v63  }
0x2b: {  	_ =	swait.ge [sflag:s13], $0x80  }
0x2c: {  	[sflag:s13] =	ssyncset.done $0x0  }
0x2d: {  	[sflag:s13] =	ssyncadd.s32 $0xFFFFFF80  }
0x2e: {  	[tilespmem:s15], [sflag:$0x1] =	stream.indirect.gather [hbm4b:s2+s14], $0x80, s3, s14, $0xb8;
	[tilespmem:$0x8100] =	vst v63  }
0x2f: {  	_ =	swait.ge [sflag:s20], $0x4000  }
0x30: {  	[sflag:s20] =	ssyncset.done $0x0  }
0x31: {  	s31 =	sadd.s32 $0x0, s12;
	[sflag:s20] =	ssyncadd.s32 $0xFFFFC000  }
0x32: {  	[tilespmem:s14], [sflag:$0x5] =	stream.linear.gather [hbm4b:s31+s3], $0x80, $0x38;
	[tilespmem:$0x8100] =	vst v63  }
0x33: {  	_ =	swait.ge [sflag:s13], $0x80  }
0x34: {  	[sflag:s13] =	ssyncset.done $0x0  }
0x35: {  	[sflag:s13] =	ssyncadd.s32 $0xFFFFFF80  }
0x36: {  	[tilespmem:s16], [sflag:$0x2] =	stream.indirect.gather [hbm4b:s2+s14], $0x80, s14, s14, $0xb8;
	[tilespmem:$0x8100] =	vst v63  }
0x37: {  	_ =	swait.ge [sflag:s17], $0x4000  }
0x38: {  	[sflag:s17] =	ssyncset.done $0x0  }
0x39: {  	[sflag:s17] =	ssyncadd.s32 $0xFFFFC000  }
0x3a: {  	[hbm4b:s9+s3] =	stream.linear.scatter [tilespmem:s15], [sflag:$0x3], $0x4000, $0x38;
	[tilespmem:$0x8100] =	vst v63  }
0x3b: {  	_ =	swait.ge [sflag:s18], $0x4000  }
0x3c: {  	s23 =	sadd.s32 $0x1000, s9;
	s24 =	sadd.s32 $0x1000, s11;
	[sflag:s18] =	ssyncset.done $0x0  }
0x3d: {  	s25 =	smov.u32 s11;
	s22 =	simm.s32 $0x20;
	[sflag:s18] =	ssyncadd.s32 $0xFFFFC000  }
.LBB2_2:
0x3e: {  	[hbm4b:s25+s3] =	stream.linear.scatter [tilespmem:s16], [sflag:$0x4], $0x4000, $0x38;
	[tilespmem:$0x8100] =	vst v63  }
0x3f: {  	s26 =	smov.u32 s22;
	s25 =	smov.u32 s24  }
0x40: {  	p0 =	sne.s32 s22, $0x100;
	s22 =	sadd.s32 $0x20, s22;
	_ =	swait.ge [sflag:s19], $0x4000  }
0x41: {  	[sflag:s19] =	ssyncset.done $0x0  }
0x42: {  	s28 =	sadd.s32 s26, s10;
	[sflag:s19] =	ssyncadd.s32 $0xFFFFC000  }
0x43: {  	[tilespmem:s3], [sflag:$0x5] =	stream.linear.gather [hbm4b:s28+s3], $0x80, $0x38;
	[tilespmem:$0x8100] =	vst v63  }
0x44: {  	_ =	swait.ge [sflag:s13], $0x80  }
0x45: {  	[sflag:s13] =	ssyncset.done $0x0  }
0x46: {  	[sflag:s13] =	ssyncadd.s32 $0xFFFFFF80  }
0x47: {  	[tilespmem:s15], [sflag:$0x1] =	stream.indirect.gather [hbm4b:s2+s14], $0x80, s3, s14, $0xb8;
	[tilespmem:$0x8100] =	vst v63  }
0x48: {  	_ =	swait.ge [sflag:s20], $0x4000  }
0x49: {  	[sflag:s20] =	ssyncset.done $0x0  }
0x4a: {  	s26 =	sadd.s32 s26, s12;
	[sflag:s20] =	ssyncadd.s32 $0xFFFFC000  }
0x4b: {  	[tilespmem:s14], [sflag:$0x5] =	stream.linear.gather [hbm4b:s26+s3], $0x80, $0x38;
	[tilespmem:$0x8100] =	vst v63  }
0x4c: {  	_ =	swait.ge [sflag:s13], $0x80  }
0x4d: {  	[sflag:s13] =	ssyncset.done $0x0  }
0x4e: {  	[sflag:s13] =	ssyncadd.s32 $0xFFFFFF80  }
0x4f: {  	[tilespmem:s16], [sflag:$0x2] =	stream.indirect.gather [hbm4b:s2+s14], $0x80, s14, s14, $0xb8;
	[tilespmem:$0x8100] =	vst v63  }
0x50: {  	_ =	swait.ge [sflag:s17], $0x4000  }
0x51: {  	[sflag:s17] =	ssyncset.done $0x0  }
.Ltmp0:
0x52: {  	[sflag:s17] =	ssyncadd.s32 $0xFFFFC000;
	(pc) =	sbr.rel @p0 .LBB2_2-.Ltmp0, $4  }
0x53: {  	[hbm4b:s23+s3] =	stream.linear.scatter [tilespmem:s15], [sflag:$0x3], $0x4000, $0x38;
	[tilespmem:$0x8100] =	vst v63  }
0x54: {  	_ =	swait.ge [sflag:s18], $0x4000  }
0x55: {  	[sflag:s18] =	ssyncset.done $0x0  }
0x56: {  	s24 =	sadd.s32 $0x1000, s24;
	s23 =	sadd.s32 $0x1000, s23;
	[sflag:s18] =	ssyncadd.s32 $0xFFFFC000  }
0x57: {  	[hbm4b:s25+s3] =	stream.linear.scatter [tilespmem:s16], [sflag:$0x4], $0x4000, $0x38;
	[tilespmem:$0x8100] =	vst v63  }
0x58: {  	s21 =	sadd.s32 $0x1, s21  }
0x59: {  	_ =	swait.ge [sflag:s19], $0x4000;
	p0 =	sne.s32 s21, s4  }
.Ltmp1:
0x5a: {  	[sflag:s19] =	ssyncset.done $0x0;
	(pc) =	sbr.rel @p0 .LBB2_1-.Ltmp1, $4  }
0x5b: {  	[sflag:s19] =	ssyncadd.s32 $0xFFFFC000  }
0x5c: {  	_ =	swait.ge [sflag:s20], $0x4000  }
0x5d: {  	[sflag:s20] =	ssyncset.done $0x0  }
0x5e: {  	[sflag:s20] =	ssyncadd.s32 $0xFFFFC000  }
0x5f: {  	_ =	sfence.sel $0x180000  }
0x60: {  	[bflag:$0x0] =	sbarrier.arrive $0xFFFF  }
0x61: {  	p0 =	sne.s32 s1, $0x0;
	_ =	strace $0x9000004D  }
0x62: {  	s0 =	sadd.s32 @!p0 $0x100000, s0;
	[bflag:$0x2] =	sbarrier.arrive $0xFFFF  }
0x63: {  	[sflag:s0] =	ssyncadd.tile.s32 @!p0 $0x1;
	_ =	shalt  }
.Lfunc_end2:
_tile_overlayer_lowered:
.L_overlay_start_2:
0x64: {  	(tag) =	ssettag $0x2  }
0x65: {  	s0 =	rddreg [dreg:$0x0];
	s2 =	stileid.u32  }
0x66: {  	s1 =	rddreg [dreg:$0x1];
	p0 =	sne.s32 s2, $0x0  }
0x67: {  	s3 =	rddreg [dreg:$0x2];
	[bflag:$0x3] =	sbarrier.arrive $0xFFFF;
	s2 =	simm.s32 @!p0 $0x1C05  }
0x68: {  	[timem:s3], [sflag:s2] =	dma.local @!p0 [hbm:s0], s1  }
0x69: {  	s0 =	simm.s32 @!p0 $0x5  }
0x6a: {  	_ =	swait.ge @!p0 [sflag:s0], s1  }
0x6b: {  	s1 =	ssub.s32 @!p0 $0x0, s1;
	[sflag:s0] =	ssyncset.done @!p0 $0x0  }
0x6c: {  	[sflag:s0] =	ssyncadd.s32 @!p0 s1  }
0x6d: {  	[bflag:$0x3] =	sbarrier.arrive $0xFFFF  }
0x6e: {  	_ =	shalt  }

</sc_bundles>
